<compile_context>
chip_gen: v7x
topology: tpu7x:2x2x1
jax: 0.10.2.dev20260603
libtpu: 0.0.44.dev20260713+nightly
codegen_flags: <defaults>
</compile_context>

<pallas_src>
import jax
import jax.numpy as jnp
from jax import lax
from jax.experimental import pallas as pl
from jax.experimental.pallas import tpu as pltpu
from jax.experimental.pallas import tpu_sc as plsc

NUM_EXPERTS = 64
TOP_K = 8
BT = 512
TCB = 1024
NW = 32
L = 16


def _logits_block(x_ref, w_ref, out_ref):
    x = x_ref[...]
    w = w_ref[...]
    lt = lax.dot_general(
        w, x, (((1,), (1,)), ((), ())), preferred_element_type=jnp.float32
    )
    out_ref[0] = lt[:, :BT].reshape(1, NUM_EXPERTS * BT)
    out_ref[1] = lt[:, BT:].reshape(1, NUM_EXPERTS * BT)


def _sc_body(lin_hbm, wout_hbm, iout_hbm, lvm, wvm, ivm):
    nblk = lin_hbm.shape[0]
    blocks_per_w = nblk // NW
    cid = lax.axis_index("c")
    sid = lax.axis_index("s")
    wid = sid * 2 + cid
    lane = lax.broadcasted_iota(jnp.int32, (L,), 0)
    neg_inf = jnp.full((L,), -jnp.inf, dtype=jnp.float32)
    zeros = jnp.zeros((L,), jnp.float32)

    def do_block(c, _):
        blk = wid * blocks_per_w + c
        pltpu.sync_copy(lin_hbm.at[blk, 0], lvm)

        def zrow(r, _):
            for u in range(8):
                wvm[pl.ds((r * 8 + u) * L, L)] = zeros
            return _
        lax.fori_loop(0, BT * NUM_EXPERTS // (8 * L), zrow, 0)

        def group(g, _):
            base = g * L
            toks = base + lane
            def merge(ms, ids):
                u = ms[1] > ms[0]
                m01 = jnp.where(u, ms[1], ms[0])
                i01 = jnp.where(u, ids[1], ids[0])
                u = ms[3] > ms[2]
                m23 = jnp.where(u, ms[3], ms[2])
                i23 = jnp.where(u, ids[3], ids[2])
                u = m23 > m01
                return jnp.where(u, m23, m01), jnp.where(u, i23, i01)

            ms = []
            ids = []
            for ch in range(4):
                m = neg_inf
                idx = jnp.zeros((L,), jnp.int32)
                for e in range(16):
                    ee = ch * 16 + e
                    v = lvm[pl.ds(ee * BT + base, L)]
                    upd = v > m
                    m = jnp.where(upd, v, m)
                    idx = jnp.where(upd, jnp.int32(ee), idx)
                ms.append(m)
                ids.append(idx)
            m, idx = merge(ms, ids)
            vals = [m]
            idxs = [idx]
            for j in range(1, TOP_K):
                prev = idxs[-1]
                plsc.store_scatter(lvm, [prev * BT + toks], neg_inf)
                cstar = lax.shift_right_logical(prev, 4)
                ebase = cstar * jnp.int32(16)
                abase = ebase * jnp.int32(BT) + toks
                rm = neg_inf
                ridx = jnp.zeros((L,), jnp.int32)
                for e in range(16):
                    v = plsc.load_gather(lvm, [abase + jnp.int32(e * BT)])
                    upd = v > rm
                    rm = jnp.where(upd, v, rm)
                    ridx = jnp.where(upd, ebase + jnp.int32(e), ridx)
                nms = []
                nids = []
                for ch in range(4):
                    hit = cstar == ch
                    nms.append(jnp.where(hit, rm, ms[ch]))
                    nids.append(jnp.where(hit, ridx, ids[ch]))
                ms = nms
                ids = nids
                m, idx = merge(ms, ids)
                vals.append(m)
                idxs.append(idx)
            ws = [jnp.exp(v - vals[0]) for v in vals]
            s = ws[0]
            for j in range(1, TOP_K):
                s = s + ws[j]
            for j in range(TOP_K):
                plsc.store_scatter(
                    wvm, [toks * NUM_EXPERTS + idxs[j]], ws[j] / s
                )
                plsc.store_scatter(
                    ivm, [toks * TOP_K + j], idxs[j]
                )
            return _
        lax.fori_loop(0, BT // L, group, 0)

        pltpu.sync_copy(wvm, wout_hbm.at[pl.ds(blk * BT * NUM_EXPERTS,
                                               BT * NUM_EXPERTS)])
        pltpu.sync_copy(ivm, iout_hbm.at[pl.ds(blk * BT * TOP_K,
                                               BT * TOP_K)])
        return 0

    lax.fori_loop(0, blocks_per_w, do_block, 0)


@jax.jit
def kernel(input, W):
    b, s, d = input.shape
    e = W.shape[0]
    t = b * s
    x2 = input.reshape(t, d)
    mesh = plsc.VectorSubcoreMesh(core_axis_name="c", subcore_axis_name="s")

    th = t // 2
    nblk = th // BT
    w_halves = []
    i_halves = []
    for h in range(2):
        logits_blocked = pl.pallas_call(
            _logits_block,
            grid=(th // TCB,),
            in_specs=[
                pl.BlockSpec((TCB, d), lambda i: (i, 0)),
                pl.BlockSpec((e, d), lambda i: (0, 0)),
            ],
            out_specs=pl.BlockSpec((2, 1, e * BT), lambda i: (i, 0, 0)),
            out_shape=jax.ShapeDtypeStruct((nblk, 1, e * BT), jnp.float32),
        )(lax.slice_in_dim(x2, h * th, (h + 1) * th, axis=0), W)

        wh, ih = pl.kernel(
            _sc_body,
            out_type=[
                jax.ShapeDtypeStruct((th * e,), jnp.float32),
                jax.ShapeDtypeStruct((th * TOP_K,), jnp.int32),
            ],
            mesh=mesh,
            compiler_params=pltpu.CompilerParams(needs_layout_passes=False),
            scratch_types=[
                pltpu.VMEM((e * BT,), jnp.float32),
                pltpu.VMEM((BT * e,), jnp.float32),
                pltpu.VMEM((BT * TOP_K,), jnp.int32),
            ],
        )(logits_blocked)
        w_halves.append(wh)
        i_halves.append(ih)

    weights = jnp.concatenate(w_halves)
    idx = jnp.concatenate(i_halves)
    return weights.reshape(b, s, e), idx.reshape(b, s, TOP_K)

# --- scband reference (transcript-rebuilt; emitter-appended) ---
"""Pipeline reference for scband-router-29523605192766 (READ-ONLY COPY).

The authoritative reference and input builder live on the scoring server;
editing this copy changes nothing except your own understanding.
"""

import jax, jax.numpy as jnp
import numpy as np

NUM_EXPERTS = 64
TOP_K = 8

def setup_inputs(seed: int = 0) -> dict:
    key = jax.random.key(seed)
    k1, k2 = jax.random.split(key)
    x = jax.random.normal(k1, (4, 8192, 4096), dtype=jnp.float32)
    # nn.Linear(in=4096, out=64, bias=False) weight has shape [out, in] = [64, 4096]
    W = jax.random.normal(k2, (NUM_EXPERTS, 4096), dtype=jnp.float32) * (1.0 / np.sqrt(4096))
    return {"input": x, "W": W}

def reference(input, W):
    # router_logits = self.router(input)  -> x @ W.T
    router_logits = input @ W.T  # [B, S, E]
    # moe_noise is False in this config, so no noisy branch
    topk_vals, topk_idx = jax.lax.top_k(router_logits, TOP_K)  # [B, S, k]
    # scatter top-k logits into a -inf-filled tensor along the last dim.
    # Equivalent formulation: mask of top-k positions, keep logits there, -inf elsewhere
    # (topk values equal router_logits at those indices, so this is exact).
    mask = jax.nn.one_hot(topk_idx, NUM_EXPERTS, dtype=jnp.bool_).any(axis=-2)  # [B, S, E]
    sparse_router_logits = jnp.where(mask, router_logits, -jnp.inf)
    # softmax in float32 then cast back to input dtype
    moe_weights = jax.nn.softmax(sparse_router_logits.astype(jnp.float32), axis=-1).astype(input.dtype)
    return (moe_weights, topk_idx)

if __name__ == "__main__":
    import jax
    _d = setup_inputs()
    print(jax.jit(kernel)(*tuple(_d.values())))

</pallas_src>

<mosaic_0001>
#map = affine_map<(d0, d1) -> (0, 0, 0)>
#map1 = affine_map<(d0, d1) -> (0)>
module attributes {stable_mosaic.version = 14 : i64} {
  func.func @_sc_body(%arg0: i32, %arg1: i32, %arg2: memref<32x1x32768xf32, #tpu.memory_space<hbm>>, %arg3: memref<1048576xf32, #tpu.memory_space<hbm>>, %arg4: memref<131072xi32, #tpu.memory_space<hbm>>, %arg5: memref<32768xf32, #tpu.memory_space<vmem>>, %arg6: memref<32768xf32, #tpu.memory_space<vmem>>, %arg7: memref<4096xi32, #tpu.memory_space<vmem>>) attributes {dimension_semantics = [#tpu.dimension_semantics<core_parallel>, #tpu.dimension_semantics<subcore_parallel>], iteration_bounds = array<i64: 2, 16>, scalar_prefetch = 0 : i64, scratch_operands = 3 : i64, tpu.core_type = #tpu.core_type<sc_vector_subcore>, window_params = [{transform_indices = #map}, {transform_indices = #map1}, {transform_indices = #map1}]} {
    %mul3A = arith.constant 2 : i32
    %mul3A_0 = arith.muli %arg1, %mul3A : i32
    %add3A = arith.addi %mul3A_0, %arg0 : i32
    %iota3A = tpu.iota {dimensions = array<i32: 0>} : vector<16xi32>
    %broadcast_in_dim3A = arith.constant 0xFF800000 : f32
    %broadcast_in_dim3A_1 = vector.broadcast %broadcast_in_dim3A : f32 to vector<16xf32>
    %broadcast_in_dim3A_2 = arith.constant 0.000000e+00 : f32
    %broadcast_in_dim3A_3 = vector.broadcast %broadcast_in_dim3A_2 : f32 to vector<16xf32>
    %scan3A = arith.constant 0 : i32
    %scan3A_4 = arith.constant 0 : i32
    %mul3A_5 = arith.constant 1 : i32
    %mul3A_6 = arith.muli %add3A, %mul3A_5 : i32
    %add3A_7 = arith.addi %mul3A_6, %scan3A_4 : i32
    %run_scoped3A = arith.constant 0 : i32
    "tpu.region"() ({
      %run_scoped3A_30 = tpu.sem_alloc : memref<!tpu.dma_semaphore, #tpu.memory_space<semaphore_mem>>
      %dma_start3A = arith.constant 0 : i32
      %dma_start3A_31 = tpu.memref_slice %arg2[%add3A_7, %run_scoped3A, %dma_start3A] : memref<32x1x32768xf32, #tpu.memory_space<hbm>> -> memref<1x1x32768xf32, #tpu.memory_space<hbm>>
      %dma_start3A_32 = tpu.memref_squeeze %dma_start3A_31 : memref<1x1x32768xf32, #tpu.memory_space<hbm>> -> memref<32768xf32, #tpu.memory_space<hbm>>
      %dma_start3A_33 = arith.constant 0 : i32
      %dma_start3A_34 = tpu.memref_slice %arg2[%add3A_7, %run_scoped3A, %dma_start3A_33] : memref<32x1x32768xf32, #tpu.memory_space<hbm>> -> memref<1x1x32768xf32, #tpu.memory_space<hbm>>
      %dma_start3A_35 = tpu.memref_squeeze %dma_start3A_34 : memref<1x1x32768xf32, #tpu.memory_space<hbm>> -> memref<32768xf32, #tpu.memory_space<hbm>>
      tpu.enqueue_dma source(%dma_start3A_35 : memref<32768xf32, #tpu.memory_space<hbm>>) target(%arg5 : memref<32768xf32, #tpu.memory_space<vmem>>) target_semaphore(%run_scoped3A_30 : memref<!tpu.dma_semaphore, #tpu.memory_space<semaphore_mem>>)
      %dma_wait3A = arith.constant 0 : i32
      %dma_wait3A_36 = tpu.memref_slice %arg2[%add3A_7, %run_scoped3A, %dma_wait3A] : memref<32x1x32768xf32, #tpu.memory_space<hbm>> -> memref<1x1x32768xf32, #tpu.memory_space<hbm>>
      %dma_wait3A_37 = tpu.memref_squeeze %dma_wait3A_36 : memref<1x1x32768xf32, #tpu.memory_space<hbm>> -> memref<32768xf32, #tpu.memory_space<hbm>>
      %dma_wait3A_38 = arith.constant 0 : i32
      %dma_wait3A_39 = tpu.memref_slice %arg2[%add3A_7, %run_scoped3A, %dma_wait3A_38] : memref<32x1x32768xf32, #tpu.memory_space<hbm>> -> memref<1x1x32768xf32, #tpu.memory_space<hbm>>
      %dma_wait3A_40 = tpu.memref_squeeze %dma_wait3A_39 : memref<1x1x32768xf32, #tpu.memory_space<hbm>> -> memref<32768xf32, #tpu.memory_space<hbm>>
      tpu.wait_dma2 semaphore(%run_scoped3A_30 : memref<!tpu.dma_semaphore, #tpu.memory_space<semaphore_mem>>) src(%dma_wait3A_40 : memref<32768xf32, #tpu.memory_space<hbm>>) dst(%arg5 : memref<32768xf32, #tpu.memory_space<vmem>>)
      tpu.yield
    }) : () -> ()
    %scan3A_8 = arith.constant 0 : i32
    %scan3A_9 = arith.constant 0 : i32
    %scan3A_10 = arith.constant 256 : i32
    %scan3A_11 = arith.addi %scan3A_9, %scan3A_10 : i32
    %scan3A_12 = arith.constant 1 : i32
    scf.for %scan3A_30 = %scan3A_9 to %scan3A_11 step %scan3A_12  : i32 {
      %mul3A_31 = arith.constant 8 : i32
      %mul3A_32 = arith.muli %scan3A_30, %mul3A_31 : i32
      %add3A_33 = arith.constant 0 : i32
      %add3A_34 = arith.addi %mul3A_32, %add3A_33 : i32
      %mul3A_35 = arith.constant 16 : i32
      %mul3A_36 = arith.muli %add3A_34, %mul3A_35 : i32
      %swap3A = arith.index_cast %mul3A_36 : i32 to index
      %swap3A_37 = tpu.vector_load %arg6[%swap3A] {strides = array<i32>} : memref<32768xf32, #tpu.memory_space<vmem>>, vector<16xf32>,
      tpu.vector_store %arg6[%swap3A], %broadcast_in_dim3A_3 {strides = array<i32>} : memref<32768xf32, #tpu.memory_space<vmem>>, vector<16xf32>,
      %mul3A_38 = arith.constant 8 : i32
      %mul3A_39 = arith.muli %scan3A_30, %mul3A_38 : i32
      %add3A_40 = arith.constant 1 : i32
      %add3A_41 = arith.addi %mul3A_39, %add3A_40 : i32
      %mul3A_42 = arith.constant 16 : i32
      %mul3A_43 = arith.muli %add3A_41, %mul3A_42 : i32
      %swap3A_44 = arith.index_cast %mul3A_43 : i32 to index
      %swap3A_45 = tpu.vector_load %arg6[%swap3A_44] {strides = array<i32>} : memref<32768xf32, #tpu.memory_space<vmem>>, vector<16xf32>,
      tpu.vector_store %arg6[%swap3A_44], %broadcast_in_dim3A_3 {strides = array<i32>} : memref<32768xf32, #tpu.memory_space<vmem>>, vector<16xf32>,
      %mul3A_46 = arith.constant 8 : i32
      %mul3A_47 = arith.muli %scan3A_30, %mul3A_46 : i32
      %add3A_48 = arith.constant 2 : i32
      %add3A_49 = arith.addi %mul3A_47, %add3A_48 : i32
      %mul3A_50 = arith.constant 16 : i32
      %mul3A_51 = arith.muli %add3A_49, %mul3A_50 : i32
      %swap3A_52 = arith.index_cast %mul3A_51 : i32 to index
      %swap3A_53 = tpu.vector_load %arg6[%swap3A_52] {strides = array<i32>} : memref<32768xf32, #tpu.memory_space<vmem>>, vector<16xf32>,
      tpu.vector_store %arg6[%swap3A_52], %broadcast_in_dim3A_3 {strides = array<i32>} : memref<32768xf32, #tpu.memory_space<vmem>>, vector<16xf32>,
      %mul3A_54 = arith.constant 8 : i32
      %mul3A_55 = arith.muli %scan3A_30, %mul3A_54 : i32
      %add3A_56 = arith.constant 3 : i32
      %add3A_57 = arith.addi %mul3A_55, %add3A_56 : i32
      %mul3A_58 = arith.constant 16 : i32
      %mul3A_59 = arith.muli %add3A_57, %mul3A_58 : i32
      %swap3A_60 = arith.index_cast %mul3A_59 : i32 to index
      %swap3A_61 = tpu.vector_load %arg6[%swap3A_60] {strides = array<i32>} : memref<32768xf32, #tpu.memory_space<vmem>>, vector<16xf32>,
      tpu.vector_store %arg6[%swap3A_60], %broadcast_in_dim3A_3 {strides = array<i32>} : memref<32768xf32, #tpu.memory_space<vmem>>, vector<16xf32>,
      %mul3A_62 = arith.constant 8 : i32
      %mul3A_63 = arith.muli %scan3A_30, %mul3A_62 : i32
      %add3A_64 = arith.constant 4 : i32
      %add3A_65 = arith.addi %mul3A_63, %add3A_64 : i32
      %mul3A_66 = arith.constant 16 : i32
      %mul3A_67 = arith.muli %add3A_65, %mul3A_66 : i32
      %swap3A_68 = arith.index_cast %mul3A_67 : i32 to index
      %swap3A_69 = tpu.vector_load %arg6[%swap3A_68] {strides = array<i32>} : memref<32768xf32, #tpu.memory_space<vmem>>, vector<16xf32>,
      tpu.vector_store %arg6[%swap3A_68], %broadcast_in_dim3A_3 {strides = array<i32>} : memref<32768xf32, #tpu.memory_space<vmem>>, vector<16xf32>,
      %mul3A_70 = arith.constant 8 : i32
      %mul3A_71 = arith.muli %scan3A_30, %mul3A_70 : i32
      %add3A_72 = arith.constant 5 : i32
      %add3A_73 = arith.addi %mul3A_71, %add3A_72 : i32
      %mul3A_74 = arith.constant 16 : i32
      %mul3A_75 = arith.muli %add3A_73, %mul3A_74 : i32
      %swap3A_76 = arith.index_cast %mul3A_75 : i32 to index
      %swap3A_77 = tpu.vector_load %arg6[%swap3A_76] {strides = array<i32>} : memref<32768xf32, #tpu.memory_space<vmem>>, vector<16xf32>,
      tpu.vector_store %arg6[%swap3A_76], %broadcast_in_dim3A_3 {strides = array<i32>} : memref<32768xf32, #tpu.memory_space<vmem>>, vector<16xf32>,
      %mul3A_78 = arith.constant 8 : i32
      %mul3A_79 = arith.muli %scan3A_30, %mul3A_78 : i32
      %add3A_80 = arith.constant 6 : i32
      %add3A_81 = arith.addi %mul3A_79, %add3A_80 : i32
      %mul3A_82 = arith.constant 16 : i32
      %mul3A_83 = arith.muli %add3A_81, %mul3A_82 : i32
      %swap3A_84 = arith.index_cast %mul3A_83 : i32 to index
      %swap3A_85 = tpu.vector_load %arg6[%swap3A_84] {strides = array<i32>} : memref<32768xf32, #tpu.memory_space<vmem>>, vector<16xf32>,
      tpu.vector_store %arg6[%swap3A_84], %broadcast_in_dim3A_3 {strides = array<i32>} : memref<32768xf32, #tpu.memory_space<vmem>>, vector<16xf32>,
      %mul3A_86 = arith.constant 8 : i32
      %mul3A_87 = arith.muli %scan3A_30, %mul3A_86 : i32
      %add3A_88 = arith.constant 7 : i32
      %add3A_89 = arith.addi %mul3A_87, %add3A_88 : i32
      %mul3A_90 = arith.constant 16 : i32
      %mul3A_91 = arith.muli %add3A_89, %mul3A_90 : i32
      %swap3A_92 = arith.index_cast %mul3A_91 : i32 to index
      %swap3A_93 = tpu.vector_load %arg6[%swap3A_92] {strides = array<i32>} : memref<32768xf32, #tpu.memory_space<vmem>>, vector<16xf32>,
      tpu.vector_store %arg6[%swap3A_92], %broadcast_in_dim3A_3 {strides = array<i32>} : memref<32768xf32, #tpu.memory_space<vmem>>, vector<16xf32>,
    }
    %scan3A_13 = arith.constant 256 : i32
    %scan3A_14 = arith.constant 0 : i32
    %scan3A_15 = arith.constant 0 : i32
    %scan3A_16 = arith.constant 32 : i32
    %scan3A_17 = arith.addi %scan3A_15, %scan3A_16 : i32
    %scan3A_18 = arith.constant 1 : i32
    scf.for %scan3A_30 = %scan3A_15 to %scan3A_17 step %scan3A_18  : i32 {
      %mul3A_31 = arith.constant 16 : i32
      %mul3A_32 = arith.muli %scan3A_30, %mul3A_31 : i32
      %add3A_33 = vector.broadcast %mul3A_32 : i32 to vector<16xi32>
      %add3A_34 = arith.addi %add3A_33, %iota3A : vector<16xi32>
      %broadcast_in_dim3A_35 = arith.constant 0 : i32
      %broadcast_in_dim3A_36 = vector.broadcast %broadcast_in_dim3A_35 : i32 to vector<16xi32>
      %add3A_37 = arith.constant 0 : i32
      %add3A_38 = arith.addi %add3A_37, %mul3A_32 : i32
      %get3A = arith.index_cast %add3A_38 : i32 to index
      %get3A_39 = tpu.vector_load %arg5[%get3A] {strides = array<i32>} : memref<32768xf32, #tpu.memory_space<vmem>>, vector<16xf32>,
      %gt3A = arith.cmpf ogt, %get3A_39, %broadcast_in_dim3A_1 : vector<16xf32>
      %select_n3A = arith.select %gt3A, %get3A_39, %broadcast_in_dim3A_1 : vector<16xi1>, vector<16xf32>
      %jit3A = arith.constant 0 : i32
      %broadcast_in_dim3A_40 = vector.broadcast %jit3A : i32 to vector<16xi32>
      %select_n3A_41 = arith.select %gt3A, %broadcast_in_dim3A_40, %broadcast_in_dim3A_36 : vector<16xi1>, vector<16xi32>
      %add3A_42 = arith.constant 512 : i32
      %add3A_43 = arith.addi %add3A_42, %mul3A_32 : i32
      %get3A_44 = arith.index_cast %add3A_43 : i32 to index
      %get3A_45 = tpu.vector_load %arg5[%get3A_44] {strides = array<i32>} : memref<32768xf32, #tpu.memory_space<vmem>>, vector<16xf32>,
      %gt3A_46 = arith.cmpf ogt, %get3A_45, %select_n3A : vector<16xf32>
      %select_n3A_47 = arith.select %gt3A_46, %get3A_45, %select_n3A : vector<16xi1>, vector<16xf32>
      %jit3A_48 = arith.constant 1 : i32
      %broadcast_in_dim3A_49 = vector.broadcast %jit3A_48 : i32 to vector<16xi32>
      %select_n3A_50 = arith.select %gt3A_46, %broadcast_in_dim3A_49, %select_n3A_41 : vector<16xi1>, vector<16xi32>
      %add3A_51 = arith.constant 1024 : i32
      %add3A_52 = arith.addi %add3A_51, %mul3A_32 : i32
      %get3A_53 = arith.index_cast %add3A_52 : i32 to index
      %get3A_54 = tpu.vector_load %arg5[%get3A_53] {strides = array<i32>} : memref<32768xf32, #tpu.memory_space<vmem>>, vector<16xf32>,
      %gt3A_55 = arith.cmpf ogt, %get3A_54, %select_n3A_47 : vector<16xf32>
      %select_n3A_56 = arith.select %gt3A_55, %get3A_54, %select_n3A_47 : vector<16xi1>, vector<16xf32>
      %jit3A_57 = arith.constant 2 : i32
      %broadcast_in_dim3A_58 = vector.broadcast %jit3A_57 : i32 to vector<16xi32>
      %select_n3A_59 = arith.select %gt3A_55, %broadcast_in_dim3A_58, %select_n3A_50 : vector<16xi1>, vector<16xi32>
      %add3A_60 = arith.constant 1536 : i32
      %add3A_61 = arith.addi %add3A_60, %mul3A_32 : i32
      %get3A_62 = arith.index_cast %add3A_61 : i32 to index
      %get3A_63 = tpu.vector_load %arg5[%get3A_62] {strides = array<i32>} : memref<32768xf32, #tpu.memory_space<vmem>>, vector<16xf32>,
      %gt3A_64 = arith.cmpf ogt, %get3A_63, %select_n3A_56 : vector<16xf32>
      %select_n3A_65 = arith.select %gt3A_64, %get3A_63, %select_n3A_56 : vector<16xi1>, vector<16xf32>
      %jit3A_66 = arith.constant 3 : i32
      %broadcast_in_dim3A_67 = vector.broadcast %jit3A_66 : i32 to vector<16xi32>
      %select_n3A_68 = arith.select %gt3A_64, %broadcast_in_dim3A_67, %select_n3A_59 : vector<16xi1>, vector<16xi32>
      %add3A_69 = arith.constant 2048 : i32
      %add3A_70 = arith.addi %add3A_69, %mul3A_32 : i32
      %get3A_71 = arith.index_cast %add3A_70 : i32 to index
      %get3A_72 = tpu.vector_load %arg5[%get3A_71] {strides = array<i32>} : memref<32768xf32, #tpu.memory_space<vmem>>, vector<16xf32>,
      %gt3A_73 = arith.cmpf ogt, %get3A_72, %select_n3A_65 : vector<16xf32>
      %select_n3A_74 = arith.select %gt3A_73, %get3A_72, %select_n3A_65 : vector<16xi1>, vector<16xf32>
      %jit3A_75 = arith.constant 4 : i32
      %broadcast_in_dim3A_76 = vector.broadcast %jit3A_75 : i32 to vector<16xi32>
      %select_n3A_77 = arith.select %gt3A_73, %broadcast_in_dim3A_76, %select_n3A_68 : vector<16xi1>, vector<16xi32>
      %add3A_78 = arith.constant 2560 : i32
      %add3A_79 = arith.addi %add3A_78, %mul3A_32 : i32
      %get3A_80 = arith.index_cast %add3A_79 : i32 to index
      %get3A_81 = tpu.vector_load %arg5[%get3A_80] {strides = array<i32>} : memref<32768xf32, #tpu.memory_space<vmem>>, vector<16xf32>,
      %gt3A_82 = arith.cmpf ogt, %get3A_81, %select_n3A_74 : vector<16xf32>
      %select_n3A_83 = arith.select %gt3A_82, %get3A_81, %select_n3A_74 : vector<16xi1>, vector<16xf32>
      %jit3A_84 = arith.constant 5 : i32
      %broadcast_in_dim3A_85 = vector.broadcast %jit3A_84 : i32 to vector<16xi32>
      %select_n3A_86 = arith.select %gt3A_82, %broadcast_in_dim3A_85, %select_n3A_77 : vector<16xi1>, vector<16xi32>
      %add3A_87 = arith.constant 3072 : i32
      %add3A_88 = arith.addi %add3A_87, %mul3A_32 : i32
      %get3A_89 = arith.index_cast %add3A_88 : i32 to index
      %get3A_90 = tpu.vector_load %arg5[%get3A_89] {strides = array<i32>} : memref<32768xf32, #tpu.memory_space<vmem>>, vector<16xf32>,
      %gt3A_91 = arith.cmpf ogt, %get3A_90, %select_n3A_83 : vector<16xf32>
      %select_n3A_92 = arith.select %gt3A_91, %get3A_90, %select_n3A_83 : vector<16xi1>, vector<16xf32>
      %jit3A_93 = arith.constant 6 : i32
      %broadcast_in_dim3A_94 = vector.broadcast %jit3A_93 : i32 to vector<16xi32>
      %select_n3A_95 = arith.select %gt3A_91, %broadcast_in_dim3A_94, %select_n3A_86 : vector<16xi1>, vector<16xi32>
      %add3A_96 = arith.constant 3584 : i32
      %add3A_97 = arith.addi %add3A_96, %mul3A_32 : i32
      %get3A_98 = arith.index_cast %add3A_97 : i32 to index
      %get3A_99 = tpu.vector_load %arg5[%get3A_98] {strides = array<i32>} : memref<32768xf32, #tpu.memory_space<vmem>>, vector<16xf32>,
      %gt3A_100 = arith.cmpf ogt, %get3A_99, %select_n3A_92 : vector<16xf32>
      %select_n3A_101 = arith.select %gt3A_100, %get3A_99, %select_n3A_92 : vector<16xi1>, vector<16xf32>
      %jit3A_102 = arith.constant 7 : i32
      %broadcast_in_dim3A_103 = vector.broadcast %jit3A_102 : i32 to vector<16xi32>
      %select_n3A_104 = arith.select %gt3A_100, %broadcast_in_dim3A_103, %select_n3A_95 : vector<16xi1>, vector<16xi32>
      %add3A_105 = arith.constant 4096 : i32
      %add3A_106 = arith.addi %add3A_105, %mul3A_32 : i32
      %get3A_107 = arith.index_cast %add3A_106 : i32 to index
      %get3A_108 = tpu.vector_load %arg5[%get3A_107] {strides = array<i32>} : memref<32768xf32, #tpu.memory_space<vmem>>, vector<16xf32>,
      %gt3A_109 = arith.cmpf ogt, %get3A_108, %select_n3A_101 : vector<16xf32>
      %select_n3A_110 = arith.select %gt3A_109, %get3A_108, %select_n3A_101 : vector<16xi1>, vector<16xf32>
      %jit3A_111 = arith.constant 8 : i32
      %broadcast_in_dim3A_112 = vector.broadcast %jit3A_111 : i32 to vector<16xi32>
      %select_n3A_113 = arith.select %gt3A_109, %broadcast_in_dim3A_112, %select_n3A_104 : vector<16xi1>, vector<16xi32>
      %add3A_114 = arith.constant 4608 : i32
      %add3A_115 = arith.addi %add3A_114, %mul3A_32 : i32
      %get3A_116 = arith.index_cast %add3A_115 : i32 to index
      %get3A_117 = tpu.vector_load %arg5[%get3A_116] {strides = array<i32>} : memref<32768xf32, #tpu.memory_space<vmem>>, vector<16xf32>,
      %gt3A_118 = arith.cmpf ogt, %get3A_117, %select_n3A_110 : vector<16xf32>
      %select_n3A_119 = arith.select %gt3A_118, %get3A_117, %select_n3A_110 : vector<16xi1>, vector<16xf32>
      %jit3A_120 = arith.constant 9 : i32
      %broadcast_in_dim3A_121 = vector.broadcast %jit3A_120 : i32 to vector<16xi32>
      %select_n3A_122 = arith.select %gt3A_118, %broadcast_in_dim3A_121, %select_n3A_113 : vector<16xi1>, vector<16xi32>
      %add3A_123 = arith.constant 5120 : i32
      %add3A_124 = arith.addi %add3A_123, %mul3A_32 : i32
      %get3A_125 = arith.index_cast %add3A_124 : i32 to index
      %get3A_126 = tpu.vector_load %arg5[%get3A_125] {strides = array<i32>} : memref<32768xf32, #tpu.memory_space<vmem>>, vector<16xf32>,
      %gt3A_127 = arith.cmpf ogt, %get3A_126, %select_n3A_119 : vector<16xf32>
      %select_n3A_128 = arith.select %gt3A_127, %get3A_126, %select_n3A_119 : vector<16xi1>, vector<16xf32>
      %jit3A_129 = arith.constant 10 : i32
      %broadcast_in_dim3A_130 = vector.broadcast %jit3A_129 : i32 to vector<16xi32>
      %select_n3A_131 = arith.select %gt3A_127, %broadcast_in_dim3A_130, %select_n3A_122 : vector<16xi1>, vector<16xi32>
      %add3A_132 = arith.constant 5632 : i32
      %add3A_133 = arith.addi %add3A_132, %mul3A_32 : i32
      %get3A_134 = arith.index_cast %add3A_133 : i32 to index
      %get3A_135 = tpu.vector_load %arg5[%get3A_134] {strides = array<i32>} : memref<32768xf32, #tpu.memory_space<vmem>>, vector<16xf32>,
      %gt3A_136 = arith.cmpf ogt, %get3A_135, %select_n3A_128 : vector<16xf32>
      %select_n3A_137 = arith.select %gt3A_136, %get3A_135, %select_n3A_128 : vector<16xi1>, vector<16xf32>
      %jit3A_138 = arith.constant 11 : i32
      %broadcast_in_dim3A_139 = vector.broadcast %jit3A_138 : i32 to vector<16xi32>
      %select_n3A_140 = arith.select %gt3A_136, %broadcast_in_dim3A_139, %select_n3A_131 : vector<16xi1>, vector<16xi32>
      %add3A_141 = arith.constant 6144 : i32
      %add3A_142 = arith.addi %add3A_141, %mul3A_32 : i32
      %get3A_143 = arith.index_cast %add3A_142 : i32 to index
      %get3A_144 = tpu.vector_load %arg5[%get3A_143] {strides = array<i32>} : memref<32768xf32, #tpu.memory_space<vmem>>, vector<16xf32>,
      %gt3A_145 = arith.cmpf ogt, %get3A_144, %select_n3A_137 : vector<16xf32>
      %select_n3A_146 = arith.select %gt3A_145, %get3A_144, %select_n3A_137 : vector<16xi1>, vector<16xf32>
      %jit3A_147 = arith.constant 12 : i32
      %broadcast_in_dim3A_148 = vector.broadcast %jit3A_147 : i32 to vector<16xi32>
      %select_n3A_149 = arith.select %gt3A_145, %broadcast_in_dim3A_148, %select_n3A_140 : vector<16xi1>, vector<16xi32>
      %add3A_150 = arith.constant 6656 : i32
      %add3A_151 = arith.addi %add3A_150, %mul3A_32 : i32
      %get3A_152 = arith.index_cast %add3A_151 : i32 to index
      %get3A_153 = tpu.vector_load %arg5[%get3A_152] {strides = array<i32>} : memref<32768xf32, #tpu.memory_space<vmem>>, vector<16xf32>,
      %gt3A_154 = arith.cmpf ogt, %get3A_153, %select_n3A_146 : vector<16xf32>
      %select_n3A_155 = arith.select %gt3A_154, %get3A_153, %select_n3A_146 : vector<16xi1>, vector<16xf32>
      %jit3A_156 = arith.constant 13 : i32
      %broadcast_in_dim3A_157 = vector.broadcast %jit3A_156 : i32 to vector<16xi32>
      %select_n3A_158 = arith.select %gt3A_154, %broadcast_in_dim3A_157, %select_n3A_149 : vector<16xi1>, vector<16xi32>
      %add3A_159 = arith.constant 7168 : i32
      %add3A_160 = arith.addi %add3A_159, %mul3A_32 : i32
      %get3A_161 = arith.index_cast %add3A_160 : i32 to index
      %get3A_162 = tpu.vector_load %arg5[%get3A_161] {strides = array<i32>} : memref<32768xf32, #tpu.memory_space<vmem>>, vector<16xf32>,
      %gt3A_163 = arith.cmpf ogt, %get3A_162, %select_n3A_155 : vector<16xf32>
      %select_n3A_164 = arith.select %gt3A_163, %get3A_162, %select_n3A_155 : vector<16xi1>, vector<16xf32>
      %jit3A_165 = arith.constant 14 : i32
      %broadcast_in_dim3A_166 = vector.broadcast %jit3A_165 : i32 to vector<16xi32>
      %select_n3A_167 = arith.select %gt3A_163, %broadcast_in_dim3A_166, %select_n3A_158 : vector<16xi1>, vector<16xi32>
      %add3A_168 = arith.constant 7680 : i32
      %add3A_169 = arith.addi %add3A_168, %mul3A_32 : i32
      %get3A_170 = arith.index_cast %add3A_169 : i32 to index
      %get3A_171 = tpu.vector_load %arg5[%get3A_170] {strides = array<i32>} : memref<32768xf32, #tpu.memory_space<vmem>>, vector<16xf32>,
      %gt3A_172 = arith.cmpf ogt, %get3A_171, %select_n3A_164 : vector<16xf32>
      %select_n3A_173 = arith.select %gt3A_172, %get3A_171, %select_n3A_164 : vector<16xi1>, vector<16xf32>
      %jit3A_174 = arith.constant 15 : i32
      %broadcast_in_dim3A_175 = vector.broadcast %jit3A_174 : i32 to vector<16xi32>
      %select_n3A_176 = arith.select %gt3A_172, %broadcast_in_dim3A_175, %select_n3A_167 : vector<16xi1>, vector<16xi32>
      %broadcast_in_dim3A_177 = arith.constant 0 : i32
      %broadcast_in_dim3A_178 = vector.broadcast %broadcast_in_dim3A_177 : i32 to vector<16xi32>
      %add3A_179 = arith.constant 8192 : i32
      %add3A_180 = arith.addi %add3A_179, %mul3A_32 : i32
      %get3A_181 = arith.index_cast %add3A_180 : i32 to index
      %get3A_182 = tpu.vector_load %arg5[%get3A_181] {strides = array<i32>} : memref<32768xf32, #tpu.memory_space<vmem>>, vector<16xf32>,
      %gt3A_183 = arith.cmpf ogt, %get3A_182, %broadcast_in_dim3A_1 : vector<16xf32>
      %select_n3A_184 = arith.select %gt3A_183, %get3A_182, %broadcast_in_dim3A_1 : vector<16xi1>, vector<16xf32>
      %jit3A_185 = arith.constant 16 : i32
      %broadcast_in_dim3A_186 = vector.broadcast %jit3A_185 : i32 to vector<16xi32>
      %select_n3A_187 = arith.select %gt3A_183, %broadcast_in_dim3A_186, %broadcast_in_dim3A_178 : vector<16xi1>, vector<16xi32>
      %add3A_188 = arith.constant 8704 : i32
      %add3A_189 = arith.addi %add3A_188, %mul3A_32 : i32
      %get3A_190 = arith.index_cast %add3A_189 : i32 to index
      %get3A_191 = tpu.vector_load %arg5[%get3A_190] {strides = array<i32>} : memref<32768xf32, #tpu.memory_space<vmem>>, vector<16xf32>,
      %gt3A_192 = arith.cmpf ogt, %get3A_191, %select_n3A_184 : vector<16xf32>
      %select_n3A_193 = arith.select %gt3A_192, %get3A_191, %select_n3A_184 : vector<16xi1>, vector<16xf32>
      %jit3A_194 = arith.constant 17 : i32
      %broadcast_in_dim3A_195 = vector.broadcast %jit3A_194 : i32 to vector<16xi32>
      %select_n3A_196 = arith.select %gt3A_192, %broadcast_in_dim3A_195, %select_n3A_187 : vector<16xi1>, vector<16xi32>
      %add3A_197 = arith.constant 9216 : i32
      %add3A_198 = arith.addi %add3A_197, %mul3A_32 : i32
      %get3A_199 = arith.index_cast %add3A_198 : i32 to index
      %get3A_200 = tpu.vector_load %arg5[%get3A_199] {strides = array<i32>} : memref<32768xf32, #tpu.memory_space<vmem>>, vector<16xf32>,
      %gt3A_201 = arith.cmpf ogt, %get3A_200, %select_n3A_193 : vector<16xf32>
      %select_n3A_202 = arith.select %gt3A_201, %get3A_200, %select_n3A_193 : vector<16xi1>, vector<16xf32>
      %jit3A_203 = arith.constant 18 : i32
      %broadcast_in_dim3A_204 = vector.broadcast %jit3A_203 : i32 to vector<16xi32>
      %select_n3A_205 = arith.select %gt3A_201, %broadcast_in_dim3A_204, %select_n3A_196 : vector<16xi1>, vector<16xi32>
      %add3A_206 = arith.constant 9728 : i32
      %add3A_207 = arith.addi %add3A_206, %mul3A_32 : i32
      %get3A_208 = arith.index_cast %add3A_207 : i32 to index
      %get3A_209 = tpu.vector_load %arg5[%get3A_208] {strides = array<i32>} : memref<32768xf32, #tpu.memory_space<vmem>>, vector<16xf32>,
      %gt3A_210 = arith.cmpf ogt, %get3A_209, %select_n3A_202 : vector<16xf32>
      %select_n3A_211 = arith.select %gt3A_210, %get3A_209, %select_n3A_202 : vector<16xi1>, vector<16xf32>
      %jit3A_212 = arith.constant 19 : i32
      %broadcast_in_dim3A_213 = vector.broadcast %jit3A_212 : i32 to vector<16xi32>
      %select_n3A_214 = arith.select %gt3A_210, %broadcast_in_dim3A_213, %select_n3A_205 : vector<16xi1>, vector<16xi32>
      %add3A_215 = arith.constant 10240 : i32
      %add3A_216 = arith.addi %add3A_215, %mul3A_32 : i32
      %get3A_217 = arith.index_cast %add3A_216 : i32 to index
      %get3A_218 = tpu.vector_load %arg5[%get3A_217] {strides = array<i32>} : memref<32768xf32, #tpu.memory_space<vmem>>, vector<16xf32>,
      %gt3A_219 = arith.cmpf ogt, %get3A_218, %select_n3A_211 : vector<16xf32>
      %select_n3A_220 = arith.select %gt3A_219, %get3A_218, %select_n3A_211 : vector<16xi1>, vector<16xf32>
      %jit3A_221 = arith.constant 20 : i32
      %broadcast_in_dim3A_222 = vector.broadcast %jit3A_221 : i32 to vector<16xi32>
      %select_n3A_223 = arith.select %gt3A_219, %broadcast_in_dim3A_222, %select_n3A_214 : vector<16xi1>, vector<16xi32>
      %add3A_224 = arith.constant 10752 : i32
      %add3A_225 = arith.addi %add3A_224, %mul3A_32 : i32
      %get3A_226 = arith.index_cast %add3A_225 : i32 to index
      %get3A_227 = tpu.vector_load %arg5[%get3A_226] {strides = array<i32>} : memref<32768xf32, #tpu.memory_space<vmem>>, vector<16xf32>,
      %gt3A_228 = arith.cmpf ogt, %get3A_227, %select_n3A_220 : vector<16xf32>
      %select_n3A_229 = arith.select %gt3A_228, %get3A_227, %select_n3A_220 : vector<16xi1>, vector<16xf32>
      %jit3A_230 = arith.constant 21 : i32
      %broadcast_in_dim3A_231 = vector.broadcast %jit3A_230 : i32 to vector<16xi32>
      %select_n3A_232 = arith.select %gt3A_228, %broadcast_in_dim3A_231, %select_n3A_223 : vector<16xi1>, vector<16xi32>
      %add3A_233 = arith.constant 11264 : i32
      %add3A_234 = arith.addi %add3A_233, %mul3A_32 : i32
      %get3A_235 = arith.index_cast %add3A_234 : i32 to index
      %get3A_236 = tpu.vector_load %arg5[%get3A_235] {strides = array<i32>} : memref<32768xf32, #tpu.memory_space<vmem>>, vector<16xf32>,
      %gt3A_237 = arith.cmpf ogt, %get3A_236, %select_n3A_229 : vector<16xf32>
      %select_n3A_238 = arith.select %gt3A_237, %get3A_236, %select_n3A_229 : vector<16xi1>, vector<16xf32>
      %jit3A_239 = arith.constant 22 : i32
      %broadcast_in_dim3A_240 = vector.broadcast %jit3A_239 : i32 to vector<16xi32>
      %select_n3A_241 = arith.select %gt3A_237, %broadcast_in_dim3A_240, %select_n3A_232 : vector<16xi1>, vector<16xi32>
      %add3A_242 = arith.constant 11776 : i32
      %add3A_243 = arith.addi %add3A_242, %mul3A_32 : i32
      %get3A_244 = arith.index_cast %add3A_243 : i32 to index
      %get3A_245 = tpu.vector_load %arg5[%get3A_244] {strides = array<i32>} : memref<32768xf32, #tpu.memory_space<vmem>>, vector<16xf32>,
      %gt3A_246 = arith.cmpf ogt, %get3A_245, %select_n3A_238 : vector<16xf32>
      %select_n3A_247 = arith.select %gt3A_246, %get3A_245, %select_n3A_238 : vector<16xi1>, vector<16xf32>
      %jit3A_248 = arith.constant 23 : i32
      %broadcast_in_dim3A_249 = vector.broadcast %jit3A_248 : i32 to vector<16xi32>
      %select_n3A_250 = arith.select %gt3A_246, %broadcast_in_dim3A_249, %select_n3A_241 : vector<16xi1>, vector<16xi32>
      %add3A_251 = arith.constant 12288 : i32
      %add3A_252 = arith.addi %add3A_251, %mul3A_32 : i32
      %get3A_253 = arith.index_cast %add3A_252 : i32 to index
      %get3A_254 = tpu.vector_load %arg5[%get3A_253] {strides = array<i32>} : memref<32768xf32, #tpu.memory_space<vmem>>, vector<16xf32>,
      %gt3A_255 = arith.cmpf ogt, %get3A_254, %select_n3A_247 : vector<16xf32>
      %select_n3A_256 = arith.select %gt3A_255, %get3A_254, %select_n3A_247 : vector<16xi1>, vector<16xf32>
      %jit3A_257 = arith.constant 24 : i32
      %broadcast_in_dim3A_258 = vector.broadcast %jit3A_257 : i32 to vector<16xi32>
      %select_n3A_259 = arith.select %gt3A_255, %broadcast_in_dim3A_258, %select_n3A_250 : vector<16xi1>, vector<16xi32>
      %add3A_260 = arith.constant 12800 : i32
      %add3A_261 = arith.addi %add3A_260, %mul3A_32 : i32
      %get3A_262 = arith.index_cast %add3A_261 : i32 to index
      %get3A_263 = tpu.vector_load %arg5[%get3A_262] {strides = array<i32>} : memref<32768xf32, #tpu.memory_space<vmem>>, vector<16xf32>,
      %gt3A_264 = arith.cmpf ogt, %get3A_263, %select_n3A_256 : vector<16xf32>
      %select_n3A_265 = arith.select %gt3A_264, %get3A_263, %select_n3A_256 : vector<16xi1>, vector<16xf32>
      %jit3A_266 = arith.constant 25 : i32
      %broadcast_in_dim3A_267 = vector.broadcast %jit3A_266 : i32 to vector<16xi32>
      %select_n3A_268 = arith.select %gt3A_264, %broadcast_in_dim3A_267, %select_n3A_259 : vector<16xi1>, vector<16xi32>
      %add3A_269 = arith.constant 13312 : i32
      %add3A_270 = arith.addi %add3A_269, %mul3A_32 : i32
      %get3A_271 = arith.index_cast %add3A_270 : i32 to index
      %get3A_272 = tpu.vector_load %arg5[%get3A_271] {strides = array<i32>} : memref<32768xf32, #tpu.memory_space<vmem>>, vector<16xf32>,
      %gt3A_273 = arith.cmpf ogt, %get3A_272, %select_n3A_265 : vector<16xf32>
      %select_n3A_274 = arith.select %gt3A_273, %get3A_272, %select_n3A_265 : vector<16xi1>, vector<16xf32>
      %jit3A_275 = arith.constant 26 : i32
      %broadcast_in_dim3A_276 = vector.broadcast %jit3A_275 : i32 to vector<16xi32>
      %select_n3A_277 = arith.select %gt3A_273, %broadcast_in_dim3A_276, %select_n3A_268 : vector<16xi1>, vector<16xi32>
      %add3A_278 = arith.constant 13824 : i32
      %add3A_279 = arith.addi %add3A_278, %mul3A_32 : i32
      %get3A_280 = arith.index_cast %add3A_279 : i32 to index
      %get3A_281 = tpu.vector_load %arg5[%get3A_280] {strides = array<i32>} : memref<32768xf32, #tpu.memory_space<vmem>>, vector<16xf32>,
      %gt3A_282 = arith.cmpf ogt, %get3A_281, %select_n3A_274 : vector<16xf32>
      %select_n3A_283 = arith.select %gt3A_282, %get3A_281, %select_n3A_274 : vector<16xi1>, vector<16xf32>
      %jit3A_284 = arith.constant 27 : i32
      %broadcast_in_dim3A_285 = vector.broadcast %jit3A_284 : i32 to vector<16xi32>
      %select_n3A_286 = arith.select %gt3A_282, %broadcast_in_dim3A_285, %select_n3A_277 : vector<16xi1>, vector<16xi32>
      %add3A_287 = arith.constant 14336 : i32
      %add3A_288 = arith.addi %add3A_287, %mul3A_32 : i32
      %get3A_289 = arith.index_cast %add3A_288 : i32 to index
      %get3A_290 = tpu.vector_load %arg5[%get3A_289] {strides = array<i32>} : memref<32768xf32, #tpu.memory_space<vmem>>, vector<16xf32>,
      %gt3A_291 = arith.cmpf ogt, %get3A_290, %select_n3A_283 : vector<16xf32>
      %select_n3A_292 = arith.select %gt3A_291, %get3A_290, %select_n3A_283 : vector<16xi1>, vector<16xf32>
      %jit3A_293 = arith.constant 28 : i32
      %broadcast_in_dim3A_294 = vector.broadcast %jit3A_293 : i32 to vector<16xi32>
      %select_n3A_295 = arith.select %gt3A_291, %broadcast_in_dim3A_294, %select_n3A_286 : vector<16xi1>, vector<16xi32>
      %add3A_296 = arith.constant 14848 : i32
      %add3A_297 = arith.addi %add3A_296, %mul3A_32 : i32
      %get3A_298 = arith.index_cast %add3A_297 : i32 to index
      %get3A_299 = tpu.vector_load %arg5[%get3A_298] {strides = array<i32>} : memref<32768xf32, #tpu.memory_space<vmem>>, vector<16xf32>,
      %gt3A_300 = arith.cmpf ogt, %get3A_299, %select_n3A_292 : vector<16xf32>
      %select_n3A_301 = arith.select %gt3A_300, %get3A_299, %select_n3A_292 : vector<16xi1>, vector<16xf32>
      %jit3A_302 = arith.constant 29 : i32
      %broadcast_in_dim3A_303 = vector.broadcast %jit3A_302 : i32 to vector<16xi32>
      %select_n3A_304 = arith.select %gt3A_300, %broadcast_in_dim3A_303, %select_n3A_295 : vector<16xi1>, vector<16xi32>
      %add3A_305 = arith.constant 15360 : i32
      %add3A_306 = arith.addi %add3A_305, %mul3A_32 : i32
      %get3A_307 = arith.index_cast %add3A_306 : i32 to index
      %get3A_308 = tpu.vector_load %arg5[%get3A_307] {strides = array<i32>} : memref<32768xf32, #tpu.memory_space<vmem>>, vector<16xf32>,
      %gt3A_309 = arith.cmpf ogt, %get3A_308, %select_n3A_301 : vector<16xf32>
      %select_n3A_310 = arith.select %gt3A_309, %get3A_308, %select_n3A_301 : vector<16xi1>, vector<16xf32>
      %jit3A_311 = arith.constant 30 : i32
      %broadcast_in_dim3A_312 = vector.broadcast %jit3A_311 : i32 to vector<16xi32>
      %select_n3A_313 = arith.select %gt3A_309, %broadcast_in_dim3A_312, %select_n3A_304 : vector<16xi1>, vector<16xi32>
      %add3A_314 = arith.constant 15872 : i32
      %add3A_315 = arith.addi %add3A_314, %mul3A_32 : i32
      %get3A_316 = arith.index_cast %add3A_315 : i32 to index
      %get3A_317 = tpu.vector_load %arg5[%get3A_316] {strides = array<i32>} : memref<32768xf32, #tpu.memory_space<vmem>>, vector<16xf32>,
      %gt3A_318 = arith.cmpf ogt, %get3A_317, %select_n3A_310 : vector<16xf32>
      %select_n3A_319 = arith.select %gt3A_318, %get3A_317, %select_n3A_310 : vector<16xi1>, vector<16xf32>
      %jit3A_320 = arith.constant 31 : i32
      %broadcast_in_dim3A_321 = vector.broadcast %jit3A_320 : i32 to vector<16xi32>
      %select_n3A_322 = arith.select %gt3A_318, %broadcast_in_dim3A_321, %select_n3A_313 : vector<16xi1>, vector<16xi32>
      %broadcast_in_dim3A_323 = arith.constant 0 : i32
      %broadcast_in_dim3A_324 = vector.broadcast %broadcast_in_dim3A_323 : i32 to vector<16xi32>
      %add3A_325 = arith.constant 16384 : i32
      %add3A_326 = arith.addi %add3A_325, %mul3A_32 : i32
      %get3A_327 = arith.index_cast %add3A_326 : i32 to index
      %get3A_328 = tpu.vector_load %arg5[%get3A_327] {strides = array<i32>} : memref<32768xf32, #tpu.memory_space<vmem>>, vector<16xf32>,
      %gt3A_329 = arith.cmpf ogt, %get3A_328, %broadcast_in_dim3A_1 : vector<16xf32>
      %select_n3A_330 = arith.select %gt3A_329, %get3A_328, %broadcast_in_dim3A_1 : vector<16xi1>, vector<16xf32>
      %jit3A_331 = arith.constant 32 : i32
      %broadcast_in_dim3A_332 = vector.broadcast %jit3A_331 : i32 to vector<16xi32>
      %select_n3A_333 = arith.select %gt3A_329, %broadcast_in_dim3A_332, %broadcast_in_dim3A_324 : vector<16xi1>, vector<16xi32>
      %add3A_334 = arith.constant 16896 : i32
      %add3A_335 = arith.addi %add3A_334, %mul3A_32 : i32
      %get3A_336 = arith.index_cast %add3A_335 : i32 to index
      %get3A_337 = tpu.vector_load %arg5[%get3A_336] {strides = array<i32>} : memref<32768xf32, #tpu.memory_space<vmem>>, vector<16xf32>,
      %gt3A_338 = arith.cmpf ogt, %get3A_337, %select_n3A_330 : vector<16xf32>
      %select_n3A_339 = arith.select %gt3A_338, %get3A_337, %select_n3A_330 : vector<16xi1>, vector<16xf32>
      %jit3A_340 = arith.constant 33 : i32
      %broadcast_in_dim3A_341 = vector.broadcast %jit3A_340 : i32 to vector<16xi32>
      %select_n3A_342 = arith.select %gt3A_338, %broadcast_in_dim3A_341, %select_n3A_333 : vector<16xi1>, vector<16xi32>
      %add3A_343 = arith.constant 17408 : i32
      %add3A_344 = arith.addi %add3A_343, %mul3A_32 : i32
      %get3A_345 = arith.index_cast %add3A_344 : i32 to index
      %get3A_346 = tpu.vector_load %arg5[%get3A_345] {strides = array<i32>} : memref<32768xf32, #tpu.memory_space<vmem>>, vector<16xf32>,
      %gt3A_347 = arith.cmpf ogt, %get3A_346, %select_n3A_339 : vector<16xf32>
      %select_n3A_348 = arith.select %gt3A_347, %get3A_346, %select_n3A_339 : vector<16xi1>, vector<16xf32>
      %jit3A_349 = arith.constant 34 : i32
      %broadcast_in_dim3A_350 = vector.broadcast %jit3A_349 : i32 to vector<16xi32>
      %select_n3A_351 = arith.select %gt3A_347, %broadcast_in_dim3A_350, %select_n3A_342 : vector<16xi1>, vector<16xi32>
      %add3A_352 = arith.constant 17920 : i32
      %add3A_353 = arith.addi %add3A_352, %mul3A_32 : i32
      %get3A_354 = arith.index_cast %add3A_353 : i32 to index
      %get3A_355 = tpu.vector_load %arg5[%get3A_354] {strides = array<i32>} : memref<32768xf32, #tpu.memory_space<vmem>>, vector<16xf32>,
      %gt3A_356 = arith.cmpf ogt, %get3A_355, %select_n3A_348 : vector<16xf32>
      %select_n3A_357 = arith.select %gt3A_356, %get3A_355, %select_n3A_348 : vector<16xi1>, vector<16xf32>
      %jit3A_358 = arith.constant 35 : i32
      %broadcast_in_dim3A_359 = vector.broadcast %jit3A_358 : i32 to vector<16xi32>
      %select_n3A_360 = arith.select %gt3A_356, %broadcast_in_dim3A_359, %select_n3A_351 : vector<16xi1>, vector<16xi32>
      %add3A_361 = arith.constant 18432 : i32
      %add3A_362 = arith.addi %add3A_361, %mul3A_32 : i32
      %get3A_363 = arith.index_cast %add3A_362 : i32 to index
      %get3A_364 = tpu.vector_load %arg5[%get3A_363] {strides = array<i32>} : memref<32768xf32, #tpu.memory_space<vmem>>, vector<16xf32>,
      %gt3A_365 = arith.cmpf ogt, %get3A_364, %select_n3A_357 : vector<16xf32>
      %select_n3A_366 = arith.select %gt3A_365, %get3A_364, %select_n3A_357 : vector<16xi1>, vector<16xf32>
      %jit3A_367 = arith.constant 36 : i32
      %broadcast_in_dim3A_368 = vector.broadcast %jit3A_367 : i32 to vector<16xi32>
      %select_n3A_369 = arith.select %gt3A_365, %broadcast_in_dim3A_368, %select_n3A_360 : vector<16xi1>, vector<16xi32>
      %add3A_370 = arith.constant 18944 : i32
      %add3A_371 = arith.addi %add3A_370, %mul3A_32 : i32
      %get3A_372 = arith.index_cast %add3A_371 : i32 to index
      %get3A_373 = tpu.vector_load %arg5[%get3A_372] {strides = array<i32>} : memref<32768xf32, #tpu.memory_space<vmem>>, vector<16xf32>,
      %gt3A_374 = arith.cmpf ogt, %get3A_373, %select_n3A_366 : vector<16xf32>
      %select_n3A_375 = arith.select %gt3A_374, %get3A_373, %select_n3A_366 : vector<16xi1>, vector<16xf32>
      %jit3A_376 = arith.constant 37 : i32
      %broadcast_in_dim3A_377 = vector.broadcast %jit3A_376 : i32 to vector<16xi32>
      %select_n3A_378 = arith.select %gt3A_374, %broadcast_in_dim3A_377, %select_n3A_369 : vector<16xi1>, vector<16xi32>
      %add3A_379 = arith.constant 19456 : i32
      %add3A_380 = arith.addi %add3A_379, %mul3A_32 : i32
      %get3A_381 = arith.index_cast %add3A_380 : i32 to index
      %get3A_382 = tpu.vector_load %arg5[%get3A_381] {strides = array<i32>} : memref<32768xf32, #tpu.memory_space<vmem>>, vector<16xf32>,
      %gt3A_383 = arith.cmpf ogt, %get3A_382, %select_n3A_375 : vector<16xf32>
      %select_n3A_384 = arith.select %gt3A_383, %get3A_382, %select_n3A_375 : vector<16xi1>, vector<16xf32>
      %jit3A_385 = arith.constant 38 : i32
      %broadcast_in_dim3A_386 = vector.broadcast %jit3A_385 : i32 to vector<16xi32>
      %select_n3A_387 = arith.select %gt3A_383, %broadcast_in_dim3A_386, %select_n3A_378 : vector<16xi1>, vector<16xi32>
      %add3A_388 = arith.constant 19968 : i32
      %add3A_389 = arith.addi %add3A_388, %mul3A_32 : i32
      %get3A_390 = arith.index_cast %add3A_389 : i32 to index
      %get3A_391 = tpu.vector_load %arg5[%get3A_390] {strides = array<i32>} : memref<32768xf32, #tpu.memory_space<vmem>>, vector<16xf32>,
      %gt3A_392 = arith.cmpf ogt, %get3A_391, %select_n3A_384 : vector<16xf32>
      %select_n3A_393 = arith.select %gt3A_392, %get3A_391, %select_n3A_384 : vector<16xi1>, vector<16xf32>
      %jit3A_394 = arith.constant 39 : i32
      %broadcast_in_dim3A_395 = vector.broadcast %jit3A_394 : i32 to vector<16xi32>
      %select_n3A_396 = arith.select %gt3A_392, %broadcast_in_dim3A_395, %select_n3A_387 : vector<16xi1>, vector<16xi32>
      %add3A_397 = arith.constant 20480 : i32
      %add3A_398 = arith.addi %add3A_397, %mul3A_32 : i32
      %get3A_399 = arith.index_cast %add3A_398 : i32 to index
      %get3A_400 = tpu.vector_load %arg5[%get3A_399] {strides = array<i32>} : memref<32768xf32, #tpu.memory_space<vmem>>, vector<16xf32>,
      %gt3A_401 = arith.cmpf ogt, %get3A_400, %select_n3A_393 : vector<16xf32>
      %select_n3A_402 = arith.select %gt3A_401, %get3A_400, %select_n3A_393 : vector<16xi1>, vector<16xf32>
      %jit3A_403 = arith.constant 40 : i32
      %broadcast_in_dim3A_404 = vector.broadcast %jit3A_403 : i32 to vector<16xi32>
      %select_n3A_405 = arith.select %gt3A_401, %broadcast_in_dim3A_404, %select_n3A_396 : vector<16xi1>, vector<16xi32>
      %add3A_406 = arith.constant 20992 : i32
      %add3A_407 = arith.addi %add3A_406, %mul3A_32 : i32
      %get3A_408 = arith.index_cast %add3A_407 : i32 to index
      %get3A_409 = tpu.vector_load %arg5[%get3A_408] {strides = array<i32>} : memref<32768xf32, #tpu.memory_space<vmem>>, vector<16xf32>,
      %gt3A_410 = arith.cmpf ogt, %get3A_409, %select_n3A_402 : vector<16xf32>
      %select_n3A_411 = arith.select %gt3A_410, %get3A_409, %select_n3A_402 : vector<16xi1>, vector<16xf32>
      %jit3A_412 = arith.constant 41 : i32
      %broadcast_in_dim3A_413 = vector.broadcast %jit3A_412 : i32 to vector<16xi32>
      %select_n3A_414 = arith.select %gt3A_410, %broadcast_in_dim3A_413, %select_n3A_405 : vector<16xi1>, vector<16xi32>
      %add3A_415 = arith.constant 21504 : i32
      %add3A_416 = arith.addi %add3A_415, %mul3A_32 : i32
      %get3A_417 = arith.index_cast %add3A_416 : i32 to index
      %get3A_418 = tpu.vector_load %arg5[%get3A_417] {strides = array<i32>} : memref<32768xf32, #tpu.memory_space<vmem>>, vector<16xf32>,
      %gt3A_419 = arith.cmpf ogt, %get3A_418, %select_n3A_411 : vector<16xf32>
      %select_n3A_420 = arith.select %gt3A_419, %get3A_418, %select_n3A_411 : vector<16xi1>, vector<16xf32>
      %jit3A_421 = arith.constant 42 : i32
      %broadcast_in_dim3A_422 = vector.broadcast %jit3A_421 : i32 to vector<16xi32>
      %select_n3A_423 = arith.select %gt3A_419, %broadcast_in_dim3A_422, %select_n3A_414 : vector<16xi1>, vector<16xi32>
      %add3A_424 = arith.constant 22016 : i32
      %add3A_425 = arith.addi %add3A_424, %mul3A_32 : i32
      %get3A_426 = arith.index_cast %add3A_425 : i32 to index
      %get3A_427 = tpu.vector_load %arg5[%get3A_426] {strides = array<i32>} : memref<32768xf32, #tpu.memory_space<vmem>>, vector<16xf32>,
      %gt3A_428 = arith.cmpf ogt, %get3A_427, %select_n3A_420 : vector<16xf32>
      %select_n3A_429 = arith.select %gt3A_428, %get3A_427, %select_n3A_420 : vector<16xi1>, vector<16xf32>
      %jit3A_430 = arith.constant 43 : i32
      %broadcast_in_dim3A_431 = vector.broadcast %jit3A_430 : i32 to vector<16xi32>
      %select_n3A_432 = arith.select %gt3A_428, %broadcast_in_dim3A_431, %select_n3A_423 : vector<16xi1>, vector<16xi32>
      %add3A_433 = arith.constant 22528 : i32
      %add3A_434 = arith.addi %add3A_433, %mul3A_32 : i32
      %get3A_435 = arith.index_cast %add3A_434 : i32 to index
      %get3A_436 = tpu.vector_load %arg5[%get3A_435] {strides = array<i32>} : memref<32768xf32, #tpu.memory_space<vmem>>, vector<16xf32>,
      %gt3A_437 = arith.cmpf ogt, %get3A_436, %select_n3A_429 : vector<16xf32>
      %select_n3A_438 = arith.select %gt3A_437, %get3A_436, %select_n3A_429 : vector<16xi1>, vector<16xf32>
      %jit3A_439 = arith.constant 44 : i32
      %broadcast_in_dim3A_440 = vector.broadcast %jit3A_439 : i32 to vector<16xi32>
      %select_n3A_441 = arith.select %gt3A_437, %broadcast_in_dim3A_440, %select_n3A_432 : vector<16xi1>, vector<16xi32>
      %add3A_442 = arith.constant 23040 : i32
      %add3A_443 = arith.addi %add3A_442, %mul3A_32 : i32
      %get3A_444 = arith.index_cast %add3A_443 : i32 to index
      %get3A_445 = tpu.vector_load %arg5[%get3A_444] {strides = array<i32>} : memref<32768xf32, #tpu.memory_space<vmem>>, vector<16xf32>,
      %gt3A_446 = arith.cmpf ogt, %get3A_445, %select_n3A_438 : vector<16xf32>
      %select_n3A_447 = arith.select %gt3A_446, %get3A_445, %select_n3A_438 : vector<16xi1>, vector<16xf32>
      %jit3A_448 = arith.constant 45 : i32
      %broadcast_in_dim3A_449 = vector.broadcast %jit3A_448 : i32 to vector<16xi32>
      %select_n3A_450 = arith.select %gt3A_446, %broadcast_in_dim3A_449, %select_n3A_441 : vector<16xi1>, vector<16xi32>
      %add3A_451 = arith.constant 23552 : i32
      %add3A_452 = arith.addi %add3A_451, %mul3A_32 : i32
      %get3A_453 = arith.index_cast %add3A_452 : i32 to index
      %get3A_454 = tpu.vector_load %arg5[%get3A_453] {strides = array<i32>} : memref<32768xf32, #tpu.memory_space<vmem>>, vector<16xf32>,
      %gt3A_455 = arith.cmpf ogt, %get3A_454, %select_n3A_447 : vector<16xf32>
      %select_n3A_456 = arith.select %gt3A_455, %get3A_454, %select_n3A_447 : vector<16xi1>, vector<16xf32>
      %jit3A_457 = arith.constant 46 : i32
      %broadcast_in_dim3A_458 = vector.broadcast %jit3A_457 : i32 to vector<16xi32>
      %select_n3A_459 = arith.select %gt3A_455, %broadcast_in_dim3A_458, %select_n3A_450 : vector<16xi1>, vector<16xi32>
      %add3A_460 = arith.constant 24064 : i32
      %add3A_461 = arith.addi %add3A_460, %mul3A_32 : i32
      %get3A_462 = arith.index_cast %add3A_461 : i32 to index
      %get3A_463 = tpu.vector_load %arg5[%get3A_462] {strides = array<i32>} : memref<32768xf32, #tpu.memory_space<vmem>>, vector<16xf32>,
      %gt3A_464 = arith.cmpf ogt, %get3A_463, %select_n3A_456 : vector<16xf32>
      %select_n3A_465 = arith.select %gt3A_464, %get3A_463, %select_n3A_456 : vector<16xi1>, vector<16xf32>
      %jit3A_466 = arith.constant 47 : i32
      %broadcast_in_dim3A_467 = vector.broadcast %jit3A_466 : i32 to vector<16xi32>
      %select_n3A_468 = arith.select %gt3A_464, %broadcast_in_dim3A_467, %select_n3A_459 : vector<16xi1>, vector<16xi32>
      %broadcast_in_dim3A_469 = arith.constant 0 : i32
      %broadcast_in_dim3A_470 = vector.broadcast %broadcast_in_dim3A_469 : i32 to vector<16xi32>
      %add3A_471 = arith.constant 24576 : i32
      %add3A_472 = arith.addi %add3A_471, %mul3A_32 : i32
      %get3A_473 = arith.index_cast %add3A_472 : i32 to index
      %get3A_474 = tpu.vector_load %arg5[%get3A_473] {strides = array<i32>} : memref<32768xf32, #tpu.memory_space<vmem>>, vector<16xf32>,
      %gt3A_475 = arith.cmpf ogt, %get3A_474, %broadcast_in_dim3A_1 : vector<16xf32>
      %select_n3A_476 = arith.select %gt3A_475, %get3A_474, %broadcast_in_dim3A_1 : vector<16xi1>, vector<16xf32>
      %jit3A_477 = arith.constant 48 : i32
      %broadcast_in_dim3A_478 = vector.broadcast %jit3A_477 : i32 to vector<16xi32>
      %select_n3A_479 = arith.select %gt3A_475, %broadcast_in_dim3A_478, %broadcast_in_dim3A_470 : vector<16xi1>, vector<16xi32>
      %add3A_480 = arith.constant 25088 : i32
      %add3A_481 = arith.addi %add3A_480, %mul3A_32 : i32
      %get3A_482 = arith.index_cast %add3A_481 : i32 to index
      %get3A_483 = tpu.vector_load %arg5[%get3A_482] {strides = array<i32>} : memref<32768xf32, #tpu.memory_space<vmem>>, vector<16xf32>,
      %gt3A_484 = arith.cmpf ogt, %get3A_483, %select_n3A_476 : vector<16xf32>
      %select_n3A_485 = arith.select %gt3A_484, %get3A_483, %select_n3A_476 : vector<16xi1>, vector<16xf32>
      %jit3A_486 = arith.constant 49 : i32
      %broadcast_in_dim3A_487 = vector.broadcast %jit3A_486 : i32 to vector<16xi32>
      %select_n3A_488 = arith.select %gt3A_484, %broadcast_in_dim3A_487, %select_n3A_479 : vector<16xi1>, vector<16xi32>
      %add3A_489 = arith.constant 25600 : i32
      %add3A_490 = arith.addi %add3A_489, %mul3A_32 : i32
      %get3A_491 = arith.index_cast %add3A_490 : i32 to index
      %get3A_492 = tpu.vector_load %arg5[%get3A_491] {strides = array<i32>} : memref<32768xf32, #tpu.memory_space<vmem>>, vector<16xf32>,
      %gt3A_493 = arith.cmpf ogt, %get3A_492, %select_n3A_485 : vector<16xf32>
      %select_n3A_494 = arith.select %gt3A_493, %get3A_492, %select_n3A_485 : vector<16xi1>, vector<16xf32>
      %jit3A_495 = arith.constant 50 : i32
      %broadcast_in_dim3A_496 = vector.broadcast %jit3A_495 : i32 to vector<16xi32>
      %select_n3A_497 = arith.select %gt3A_493, %broadcast_in_dim3A_496, %select_n3A_488 : vector<16xi1>, vector<16xi32>
      %add3A_498 = arith.constant 26112 : i32
      %add3A_499 = arith.addi %add3A_498, %mul3A_32 : i32
      %get3A_500 = arith.index_cast %add3A_499 : i32 to index
      %get3A_501 = tpu.vector_load %arg5[%get3A_500] {strides = array<i32>} : memref<32768xf32, #tpu.memory_space<vmem>>, vector<16xf32>,
      %gt3A_502 = arith.cmpf ogt, %get3A_501, %select_n3A_494 : vector<16xf32>
      %select_n3A_503 = arith.select %gt3A_502, %get3A_501, %select_n3A_494 : vector<16xi1>, vector<16xf32>
      %jit3A_504 = arith.constant 51 : i32
      %broadcast_in_dim3A_505 = vector.broadcast %jit3A_504 : i32 to vector<16xi32>
      %select_n3A_506 = arith.select %gt3A_502, %broadcast_in_dim3A_505, %select_n3A_497 : vector<16xi1>, vector<16xi32>
      %add3A_507 = arith.constant 26624 : i32
      %add3A_508 = arith.addi %add3A_507, %mul3A_32 : i32
      %get3A_509 = arith.index_cast %add3A_508 : i32 to index
      %get3A_510 = tpu.vector_load %arg5[%get3A_509] {strides = array<i32>} : memref<32768xf32, #tpu.memory_space<vmem>>, vector<16xf32>,
      %gt3A_511 = arith.cmpf ogt, %get3A_510, %select_n3A_503 : vector<16xf32>
      %select_n3A_512 = arith.select %gt3A_511, %get3A_510, %select_n3A_503 : vector<16xi1>, vector<16xf32>
      %jit3A_513 = arith.constant 52 : i32
      %broadcast_in_dim3A_514 = vector.broadcast %jit3A_513 : i32 to vector<16xi32>
      %select_n3A_515 = arith.select %gt3A_511, %broadcast_in_dim3A_514, %select_n3A_506 : vector<16xi1>, vector<16xi32>
      %add3A_516 = arith.constant 27136 : i32
      %add3A_517 = arith.addi %add3A_516, %mul3A_32 : i32
      %get3A_518 = arith.index_cast %add3A_517 : i32 to index
      %get3A_519 = tpu.vector_load %arg5[%get3A_518] {strides = array<i32>} : memref<32768xf32, #tpu.memory_space<vmem>>, vector<16xf32>,
      %gt3A_520 = arith.cmpf ogt, %get3A_519, %select_n3A_512 : vector<16xf32>
      %select_n3A_521 = arith.select %gt3A_520, %get3A_519, %select_n3A_512 : vector<16xi1>, vector<16xf32>
      %jit3A_522 = arith.constant 53 : i32
      %broadcast_in_dim3A_523 = vector.broadcast %jit3A_522 : i32 to vector<16xi32>
      %select_n3A_524 = arith.select %gt3A_520, %broadcast_in_dim3A_523, %select_n3A_515 : vector<16xi1>, vector<16xi32>
      %add3A_525 = arith.constant 27648 : i32
      %add3A_526 = arith.addi %add3A_525, %mul3A_32 : i32
      %get3A_527 = arith.index_cast %add3A_526 : i32 to index
      %get3A_528 = tpu.vector_load %arg5[%get3A_527] {strides = array<i32>} : memref<32768xf32, #tpu.memory_space<vmem>>, vector<16xf32>,
      %gt3A_529 = arith.cmpf ogt, %get3A_528, %select_n3A_521 : vector<16xf32>
      %select_n3A_530 = arith.select %gt3A_529, %get3A_528, %select_n3A_521 : vector<16xi1>, vector<16xf32>
      %jit3A_531 = arith.constant 54 : i32
      %broadcast_in_dim3A_532 = vector.broadcast %jit3A_531 : i32 to vector<16xi32>
      %select_n3A_533 = arith.select %gt3A_529, %broadcast_in_dim3A_532, %select_n3A_524 : vector<16xi1>, vector<16xi32>
      %add3A_534 = arith.constant 28160 : i32
      %add3A_535 = arith.addi %add3A_534, %mul3A_32 : i32
      %get3A_536 = arith.index_cast %add3A_535 : i32 to index
      %get3A_537 = tpu.vector_load %arg5[%get3A_536] {strides = array<i32>} : memref<32768xf32, #tpu.memory_space<vmem>>, vector<16xf32>,
      %gt3A_538 = arith.cmpf ogt, %get3A_537, %select_n3A_530 : vector<16xf32>
      %select_n3A_539 = arith.select %gt3A_538, %get3A_537, %select_n3A_530 : vector<16xi1>, vector<16xf32>
      %jit3A_540 = arith.constant 55 : i32
      %broadcast_in_dim3A_541 = vector.broadcast %jit3A_540 : i32 to vector<16xi32>
      %select_n3A_542 = arith.select %gt3A_538, %broadcast_in_dim3A_541, %select_n3A_533 : vector<16xi1>, vector<16xi32>
      %add3A_543 = arith.constant 28672 : i32
      %add3A_544 = arith.addi %add3A_543, %mul3A_32 : i32
      %get3A_545 = arith.index_cast %add3A_544 : i32 to index
      %get3A_546 = tpu.vector_load %arg5[%get3A_545] {strides = array<i32>} : memref<32768xf32, #tpu.memory_space<vmem>>, vector<16xf32>,
      %gt3A_547 = arith.cmpf ogt, %get3A_546, %select_n3A_539 : vector<16xf32>
      %select_n3A_548 = arith.select %gt3A_547, %get3A_546, %select_n3A_539 : vector<16xi1>, vector<16xf32>
      %jit3A_549 = arith.constant 56 : i32
      %broadcast_in_dim3A_550 = vector.broadcast %jit3A_549 : i32 to vector<16xi32>
      %select_n3A_551 = arith.select %gt3A_547, %broadcast_in_dim3A_550, %select_n3A_542 : vector<16xi1>, vector<16xi32>
      %add3A_552 = arith.constant 29184 : i32
      %add3A_553 = arith.addi %add3A_552, %mul3A_32 : i32
      %get3A_554 = arith.index_cast %add3A_553 : i32 to index
      %get3A_555 = tpu.vector_load %arg5[%get3A_554] {strides = array<i32>} : memref<32768xf32, #tpu.memory_space<vmem>>, vector<16xf32>,
      %gt3A_556 = arith.cmpf ogt, %get3A_555, %select_n3A_548 : vector<16xf32>
      %select_n3A_557 = arith.select %gt3A_556, %get3A_555, %select_n3A_548 : vector<16xi1>, vector<16xf32>
      %jit3A_558 = arith.constant 57 : i32
      %broadcast_in_dim3A_559 = vector.broadcast %jit3A_558 : i32 to vector<16xi32>
      %select_n3A_560 = arith.select %gt3A_556, %broadcast_in_dim3A_559, %select_n3A_551 : vector<16xi1>, vector<16xi32>
      %add3A_561 = arith.constant 29696 : i32
      %add3A_562 = arith.addi %add3A_561, %mul3A_32 : i32
      %get3A_563 = arith.index_cast %add3A_562 : i32 to index
      %get3A_564 = tpu.vector_load %arg5[%get3A_563] {strides = array<i32>} : memref<32768xf32, #tpu.memory_space<vmem>>, vector<16xf32>,
      %gt3A_565 = arith.cmpf ogt, %get3A_564, %select_n3A_557 : vector<16xf32>
      %select_n3A_566 = arith.select %gt3A_565, %get3A_564, %select_n3A_557 : vector<16xi1>, vector<16xf32>
      %jit3A_567 = arith.constant 58 : i32
      %broadcast_in_dim3A_568 = vector.broadcast %jit3A_567 : i32 to vector<16xi32>
      %select_n3A_569 = arith.select %gt3A_565, %broadcast_in_dim3A_568, %select_n3A_560 : vector<16xi1>, vector<16xi32>
      %add3A_570 = arith.constant 30208 : i32
      %add3A_571 = arith.addi %add3A_570, %mul3A_32 : i32
      %get3A_572 = arith.index_cast %add3A_571 : i32 to index
      %get3A_573 = tpu.vector_load %arg5[%get3A_572] {strides = array<i32>} : memref<32768xf32, #tpu.memory_space<vmem>>, vector<16xf32>,
      %gt3A_574 = arith.cmpf ogt, %get3A_573, %select_n3A_566 : vector<16xf32>
      %select_n3A_575 = arith.select %gt3A_574, %get3A_573, %select_n3A_566 : vector<16xi1>, vector<16xf32>
      %jit3A_576 = arith.constant 59 : i32
      %broadcast_in_dim3A_577 = vector.broadcast %jit3A_576 : i32 to vector<16xi32>
      %select_n3A_578 = arith.select %gt3A_574, %broadcast_in_dim3A_577, %select_n3A_569 : vector<16xi1>, vector<16xi32>
      %add3A_579 = arith.constant 30720 : i32
      %add3A_580 = arith.addi %add3A_579, %mul3A_32 : i32
      %get3A_581 = arith.index_cast %add3A_580 : i32 to index
      %get3A_582 = tpu.vector_load %arg5[%get3A_581] {strides = array<i32>} : memref<32768xf32, #tpu.memory_space<vmem>>, vector<16xf32>,
      %gt3A_583 = arith.cmpf ogt, %get3A_582, %select_n3A_575 : vector<16xf32>
      %select_n3A_584 = arith.select %gt3A_583, %get3A_582, %select_n3A_575 : vector<16xi1>, vector<16xf32>
      %jit3A_585 = arith.constant 60 : i32
      %broadcast_in_dim3A_586 = vector.broadcast %jit3A_585 : i32 to vector<16xi32>
      %select_n3A_587 = arith.select %gt3A_583, %broadcast_in_dim3A_586, %select_n3A_578 : vector<16xi1>, vector<16xi32>
      %add3A_588 = arith.constant 31232 : i32
      %add3A_589 = arith.addi %add3A_588, %mul3A_32 : i32
      %get3A_590 = arith.index_cast %add3A_589 : i32 to index
      %get3A_591 = tpu.vector_load %arg5[%get3A_590] {strides = array<i32>} : memref<32768xf32, #tpu.memory_space<vmem>>, vector<16xf32>,
      %gt3A_592 = arith.cmpf ogt, %get3A_591, %select_n3A_584 : vector<16xf32>
      %select_n3A_593 = arith.select %gt3A_592, %get3A_591, %select_n3A_584 : vector<16xi1>, vector<16xf32>
      %jit3A_594 = arith.constant 61 : i32
      %broadcast_in_dim3A_595 = vector.broadcast %jit3A_594 : i32 to vector<16xi32>
      %select_n3A_596 = arith.select %gt3A_592, %broadcast_in_dim3A_595, %select_n3A_587 : vector<16xi1>, vector<16xi32>
      %add3A_597 = arith.constant 31744 : i32
      %add3A_598 = arith.addi %add3A_597, %mul3A_32 : i32
      %get3A_599 = arith.index_cast %add3A_598 : i32 to index
      %get3A_600 = tpu.vector_load %arg5[%get3A_599] {strides = array<i32>} : memref<32768xf32, #tpu.memory_space<vmem>>, vector<16xf32>,
      %gt3A_601 = arith.cmpf ogt, %get3A_600, %select_n3A_593 : vector<16xf32>
      %select_n3A_602 = arith.select %gt3A_601, %get3A_600, %select_n3A_593 : vector<16xi1>, vector<16xf32>
      %jit3A_603 = arith.constant 62 : i32
      %broadcast_in_dim3A_604 = vector.broadcast %jit3A_603 : i32 to vector<16xi32>
      %select_n3A_605 = arith.select %gt3A_601, %broadcast_in_dim3A_604, %select_n3A_596 : vector<16xi1>, vector<16xi32>
      %add3A_606 = arith.constant 32256 : i32
      %add3A_607 = arith.addi %add3A_606, %mul3A_32 : i32
      %get3A_608 = arith.index_cast %add3A_607 : i32 to index
      %get3A_609 = tpu.vector_load %arg5[%get3A_608] {strides = array<i32>} : memref<32768xf32, #tpu.memory_space<vmem>>, vector<16xf32>,
      %gt3A_610 = arith.cmpf ogt, %get3A_609, %select_n3A_602 : vector<16xf32>
      %select_n3A_611 = arith.select %gt3A_610, %get3A_609, %select_n3A_602 : vector<16xi1>, vector<16xf32>
      %jit3A_612 = arith.constant 63 : i32
      %broadcast_in_dim3A_613 = vector.broadcast %jit3A_612 : i32 to vector<16xi32>
      %select_n3A_614 = arith.select %gt3A_610, %broadcast_in_dim3A_613, %select_n3A_605 : vector<16xi1>, vector<16xi32>
      %gt3A_615 = arith.cmpf ogt, %select_n3A_319, %select_n3A_173 : vector<16xf32>
      %select_n3A_616 = arith.select %gt3A_615, %select_n3A_319, %select_n3A_173 : vector<16xi1>, vector<16xf32>
      %select_n3A_617 = arith.select %gt3A_615, %select_n3A_322, %select_n3A_176 : vector<16xi1>, vector<16xi32>
      %gt3A_618 = arith.cmpf ogt, %select_n3A_611, %select_n3A_465 : vector<16xf32>
      %select_n3A_619 = arith.select %gt3A_618, %select_n3A_611, %select_n3A_465 : vector<16xi1>, vector<16xf32>
      %select_n3A_620 = arith.select %gt3A_618, %select_n3A_614, %select_n3A_468 : vector<16xi1>, vector<16xi32>
      %gt3A_621 = arith.cmpf ogt, %select_n3A_619, %select_n3A_616 : vector<16xf32>
      %select_n3A_622 = arith.select %gt3A_621, %select_n3A_619, %select_n3A_616 : vector<16xi1>, vector<16xf32>
      %select_n3A_623 = arith.select %gt3A_621, %select_n3A_620, %select_n3A_617 : vector<16xi1>, vector<16xi32>
      %mul3A_624 = arith.constant 512 : i32
      %mul3A_625 = vector.broadcast %mul3A_624 : i32 to vector<16xi32>
      %mul3A_626 = arith.muli %select_n3A_623, %mul3A_625 : vector<16xi32>
      %add3A_627 = arith.addi %mul3A_626, %add3A_34 : vector<16xi32>
      tpu.vector_store_idx %arg5[%add3A_627], %broadcast_in_dim3A_1 : memref<32768xf32, #tpu.memory_space<vmem>>[vector<16xi32>], vector<16xf32>,
      %shift_right_logical3A = arith.constant 4 : i32
      %shift_right_logical3A_628 = vector.broadcast %shift_right_logical3A : i32 to vector<16xi32>
      %shift_right_logical3A_629 = arith.shrui %select_n3A_623, %shift_right_logical3A_628 : vector<16xi32>
      %mul3A_630 = arith.constant 16 : i32
      %mul3A_631 = vector.broadcast %mul3A_630 : i32 to vector<16xi32>
      %mul3A_632 = arith.muli %shift_right_logical3A_629, %mul3A_631 : vector<16xi32>
      %mul3A_633 = arith.constant 512 : i32
      %mul3A_634 = vector.broadcast %mul3A_633 : i32 to vector<16xi32>
      %mul3A_635 = arith.muli %mul3A_632, %mul3A_634 : vector<16xi32>
      %add3A_636 = arith.addi %mul3A_635, %add3A_34 : vector<16xi32>
      %broadcast_in_dim3A_637 = arith.constant 0 : i32
      %broadcast_in_dim3A_638 = vector.broadcast %broadcast_in_dim3A_637 : i32 to vector<16xi32>
      %add3A_639 = arith.constant 0 : i32
      %add3A_640 = vector.broadcast %add3A_639 : i32 to vector<16xi32>
      %add3A_641 = arith.addi %add3A_636, %add3A_640 : vector<16xi32>
      %gather3A = tpu.vector_load_idx %arg5[%add3A_641] : memref<32768xf32, #tpu.memory_space<vmem>>[vector<16xi32>], vector<16xf32>,
      %gt3A_642 = arith.cmpf ogt, %gather3A, %broadcast_in_dim3A_1 : vector<16xf32>
      %select_n3A_643 = arith.select %gt3A_642, %gather3A, %broadcast_in_dim3A_1 : vector<16xi1>, vector<16xf32>
      %add3A_644 = arith.constant 0 : i32
      %add3A_645 = vector.broadcast %add3A_644 : i32 to vector<16xi32>
      %add3A_646 = arith.addi %mul3A_632, %add3A_645 : vector<16xi32>
      %select_n3A_647 = arith.select %gt3A_642, %add3A_646, %broadcast_in_dim3A_638 : vector<16xi1>, vector<16xi32>
      %add3A_648 = arith.constant 512 : i32
      %add3A_649 = vector.broadcast %add3A_648 : i32 to vector<16xi32>
      %add3A_650 = arith.addi %add3A_636, %add3A_649 : vector<16xi32>
      %gather3A_651 = tpu.vector_load_idx %arg5[%add3A_650] : memref<32768xf32, #tpu.memory_space<vmem>>[vector<16xi32>], vector<16xf32>,
      %gt3A_652 = arith.cmpf ogt, %gather3A_651, %select_n3A_643 : vector<16xf32>
      %select_n3A_653 = arith.select %gt3A_652, %gather3A_651, %select_n3A_643 : vector<16xi1>, vector<16xf32>
      %add3A_654 = arith.constant 1 : i32
      %add3A_655 = vector.broadcast %add3A_654 : i32 to vector<16xi32>
      %add3A_656 = arith.addi %mul3A_632, %add3A_655 : vector<16xi32>
      %select_n3A_657 = arith.select %gt3A_652, %add3A_656, %select_n3A_647 : vector<16xi1>, vector<16xi32>
      %add3A_658 = arith.constant 1024 : i32
      %add3A_659 = vector.broadcast %add3A_658 : i32 to vector<16xi32>
      %add3A_660 = arith.addi %add3A_636, %add3A_659 : vector<16xi32>
      %gather3A_661 = tpu.vector_load_idx %arg5[%add3A_660] : memref<32768xf32, #tpu.memory_space<vmem>>[vector<16xi32>], vector<16xf32>,
      %gt3A_662 = arith.cmpf ogt, %gather3A_661, %select_n3A_653 : vector<16xf32>
      %select_n3A_663 = arith.select %gt3A_662, %gather3A_661, %select_n3A_653 : vector<16xi1>, vector<16xf32>
      %add3A_664 = arith.constant 2 : i32
      %add3A_665 = vector.broadcast %add3A_664 : i32 to vector<16xi32>
      %add3A_666 = arith.addi %mul3A_632, %add3A_665 : vector<16xi32>
      %select_n3A_667 = arith.select %gt3A_662, %add3A_666, %select_n3A_657 : vector<16xi1>, vector<16xi32>
      %add3A_668 = arith.constant 1536 : i32
      %add3A_669 = vector.broadcast %add3A_668 : i32 to vector<16xi32>
      %add3A_670 = arith.addi %add3A_636, %add3A_669 : vector<16xi32>
      %gather3A_671 = tpu.vector_load_idx %arg5[%add3A_670] : memref<32768xf32, #tpu.memory_space<vmem>>[vector<16xi32>], vector<16xf32>,
      %gt3A_672 = arith.cmpf ogt, %gather3A_671, %select_n3A_663 : vector<16xf32>
      %select_n3A_673 = arith.select %gt3A_672, %gather3A_671, %select_n3A_663 : vector<16xi1>, vector<16xf32>
      %add3A_674 = arith.constant 3 : i32
      %add3A_675 = vector.broadcast %add3A_674 : i32 to vector<16xi32>
      %add3A_676 = arith.addi %mul3A_632, %add3A_675 : vector<16xi32>
      %select_n3A_677 = arith.select %gt3A_672, %add3A_676, %select_n3A_667 : vector<16xi1>, vector<16xi32>
      %add3A_678 = arith.constant 2048 : i32
      %add3A_679 = vector.broadcast %add3A_678 : i32 to vector<16xi32>
      %add3A_680 = arith.addi %add3A_636, %add3A_679 : vector<16xi32>
      %gather3A_681 = tpu.vector_load_idx %arg5[%add3A_680] : memref<32768xf32, #tpu.memory_space<vmem>>[vector<16xi32>], vector<16xf32>,
      %gt3A_682 = arith.cmpf ogt, %gather3A_681, %select_n3A_673 : vector<16xf32>
      %select_n3A_683 = arith.select %gt3A_682, %gather3A_681, %select_n3A_673 : vector<16xi1>, vector<16xf32>
      %add3A_684 = arith.constant 4 : i32
      %add3A_685 = vector.broadcast %add3A_684 : i32 to vector<16xi32>
      %add3A_686 = arith.addi %mul3A_632, %add3A_685 : vector<16xi32>
      %select_n3A_687 = arith.select %gt3A_682, %add3A_686, %select_n3A_677 : vector<16xi1>, vector<16xi32>
      %add3A_688 = arith.constant 2560 : i32
      %add3A_689 = vector.broadcast %add3A_688 : i32 to vector<16xi32>
      %add3A_690 = arith.addi %add3A_636, %add3A_689 : vector<16xi32>
      %gather3A_691 = tpu.vector_load_idx %arg5[%add3A_690] : memref<32768xf32, #tpu.memory_space<vmem>>[vector<16xi32>], vector<16xf32>,
      %gt3A_692 = arith.cmpf ogt, %gather3A_691, %select_n3A_683 : vector<16xf32>
      %select_n3A_693 = arith.select %gt3A_692, %gather3A_691, %select_n3A_683 : vector<16xi1>, vector<16xf32>
      %add3A_694 = arith.constant 5 : i32
      %add3A_695 = vector.broadcast %add3A_694 : i32 to vector<16xi32>
      %add3A_696 = arith.addi %mul3A_632, %add3A_695 : vector<16xi32>
      %select_n3A_697 = arith.select %gt3A_692, %add3A_696, %select_n3A_687 : vector<16xi1>, vector<16xi32>
      %add3A_698 = arith.constant 3072 : i32
      %add3A_699 = vector.broadcast %add3A_698 : i32 to vector<16xi32>
      %add3A_700 = arith.addi %add3A_636, %add3A_699 : vector<16xi32>
      %gather3A_701 = tpu.vector_load_idx %arg5[%add3A_700] : memref<32768xf32, #tpu.memory_space<vmem>>[vector<16xi32>], vector<16xf32>,
      %gt3A_702 = arith.cmpf ogt, %gather3A_701, %select_n3A_693 : vector<16xf32>
      %select_n3A_703 = arith.select %gt3A_702, %gather3A_701, %select_n3A_693 : vector<16xi1>, vector<16xf32>
      %add3A_704 = arith.constant 6 : i32
      %add3A_705 = vector.broadcast %add3A_704 : i32 to vector<16xi32>
      %add3A_706 = arith.addi %mul3A_632, %add3A_705 : vector<16xi32>
      %select_n3A_707 = arith.select %gt3A_702, %add3A_706, %select_n3A_697 : vector<16xi1>, vector<16xi32>
      %add3A_708 = arith.constant 3584 : i32
      %add3A_709 = vector.broadcast %add3A_708 : i32 to vector<16xi32>
      %add3A_710 = arith.addi %add3A_636, %add3A_709 : vector<16xi32>
      %gather3A_711 = tpu.vector_load_idx %arg5[%add3A_710] : memref<32768xf32, #tpu.memory_space<vmem>>[vector<16xi32>], vector<16xf32>,
      %gt3A_712 = arith.cmpf ogt, %gather3A_711, %select_n3A_703 : vector<16xf32>
      %select_n3A_713 = arith.select %gt3A_712, %gather3A_711, %select_n3A_703 : vector<16xi1>, vector<16xf32>
      %add3A_714 = arith.constant 7 : i32
      %add3A_715 = vector.broadcast %add3A_714 : i32 to vector<16xi32>
      %add3A_716 = arith.addi %mul3A_632, %add3A_715 : vector<16xi32>
      %select_n3A_717 = arith.select %gt3A_712, %add3A_716, %select_n3A_707 : vector<16xi1>, vector<16xi32>
      %add3A_718 = arith.constant 4096 : i32
      %add3A_719 = vector.broadcast %add3A_718 : i32 to vector<16xi32>
      %add3A_720 = arith.addi %add3A_636, %add3A_719 : vector<16xi32>
      %gather3A_721 = tpu.vector_load_idx %arg5[%add3A_720] : memref<32768xf32, #tpu.memory_space<vmem>>[vector<16xi32>], vector<16xf32>,
      %gt3A_722 = arith.cmpf ogt, %gather3A_721, %select_n3A_713 : vector<16xf32>
      %select_n3A_723 = arith.select %gt3A_722, %gather3A_721, %select_n3A_713 : vector<16xi1>, vector<16xf32>
      %add3A_724 = arith.constant 8 : i32
      %add3A_725 = vector.broadcast %add3A_724 : i32 to vector<16xi32>
      %add3A_726 = arith.addi %mul3A_632, %add3A_725 : vector<16xi32>
      %select_n3A_727 = arith.select %gt3A_722, %add3A_726, %select_n3A_717 : vector<16xi1>, vector<16xi32>
      %add3A_728 = arith.constant 4608 : i32
      %add3A_729 = vector.broadcast %add3A_728 : i32 to vector<16xi32>
      %add3A_730 = arith.addi %add3A_636, %add3A_729 : vector<16xi32>
      %gather3A_731 = tpu.vector_load_idx %arg5[%add3A_730] : memref<32768xf32, #tpu.memory_space<vmem>>[vector<16xi32>], vector<16xf32>,
      %gt3A_732 = arith.cmpf ogt, %gather3A_731, %select_n3A_723 : vector<16xf32>
      %select_n3A_733 = arith.select %gt3A_732, %gather3A_731, %select_n3A_723 : vector<16xi1>, vector<16xf32>
      %add3A_734 = arith.constant 9 : i32
      %add3A_735 = vector.broadcast %add3A_734 : i32 to vector<16xi32>
      %add3A_736 = arith.addi %mul3A_632, %add3A_735 : vector<16xi32>
      %select_n3A_737 = arith.select %gt3A_732, %add3A_736, %select_n3A_727 : vector<16xi1>, vector<16xi32>
      %add3A_738 = arith.constant 5120 : i32
      %add3A_739 = vector.broadcast %add3A_738 : i32 to vector<16xi32>
      %add3A_740 = arith.addi %add3A_636, %add3A_739 : vector<16xi32>
      %gather3A_741 = tpu.vector_load_idx %arg5[%add3A_740] : memref<32768xf32, #tpu.memory_space<vmem>>[vector<16xi32>], vector<16xf32>,
      %gt3A_742 = arith.cmpf ogt, %gather3A_741, %select_n3A_733 : vector<16xf32>
      %select_n3A_743 = arith.select %gt3A_742, %gather3A_741, %select_n3A_733 : vector<16xi1>, vector<16xf32>
      %add3A_744 = arith.constant 10 : i32
      %add3A_745 = vector.broadcast %add3A_744 : i32 to vector<16xi32>
      %add3A_746 = arith.addi %mul3A_632, %add3A_745 : vector<16xi32>
      %select_n3A_747 = arith.select %gt3A_742, %add3A_746, %select_n3A_737 : vector<16xi1>, vector<16xi32>
      %add3A_748 = arith.constant 5632 : i32
      %add3A_749 = vector.broadcast %add3A_748 : i32 to vector<16xi32>
      %add3A_750 = arith.addi %add3A_636, %add3A_749 : vector<16xi32>
      %gather3A_751 = tpu.vector_load_idx %arg5[%add3A_750] : memref<32768xf32, #tpu.memory_space<vmem>>[vector<16xi32>], vector<16xf32>,
      %gt3A_752 = arith.cmpf ogt, %gather3A_751, %select_n3A_743 : vector<16xf32>
      %select_n3A_753 = arith.select %gt3A_752, %gather3A_751, %select_n3A_743 : vector<16xi1>, vector<16xf32>
      %add3A_754 = arith.constant 11 : i32
      %add3A_755 = vector.broadcast %add3A_754 : i32 to vector<16xi32>
      %add3A_756 = arith.addi %mul3A_632, %add3A_755 : vector<16xi32>
      %select_n3A_757 = arith.select %gt3A_752, %add3A_756, %select_n3A_747 : vector<16xi1>, vector<16xi32>
      %add3A_758 = arith.constant 6144 : i32
      %add3A_759 = vector.broadcast %add3A_758 : i32 to vector<16xi32>
      %add3A_760 = arith.addi %add3A_636, %add3A_759 : vector<16xi32>
      %gather3A_761 = tpu.vector_load_idx %arg5[%add3A_760] : memref<32768xf32, #tpu.memory_space<vmem>>[vector<16xi32>], vector<16xf32>,
      %gt3A_762 = arith.cmpf ogt, %gather3A_761, %select_n3A_753 : vector<16xf32>
      %select_n3A_763 = arith.select %gt3A_762, %gather3A_761, %select_n3A_753 : vector<16xi1>, vector<16xf32>
      %add3A_764 = arith.constant 12 : i32
      %add3A_765 = vector.broadcast %add3A_764 : i32 to vector<16xi32>
      %add3A_766 = arith.addi %mul3A_632, %add3A_765 : vector<16xi32>
      %select_n3A_767 = arith.select %gt3A_762, %add3A_766, %select_n3A_757 : vector<16xi1>, vector<16xi32>
      %add3A_768 = arith.constant 6656 : i32
      %add3A_769 = vector.broadcast %add3A_768 : i32 to vector<16xi32>
      %add3A_770 = arith.addi %add3A_636, %add3A_769 : vector<16xi32>
      %gather3A_771 = tpu.vector_load_idx %arg5[%add3A_770] : memref<32768xf32, #tpu.memory_space<vmem>>[vector<16xi32>], vector<16xf32>,
      %gt3A_772 = arith.cmpf ogt, %gather3A_771, %select_n3A_763 : vector<16xf32>
      %select_n3A_773 = arith.select %gt3A_772, %gather3A_771, %select_n3A_763 : vector<16xi1>, vector<16xf32>
      %add3A_774 = arith.constant 13 : i32
      %add3A_775 = vector.broadcast %add3A_774 : i32 to vector<16xi32>
      %add3A_776 = arith.addi %mul3A_632, %add3A_775 : vector<16xi32>
      %select_n3A_777 = arith.select %gt3A_772, %add3A_776, %select_n3A_767 : vector<16xi1>, vector<16xi32>
      %add3A_778 = arith.constant 7168 : i32
      %add3A_779 = vector.broadcast %add3A_778 : i32 to vector<16xi32>
      %add3A_780 = arith.addi %add3A_636, %add3A_779 : vector<16xi32>
      %gather3A_781 = tpu.vector_load_idx %arg5[%add3A_780] : memref<32768xf32, #tpu.memory_space<vmem>>[vector<16xi32>], vector<16xf32>,
      %gt3A_782 = arith.cmpf ogt, %gather3A_781, %select_n3A_773 : vector<16xf32>
      %select_n3A_783 = arith.select %gt3A_782, %gather3A_781, %select_n3A_773 : vector<16xi1>, vector<16xf32>
      %add3A_784 = arith.constant 14 : i32
      %add3A_785 = vector.broadcast %add3A_784 : i32 to vector<16xi32>
      %add3A_786 = arith.addi %mul3A_632, %add3A_785 : vector<16xi32>
      %select_n3A_787 = arith.select %gt3A_782, %add3A_786, %select_n3A_777 : vector<16xi1>, vector<16xi32>
      %add3A_788 = arith.constant 7680 : i32
      %add3A_789 = vector.broadcast %add3A_788 : i32 to vector<16xi32>
      %add3A_790 = arith.addi %add3A_636, %add3A_789 : vector<16xi32>
      %gather3A_791 = tpu.vector_load_idx %arg5[%add3A_790] : memref<32768xf32, #tpu.memory_space<vmem>>[vector<16xi32>], vector<16xf32>,
      %gt3A_792 = arith.cmpf ogt, %gather3A_791, %select_n3A_783 : vector<16xf32>
      %select_n3A_793 = arith.select %gt3A_792, %gather3A_791, %select_n3A_783 : vector<16xi1>, vector<16xf32>
      %add3A_794 = arith.constant 15 : i32
      %add3A_795 = vector.broadcast %add3A_794 : i32 to vector<16xi32>
      %add3A_796 = arith.addi %mul3A_632, %add3A_795 : vector<16xi32>
      %select_n3A_797 = arith.select %gt3A_792, %add3A_796, %select_n3A_787 : vector<16xi1>, vector<16xi32>
      %eq3A = arith.constant 0 : i32
      %eq3A_798 = vector.broadcast %eq3A : i32 to vector<16xi32>
      %eq3A_799 = arith.cmpi eq, %shift_right_logical3A_629, %eq3A_798 : vector<16xi32>
      %select_n3A_800 = arith.select %eq3A_799, %select_n3A_793, %select_n3A_173 : vector<16xi1>, vector<16xf32>
      %select_n3A_801 = arith.select %eq3A_799, %select_n3A_797, %select_n3A_176 : vector<16xi1>, vector<16xi32>
      %eq3A_802 = arith.constant 1 : i32
      %eq3A_803 = vector.broadcast %eq3A_802 : i32 to vector<16xi32>
      %eq3A_804 = arith.cmpi eq, %shift_right_logical3A_629, %eq3A_803 : vector<16xi32>
      %select_n3A_805 = arith.select %eq3A_804, %select_n3A_793, %select_n3A_319 : vector<16xi1>, vector<16xf32>
      %select_n3A_806 = arith.select %eq3A_804, %select_n3A_797, %select_n3A_322 : vector<16xi1>, vector<16xi32>
      %eq3A_807 = arith.constant 2 : i32
      %eq3A_808 = vector.broadcast %eq3A_807 : i32 to vector<16xi32>
      %eq3A_809 = arith.cmpi eq, %shift_right_logical3A_629, %eq3A_808 : vector<16xi32>
      %select_n3A_810 = arith.select %eq3A_809, %select_n3A_793, %select_n3A_465 : vector<16xi1>, vector<16xf32>
      %select_n3A_811 = arith.select %eq3A_809, %select_n3A_797, %select_n3A_468 : vector<16xi1>, vector<16xi32>
      %eq3A_812 = arith.constant 3 : i32
      %eq3A_813 = vector.broadcast %eq3A_812 : i32 to vector<16xi32>
      %eq3A_814 = arith.cmpi eq, %shift_right_logical3A_629, %eq3A_813 : vector<16xi32>
      %select_n3A_815 = arith.select %eq3A_814, %select_n3A_793, %select_n3A_611 : vector<16xi1>, vector<16xf32>
      %select_n3A_816 = arith.select %eq3A_814, %select_n3A_797, %select_n3A_614 : vector<16xi1>, vector<16xi32>
      %gt3A_817 = arith.cmpf ogt, %select_n3A_805, %select_n3A_800 : vector<16xf32>
      %select_n3A_818 = arith.select %gt3A_817, %select_n3A_805, %select_n3A_800 : vector<16xi1>, vector<16xf32>
      %select_n3A_819 = arith.select %gt3A_817, %select_n3A_806, %select_n3A_801 : vector<16xi1>, vector<16xi32>
      %gt3A_820 = arith.cmpf ogt, %select_n3A_815, %select_n3A_810 : vector<16xf32>
      %select_n3A_821 = arith.select %gt3A_820, %select_n3A_815, %select_n3A_810 : vector<16xi1>, vector<16xf32>
      %select_n3A_822 = arith.select %gt3A_820, %select_n3A_816, %select_n3A_811 : vector<16xi1>, vector<16xi32>
      %gt3A_823 = arith.cmpf ogt, %select_n3A_821, %select_n3A_818 : vector<16xf32>
      %select_n3A_824 = arith.select %gt3A_823, %select_n3A_821, %select_n3A_818 : vector<16xi1>, vector<16xf32>
      %select_n3A_825 = arith.select %gt3A_823, %select_n3A_822, %select_n3A_819 : vector<16xi1>, vector<16xi32>
      %mul3A_826 = arith.constant 512 : i32
      %mul3A_827 = vector.broadcast %mul3A_826 : i32 to vector<16xi32>
      %mul3A_828 = arith.muli %select_n3A_825, %mul3A_827 : vector<16xi32>
      %add3A_829 = arith.addi %mul3A_828, %add3A_34 : vector<16xi32>
      tpu.vector_store_idx %arg5[%add3A_829], %broadcast_in_dim3A_1 : memref<32768xf32, #tpu.memory_space<vmem>>[vector<16xi32>], vector<16xf32>,
      %shift_right_logical3A_830 = arith.constant 4 : i32
      %shift_right_logical3A_831 = vector.broadcast %shift_right_logical3A_830 : i32 to vector<16xi32>
      %shift_right_logical3A_832 = arith.shrui %select_n3A_825, %shift_right_logical3A_831 : vector<16xi32>
      %mul3A_833 = arith.constant 16 : i32
      %mul3A_834 = vector.broadcast %mul3A_833 : i32 to vector<16xi32>
      %mul3A_835 = arith.muli %shift_right_logical3A_832, %mul3A_834 : vector<16xi32>
      %mul3A_836 = arith.constant 512 : i32
      %mul3A_837 = vector.broadcast %mul3A_836 : i32 to vector<16xi32>
      %mul3A_838 = arith.muli %mul3A_835, %mul3A_837 : vector<16xi32>
      %add3A_839 = arith.addi %mul3A_838, %add3A_34 : vector<16xi32>
      %broadcast_in_dim3A_840 = arith.constant 0 : i32
      %broadcast_in_dim3A_841 = vector.broadcast %broadcast_in_dim3A_840 : i32 to vector<16xi32>
      %add3A_842 = arith.constant 0 : i32
      %add3A_843 = vector.broadcast %add3A_842 : i32 to vector<16xi32>
      %add3A_844 = arith.addi %add3A_839, %add3A_843 : vector<16xi32>
      %gather3A_845 = tpu.vector_load_idx %arg5[%add3A_844] : memref<32768xf32, #tpu.memory_space<vmem>>[vector<16xi32>], vector<16xf32>,
      %gt3A_846 = arith.cmpf ogt, %gather3A_845, %broadcast_in_dim3A_1 : vector<16xf32>
      %select_n3A_847 = arith.select %gt3A_846, %gather3A_845, %broadcast_in_dim3A_1 : vector<16xi1>, vector<16xf32>
      %add3A_848 = arith.constant 0 : i32
      %add3A_849 = vector.broadcast %add3A_848 : i32 to vector<16xi32>
      %add3A_850 = arith.addi %mul3A_835, %add3A_849 : vector<16xi32>
      %select_n3A_851 = arith.select %gt3A_846, %add3A_850, %broadcast_in_dim3A_841 : vector<16xi1>, vector<16xi32>
      %add3A_852 = arith.constant 512 : i32
      %add3A_853 = vector.broadcast %add3A_852 : i32 to vector<16xi32>
      %add3A_854 = arith.addi %add3A_839, %add3A_853 : vector<16xi32>
      %gather3A_855 = tpu.vector_load_idx %arg5[%add3A_854] : memref<32768xf32, #tpu.memory_space<vmem>>[vector<16xi32>], vector<16xf32>,
      %gt3A_856 = arith.cmpf ogt, %gather3A_855, %select_n3A_847 : vector<16xf32>
      %select_n3A_857 = arith.select %gt3A_856, %gather3A_855, %select_n3A_847 : vector<16xi1>, vector<16xf32>
      %add3A_858 = arith.constant 1 : i32
      %add3A_859 = vector.broadcast %add3A_858 : i32 to vector<16xi32>
      %add3A_860 = arith.addi %mul3A_835, %add3A_859 : vector<16xi32>
      %select_n3A_861 = arith.select %gt3A_856, %add3A_860, %select_n3A_851 : vector<16xi1>, vector<16xi32>
      %add3A_862 = arith.constant 1024 : i32
      %add3A_863 = vector.broadcast %add3A_862 : i32 to vector<16xi32>
      %add3A_864 = arith.addi %add3A_839, %add3A_863 : vector<16xi32>
      %gather3A_865 = tpu.vector_load_idx %arg5[%add3A_864] : memref<32768xf32, #tpu.memory_space<vmem>>[vector<16xi32>], vector<16xf32>,
      %gt3A_866 = arith.cmpf ogt, %gather3A_865, %select_n3A_857 : vector<16xf32>
      %select_n3A_867 = arith.select %gt3A_866, %gather3A_865, %select_n3A_857 : vector<16xi1>, vector<16xf32>
      %add3A_868 = arith.constant 2 : i32
      %add3A_869 = vector.broadcast %add3A_868 : i32 to vector<16xi32>
      %add3A_870 = arith.addi %mul3A_835, %add3A_869 : vector<16xi32>
      %select_n3A_871 = arith.select %gt3A_866, %add3A_870, %select_n3A_861 : vector<16xi1>, vector<16xi32>
      %add3A_872 = arith.constant 1536 : i32
      %add3A_873 = vector.broadcast %add3A_872 : i32 to vector<16xi32>
      %add3A_874 = arith.addi %add3A_839, %add3A_873 : vector<16xi32>
      %gather3A_875 = tpu.vector_load_idx %arg5[%add3A_874] : memref<32768xf32, #tpu.memory_space<vmem>>[vector<16xi32>], vector<16xf32>,
      %gt3A_876 = arith.cmpf ogt, %gather3A_875, %select_n3A_867 : vector<16xf32>
      %select_n3A_877 = arith.select %gt3A_876, %gather3A_875, %select_n3A_867 : vector<16xi1>, vector<16xf32>
      %add3A_878 = arith.constant 3 : i32
      %add3A_879 = vector.broadcast %add3A_878 : i32 to vector<16xi32>
      %add3A_880 = arith.addi %mul3A_835, %add3A_879 : vector<16xi32>
      %select_n3A_881 = arith.select %gt3A_876, %add3A_880, %select_n3A_871 : vector<16xi1>, vector<16xi32>
      %add3A_882 = arith.constant 2048 : i32
      %add3A_883 = vector.broadcast %add3A_882 : i32 to vector<16xi32>
      %add3A_884 = arith.addi %add3A_839, %add3A_883 : vector<16xi32>
      %gather3A_885 = tpu.vector_load_idx %arg5[%add3A_884] : memref<32768xf32, #tpu.memory_space<vmem>>[vector<16xi32>], vector<16xf32>,
      %gt3A_886 = arith.cmpf ogt, %gather3A_885, %select_n3A_877 : vector<16xf32>
      %select_n3A_887 = arith.select %gt3A_886, %gather3A_885, %select_n3A_877 : vector<16xi1>, vector<16xf32>
      %add3A_888 = arith.constant 4 : i32
      %add3A_889 = vector.broadcast %add3A_888 : i32 to vector<16xi32>
      %add3A_890 = arith.addi %mul3A_835, %add3A_889 : vector<16xi32>
      %select_n3A_891 = arith.select %gt3A_886, %add3A_890, %select_n3A_881 : vector<16xi1>, vector<16xi32>
      %add3A_892 = arith.constant 2560 : i32
      %add3A_893 = vector.broadcast %add3A_892 : i32 to vector<16xi32>
      %add3A_894 = arith.addi %add3A_839, %add3A_893 : vector<16xi32>
      %gather3A_895 = tpu.vector_load_idx %arg5[%add3A_894] : memref<32768xf32, #tpu.memory_space<vmem>>[vector<16xi32>], vector<16xf32>,
      %gt3A_896 = arith.cmpf ogt, %gather3A_895, %select_n3A_887 : vector<16xf32>
      %select_n3A_897 = arith.select %gt3A_896, %gather3A_895, %select_n3A_887 : vector<16xi1>, vector<16xf32>
      %add3A_898 = arith.constant 5 : i32
      %add3A_899 = vector.broadcast %add3A_898 : i32 to vector<16xi32>
      %add3A_900 = arith.addi %mul3A_835, %add3A_899 : vector<16xi32>
      %select_n3A_901 = arith.select %gt3A_896, %add3A_900, %select_n3A_891 : vector<16xi1>, vector<16xi32>
      %add3A_902 = arith.constant 3072 : i32
      %add3A_903 = vector.broadcast %add3A_902 : i32 to vector<16xi32>
      %add3A_904 = arith.addi %add3A_839, %add3A_903 : vector<16xi32>
      %gather3A_905 = tpu.vector_load_idx %arg5[%add3A_904] : memref<32768xf32, #tpu.memory_space<vmem>>[vector<16xi32>], vector<16xf32>,
      %gt3A_906 = arith.cmpf ogt, %gather3A_905, %select_n3A_897 : vector<16xf32>
      %select_n3A_907 = arith.select %gt3A_906, %gather3A_905, %select_n3A_897 : vector<16xi1>, vector<16xf32>
      %add3A_908 = arith.constant 6 : i32
      %add3A_909 = vector.broadcast %add3A_908 : i32 to vector<16xi32>
      %add3A_910 = arith.addi %mul3A_835, %add3A_909 : vector<16xi32>
      %select_n3A_911 = arith.select %gt3A_906, %add3A_910, %select_n3A_901 : vector<16xi1>, vector<16xi32>
      %add3A_912 = arith.constant 3584 : i32
      %add3A_913 = vector.broadcast %add3A_912 : i32 to vector<16xi32>
      %add3A_914 = arith.addi %add3A_839, %add3A_913 : vector<16xi32>
      %gather3A_915 = tpu.vector_load_idx %arg5[%add3A_914] : memref<32768xf32, #tpu.memory_space<vmem>>[vector<16xi32>], vector<16xf32>,
      %gt3A_916 = arith.cmpf ogt, %gather3A_915, %select_n3A_907 : vector<16xf32>
      %select_n3A_917 = arith.select %gt3A_916, %gather3A_915, %select_n3A_907 : vector<16xi1>, vector<16xf32>
      %add3A_918 = arith.constant 7 : i32
      %add3A_919 = vector.broadcast %add3A_918 : i32 to vector<16xi32>
      %add3A_920 = arith.addi %mul3A_835, %add3A_919 : vector<16xi32>
      %select_n3A_921 = arith.select %gt3A_916, %add3A_920, %select_n3A_911 : vector<16xi1>, vector<16xi32>
      %add3A_922 = arith.constant 4096 : i32
      %add3A_923 = vector.broadcast %add3A_922 : i32 to vector<16xi32>
      %add3A_924 = arith.addi %add3A_839, %add3A_923 : vector<16xi32>
      %gather3A_925 = tpu.vector_load_idx %arg5[%add3A_924] : memref<32768xf32, #tpu.memory_space<vmem>>[vector<16xi32>], vector<16xf32>,
      %gt3A_926 = arith.cmpf ogt, %gather3A_925, %select_n3A_917 : vector<16xf32>
      %select_n3A_927 = arith.select %gt3A_926, %gather3A_925, %select_n3A_917 : vector<16xi1>, vector<16xf32>
      %add3A_928 = arith.constant 8 : i32
      %add3A_929 = vector.broadcast %add3A_928 : i32 to vector<16xi32>
      %add3A_930 = arith.addi %mul3A_835, %add3A_929 : vector<16xi32>
      %select_n3A_931 = arith.select %gt3A_926, %add3A_930, %select_n3A_921 : vector<16xi1>, vector<16xi32>
      %add3A_932 = arith.constant 4608 : i32
      %add3A_933 = vector.broadcast %add3A_932 : i32 to vector<16xi32>
      %add3A_934 = arith.addi %add3A_839, %add3A_933 : vector<16xi32>
      %gather3A_935 = tpu.vector_load_idx %arg5[%add3A_934] : memref<32768xf32, #tpu.memory_space<vmem>>[vector<16xi32>], vector<16xf32>,
      %gt3A_936 = arith.cmpf ogt, %gather3A_935, %select_n3A_927 : vector<16xf32>
      %select_n3A_937 = arith.select %gt3A_936, %gather3A_935, %select_n3A_927 : vector<16xi1>, vector<16xf32>
      %add3A_938 = arith.constant 9 : i32
      %add3A_939 = vector.broadcast %add3A_938 : i32 to vector<16xi32>
      %add3A_940 = arith.addi %mul3A_835, %add3A_939 : vector<16xi32>
      %select_n3A_941 = arith.select %gt3A_936, %add3A_940, %select_n3A_931 : vector<16xi1>, vector<16xi32>
      %add3A_942 = arith.constant 5120 : i32
      %add3A_943 = vector.broadcast %add3A_942 : i32 to vector<16xi32>
      %add3A_944 = arith.addi %add3A_839, %add3A_943 : vector<16xi32>
      %gather3A_945 = tpu.vector_load_idx %arg5[%add3A_944] : memref<32768xf32, #tpu.memory_space<vmem>>[vector<16xi32>], vector<16xf32>,
      %gt3A_946 = arith.cmpf ogt, %gather3A_945, %select_n3A_937 : vector<16xf32>
      %select_n3A_947 = arith.select %gt3A_946, %gather3A_945, %select_n3A_937 : vector<16xi1>, vector<16xf32>
      %add3A_948 = arith.constant 10 : i32
      %add3A_949 = vector.broadcast %add3A_948 : i32 to vector<16xi32>
      %add3A_950 = arith.addi %mul3A_835, %add3A_949 : vector<16xi32>
      %select_n3A_951 = arith.select %gt3A_946, %add3A_950, %select_n3A_941 : vector<16xi1>, vector<16xi32>
      %add3A_952 = arith.constant 5632 : i32
      %add3A_953 = vector.broadcast %add3A_952 : i32 to vector<16xi32>
      %add3A_954 = arith.addi %add3A_839, %add3A_953 : vector<16xi32>
      %gather3A_955 = tpu.vector_load_idx %arg5[%add3A_954] : memref<32768xf32, #tpu.memory_space<vmem>>[vector<16xi32>], vector<16xf32>,
      %gt3A_956 = arith.cmpf ogt, %gather3A_955, %select_n3A_947 : vector<16xf32>
      %select_n3A_957 = arith.select %gt3A_956, %gather3A_955, %select_n3A_947 : vector<16xi1>, vector<16xf32>
      %add3A_958 = arith.constant 11 : i32
      %add3A_959 = vector.broadcast %add3A_958 : i32 to vector<16xi32>
      %add3A_960 = arith.addi %mul3A_835, %add3A_959 : vector<16xi32>
      %select_n3A_961 = arith.select %gt3A_956, %add3A_960, %select_n3A_951 : vector<16xi1>, vector<16xi32>
      %add3A_962 = arith.constant 6144 : i32
      %add3A_963 = vector.broadcast %add3A_962 : i32 to vector<16xi32>
      %add3A_964 = arith.addi %add3A_839, %add3A_963 : vector<16xi32>
      %gather3A_965 = tpu.vector_load_idx %arg5[%add3A_964] : memref<32768xf32, #tpu.memory_space<vmem>>[vector<16xi32>], vector<16xf32>,
      %gt3A_966 = arith.cmpf ogt, %gather3A_965, %select_n3A_957 : vector<16xf32>
      %select_n3A_967 = arith.select %gt3A_966, %gather3A_965, %select_n3A_957 : vector<16xi1>, vector<16xf32>
      %add3A_968 = arith.constant 12 : i32
      %add3A_969 = vector.broadcast %add3A_968 : i32 to vector<16xi32>
      %add3A_970 = arith.addi %mul3A_835, %add3A_969 : vector<16xi32>
      %select_n3A_971 = arith.select %gt3A_966, %add3A_970, %select_n3A_961 : vector<16xi1>, vector<16xi32>
      %add3A_972 = arith.constant 6656 : i32
      %add3A_973 = vector.broadcast %add3A_972 : i32 to vector<16xi32>
      %add3A_974 = arith.addi %add3A_839, %add3A_973 : vector<16xi32>
      %gather3A_975 = tpu.vector_load_idx %arg5[%add3A_974] : memref<32768xf32, #tpu.memory_space<vmem>>[vector<16xi32>], vector<16xf32>,
      %gt3A_976 = arith.cmpf ogt, %gather3A_975, %select_n3A_967 : vector<16xf32>
      %select_n3A_977 = arith.select %gt3A_976, %gather3A_975, %select_n3A_967 : vector<16xi1>, vector<16xf32>
      %add3A_978 = arith.constant 13 : i32
      %add3A_979 = vector.broadcast %add3A_978 : i32 to vector<16xi32>
      %add3A_980 = arith.addi %mul3A_835, %add3A_979 : vector<16xi32>
      %select_n3A_981 = arith.select %gt3A_976, %add3A_980, %select_n3A_971 : vector<16xi1>, vector<16xi32>
      %add3A_982 = arith.constant 7168 : i32
      %add3A_983 = vector.broadcast %add3A_982 : i32 to vector<16xi32>
      %add3A_984 = arith.addi %add3A_839, %add3A_983 : vector<16xi32>
      %gather3A_985 = tpu.vector_load_idx %arg5[%add3A_984] : memref<32768xf32, #tpu.memory_space<vmem>>[vector<16xi32>], vector<16xf32>,
      %gt3A_986 = arith.cmpf ogt, %gather3A_985, %select_n3A_977 : vector<16xf32>
      %select_n3A_987 = arith.select %gt3A_986, %gather3A_985, %select_n3A_977 : vector<16xi1>, vector<16xf32>
      %add3A_988 = arith.constant 14 : i32
      %add3A_989 = vector.broadcast %add3A_988 : i32 to vector<16xi32>
      %add3A_990 = arith.addi %mul3A_835, %add3A_989 : vector<16xi32>
      %select_n3A_991 = arith.select %gt3A_986, %add3A_990, %select_n3A_981 : vector<16xi1>, vector<16xi32>
      %add3A_992 = arith.constant 7680 : i32
      %add3A_993 = vector.broadcast %add3A_992 : i32 to vector<16xi32>
      %add3A_994 = arith.addi %add3A_839, %add3A_993 : vector<16xi32>
      %gather3A_995 = tpu.vector_load_idx %arg5[%add3A_994] : memref<32768xf32, #tpu.memory_space<vmem>>[vector<16xi32>], vector<16xf32>,
      %gt3A_996 = arith.cmpf ogt, %gather3A_995, %select_n3A_987 : vector<16xf32>
      %select_n3A_997 = arith.select %gt3A_996, %gather3A_995, %select_n3A_987 : vector<16xi1>, vector<16xf32>
      %add3A_998 = arith.constant 15 : i32
      %add3A_999 = vector.broadcast %add3A_998 : i32 to vector<16xi32>
      %add3A_1000 = arith.addi %mul3A_835, %add3A_999 : vector<16xi32>
      %select_n3A_1001 = arith.select %gt3A_996, %add3A_1000, %select_n3A_991 : vector<16xi1>, vector<16xi32>
      %eq3A_1002 = arith.constant 0 : i32
      %eq3A_1003 = vector.broadcast %eq3A_1002 : i32 to vector<16xi32>
      %eq3A_1004 = arith.cmpi eq, %shift_right_logical3A_832, %eq3A_1003 : vector<16xi32>
      %select_n3A_1005 = arith.select %eq3A_1004, %select_n3A_997, %select_n3A_800 : vector<16xi1>, vector<16xf32>
      %select_n3A_1006 = arith.select %eq3A_1004, %select_n3A_1001, %select_n3A_801 : vector<16xi1>, vector<16xi32>
      %eq3A_1007 = arith.constant 1 : i32
      %eq3A_1008 = vector.broadcast %eq3A_1007 : i32 to vector<16xi32>
      %eq3A_1009 = arith.cmpi eq, %shift_right_logical3A_832, %eq3A_1008 : vector<16xi32>
      %select_n3A_1010 = arith.select %eq3A_1009, %select_n3A_997, %select_n3A_805 : vector<16xi1>, vector<16xf32>
      %select_n3A_1011 = arith.select %eq3A_1009, %select_n3A_1001, %select_n3A_806 : vector<16xi1>, vector<16xi32>
      %eq3A_1012 = arith.constant 2 : i32
      %eq3A_1013 = vector.broadcast %eq3A_1012 : i32 to vector<16xi32>
      %eq3A_1014 = arith.cmpi eq, %shift_right_logical3A_832, %eq3A_1013 : vector<16xi32>
      %select_n3A_1015 = arith.select %eq3A_1014, %select_n3A_997, %select_n3A_810 : vector<16xi1>, vector<16xf32>
      %select_n3A_1016 = arith.select %eq3A_1014, %select_n3A_1001, %select_n3A_811 : vector<16xi1>, vector<16xi32>
      %eq3A_1017 = arith.constant 3 : i32
      %eq3A_1018 = vector.broadcast %eq3A_1017 : i32 to vector<16xi32>
      %eq3A_1019 = arith.cmpi eq, %shift_right_logical3A_832, %eq3A_1018 : vector<16xi32>
      %select_n3A_1020 = arith.select %eq3A_1019, %select_n3A_997, %select_n3A_815 : vector<16xi1>, vector<16xf32>
      %select_n3A_1021 = arith.select %eq3A_1019, %select_n3A_1001, %select_n3A_816 : vector<16xi1>, vector<16xi32>
      %gt3A_1022 = arith.cmpf ogt, %select_n3A_1010, %select_n3A_1005 : vector<16xf32>
      %select_n3A_1023 = arith.select %gt3A_1022, %select_n3A_1010, %select_n3A_1005 : vector<16xi1>, vector<16xf32>
      %select_n3A_1024 = arith.select %gt3A_1022, %select_n3A_1011, %select_n3A_1006 : vector<16xi1>, vector<16xi32>
      %gt3A_1025 = arith.cmpf ogt, %select_n3A_1020, %select_n3A_1015 : vector<16xf32>
      %select_n3A_1026 = arith.select %gt3A_1025, %select_n3A_1020, %select_n3A_1015 : vector<16xi1>, vector<16xf32>
      %select_n3A_1027 = arith.select %gt3A_1025, %select_n3A_1021, %select_n3A_1016 : vector<16xi1>, vector<16xi32>
      %gt3A_1028 = arith.cmpf ogt, %select_n3A_1026, %select_n3A_1023 : vector<16xf32>
      %select_n3A_1029 = arith.select %gt3A_1028, %select_n3A_1026, %select_n3A_1023 : vector<16xi1>, vector<16xf32>
      %select_n3A_1030 = arith.select %gt3A_1028, %select_n3A_1027, %select_n3A_1024 : vector<16xi1>, vector<16xi32>
      %mul3A_1031 = arith.constant 512 : i32
      %mul3A_1032 = vector.broadcast %mul3A_1031 : i32 to vector<16xi32>
      %mul3A_1033 = arith.muli %select_n3A_1030, %mul3A_1032 : vector<16xi32>
      %add3A_1034 = arith.addi %mul3A_1033, %add3A_34 : vector<16xi32>
      tpu.vector_store_idx %arg5[%add3A_1034], %broadcast_in_dim3A_1 : memref<32768xf32, #tpu.memory_space<vmem>>[vector<16xi32>], vector<16xf32>,
      %shift_right_logical3A_1035 = arith.constant 4 : i32
      %shift_right_logical3A_1036 = vector.broadcast %shift_right_logical3A_1035 : i32 to vector<16xi32>
      %shift_right_logical3A_1037 = arith.shrui %select_n3A_1030, %shift_right_logical3A_1036 : vector<16xi32>
      %mul3A_1038 = arith.constant 16 : i32
      %mul3A_1039 = vector.broadcast %mul3A_1038 : i32 to vector<16xi32>
      %mul3A_1040 = arith.muli %shift_right_logical3A_1037, %mul3A_1039 : vector<16xi32>
      %mul3A_1041 = arith.constant 512 : i32
      %mul3A_1042 = vector.broadcast %mul3A_1041 : i32 to vector<16xi32>
      %mul3A_1043 = arith.muli %mul3A_1040, %mul3A_1042 : vector<16xi32>
      %add3A_1044 = arith.addi %mul3A_1043, %add3A_34 : vector<16xi32>
      %broadcast_in_dim3A_1045 = arith.constant 0 : i32
      %broadcast_in_dim3A_1046 = vector.broadcast %broadcast_in_dim3A_1045 : i32 to vector<16xi32>
      %add3A_1047 = arith.constant 0 : i32
      %add3A_1048 = vector.broadcast %add3A_1047 : i32 to vector<16xi32>
      %add3A_1049 = arith.addi %add3A_1044, %add3A_1048 : vector<16xi32>
      %gather3A_1050 = tpu.vector_load_idx %arg5[%add3A_1049] : memref<32768xf32, #tpu.memory_space<vmem>>[vector<16xi32>], vector<16xf32>,
      %gt3A_1051 = arith.cmpf ogt, %gather3A_1050, %broadcast_in_dim3A_1 : vector<16xf32>
      %select_n3A_1052 = arith.select %gt3A_1051, %gather3A_1050, %broadcast_in_dim3A_1 : vector<16xi1>, vector<16xf32>
      %add3A_1053 = arith.constant 0 : i32
      %add3A_1054 = vector.broadcast %add3A_1053 : i32 to vector<16xi32>
      %add3A_1055 = arith.addi %mul3A_1040, %add3A_1054 : vector<16xi32>
      %select_n3A_1056 = arith.select %gt3A_1051, %add3A_1055, %broadcast_in_dim3A_1046 : vector<16xi1>, vector<16xi32>
      %add3A_1057 = arith.constant 512 : i32
      %add3A_1058 = vector.broadcast %add3A_1057 : i32 to vector<16xi32>
      %add3A_1059 = arith.addi %add3A_1044, %add3A_1058 : vector<16xi32>
      %gather3A_1060 = tpu.vector_load_idx %arg5[%add3A_1059] : memref<32768xf32, #tpu.memory_space<vmem>>[vector<16xi32>], vector<16xf32>,
      %gt3A_1061 = arith.cmpf ogt, %gather3A_1060, %select_n3A_1052 : vector<16xf32>
      %select_n3A_1062 = arith.select %gt3A_1061, %gather3A_1060, %select_n3A_1052 : vector<16xi1>, vector<16xf32>
      %add3A_1063 = arith.constant 1 : i32
      %add3A_1064 = vector.broadcast %add3A_1063 : i32 to vector<16xi32>
      %add3A_1065 = arith.addi %mul3A_1040, %add3A_1064 : vector<16xi32>
      %select_n3A_1066 = arith.select %gt3A_1061, %add3A_1065, %select_n3A_1056 : vector<16xi1>, vector<16xi32>
      %add3A_1067 = arith.constant 1024 : i32
      %add3A_1068 = vector.broadcast %add3A_1067 : i32 to vector<16xi32>
      %add3A_1069 = arith.addi %add3A_1044, %add3A_1068 : vector<16xi32>
      %gather3A_1070 = tpu.vector_load_idx %arg5[%add3A_1069] : memref<32768xf32, #tpu.memory_space<vmem>>[vector<16xi32>], vector<16xf32>,
      %gt3A_1071 = arith.cmpf ogt, %gather3A_1070, %select_n3A_1062 : vector<16xf32>
      %select_n3A_1072 = arith.select %gt3A_1071, %gather3A_1070, %select_n3A_1062 : vector<16xi1>, vector<16xf32>
      %add3A_1073 = arith.constant 2 : i32
      %add3A_1074 = vector.broadcast %add3A_1073 : i32 to vector<16xi32>
      %add3A_1075 = arith.addi %mul3A_1040, %add3A_1074 : vector<16xi32>
      %select_n3A_1076 = arith.select %gt3A_1071, %add3A_1075, %select_n3A_1066 : vector<16xi1>, vector<16xi32>
      %add3A_1077 = arith.constant 1536 : i32
      %add3A_1078 = vector.broadcast %add3A_1077 : i32 to vector<16xi32>
      %add3A_1079 = arith.addi %add3A_1044, %add3A_1078 : vector<16xi32>
      %gather3A_1080 = tpu.vector_load_idx %arg5[%add3A_1079] : memref<32768xf32, #tpu.memory_space<vmem>>[vector<16xi32>], vector<16xf32>,
      %gt3A_1081 = arith.cmpf ogt, %gather3A_1080, %select_n3A_1072 : vector<16xf32>
      %select_n3A_1082 = arith.select %gt3A_1081, %gather3A_1080, %select_n3A_1072 : vector<16xi1>, vector<16xf32>
      %add3A_1083 = arith.constant 3 : i32
      %add3A_1084 = vector.broadcast %add3A_1083 : i32 to vector<16xi32>
      %add3A_1085 = arith.addi %mul3A_1040, %add3A_1084 : vector<16xi32>
      %select_n3A_1086 = arith.select %gt3A_1081, %add3A_1085, %select_n3A_1076 : vector<16xi1>, vector<16xi32>
      %add3A_1087 = arith.constant 2048 : i32
      %add3A_1088 = vector.broadcast %add3A_1087 : i32 to vector<16xi32>
      %add3A_1089 = arith.addi %add3A_1044, %add3A_1088 : vector<16xi32>
      %gather3A_1090 = tpu.vector_load_idx %arg5[%add3A_1089] : memref<32768xf32, #tpu.memory_space<vmem>>[vector<16xi32>], vector<16xf32>,
      %gt3A_1091 = arith.cmpf ogt, %gather3A_1090, %select_n3A_1082 : vector<16xf32>
      %select_n3A_1092 = arith.select %gt3A_1091, %gather3A_1090, %select_n3A_1082 : vector<16xi1>, vector<16xf32>
      %add3A_1093 = arith.constant 4 : i32
      %add3A_1094 = vector.broadcast %add3A_1093 : i32 to vector<16xi32>
      %add3A_1095 = arith.addi %mul3A_1040, %add3A_1094 : vector<16xi32>
      %select_n3A_1096 = arith.select %gt3A_1091, %add3A_1095, %select_n3A_1086 : vector<16xi1>, vector<16xi32>
      %add3A_1097 = arith.constant 2560 : i32
      %add3A_1098 = vector.broadcast %add3A_1097 : i32 to vector<16xi32>
      %add3A_1099 = arith.addi %add3A_1044, %add3A_1098 : vector<16xi32>
      %gather3A_1100 = tpu.vector_load_idx %arg5[%add3A_1099] : memref<32768xf32, #tpu.memory_space<vmem>>[vector<16xi32>], vector<16xf32>,
      %gt3A_1101 = arith.cmpf ogt, %gather3A_1100, %select_n3A_1092 : vector<16xf32>
      %select_n3A_1102 = arith.select %gt3A_1101, %gather3A_1100, %select_n3A_1092 : vector<16xi1>, vector<16xf32>
      %add3A_1103 = arith.constant 5 : i32
      %add3A_1104 = vector.broadcast %add3A_1103 : i32 to vector<16xi32>
      %add3A_1105 = arith.addi %mul3A_1040, %add3A_1104 : vector<16xi32>
      %select_n3A_1106 = arith.select %gt3A_1101, %add3A_1105, %select_n3A_1096 : vector<16xi1>, vector<16xi32>
      %add3A_1107 = arith.constant 3072 : i32
      %add3A_1108 = vector.broadcast %add3A_1107 : i32 to vector<16xi32>
      %add3A_1109 = arith.addi %add3A_1044, %add3A_1108 : vector<16xi32>
      %gather3A_1110 = tpu.vector_load_idx %arg5[%add3A_1109] : memref<32768xf32, #tpu.memory_space<vmem>>[vector<16xi32>], vector<16xf32>,
      %gt3A_1111 = arith.cmpf ogt, %gather3A_1110, %select_n3A_1102 : vector<16xf32>
      %select_n3A_1112 = arith.select %gt3A_1111, %gather3A_1110, %select_n3A_1102 : vector<16xi1>, vector<16xf32>
      %add3A_1113 = arith.constant 6 : i32
      %add3A_1114 = vector.broadcast %add3A_1113 : i32 to vector<16xi32>
      %add3A_1115 = arith.addi %mul3A_1040, %add3A_1114 : vector<16xi32>
      %select_n3A_1116 = arith.select %gt3A_1111, %add3A_1115, %select_n3A_1106 : vector<16xi1>, vector<16xi32>
      %add3A_1117 = arith.constant 3584 : i32
      %add3A_1118 = vector.broadcast %add3A_1117 : i32 to vector<16xi32>
      %add3A_1119 = arith.addi %add3A_1044, %add3A_1118 : vector<16xi32>
      %gather3A_1120 = tpu.vector_load_idx %arg5[%add3A_1119] : memref<32768xf32, #tpu.memory_space<vmem>>[vector<16xi32>], vector<16xf32>,
      %gt3A_1121 = arith.cmpf ogt, %gather3A_1120, %select_n3A_1112 : vector<16xf32>
      %select_n3A_1122 = arith.select %gt3A_1121, %gather3A_1120, %select_n3A_1112 : vector<16xi1>, vector<16xf32>
      %add3A_1123 = arith.constant 7 : i32
      %add3A_1124 = vector.broadcast %add3A_1123 : i32 to vector<16xi32>
      %add3A_1125 = arith.addi %mul3A_1040, %add3A_1124 : vector<16xi32>
      %select_n3A_1126 = arith.select %gt3A_1121, %add3A_1125, %select_n3A_1116 : vector<16xi1>, vector<16xi32>
      %add3A_1127 = arith.constant 4096 : i32
      %add3A_1128 = vector.broadcast %add3A_1127 : i32 to vector<16xi32>
      %add3A_1129 = arith.addi %add3A_1044, %add3A_1128 : vector<16xi32>
      %gather3A_1130 = tpu.vector_load_idx %arg5[%add3A_1129] : memref<32768xf32, #tpu.memory_space<vmem>>[vector<16xi32>], vector<16xf32>,
      %gt3A_1131 = arith.cmpf ogt, %gather3A_1130, %select_n3A_1122 : vector<16xf32>
      %select_n3A_1132 = arith.select %gt3A_1131, %gather3A_1130, %select_n3A_1122 : vector<16xi1>, vector<16xf32>
      %add3A_1133 = arith.constant 8 : i32
      %add3A_1134 = vector.broadcast %add3A_1133 : i32 to vector<16xi32>
      %add3A_1135 = arith.addi %mul3A_1040, %add3A_1134 : vector<16xi32>
      %select_n3A_1136 = arith.select %gt3A_1131, %add3A_1135, %select_n3A_1126 : vector<16xi1>, vector<16xi32>
      %add3A_1137 = arith.constant 4608 : i32
      %add3A_1138 = vector.broadcast %add3A_1137 : i32 to vector<16xi32>
      %add3A_1139 = arith.addi %add3A_1044, %add3A_1138 : vector<16xi32>
      %gather3A_1140 = tpu.vector_load_idx %arg5[%add3A_1139] : memref<32768xf32, #tpu.memory_space<vmem>>[vector<16xi32>], vector<16xf32>,
      %gt3A_1141 = arith.cmpf ogt, %gather3A_1140, %select_n3A_1132 : vector<16xf32>
      %select_n3A_1142 = arith.select %gt3A_1141, %gather3A_1140, %select_n3A_1132 : vector<16xi1>, vector<16xf32>
      %add3A_1143 = arith.constant 9 : i32
      %add3A_1144 = vector.broadcast %add3A_1143 : i32 to vector<16xi32>
      %add3A_1145 = arith.addi %mul3A_1040, %add3A_1144 : vector<16xi32>
      %select_n3A_1146 = arith.select %gt3A_1141, %add3A_1145, %select_n3A_1136 : vector<16xi1>, vector<16xi32>
      %add3A_1147 = arith.constant 5120 : i32
      %add3A_1148 = vector.broadcast %add3A_1147 : i32 to vector<16xi32>
      %add3A_1149 = arith.addi %add3A_1044, %add3A_1148 : vector<16xi32>
      %gather3A_1150 = tpu.vector_load_idx %arg5[%add3A_1149] : memref<32768xf32, #tpu.memory_space<vmem>>[vector<16xi32>], vector<16xf32>,
      %gt3A_1151 = arith.cmpf ogt, %gather3A_1150, %select_n3A_1142 : vector<16xf32>
      %select_n3A_1152 = arith.select %gt3A_1151, %gather3A_1150, %select_n3A_1142 : vector<16xi1>, vector<16xf32>
      %add3A_1153 = arith.constant 10 : i32
      %add3A_1154 = vector.broadcast %add3A_1153 : i32 to vector<16xi32>
      %add3A_1155 = arith.addi %mul3A_1040, %add3A_1154 : vector<16xi32>
      %select_n3A_1156 = arith.select %gt3A_1151, %add3A_1155, %select_n3A_1146 : vector<16xi1>, vector<16xi32>
      %add3A_1157 = arith.constant 5632 : i32
      %add3A_1158 = vector.broadcast %add3A_1157 : i32 to vector<16xi32>
      %add3A_1159 = arith.addi %add3A_1044, %add3A_1158 : vector<16xi32>
      %gather3A_1160 = tpu.vector_load_idx %arg5[%add3A_1159] : memref<32768xf32, #tpu.memory_space<vmem>>[vector<16xi32>], vector<16xf32>,
      %gt3A_1161 = arith.cmpf ogt, %gather3A_1160, %select_n3A_1152 : vector<16xf32>
      %select_n3A_1162 = arith.select %gt3A_1161, %gather3A_1160, %select_n3A_1152 : vector<16xi1>, vector<16xf32>
      %add3A_1163 = arith.constant 11 : i32
      %add3A_1164 = vector.broadcast %add3A_1163 : i32 to vector<16xi32>
      %add3A_1165 = arith.addi %mul3A_1040, %add3A_1164 : vector<16xi32>
      %select_n3A_1166 = arith.select %gt3A_1161, %add3A_1165, %select_n3A_1156 : vector<16xi1>, vector<16xi32>
      %add3A_1167 = arith.constant 6144 : i32
      %add3A_1168 = vector.broadcast %add3A_1167 : i32 to vector<16xi32>
      %add3A_1169 = arith.addi %add3A_1044, %add3A_1168 : vector<16xi32>
      %gather3A_1170 = tpu.vector_load_idx %arg5[%add3A_1169] : memref<32768xf32, #tpu.memory_space<vmem>>[vector<16xi32>], vector<16xf32>,
      %gt3A_1171 = arith.cmpf ogt, %gather3A_1170, %select_n3A_1162 : vector<16xf32>
      %select_n3A_1172 = arith.select %gt3A_1171, %gather3A_1170, %select_n3A_1162 : vector<16xi1>, vector<16xf32>
      %add3A_1173 = arith.constant 12 : i32
      %add3A_1174 = vector.broadcast %add3A_1173 : i32 to vector<16xi32>
      %add3A_1175 = arith.addi %mul3A_1040, %add3A_1174 : vector<16xi32>
      %select_n3A_1176 = arith.select %gt3A_1171, %add3A_1175, %select_n3A_1166 : vector<16xi1>, vector<16xi32>
      %add3A_1177 = arith.constant 6656 : i32
      %add3A_1178 = vector.broadcast %add3A_1177 : i32 to vector<16xi32>
      %add3A_1179 = arith.addi %add3A_1044, %add3A_1178 : vector<16xi32>
      %gather3A_1180 = tpu.vector_load_idx %arg5[%add3A_1179] : memref<32768xf32, #tpu.memory_space<vmem>>[vector<16xi32>], vector<16xf32>,
      %gt3A_1181 = arith.cmpf ogt, %gather3A_1180, %select_n3A_1172 : vector<16xf32>
      %select_n3A_1182 = arith.select %gt3A_1181, %gather3A_1180, %select_n3A_1172 : vector<16xi1>, vector<16xf32>
      %add3A_1183 = arith.constant 13 : i32
      %add3A_1184 = vector.broadcast %add3A_1183 : i32 to vector<16xi32>
      %add3A_1185 = arith.addi %mul3A_1040, %add3A_1184 : vector<16xi32>
      %select_n3A_1186 = arith.select %gt3A_1181, %add3A_1185, %select_n3A_1176 : vector<16xi1>, vector<16xi32>
      %add3A_1187 = arith.constant 7168 : i32
      %add3A_1188 = vector.broadcast %add3A_1187 : i32 to vector<16xi32>
      %add3A_1189 = arith.addi %add3A_1044, %add3A_1188 : vector<16xi32>
      %gather3A_1190 = tpu.vector_load_idx %arg5[%add3A_1189] : memref<32768xf32, #tpu.memory_space<vmem>>[vector<16xi32>], vector<16xf32>,
      %gt3A_1191 = arith.cmpf ogt, %gather3A_1190, %select_n3A_1182 : vector<16xf32>
      %select_n3A_1192 = arith.select %gt3A_1191, %gather3A_1190, %select_n3A_1182 : vector<16xi1>, vector<16xf32>
      %add3A_1193 = arith.constant 14 : i32
      %add3A_1194 = vector.broadcast %add3A_1193 : i32 to vector<16xi32>
      %add3A_1195 = arith.addi %mul3A_1040, %add3A_1194 : vector<16xi32>
      %select_n3A_1196 = arith.select %gt3A_1191, %add3A_1195, %select_n3A_1186 : vector<16xi1>, vector<16xi32>
      %add3A_1197 = arith.constant 7680 : i32
      %add3A_1198 = vector.broadcast %add3A_1197 : i32 to vector<16xi32>
      %add3A_1199 = arith.addi %add3A_1044, %add3A_1198 : vector<16xi32>
      %gather3A_1200 = tpu.vector_load_idx %arg5[%add3A_1199] : memref<32768xf32, #tpu.memory_space<vmem>>[vector<16xi32>], vector<16xf32>,
      %gt3A_1201 = arith.cmpf ogt, %gather3A_1200, %select_n3A_1192 : vector<16xf32>
      %select_n3A_1202 = arith.select %gt3A_1201, %gather3A_1200, %select_n3A_1192 : vector<16xi1>, vector<16xf32>
      %add3A_1203 = arith.constant 15 : i32
      %add3A_1204 = vector.broadcast %add3A_1203 : i32 to vector<16xi32>
      %add3A_1205 = arith.addi %mul3A_1040, %add3A_1204 : vector<16xi32>
      %select_n3A_1206 = arith.select %gt3A_1201, %add3A_1205, %select_n3A_1196 : vector<16xi1>, vector<16xi32>
      %eq3A_1207 = arith.constant 0 : i32
      %eq3A_1208 = vector.broadcast %eq3A_1207 : i32 to vector<16xi32>
      %eq3A_1209 = arith.cmpi eq, %shift_right_logical3A_1037, %eq3A_1208 : vector<16xi32>
      %select_n3A_1210 = arith.select %eq3A_1209, %select_n3A_1202, %select_n3A_1005 : vector<16xi1>, vector<16xf32>
      %select_n3A_1211 = arith.select %eq3A_1209, %select_n3A_1206, %select_n3A_1006 : vector<16xi1>, vector<16xi32>
      %eq3A_1212 = arith.constant 1 : i32
      %eq3A_1213 = vector.broadcast %eq3A_1212 : i32 to vector<16xi32>
      %eq3A_1214 = arith.cmpi eq, %shift_right_logical3A_1037, %eq3A_1213 : vector<16xi32>
      %select_n3A_1215 = arith.select %eq3A_1214, %select_n3A_1202, %select_n3A_1010 : vector<16xi1>, vector<16xf32>
      %select_n3A_1216 = arith.select %eq3A_1214, %select_n3A_1206, %select_n3A_1011 : vector<16xi1>, vector<16xi32>
      %eq3A_1217 = arith.constant 2 : i32
      %eq3A_1218 = vector.broadcast %eq3A_1217 : i32 to vector<16xi32>
      %eq3A_1219 = arith.cmpi eq, %shift_right_logical3A_1037, %eq3A_1218 : vector<16xi32>
      %select_n3A_1220 = arith.select %eq3A_1219, %select_n3A_1202, %select_n3A_1015 : vector<16xi1>, vector<16xf32>
      %select_n3A_1221 = arith.select %eq3A_1219, %select_n3A_1206, %select_n3A_1016 : vector<16xi1>, vector<16xi32>
      %eq3A_1222 = arith.constant 3 : i32
      %eq3A_1223 = vector.broadcast %eq3A_1222 : i32 to vector<16xi32>
      %eq3A_1224 = arith.cmpi eq, %shift_right_logical3A_1037, %eq3A_1223 : vector<16xi32>
      %select_n3A_1225 = arith.select %eq3A_1224, %select_n3A_1202, %select_n3A_1020 : vector<16xi1>, vector<16xf32>
      %select_n3A_1226 = arith.select %eq3A_1224, %select_n3A_1206, %select_n3A_1021 : vector<16xi1>, vector<16xi32>
      %gt3A_1227 = arith.cmpf ogt, %select_n3A_1215, %select_n3A_1210 : vector<16xf32>
      %select_n3A_1228 = arith.select %gt3A_1227, %select_n3A_1215, %select_n3A_1210 : vector<16xi1>, vector<16xf32>
      %select_n3A_1229 = arith.select %gt3A_1227, %select_n3A_1216, %select_n3A_1211 : vector<16xi1>, vector<16xi32>
      %gt3A_1230 = arith.cmpf ogt, %select_n3A_1225, %select_n3A_1220 : vector<16xf32>
      %select_n3A_1231 = arith.select %gt3A_1230, %select_n3A_1225, %select_n3A_1220 : vector<16xi1>, vector<16xf32>
      %select_n3A_1232 = arith.select %gt3A_1230, %select_n3A_1226, %select_n3A_1221 : vector<16xi1>, vector<16xi32>
      %gt3A_1233 = arith.cmpf ogt, %select_n3A_1231, %select_n3A_1228 : vector<16xf32>
      %select_n3A_1234 = arith.select %gt3A_1233, %select_n3A_1231, %select_n3A_1228 : vector<16xi1>, vector<16xf32>
      %select_n3A_1235 = arith.select %gt3A_1233, %select_n3A_1232, %select_n3A_1229 : vector<16xi1>, vector<16xi32>
      %mul3A_1236 = arith.constant 512 : i32
      %mul3A_1237 = vector.broadcast %mul3A_1236 : i32 to vector<16xi32>
      %mul3A_1238 = arith.muli %select_n3A_1235, %mul3A_1237 : vector<16xi32>
      %add3A_1239 = arith.addi %mul3A_1238, %add3A_34 : vector<16xi32>
      tpu.vector_store_idx %arg5[%add3A_1239], %broadcast_in_dim3A_1 : memref<32768xf32, #tpu.memory_space<vmem>>[vector<16xi32>], vector<16xf32>,
      %shift_right_logical3A_1240 = arith.constant 4 : i32
      %shift_right_logical3A_1241 = vector.broadcast %shift_right_logical3A_1240 : i32 to vector<16xi32>
      %shift_right_logical3A_1242 = arith.shrui %select_n3A_1235, %shift_right_logical3A_1241 : vector<16xi32>
      %mul3A_1243 = arith.constant 16 : i32
      %mul3A_1244 = vector.broadcast %mul3A_1243 : i32 to vector<16xi32>
      %mul3A_1245 = arith.muli %shift_right_logical3A_1242, %mul3A_1244 : vector<16xi32>
      %mul3A_1246 = arith.constant 512 : i32
      %mul3A_1247 = vector.broadcast %mul3A_1246 : i32 to vector<16xi32>
      %mul3A_1248 = arith.muli %mul3A_1245, %mul3A_1247 : vector<16xi32>
      %add3A_1249 = arith.addi %mul3A_1248, %add3A_34 : vector<16xi32>
      %broadcast_in_dim3A_1250 = arith.constant 0 : i32
      %broadcast_in_dim3A_1251 = vector.broadcast %broadcast_in_dim3A_1250 : i32 to vector<16xi32>
      %add3A_1252 = arith.constant 0 : i32
      %add3A_1253 = vector.broadcast %add3A_1252 : i32 to vector<16xi32>
      %add3A_1254 = arith.addi %add3A_1249, %add3A_1253 : vector<16xi32>
      %gather3A_1255 = tpu.vector_load_idx %arg5[%add3A_1254] : memref<32768xf32, #tpu.memory_space<vmem>>[vector<16xi32>], vector<16xf32>,
      %gt3A_1256 = arith.cmpf ogt, %gather3A_1255, %broadcast_in_dim3A_1 : vector<16xf32>
      %select_n3A_1257 = arith.select %gt3A_1256, %gather3A_1255, %broadcast_in_dim3A_1 : vector<16xi1>, vector<16xf32>
      %add3A_1258 = arith.constant 0 : i32
      %add3A_1259 = vector.broadcast %add3A_1258 : i32 to vector<16xi32>
      %add3A_1260 = arith.addi %mul3A_1245, %add3A_1259 : vector<16xi32>
      %select_n3A_1261 = arith.select %gt3A_1256, %add3A_1260, %broadcast_in_dim3A_1251 : vector<16xi1>, vector<16xi32>
      %add3A_1262 = arith.constant 512 : i32
      %add3A_1263 = vector.broadcast %add3A_1262 : i32 to vector<16xi32>
      %add3A_1264 = arith.addi %add3A_1249, %add3A_1263 : vector<16xi32>
      %gather3A_1265 = tpu.vector_load_idx %arg5[%add3A_1264] : memref<32768xf32, #tpu.memory_space<vmem>>[vector<16xi32>], vector<16xf32>,
      %gt3A_1266 = arith.cmpf ogt, %gather3A_1265, %select_n3A_1257 : vector<16xf32>
      %select_n3A_1267 = arith.select %gt3A_1266, %gather3A_1265, %select_n3A_1257 : vector<16xi1>, vector<16xf32>
      %add3A_1268 = arith.constant 1 : i32
      %add3A_1269 = vector.broadcast %add3A_1268 : i32 to vector<16xi32>
      %add3A_1270 = arith.addi %mul3A_1245, %add3A_1269 : vector<16xi32>
      %select_n3A_1271 = arith.select %gt3A_1266, %add3A_1270, %select_n3A_1261 : vector<16xi1>, vector<16xi32>
      %add3A_1272 = arith.constant 1024 : i32
      %add3A_1273 = vector.broadcast %add3A_1272 : i32 to vector<16xi32>
      %add3A_1274 = arith.addi %add3A_1249, %add3A_1273 : vector<16xi32>
      %gather3A_1275 = tpu.vector_load_idx %arg5[%add3A_1274] : memref<32768xf32, #tpu.memory_space<vmem>>[vector<16xi32>], vector<16xf32>,
      %gt3A_1276 = arith.cmpf ogt, %gather3A_1275, %select_n3A_1267 : vector<16xf32>
      %select_n3A_1277 = arith.select %gt3A_1276, %gather3A_1275, %select_n3A_1267 : vector<16xi1>, vector<16xf32>
      %add3A_1278 = arith.constant 2 : i32
      %add3A_1279 = vector.broadcast %add3A_1278 : i32 to vector<16xi32>
      %add3A_1280 = arith.addi %mul3A_1245, %add3A_1279 : vector<16xi32>
      %select_n3A_1281 = arith.select %gt3A_1276, %add3A_1280, %select_n3A_1271 : vector<16xi1>, vector<16xi32>
      %add3A_1282 = arith.constant 1536 : i32
      %add3A_1283 = vector.broadcast %add3A_1282 : i32 to vector<16xi32>
      %add3A_1284 = arith.addi %add3A_1249, %add3A_1283 : vector<16xi32>
      %gather3A_1285 = tpu.vector_load_idx %arg5[%add3A_1284] : memref<32768xf32, #tpu.memory_space<vmem>>[vector<16xi32>], vector<16xf32>,
      %gt3A_1286 = arith.cmpf ogt, %gather3A_1285, %select_n3A_1277 : vector<16xf32>
      %select_n3A_1287 = arith.select %gt3A_1286, %gather3A_1285, %select_n3A_1277 : vector<16xi1>, vector<16xf32>
      %add3A_1288 = arith.constant 3 : i32
      %add3A_1289 = vector.broadcast %add3A_1288 : i32 to vector<16xi32>
      %add3A_1290 = arith.addi %mul3A_1245, %add3A_1289 : vector<16xi32>
      %select_n3A_1291 = arith.select %gt3A_1286, %add3A_1290, %select_n3A_1281 : vector<16xi1>, vector<16xi32>
      %add3A_1292 = arith.constant 2048 : i32
      %add3A_1293 = vector.broadcast %add3A_1292 : i32 to vector<16xi32>
      %add3A_1294 = arith.addi %add3A_1249, %add3A_1293 : vector<16xi32>
      %gather3A_1295 = tpu.vector_load_idx %arg5[%add3A_1294] : memref<32768xf32, #tpu.memory_space<vmem>>[vector<16xi32>], vector<16xf32>,
      %gt3A_1296 = arith.cmpf ogt, %gather3A_1295, %select_n3A_1287 : vector<16xf32>
      %select_n3A_1297 = arith.select %gt3A_1296, %gather3A_1295, %select_n3A_1287 : vector<16xi1>, vector<16xf32>
      %add3A_1298 = arith.constant 4 : i32
      %add3A_1299 = vector.broadcast %add3A_1298 : i32 to vector<16xi32>
      %add3A_1300 = arith.addi %mul3A_1245, %add3A_1299 : vector<16xi32>
      %select_n3A_1301 = arith.select %gt3A_1296, %add3A_1300, %select_n3A_1291 : vector<16xi1>, vector<16xi32>
      %add3A_1302 = arith.constant 2560 : i32
      %add3A_1303 = vector.broadcast %add3A_1302 : i32 to vector<16xi32>
      %add3A_1304 = arith.addi %add3A_1249, %add3A_1303 : vector<16xi32>
      %gather3A_1305 = tpu.vector_load_idx %arg5[%add3A_1304] : memref<32768xf32, #tpu.memory_space<vmem>>[vector<16xi32>], vector<16xf32>,
      %gt3A_1306 = arith.cmpf ogt, %gather3A_1305, %select_n3A_1297 : vector<16xf32>
      %select_n3A_1307 = arith.select %gt3A_1306, %gather3A_1305, %select_n3A_1297 : vector<16xi1>, vector<16xf32>
      %add3A_1308 = arith.constant 5 : i32
      %add3A_1309 = vector.broadcast %add3A_1308 : i32 to vector<16xi32>
      %add3A_1310 = arith.addi %mul3A_1245, %add3A_1309 : vector<16xi32>
      %select_n3A_1311 = arith.select %gt3A_1306, %add3A_1310, %select_n3A_1301 : vector<16xi1>, vector<16xi32>
      %add3A_1312 = arith.constant 3072 : i32
      %add3A_1313 = vector.broadcast %add3A_1312 : i32 to vector<16xi32>
      %add3A_1314 = arith.addi %add3A_1249, %add3A_1313 : vector<16xi32>
      %gather3A_1315 = tpu.vector_load_idx %arg5[%add3A_1314] : memref<32768xf32, #tpu.memory_space<vmem>>[vector<16xi32>], vector<16xf32>,
      %gt3A_1316 = arith.cmpf ogt, %gather3A_1315, %select_n3A_1307 : vector<16xf32>
      %select_n3A_1317 = arith.select %gt3A_1316, %gather3A_1315, %select_n3A_1307 : vector<16xi1>, vector<16xf32>
      %add3A_1318 = arith.constant 6 : i32
      %add3A_1319 = vector.broadcast %add3A_1318 : i32 to vector<16xi32>
      %add3A_1320 = arith.addi %mul3A_1245, %add3A_1319 : vector<16xi32>
      %select_n3A_1321 = arith.select %gt3A_1316, %add3A_1320, %select_n3A_1311 : vector<16xi1>, vector<16xi32>
      %add3A_1322 = arith.constant 3584 : i32
      %add3A_1323 = vector.broadcast %add3A_1322 : i32 to vector<16xi32>
      %add3A_1324 = arith.addi %add3A_1249, %add3A_1323 : vector<16xi32>
      %gather3A_1325 = tpu.vector_load_idx %arg5[%add3A_1324] : memref<32768xf32, #tpu.memory_space<vmem>>[vector<16xi32>], vector<16xf32>,
      %gt3A_1326 = arith.cmpf ogt, %gather3A_1325, %select_n3A_1317 : vector<16xf32>
      %select_n3A_1327 = arith.select %gt3A_1326, %gather3A_1325, %select_n3A_1317 : vector<16xi1>, vector<16xf32>
      %add3A_1328 = arith.constant 7 : i32
      %add3A_1329 = vector.broadcast %add3A_1328 : i32 to vector<16xi32>
      %add3A_1330 = arith.addi %mul3A_1245, %add3A_1329 : vector<16xi32>
      %select_n3A_1331 = arith.select %gt3A_1326, %add3A_1330, %select_n3A_1321 : vector<16xi1>, vector<16xi32>
      %add3A_1332 = arith.constant 4096 : i32
      %add3A_1333 = vector.broadcast %add3A_1332 : i32 to vector<16xi32>
      %add3A_1334 = arith.addi %add3A_1249, %add3A_1333 : vector<16xi32>
      %gather3A_1335 = tpu.vector_load_idx %arg5[%add3A_1334] : memref<32768xf32, #tpu.memory_space<vmem>>[vector<16xi32>], vector<16xf32>,
      %gt3A_1336 = arith.cmpf ogt, %gather3A_1335, %select_n3A_1327 : vector<16xf32>
      %select_n3A_1337 = arith.select %gt3A_1336, %gather3A_1335, %select_n3A_1327 : vector<16xi1>, vector<16xf32>
      %add3A_1338 = arith.constant 8 : i32
      %add3A_1339 = vector.broadcast %add3A_1338 : i32 to vector<16xi32>
      %add3A_1340 = arith.addi %mul3A_1245, %add3A_1339 : vector<16xi32>
      %select_n3A_1341 = arith.select %gt3A_1336, %add3A_1340, %select_n3A_1331 : vector<16xi1>, vector<16xi32>
      %add3A_1342 = arith.constant 4608 : i32
      %add3A_1343 = vector.broadcast %add3A_1342 : i32 to vector<16xi32>
      %add3A_1344 = arith.addi %add3A_1249, %add3A_1343 : vector<16xi32>
      %gather3A_1345 = tpu.vector_load_idx %arg5[%add3A_1344] : memref<32768xf32, #tpu.memory_space<vmem>>[vector<16xi32>], vector<16xf32>,
      %gt3A_1346 = arith.cmpf ogt, %gather3A_1345, %select_n3A_1337 : vector<16xf32>
      %select_n3A_1347 = arith.select %gt3A_1346, %gather3A_1345, %select_n3A_1337 : vector<16xi1>, vector<16xf32>
      %add3A_1348 = arith.constant 9 : i32
      %add3A_1349 = vector.broadcast %add3A_1348 : i32 to vector<16xi32>
      %add3A_1350 = arith.addi %mul3A_1245, %add3A_1349 : vector<16xi32>
      %select_n3A_1351 = arith.select %gt3A_1346, %add3A_1350, %select_n3A_1341 : vector<16xi1>, vector<16xi32>
      %add3A_1352 = arith.constant 5120 : i32
      %add3A_1353 = vector.broadcast %add3A_1352 : i32 to vector<16xi32>
      %add3A_1354 = arith.addi %add3A_1249, %add3A_1353 : vector<16xi32>
      %gather3A_1355 = tpu.vector_load_idx %arg5[%add3A_1354] : memref<32768xf32, #tpu.memory_space<vmem>>[vector<16xi32>], vector<16xf32>,
      %gt3A_1356 = arith.cmpf ogt, %gather3A_1355, %select_n3A_1347 : vector<16xf32>
      %select_n3A_1357 = arith.select %gt3A_1356, %gather3A_1355, %select_n3A_1347 : vector<16xi1>, vector<16xf32>
      %add3A_1358 = arith.constant 10 : i32
      %add3A_1359 = vector.broadcast %add3A_1358 : i32 to vector<16xi32>
      %add3A_1360 = arith.addi %mul3A_1245, %add3A_1359 : vector<16xi32>
      %select_n3A_1361 = arith.select %gt3A_1356, %add3A_1360, %select_n3A_1351 : vector<16xi1>, vector<16xi32>
      %add3A_1362 = arith.constant 5632 : i32
      %add3A_1363 = vector.broadcast %add3A_1362 : i32 to vector<16xi32>
      %add3A_1364 = arith.addi %add3A_1249, %add3A_1363 : vector<16xi32>
      %gather3A_1365 = tpu.vector_load_idx %arg5[%add3A_1364] : memref<32768xf32, #tpu.memory_space<vmem>>[vector<16xi32>], vector<16xf32>,
      %gt3A_1366 = arith.cmpf ogt, %gather3A_1365, %select_n3A_1357 : vector<16xf32>
      %select_n3A_1367 = arith.select %gt3A_1366, %gather3A_1365, %select_n3A_1357 : vector<16xi1>, vector<16xf32>
      %add3A_1368 = arith.constant 11 : i32
      %add3A_1369 = vector.broadcast %add3A_1368 : i32 to vector<16xi32>
      %add3A_1370 = arith.addi %mul3A_1245, %add3A_1369 : vector<16xi32>
      %select_n3A_1371 = arith.select %gt3A_1366, %add3A_1370, %select_n3A_1361 : vector<16xi1>, vector<16xi32>
      %add3A_1372 = arith.constant 6144 : i32
      %add3A_1373 = vector.broadcast %add3A_1372 : i32 to vector<16xi32>
      %add3A_1374 = arith.addi %add3A_1249, %add3A_1373 : vector<16xi32>
      %gather3A_1375 = tpu.vector_load_idx %arg5[%add3A_1374] : memref<32768xf32, #tpu.memory_space<vmem>>[vector<16xi32>], vector<16xf32>,
      %gt3A_1376 = arith.cmpf ogt, %gather3A_1375, %select_n3A_1367 : vector<16xf32>
      %select_n3A_1377 = arith.select %gt3A_1376, %gather3A_1375, %select_n3A_1367 : vector<16xi1>, vector<16xf32>
      %add3A_1378 = arith.constant 12 : i32
      %add3A_1379 = vector.broadcast %add3A_1378 : i32 to vector<16xi32>
      %add3A_1380 = arith.addi %mul3A_1245, %add3A_1379 : vector<16xi32>
      %select_n3A_1381 = arith.select %gt3A_1376, %add3A_1380, %select_n3A_1371 : vector<16xi1>, vector<16xi32>
      %add3A_1382 = arith.constant 6656 : i32
      %add3A_1383 = vector.broadcast %add3A_1382 : i32 to vector<16xi32>
      %add3A_1384 = arith.addi %add3A_1249, %add3A_1383 : vector<16xi32>
      %gather3A_1385 = tpu.vector_load_idx %arg5[%add3A_1384] : memref<32768xf32, #tpu.memory_space<vmem>>[vector<16xi32>], vector<16xf32>,
      %gt3A_1386 = arith.cmpf ogt, %gather3A_1385, %select_n3A_1377 : vector<16xf32>
      %select_n3A_1387 = arith.select %gt3A_1386, %gather3A_1385, %select_n3A_1377 : vector<16xi1>, vector<16xf32>
      %add3A_1388 = arith.constant 13 : i32
      %add3A_1389 = vector.broadcast %add3A_1388 : i32 to vector<16xi32>
      %add3A_1390 = arith.addi %mul3A_1245, %add3A_1389 : vector<16xi32>
      %select_n3A_1391 = arith.select %gt3A_1386, %add3A_1390, %select_n3A_1381 : vector<16xi1>, vector<16xi32>
      %add3A_1392 = arith.constant 7168 : i32
      %add3A_1393 = vector.broadcast %add3A_1392 : i32 to vector<16xi32>
      %add3A_1394 = arith.addi %add3A_1249, %add3A_1393 : vector<16xi32>
      %gather3A_1395 = tpu.vector_load_idx %arg5[%add3A_1394] : memref<32768xf32, #tpu.memory_space<vmem>>[vector<16xi32>], vector<16xf32>,
      %gt3A_1396 = arith.cmpf ogt, %gather3A_1395, %select_n3A_1387 : vector<16xf32>
      %select_n3A_1397 = arith.select %gt3A_1396, %gather3A_1395, %select_n3A_1387 : vector<16xi1>, vector<16xf32>
      %add3A_1398 = arith.constant 14 : i32
      %add3A_1399 = vector.broadcast %add3A_1398 : i32 to vector<16xi32>
      %add3A_1400 = arith.addi %mul3A_1245, %add3A_1399 : vector<16xi32>
      %select_n3A_1401 = arith.select %gt3A_1396, %add3A_1400, %select_n3A_1391 : vector<16xi1>, vector<16xi32>
      %add3A_1402 = arith.constant 7680 : i32
      %add3A_1403 = vector.broadcast %add3A_1402 : i32 to vector<16xi32>
      %add3A_1404 = arith.addi %add3A_1249, %add3A_1403 : vector<16xi32>
      %gather3A_1405 = tpu.vector_load_idx %arg5[%add3A_1404] : memref<32768xf32, #tpu.memory_space<vmem>>[vector<16xi32>], vector<16xf32>,
      %gt3A_1406 = arith.cmpf ogt, %gather3A_1405, %select_n3A_1397 : vector<16xf32>
      %select_n3A_1407 = arith.select %gt3A_1406, %gather3A_1405, %select_n3A_1397 : vector<16xi1>, vector<16xf32>
      %add3A_1408 = arith.constant 15 : i32
      %add3A_1409 = vector.broadcast %add3A_1408 : i32 to vector<16xi32>
      %add3A_1410 = arith.addi %mul3A_1245, %add3A_1409 : vector<16xi32>
      %select_n3A_1411 = arith.select %gt3A_1406, %add3A_1410, %select_n3A_1401 : vector<16xi1>, vector<16xi32>
      %eq3A_1412 = arith.constant 0 : i32
      %eq3A_1413 = vector.broadcast %eq3A_1412 : i32 to vector<16xi32>
      %eq3A_1414 = arith.cmpi eq, %shift_right_logical3A_1242, %eq3A_1413 : vector<16xi32>
      %select_n3A_1415 = arith.select %eq3A_1414, %select_n3A_1407, %select_n3A_1210 : vector<16xi1>, vector<16xf32>
      %select_n3A_1416 = arith.select %eq3A_1414, %select_n3A_1411, %select_n3A_1211 : vector<16xi1>, vector<16xi32>
      %eq3A_1417 = arith.constant 1 : i32
      %eq3A_1418 = vector.broadcast %eq3A_1417 : i32 to vector<16xi32>
      %eq3A_1419 = arith.cmpi eq, %shift_right_logical3A_1242, %eq3A_1418 : vector<16xi32>
      %select_n3A_1420 = arith.select %eq3A_1419, %select_n3A_1407, %select_n3A_1215 : vector<16xi1>, vector<16xf32>
      %select_n3A_1421 = arith.select %eq3A_1419, %select_n3A_1411, %select_n3A_1216 : vector<16xi1>, vector<16xi32>
      %eq3A_1422 = arith.constant 2 : i32
      %eq3A_1423 = vector.broadcast %eq3A_1422 : i32 to vector<16xi32>
      %eq3A_1424 = arith.cmpi eq, %shift_right_logical3A_1242, %eq3A_1423 : vector<16xi32>
      %select_n3A_1425 = arith.select %eq3A_1424, %select_n3A_1407, %select_n3A_1220 : vector<16xi1>, vector<16xf32>
      %select_n3A_1426 = arith.select %eq3A_1424, %select_n3A_1411, %select_n3A_1221 : vector<16xi1>, vector<16xi32>
      %eq3A_1427 = arith.constant 3 : i32
      %eq3A_1428 = vector.broadcast %eq3A_1427 : i32 to vector<16xi32>
      %eq3A_1429 = arith.cmpi eq, %shift_right_logical3A_1242, %eq3A_1428 : vector<16xi32>
      %select_n3A_1430 = arith.select %eq3A_1429, %select_n3A_1407, %select_n3A_1225 : vector<16xi1>, vector<16xf32>
      %select_n3A_1431 = arith.select %eq3A_1429, %select_n3A_1411, %select_n3A_1226 : vector<16xi1>, vector<16xi32>
      %gt3A_1432 = arith.cmpf ogt, %select_n3A_1420, %select_n3A_1415 : vector<16xf32>
      %select_n3A_1433 = arith.select %gt3A_1432, %select_n3A_1420, %select_n3A_1415 : vector<16xi1>, vector<16xf32>
      %select_n3A_1434 = arith.select %gt3A_1432, %select_n3A_1421, %select_n3A_1416 : vector<16xi1>, vector<16xi32>
      %gt3A_1435 = arith.cmpf ogt, %select_n3A_1430, %select_n3A_1425 : vector<16xf32>
      %select_n3A_1436 = arith.select %gt3A_1435, %select_n3A_1430, %select_n3A_1425 : vector<16xi1>, vector<16xf32>
      %select_n3A_1437 = arith.select %gt3A_1435, %select_n3A_1431, %select_n3A_1426 : vector<16xi1>, vector<16xi32>
      %gt3A_1438 = arith.cmpf ogt, %select_n3A_1436, %select_n3A_1433 : vector<16xf32>
      %select_n3A_1439 = arith.select %gt3A_1438, %select_n3A_1436, %select_n3A_1433 : vector<16xi1>, vector<16xf32>
      %select_n3A_1440 = arith.select %gt3A_1438, %select_n3A_1437, %select_n3A_1434 : vector<16xi1>, vector<16xi32>
      %mul3A_1441 = arith.constant 512 : i32
      %mul3A_1442 = vector.broadcast %mul3A_1441 : i32 to vector<16xi32>
      %mul3A_1443 = arith.muli %select_n3A_1440, %mul3A_1442 : vector<16xi32>
      %add3A_1444 = arith.addi %mul3A_1443, %add3A_34 : vector<16xi32>
      tpu.vector_store_idx %arg5[%add3A_1444], %broadcast_in_dim3A_1 : memref<32768xf32, #tpu.memory_space<vmem>>[vector<16xi32>], vector<16xf32>,
      %shift_right_logical3A_1445 = arith.constant 4 : i32
      %shift_right_logical3A_1446 = vector.broadcast %shift_right_logical3A_1445 : i32 to vector<16xi32>
      %shift_right_logical3A_1447 = arith.shrui %select_n3A_1440, %shift_right_logical3A_1446 : vector<16xi32>
      %mul3A_1448 = arith.constant 16 : i32
      %mul3A_1449 = vector.broadcast %mul3A_1448 : i32 to vector<16xi32>
      %mul3A_1450 = arith.muli %shift_right_logical3A_1447, %mul3A_1449 : vector<16xi32>
      %mul3A_1451 = arith.constant 512 : i32
      %mul3A_1452 = vector.broadcast %mul3A_1451 : i32 to vector<16xi32>
      %mul3A_1453 = arith.muli %mul3A_1450, %mul3A_1452 : vector<16xi32>
      %add3A_1454 = arith.addi %mul3A_1453, %add3A_34 : vector<16xi32>
      %broadcast_in_dim3A_1455 = arith.constant 0 : i32
      %broadcast_in_dim3A_1456 = vector.broadcast %broadcast_in_dim3A_1455 : i32 to vector<16xi32>
      %add3A_1457 = arith.constant 0 : i32
      %add3A_1458 = vector.broadcast %add3A_1457 : i32 to vector<16xi32>
      %add3A_1459 = arith.addi %add3A_1454, %add3A_1458 : vector<16xi32>
      %gather3A_1460 = tpu.vector_load_idx %arg5[%add3A_1459] : memref<32768xf32, #tpu.memory_space<vmem>>[vector<16xi32>], vector<16xf32>,
      %gt3A_1461 = arith.cmpf ogt, %gather3A_1460, %broadcast_in_dim3A_1 : vector<16xf32>
      %select_n3A_1462 = arith.select %gt3A_1461, %gather3A_1460, %broadcast_in_dim3A_1 : vector<16xi1>, vector<16xf32>
      %add3A_1463 = arith.constant 0 : i32
      %add3A_1464 = vector.broadcast %add3A_1463 : i32 to vector<16xi32>
      %add3A_1465 = arith.addi %mul3A_1450, %add3A_1464 : vector<16xi32>
      %select_n3A_1466 = arith.select %gt3A_1461, %add3A_1465, %broadcast_in_dim3A_1456 : vector<16xi1>, vector<16xi32>
      %add3A_1467 = arith.constant 512 : i32
      %add3A_1468 = vector.broadcast %add3A_1467 : i32 to vector<16xi32>
      %add3A_1469 = arith.addi %add3A_1454, %add3A_1468 : vector<16xi32>
      %gather3A_1470 = tpu.vector_load_idx %arg5[%add3A_1469] : memref<32768xf32, #tpu.memory_space<vmem>>[vector<16xi32>], vector<16xf32>,
      %gt3A_1471 = arith.cmpf ogt, %gather3A_1470, %select_n3A_1462 : vector<16xf32>
      %select_n3A_1472 = arith.select %gt3A_1471, %gather3A_1470, %select_n3A_1462 : vector<16xi1>, vector<16xf32>
      %add3A_1473 = arith.constant 1 : i32
      %add3A_1474 = vector.broadcast %add3A_1473 : i32 to vector<16xi32>
      %add3A_1475 = arith.addi %mul3A_1450, %add3A_1474 : vector<16xi32>
      %select_n3A_1476 = arith.select %gt3A_1471, %add3A_1475, %select_n3A_1466 : vector<16xi1>, vector<16xi32>
      %add3A_1477 = arith.constant 1024 : i32
      %add3A_1478 = vector.broadcast %add3A_1477 : i32 to vector<16xi32>
      %add3A_1479 = arith.addi %add3A_1454, %add3A_1478 : vector<16xi32>
      %gather3A_1480 = tpu.vector_load_idx %arg5[%add3A_1479] : memref<32768xf32, #tpu.memory_space<vmem>>[vector<16xi32>], vector<16xf32>,
      %gt3A_1481 = arith.cmpf ogt, %gather3A_1480, %select_n3A_1472 : vector<16xf32>
      %select_n3A_1482 = arith.select %gt3A_1481, %gather3A_1480, %select_n3A_1472 : vector<16xi1>, vector<16xf32>
      %add3A_1483 = arith.constant 2 : i32
      %add3A_1484 = vector.broadcast %add3A_1483 : i32 to vector<16xi32>
      %add3A_1485 = arith.addi %mul3A_1450, %add3A_1484 : vector<16xi32>
      %select_n3A_1486 = arith.select %gt3A_1481, %add3A_1485, %select_n3A_1476 : vector<16xi1>, vector<16xi32>
      %add3A_1487 = arith.constant 1536 : i32
      %add3A_1488 = vector.broadcast %add3A_1487 : i32 to vector<16xi32>
      %add3A_1489 = arith.addi %add3A_1454, %add3A_1488 : vector<16xi32>
      %gather3A_1490 = tpu.vector_load_idx %arg5[%add3A_1489] : memref<32768xf32, #tpu.memory_space<vmem>>[vector<16xi32>], vector<16xf32>,
      %gt3A_1491 = arith.cmpf ogt, %gather3A_1490, %select_n3A_1482 : vector<16xf32>
      %select_n3A_1492 = arith.select %gt3A_1491, %gather3A_1490, %select_n3A_1482 : vector<16xi1>, vector<16xf32>
      %add3A_1493 = arith.constant 3 : i32
      %add3A_1494 = vector.broadcast %add3A_1493 : i32 to vector<16xi32>
      %add3A_1495 = arith.addi %mul3A_1450, %add3A_1494 : vector<16xi32>
      %select_n3A_1496 = arith.select %gt3A_1491, %add3A_1495, %select_n3A_1486 : vector<16xi1>, vector<16xi32>
      %add3A_1497 = arith.constant 2048 : i32
      %add3A_1498 = vector.broadcast %add3A_1497 : i32 to vector<16xi32>
      %add3A_1499 = arith.addi %add3A_1454, %add3A_1498 : vector<16xi32>
      %gather3A_1500 = tpu.vector_load_idx %arg5[%add3A_1499] : memref<32768xf32, #tpu.memory_space<vmem>>[vector<16xi32>], vector<16xf32>,
      %gt3A_1501 = arith.cmpf ogt, %gather3A_1500, %select_n3A_1492 : vector<16xf32>
      %select_n3A_1502 = arith.select %gt3A_1501, %gather3A_1500, %select_n3A_1492 : vector<16xi1>, vector<16xf32>
      %add3A_1503 = arith.constant 4 : i32
      %add3A_1504 = vector.broadcast %add3A_1503 : i32 to vector<16xi32>
      %add3A_1505 = arith.addi %mul3A_1450, %add3A_1504 : vector<16xi32>
      %select_n3A_1506 = arith.select %gt3A_1501, %add3A_1505, %select_n3A_1496 : vector<16xi1>, vector<16xi32>
      %add3A_1507 = arith.constant 2560 : i32
      %add3A_1508 = vector.broadcast %add3A_1507 : i32 to vector<16xi32>
      %add3A_1509 = arith.addi %add3A_1454, %add3A_1508 : vector<16xi32>
      %gather3A_1510 = tpu.vector_load_idx %arg5[%add3A_1509] : memref<32768xf32, #tpu.memory_space<vmem>>[vector<16xi32>], vector<16xf32>,
      %gt3A_1511 = arith.cmpf ogt, %gather3A_1510, %select_n3A_1502 : vector<16xf32>
      %select_n3A_1512 = arith.select %gt3A_1511, %gather3A_1510, %select_n3A_1502 : vector<16xi1>, vector<16xf32>
      %add3A_1513 = arith.constant 5 : i32
      %add3A_1514 = vector.broadcast %add3A_1513 : i32 to vector<16xi32>
      %add3A_1515 = arith.addi %mul3A_1450, %add3A_1514 : vector<16xi32>
      %select_n3A_1516 = arith.select %gt3A_1511, %add3A_1515, %select_n3A_1506 : vector<16xi1>, vector<16xi32>
      %add3A_1517 = arith.constant 3072 : i32
      %add3A_1518 = vector.broadcast %add3A_1517 : i32 to vector<16xi32>
      %add3A_1519 = arith.addi %add3A_1454, %add3A_1518 : vector<16xi32>
      %gather3A_1520 = tpu.vector_load_idx %arg5[%add3A_1519] : memref<32768xf32, #tpu.memory_space<vmem>>[vector<16xi32>], vector<16xf32>,
      %gt3A_1521 = arith.cmpf ogt, %gather3A_1520, %select_n3A_1512 : vector<16xf32>
      %select_n3A_1522 = arith.select %gt3A_1521, %gather3A_1520, %select_n3A_1512 : vector<16xi1>, vector<16xf32>
      %add3A_1523 = arith.constant 6 : i32
      %add3A_1524 = vector.broadcast %add3A_1523 : i32 to vector<16xi32>
      %add3A_1525 = arith.addi %mul3A_1450, %add3A_1524 : vector<16xi32>
      %select_n3A_1526 = arith.select %gt3A_1521, %add3A_1525, %select_n3A_1516 : vector<16xi1>, vector<16xi32>
      %add3A_1527 = arith.constant 3584 : i32
      %add3A_1528 = vector.broadcast %add3A_1527 : i32 to vector<16xi32>
      %add3A_1529 = arith.addi %add3A_1454, %add3A_1528 : vector<16xi32>
      %gather3A_1530 = tpu.vector_load_idx %arg5[%add3A_1529] : memref<32768xf32, #tpu.memory_space<vmem>>[vector<16xi32>], vector<16xf32>,
      %gt3A_1531 = arith.cmpf ogt, %gather3A_1530, %select_n3A_1522 : vector<16xf32>
      %select_n3A_1532 = arith.select %gt3A_1531, %gather3A_1530, %select_n3A_1522 : vector<16xi1>, vector<16xf32>
      %add3A_1533 = arith.constant 7 : i32
      %add3A_1534 = vector.broadcast %add3A_1533 : i32 to vector<16xi32>
      %add3A_1535 = arith.addi %mul3A_1450, %add3A_1534 : vector<16xi32>
      %select_n3A_1536 = arith.select %gt3A_1531, %add3A_1535, %select_n3A_1526 : vector<16xi1>, vector<16xi32>
      %add3A_1537 = arith.constant 4096 : i32
      %add3A_1538 = vector.broadcast %add3A_1537 : i32 to vector<16xi32>
      %add3A_1539 = arith.addi %add3A_1454, %add3A_1538 : vector<16xi32>
      %gather3A_1540 = tpu.vector_load_idx %arg5[%add3A_1539] : memref<32768xf32, #tpu.memory_space<vmem>>[vector<16xi32>], vector<16xf32>,
      %gt3A_1541 = arith.cmpf ogt, %gather3A_1540, %select_n3A_1532 : vector<16xf32>
      %select_n3A_1542 = arith.select %gt3A_1541, %gather3A_1540, %select_n3A_1532 : vector<16xi1>, vector<16xf32>
      %add3A_1543 = arith.constant 8 : i32
      %add3A_1544 = vector.broadcast %add3A_1543 : i32 to vector<16xi32>
      %add3A_1545 = arith.addi %mul3A_1450, %add3A_1544 : vector<16xi32>
      %select_n3A_1546 = arith.select %gt3A_1541, %add3A_1545, %select_n3A_1536 : vector<16xi1>, vector<16xi32>
      %add3A_1547 = arith.constant 4608 : i32
      %add3A_1548 = vector.broadcast %add3A_1547 : i32 to vector<16xi32>
      %add3A_1549 = arith.addi %add3A_1454, %add3A_1548 : vector<16xi32>
      %gather3A_1550 = tpu.vector_load_idx %arg5[%add3A_1549] : memref<32768xf32, #tpu.memory_space<vmem>>[vector<16xi32>], vector<16xf32>,
      %gt3A_1551 = arith.cmpf ogt, %gather3A_1550, %select_n3A_1542 : vector<16xf32>
      %select_n3A_1552 = arith.select %gt3A_1551, %gather3A_1550, %select_n3A_1542 : vector<16xi1>, vector<16xf32>
      %add3A_1553 = arith.constant 9 : i32
      %add3A_1554 = vector.broadcast %add3A_1553 : i32 to vector<16xi32>
      %add3A_1555 = arith.addi %mul3A_1450, %add3A_1554 : vector<16xi32>
      %select_n3A_1556 = arith.select %gt3A_1551, %add3A_1555, %select_n3A_1546 : vector<16xi1>, vector<16xi32>
      %add3A_1557 = arith.constant 5120 : i32
      %add3A_1558 = vector.broadcast %add3A_1557 : i32 to vector<16xi32>
      %add3A_1559 = arith.addi %add3A_1454, %add3A_1558 : vector<16xi32>
      %gather3A_1560 = tpu.vector_load_idx %arg5[%add3A_1559] : memref<32768xf32, #tpu.memory_space<vmem>>[vector<16xi32>], vector<16xf32>,
      %gt3A_1561 = arith.cmpf ogt, %gather3A_1560, %select_n3A_1552 : vector<16xf32>
      %select_n3A_1562 = arith.select %gt3A_1561, %gather3A_1560, %select_n3A_1552 : vector<16xi1>, vector<16xf32>
      %add3A_1563 = arith.constant 10 : i32
      %add3A_1564 = vector.broadcast %add3A_1563 : i32 to vector<16xi32>
      %add3A_1565 = arith.addi %mul3A_1450, %add3A_1564 : vector<16xi32>
      %select_n3A_1566 = arith.select %gt3A_1561, %add3A_1565, %select_n3A_1556 : vector<16xi1>, vector<16xi32>
      %add3A_1567 = arith.constant 5632 : i32
      %add3A_1568 = vector.broadcast %add3A_1567 : i32 to vector<16xi32>
      %add3A_1569 = arith.addi %add3A_1454, %add3A_1568 : vector<16xi32>
      %gather3A_1570 = tpu.vector_load_idx %arg5[%add3A_1569] : memref<32768xf32, #tpu.memory_space<vmem>>[vector<16xi32>], vector<16xf32>,
      %gt3A_1571 = arith.cmpf ogt, %gather3A_1570, %select_n3A_1562 : vector<16xf32>
      %select_n3A_1572 = arith.select %gt3A_1571, %gather3A_1570, %select_n3A_1562 : vector<16xi1>, vector<16xf32>
      %add3A_1573 = arith.constant 11 : i32
      %add3A_1574 = vector.broadcast %add3A_1573 : i32 to vector<16xi32>
      %add3A_1575 = arith.addi %mul3A_1450, %add3A_1574 : vector<16xi32>
      %select_n3A_1576 = arith.select %gt3A_1571, %add3A_1575, %select_n3A_1566 : vector<16xi1>, vector<16xi32>
      %add3A_1577 = arith.constant 6144 : i32
      %add3A_1578 = vector.broadcast %add3A_1577 : i32 to vector<16xi32>
      %add3A_1579 = arith.addi %add3A_1454, %add3A_1578 : vector<16xi32>
      %gather3A_1580 = tpu.vector_load_idx %arg5[%add3A_1579] : memref<32768xf32, #tpu.memory_space<vmem>>[vector<16xi32>], vector<16xf32>,
      %gt3A_1581 = arith.cmpf ogt, %gather3A_1580, %select_n3A_1572 : vector<16xf32>
      %select_n3A_1582 = arith.select %gt3A_1581, %gather3A_1580, %select_n3A_1572 : vector<16xi1>, vector<16xf32>
      %add3A_1583 = arith.constant 12 : i32
      %add3A_1584 = vector.broadcast %add3A_1583 : i32 to vector<16xi32>
      %add3A_1585 = arith.addi %mul3A_1450, %add3A_1584 : vector<16xi32>
      %select_n3A_1586 = arith.select %gt3A_1581, %add3A_1585, %select_n3A_1576 : vector<16xi1>, vector<16xi32>
      %add3A_1587 = arith.constant 6656 : i32
      %add3A_1588 = vector.broadcast %add3A_1587 : i32 to vector<16xi32>
      %add3A_1589 = arith.addi %add3A_1454, %add3A_1588 : vector<16xi32>
      %gather3A_1590 = tpu.vector_load_idx %arg5[%add3A_1589] : memref<32768xf32, #tpu.memory_space<vmem>>[vector<16xi32>], vector<16xf32>,
      %gt3A_1591 = arith.cmpf ogt, %gather3A_1590, %select_n3A_1582 : vector<16xf32>
      %select_n3A_1592 = arith.select %gt3A_1591, %gather3A_1590, %select_n3A_1582 : vector<16xi1>, vector<16xf32>
      %add3A_1593 = arith.constant 13 : i32
      %add3A_1594 = vector.broadcast %add3A_1593 : i32 to vector<16xi32>
      %add3A_1595 = arith.addi %mul3A_1450, %add3A_1594 : vector<16xi32>
      %select_n3A_1596 = arith.select %gt3A_1591, %add3A_1595, %select_n3A_1586 : vector<16xi1>, vector<16xi32>
      %add3A_1597 = arith.constant 7168 : i32
      %add3A_1598 = vector.broadcast %add3A_1597 : i32 to vector<16xi32>
      %add3A_1599 = arith.addi %add3A_1454, %add3A_1598 : vector<16xi32>
      %gather3A_1600 = tpu.vector_load_idx %arg5[%add3A_1599] : memref<32768xf32, #tpu.memory_space<vmem>>[vector<16xi32>], vector<16xf32>,
      %gt3A_1601 = arith.cmpf ogt, %gather3A_1600, %select_n3A_1592 : vector<16xf32>
      %select_n3A_1602 = arith.select %gt3A_1601, %gather3A_1600, %select_n3A_1592 : vector<16xi1>, vector<16xf32>
      %add3A_1603 = arith.constant 14 : i32
      %add3A_1604 = vector.broadcast %add3A_1603 : i32 to vector<16xi32>
      %add3A_1605 = arith.addi %mul3A_1450, %add3A_1604 : vector<16xi32>
      %select_n3A_1606 = arith.select %gt3A_1601, %add3A_1605, %select_n3A_1596 : vector<16xi1>, vector<16xi32>
      %add3A_1607 = arith.constant 7680 : i32
      %add3A_1608 = vector.broadcast %add3A_1607 : i32 to vector<16xi32>
      %add3A_1609 = arith.addi %add3A_1454, %add3A_1608 : vector<16xi32>
      %gather3A_1610 = tpu.vector_load_idx %arg5[%add3A_1609] : memref<32768xf32, #tpu.memory_space<vmem>>[vector<16xi32>], vector<16xf32>,
      %gt3A_1611 = arith.cmpf ogt, %gather3A_1610, %select_n3A_1602 : vector<16xf32>
      %select_n3A_1612 = arith.select %gt3A_1611, %gather3A_1610, %select_n3A_1602 : vector<16xi1>, vector<16xf32>
      %add3A_1613 = arith.constant 15 : i32
      %add3A_1614 = vector.broadcast %add3A_1613 : i32 to vector<16xi32>
      %add3A_1615 = arith.addi %mul3A_1450, %add3A_1614 : vector<16xi32>
      %select_n3A_1616 = arith.select %gt3A_1611, %add3A_1615, %select_n3A_1606 : vector<16xi1>, vector<16xi32>
      %eq3A_1617 = arith.constant 0 : i32
      %eq3A_1618 = vector.broadcast %eq3A_1617 : i32 to vector<16xi32>
      %eq3A_1619 = arith.cmpi eq, %shift_right_logical3A_1447, %eq3A_1618 : vector<16xi32>
      %select_n3A_1620 = arith.select %eq3A_1619, %select_n3A_1612, %select_n3A_1415 : vector<16xi1>, vector<16xf32>
      %select_n3A_1621 = arith.select %eq3A_1619, %select_n3A_1616, %select_n3A_1416 : vector<16xi1>, vector<16xi32>
      %eq3A_1622 = arith.constant 1 : i32
      %eq3A_1623 = vector.broadcast %eq3A_1622 : i32 to vector<16xi32>
      %eq3A_1624 = arith.cmpi eq, %shift_right_logical3A_1447, %eq3A_1623 : vector<16xi32>
      %select_n3A_1625 = arith.select %eq3A_1624, %select_n3A_1612, %select_n3A_1420 : vector<16xi1>, vector<16xf32>
      %select_n3A_1626 = arith.select %eq3A_1624, %select_n3A_1616, %select_n3A_1421 : vector<16xi1>, vector<16xi32>
      %eq3A_1627 = arith.constant 2 : i32
      %eq3A_1628 = vector.broadcast %eq3A_1627 : i32 to vector<16xi32>
      %eq3A_1629 = arith.cmpi eq, %shift_right_logical3A_1447, %eq3A_1628 : vector<16xi32>
      %select_n3A_1630 = arith.select %eq3A_1629, %select_n3A_1612, %select_n3A_1425 : vector<16xi1>, vector<16xf32>
      %select_n3A_1631 = arith.select %eq3A_1629, %select_n3A_1616, %select_n3A_1426 : vector<16xi1>, vector<16xi32>
      %eq3A_1632 = arith.constant 3 : i32
      %eq3A_1633 = vector.broadcast %eq3A_1632 : i32 to vector<16xi32>
      %eq3A_1634 = arith.cmpi eq, %shift_right_logical3A_1447, %eq3A_1633 : vector<16xi32>
      %select_n3A_1635 = arith.select %eq3A_1634, %select_n3A_1612, %select_n3A_1430 : vector<16xi1>, vector<16xf32>
      %select_n3A_1636 = arith.select %eq3A_1634, %select_n3A_1616, %select_n3A_1431 : vector<16xi1>, vector<16xi32>
      %gt3A_1637 = arith.cmpf ogt, %select_n3A_1625, %select_n3A_1620 : vector<16xf32>
      %select_n3A_1638 = arith.select %gt3A_1637, %select_n3A_1625, %select_n3A_1620 : vector<16xi1>, vector<16xf32>
      %select_n3A_1639 = arith.select %gt3A_1637, %select_n3A_1626, %select_n3A_1621 : vector<16xi1>, vector<16xi32>
      %gt3A_1640 = arith.cmpf ogt, %select_n3A_1635, %select_n3A_1630 : vector<16xf32>
      %select_n3A_1641 = arith.select %gt3A_1640, %select_n3A_1635, %select_n3A_1630 : vector<16xi1>, vector<16xf32>
      %select_n3A_1642 = arith.select %gt3A_1640, %select_n3A_1636, %select_n3A_1631 : vector<16xi1>, vector<16xi32>
      %gt3A_1643 = arith.cmpf ogt, %select_n3A_1641, %select_n3A_1638 : vector<16xf32>
      %select_n3A_1644 = arith.select %gt3A_1643, %select_n3A_1641, %select_n3A_1638 : vector<16xi1>, vector<16xf32>
      %select_n3A_1645 = arith.select %gt3A_1643, %select_n3A_1642, %select_n3A_1639 : vector<16xi1>, vector<16xi32>
      %mul3A_1646 = arith.constant 512 : i32
      %mul3A_1647 = vector.broadcast %mul3A_1646 : i32 to vector<16xi32>
      %mul3A_1648 = arith.muli %select_n3A_1645, %mul3A_1647 : vector<16xi32>
      %add3A_1649 = arith.addi %mul3A_1648, %add3A_34 : vector<16xi32>
      tpu.vector_store_idx %arg5[%add3A_1649], %broadcast_in_dim3A_1 : memref<32768xf32, #tpu.memory_space<vmem>>[vector<16xi32>], vector<16xf32>,
      %shift_right_logical3A_1650 = arith.constant 4 : i32
      %shift_right_logical3A_1651 = vector.broadcast %shift_right_logical3A_1650 : i32 to vector<16xi32>
      %shift_right_logical3A_1652 = arith.shrui %select_n3A_1645, %shift_right_logical3A_1651 : vector<16xi32>
      %mul3A_1653 = arith.constant 16 : i32
      %mul3A_1654 = vector.broadcast %mul3A_1653 : i32 to vector<16xi32>
      %mul3A_1655 = arith.muli %shift_right_logical3A_1652, %mul3A_1654 : vector<16xi32>
      %mul3A_1656 = arith.constant 512 : i32
      %mul3A_1657 = vector.broadcast %mul3A_1656 : i32 to vector<16xi32>
      %mul3A_1658 = arith.muli %mul3A_1655, %mul3A_1657 : vector<16xi32>
      %add3A_1659 = arith.addi %mul3A_1658, %add3A_34 : vector<16xi32>
      %broadcast_in_dim3A_1660 = arith.constant 0 : i32
      %broadcast_in_dim3A_1661 = vector.broadcast %broadcast_in_dim3A_1660 : i32 to vector<16xi32>
      %add3A_1662 = arith.constant 0 : i32
      %add3A_1663 = vector.broadcast %add3A_1662 : i32 to vector<16xi32>
      %add3A_1664 = arith.addi %add3A_1659, %add3A_1663 : vector<16xi32>
      %gather3A_1665 = tpu.vector_load_idx %arg5[%add3A_1664] : memref<32768xf32, #tpu.memory_space<vmem>>[vector<16xi32>], vector<16xf32>,
      %gt3A_1666 = arith.cmpf ogt, %gather3A_1665, %broadcast_in_dim3A_1 : vector<16xf32>
      %select_n3A_1667 = arith.select %gt3A_1666, %gather3A_1665, %broadcast_in_dim3A_1 : vector<16xi1>, vector<16xf32>
      %add3A_1668 = arith.constant 0 : i32
      %add3A_1669 = vector.broadcast %add3A_1668 : i32 to vector<16xi32>
      %add3A_1670 = arith.addi %mul3A_1655, %add3A_1669 : vector<16xi32>
      %select_n3A_1671 = arith.select %gt3A_1666, %add3A_1670, %broadcast_in_dim3A_1661 : vector<16xi1>, vector<16xi32>
      %add3A_1672 = arith.constant 512 : i32
      %add3A_1673 = vector.broadcast %add3A_1672 : i32 to vector<16xi32>
      %add3A_1674 = arith.addi %add3A_1659, %add3A_1673 : vector<16xi32>
      %gather3A_1675 = tpu.vector_load_idx %arg5[%add3A_1674] : memref<32768xf32, #tpu.memory_space<vmem>>[vector<16xi32>], vector<16xf32>,
      %gt3A_1676 = arith.cmpf ogt, %gather3A_1675, %select_n3A_1667 : vector<16xf32>
      %select_n3A_1677 = arith.select %gt3A_1676, %gather3A_1675, %select_n3A_1667 : vector<16xi1>, vector<16xf32>
      %add3A_1678 = arith.constant 1 : i32
      %add3A_1679 = vector.broadcast %add3A_1678 : i32 to vector<16xi32>
      %add3A_1680 = arith.addi %mul3A_1655, %add3A_1679 : vector<16xi32>
      %select_n3A_1681 = arith.select %gt3A_1676, %add3A_1680, %select_n3A_1671 : vector<16xi1>, vector<16xi32>
      %add3A_1682 = arith.constant 1024 : i32
      %add3A_1683 = vector.broadcast %add3A_1682 : i32 to vector<16xi32>
      %add3A_1684 = arith.addi %add3A_1659, %add3A_1683 : vector<16xi32>
      %gather3A_1685 = tpu.vector_load_idx %arg5[%add3A_1684] : memref<32768xf32, #tpu.memory_space<vmem>>[vector<16xi32>], vector<16xf32>,
      %gt3A_1686 = arith.cmpf ogt, %gather3A_1685, %select_n3A_1677 : vector<16xf32>
      %select_n3A_1687 = arith.select %gt3A_1686, %gather3A_1685, %select_n3A_1677 : vector<16xi1>, vector<16xf32>
      %add3A_1688 = arith.constant 2 : i32
      %add3A_1689 = vector.broadcast %add3A_1688 : i32 to vector<16xi32>
      %add3A_1690 = arith.addi %mul3A_1655, %add3A_1689 : vector<16xi32>
      %select_n3A_1691 = arith.select %gt3A_1686, %add3A_1690, %select_n3A_1681 : vector<16xi1>, vector<16xi32>
      %add3A_1692 = arith.constant 1536 : i32
      %add3A_1693 = vector.broadcast %add3A_1692 : i32 to vector<16xi32>
      %add3A_1694 = arith.addi %add3A_1659, %add3A_1693 : vector<16xi32>
      %gather3A_1695 = tpu.vector_load_idx %arg5[%add3A_1694] : memref<32768xf32, #tpu.memory_space<vmem>>[vector<16xi32>], vector<16xf32>,
      %gt3A_1696 = arith.cmpf ogt, %gather3A_1695, %select_n3A_1687 : vector<16xf32>
      %select_n3A_1697 = arith.select %gt3A_1696, %gather3A_1695, %select_n3A_1687 : vector<16xi1>, vector<16xf32>
      %add3A_1698 = arith.constant 3 : i32
      %add3A_1699 = vector.broadcast %add3A_1698 : i32 to vector<16xi32>
      %add3A_1700 = arith.addi %mul3A_1655, %add3A_1699 : vector<16xi32>
      %select_n3A_1701 = arith.select %gt3A_1696, %add3A_1700, %select_n3A_1691 : vector<16xi1>, vector<16xi32>
      %add3A_1702 = arith.constant 2048 : i32
      %add3A_1703 = vector.broadcast %add3A_1702 : i32 to vector<16xi32>
      %add3A_1704 = arith.addi %add3A_1659, %add3A_1703 : vector<16xi32>
      %gather3A_1705 = tpu.vector_load_idx %arg5[%add3A_1704] : memref<32768xf32, #tpu.memory_space<vmem>>[vector<16xi32>], vector<16xf32>,
      %gt3A_1706 = arith.cmpf ogt, %gather3A_1705, %select_n3A_1697 : vector<16xf32>
      %select_n3A_1707 = arith.select %gt3A_1706, %gather3A_1705, %select_n3A_1697 : vector<16xi1>, vector<16xf32>
      %add3A_1708 = arith.constant 4 : i32
      %add3A_1709 = vector.broadcast %add3A_1708 : i32 to vector<16xi32>
      %add3A_1710 = arith.addi %mul3A_1655, %add3A_1709 : vector<16xi32>
      %select_n3A_1711 = arith.select %gt3A_1706, %add3A_1710, %select_n3A_1701 : vector<16xi1>, vector<16xi32>
      %add3A_1712 = arith.constant 2560 : i32
      %add3A_1713 = vector.broadcast %add3A_1712 : i32 to vector<16xi32>
      %add3A_1714 = arith.addi %add3A_1659, %add3A_1713 : vector<16xi32>
      %gather3A_1715 = tpu.vector_load_idx %arg5[%add3A_1714] : memref<32768xf32, #tpu.memory_space<vmem>>[vector<16xi32>], vector<16xf32>,
      %gt3A_1716 = arith.cmpf ogt, %gather3A_1715, %select_n3A_1707 : vector<16xf32>
      %select_n3A_1717 = arith.select %gt3A_1716, %gather3A_1715, %select_n3A_1707 : vector<16xi1>, vector<16xf32>
      %add3A_1718 = arith.constant 5 : i32
      %add3A_1719 = vector.broadcast %add3A_1718 : i32 to vector<16xi32>
      %add3A_1720 = arith.addi %mul3A_1655, %add3A_1719 : vector<16xi32>
      %select_n3A_1721 = arith.select %gt3A_1716, %add3A_1720, %select_n3A_1711 : vector<16xi1>, vector<16xi32>
      %add3A_1722 = arith.constant 3072 : i32
      %add3A_1723 = vector.broadcast %add3A_1722 : i32 to vector<16xi32>
      %add3A_1724 = arith.addi %add3A_1659, %add3A_1723 : vector<16xi32>
      %gather3A_1725 = tpu.vector_load_idx %arg5[%add3A_1724] : memref<32768xf32, #tpu.memory_space<vmem>>[vector<16xi32>], vector<16xf32>,
      %gt3A_1726 = arith.cmpf ogt, %gather3A_1725, %select_n3A_1717 : vector<16xf32>
      %select_n3A_1727 = arith.select %gt3A_1726, %gather3A_1725, %select_n3A_1717 : vector<16xi1>, vector<16xf32>
      %add3A_1728 = arith.constant 6 : i32
      %add3A_1729 = vector.broadcast %add3A_1728 : i32 to vector<16xi32>
      %add3A_1730 = arith.addi %mul3A_1655, %add3A_1729 : vector<16xi32>
      %select_n3A_1731 = arith.select %gt3A_1726, %add3A_1730, %select_n3A_1721 : vector<16xi1>, vector<16xi32>
      %add3A_1732 = arith.constant 3584 : i32
      %add3A_1733 = vector.broadcast %add3A_1732 : i32 to vector<16xi32>
      %add3A_1734 = arith.addi %add3A_1659, %add3A_1733 : vector<16xi32>
      %gather3A_1735 = tpu.vector_load_idx %arg5[%add3A_1734] : memref<32768xf32, #tpu.memory_space<vmem>>[vector<16xi32>], vector<16xf32>,
      %gt3A_1736 = arith.cmpf ogt, %gather3A_1735, %select_n3A_1727 : vector<16xf32>
      %select_n3A_1737 = arith.select %gt3A_1736, %gather3A_1735, %select_n3A_1727 : vector<16xi1>, vector<16xf32>
      %add3A_1738 = arith.constant 7 : i32
      %add3A_1739 = vector.broadcast %add3A_1738 : i32 to vector<16xi32>
      %add3A_1740 = arith.addi %mul3A_1655, %add3A_1739 : vector<16xi32>
      %select_n3A_1741 = arith.select %gt3A_1736, %add3A_1740, %select_n3A_1731 : vector<16xi1>, vector<16xi32>
      %add3A_1742 = arith.constant 4096 : i32
      %add3A_1743 = vector.broadcast %add3A_1742 : i32 to vector<16xi32>
      %add3A_1744 = arith.addi %add3A_1659, %add3A_1743 : vector<16xi32>
      %gather3A_1745 = tpu.vector_load_idx %arg5[%add3A_1744] : memref<32768xf32, #tpu.memory_space<vmem>>[vector<16xi32>], vector<16xf32>,
      %gt3A_1746 = arith.cmpf ogt, %gather3A_1745, %select_n3A_1737 : vector<16xf32>
      %select_n3A_1747 = arith.select %gt3A_1746, %gather3A_1745, %select_n3A_1737 : vector<16xi1>, vector<16xf32>
      %add3A_1748 = arith.constant 8 : i32
      %add3A_1749 = vector.broadcast %add3A_1748 : i32 to vector<16xi32>
      %add3A_1750 = arith.addi %mul3A_1655, %add3A_1749 : vector<16xi32>
      %select_n3A_1751 = arith.select %gt3A_1746, %add3A_1750, %select_n3A_1741 : vector<16xi1>, vector<16xi32>
      %add3A_1752 = arith.constant 4608 : i32
      %add3A_1753 = vector.broadcast %add3A_1752 : i32 to vector<16xi32>
      %add3A_1754 = arith.addi %add3A_1659, %add3A_1753 : vector<16xi32>
      %gather3A_1755 = tpu.vector_load_idx %arg5[%add3A_1754] : memref<32768xf32, #tpu.memory_space<vmem>>[vector<16xi32>], vector<16xf32>,
      %gt3A_1756 = arith.cmpf ogt, %gather3A_1755, %select_n3A_1747 : vector<16xf32>
      %select_n3A_1757 = arith.select %gt3A_1756, %gather3A_1755, %select_n3A_1747 : vector<16xi1>, vector<16xf32>
      %add3A_1758 = arith.constant 9 : i32
      %add3A_1759 = vector.broadcast %add3A_1758 : i32 to vector<16xi32>
      %add3A_1760 = arith.addi %mul3A_1655, %add3A_1759 : vector<16xi32>
      %select_n3A_1761 = arith.select %gt3A_1756, %add3A_1760, %select_n3A_1751 : vector<16xi1>, vector<16xi32>
      %add3A_1762 = arith.constant 5120 : i32
      %add3A_1763 = vector.broadcast %add3A_1762 : i32 to vector<16xi32>
      %add3A_1764 = arith.addi %add3A_1659, %add3A_1763 : vector<16xi32>
      %gather3A_1765 = tpu.vector_load_idx %arg5[%add3A_1764] : memref<32768xf32, #tpu.memory_space<vmem>>[vector<16xi32>], vector<16xf32>,
      %gt3A_1766 = arith.cmpf ogt, %gather3A_1765, %select_n3A_1757 : vector<16xf32>
      %select_n3A_1767 = arith.select %gt3A_1766, %gather3A_1765, %select_n3A_1757 : vector<16xi1>, vector<16xf32>
      %add3A_1768 = arith.constant 10 : i32
      %add3A_1769 = vector.broadcast %add3A_1768 : i32 to vector<16xi32>
      %add3A_1770 = arith.addi %mul3A_1655, %add3A_1769 : vector<16xi32>
      %select_n3A_1771 = arith.select %gt3A_1766, %add3A_1770, %select_n3A_1761 : vector<16xi1>, vector<16xi32>
      %add3A_1772 = arith.constant 5632 : i32
      %add3A_1773 = vector.broadcast %add3A_1772 : i32 to vector<16xi32>
      %add3A_1774 = arith.addi %add3A_1659, %add3A_1773 : vector<16xi32>
      %gather3A_1775 = tpu.vector_load_idx %arg5[%add3A_1774] : memref<32768xf32, #tpu.memory_space<vmem>>[vector<16xi32>], vector<16xf32>,
      %gt3A_1776 = arith.cmpf ogt, %gather3A_1775, %select_n3A_1767 : vector<16xf32>
      %select_n3A_1777 = arith.select %gt3A_1776, %gather3A_1775, %select_n3A_1767 : vector<16xi1>, vector<16xf32>
      %add3A_1778 = arith.constant 11 : i32
      %add3A_1779 = vector.broadcast %add3A_1778 : i32 to vector<16xi32>
      %add3A_1780 = arith.addi %mul3A_1655, %add3A_1779 : vector<16xi32>
      %select_n3A_1781 = arith.select %gt3A_1776, %add3A_1780, %select_n3A_1771 : vector<16xi1>, vector<16xi32>
      %add3A_1782 = arith.constant 6144 : i32
      %add3A_1783 = vector.broadcast %add3A_1782 : i32 to vector<16xi32>
      %add3A_1784 = arith.addi %add3A_1659, %add3A_1783 : vector<16xi32>
      %gather3A_1785 = tpu.vector_load_idx %arg5[%add3A_1784] : memref<32768xf32, #tpu.memory_space<vmem>>[vector<16xi32>], vector<16xf32>,
      %gt3A_1786 = arith.cmpf ogt, %gather3A_1785, %select_n3A_1777 : vector<16xf32>
      %select_n3A_1787 = arith.select %gt3A_1786, %gather3A_1785, %select_n3A_1777 : vector<16xi1>, vector<16xf32>
      %add3A_1788 = arith.constant 12 : i32
      %add3A_1789 = vector.broadcast %add3A_1788 : i32 to vector<16xi32>
      %add3A_1790 = arith.addi %mul3A_1655, %add3A_1789 : vector<16xi32>
      %select_n3A_1791 = arith.select %gt3A_1786, %add3A_1790, %select_n3A_1781 : vector<16xi1>, vector<16xi32>
      %add3A_1792 = arith.constant 6656 : i32
      %add3A_1793 = vector.broadcast %add3A_1792 : i32 to vector<16xi32>
      %add3A_1794 = arith.addi %add3A_1659, %add3A_1793 : vector<16xi32>
      %gather3A_1795 = tpu.vector_load_idx %arg5[%add3A_1794] : memref<32768xf32, #tpu.memory_space<vmem>>[vector<16xi32>], vector<16xf32>,
      %gt3A_1796 = arith.cmpf ogt, %gather3A_1795, %select_n3A_1787 : vector<16xf32>
      %select_n3A_1797 = arith.select %gt3A_1796, %gather3A_1795, %select_n3A_1787 : vector<16xi1>, vector<16xf32>
      %add3A_1798 = arith.constant 13 : i32
      %add3A_1799 = vector.broadcast %add3A_1798 : i32 to vector<16xi32>
      %add3A_1800 = arith.addi %mul3A_1655, %add3A_1799 : vector<16xi32>
      %select_n3A_1801 = arith.select %gt3A_1796, %add3A_1800, %select_n3A_1791 : vector<16xi1>, vector<16xi32>
      %add3A_1802 = arith.constant 7168 : i32
      %add3A_1803 = vector.broadcast %add3A_1802 : i32 to vector<16xi32>
      %add3A_1804 = arith.addi %add3A_1659, %add3A_1803 : vector<16xi32>
      %gather3A_1805 = tpu.vector_load_idx %arg5[%add3A_1804] : memref<32768xf32, #tpu.memory_space<vmem>>[vector<16xi32>], vector<16xf32>,
      %gt3A_1806 = arith.cmpf ogt, %gather3A_1805, %select_n3A_1797 : vector<16xf32>
      %select_n3A_1807 = arith.select %gt3A_1806, %gather3A_1805, %select_n3A_1797 : vector<16xi1>, vector<16xf32>
      %add3A_1808 = arith.constant 14 : i32
      %add3A_1809 = vector.broadcast %add3A_1808 : i32 to vector<16xi32>
      %add3A_1810 = arith.addi %mul3A_1655, %add3A_1809 : vector<16xi32>
      %select_n3A_1811 = arith.select %gt3A_1806, %add3A_1810, %select_n3A_1801 : vector<16xi1>, vector<16xi32>
      %add3A_1812 = arith.constant 7680 : i32
      %add3A_1813 = vector.broadcast %add3A_1812 : i32 to vector<16xi32>
      %add3A_1814 = arith.addi %add3A_1659, %add3A_1813 : vector<16xi32>
      %gather3A_1815 = tpu.vector_load_idx %arg5[%add3A_1814] : memref<32768xf32, #tpu.memory_space<vmem>>[vector<16xi32>], vector<16xf32>,
      %gt3A_1816 = arith.cmpf ogt, %gather3A_1815, %select_n3A_1807 : vector<16xf32>
      %select_n3A_1817 = arith.select %gt3A_1816, %gather3A_1815, %select_n3A_1807 : vector<16xi1>, vector<16xf32>
      %add3A_1818 = arith.constant 15 : i32
      %add3A_1819 = vector.broadcast %add3A_1818 : i32 to vector<16xi32>
      %add3A_1820 = arith.addi %mul3A_1655, %add3A_1819 : vector<16xi32>
      %select_n3A_1821 = arith.select %gt3A_1816, %add3A_1820, %select_n3A_1811 : vector<16xi1>, vector<16xi32>
      %eq3A_1822 = arith.constant 0 : i32
      %eq3A_1823 = vector.broadcast %eq3A_1822 : i32 to vector<16xi32>
      %eq3A_1824 = arith.cmpi eq, %shift_right_logical3A_1652, %eq3A_1823 : vector<16xi32>
      %select_n3A_1825 = arith.select %eq3A_1824, %select_n3A_1817, %select_n3A_1620 : vector<16xi1>, vector<16xf32>
      %select_n3A_1826 = arith.select %eq3A_1824, %select_n3A_1821, %select_n3A_1621 : vector<16xi1>, vector<16xi32>
      %eq3A_1827 = arith.constant 1 : i32
      %eq3A_1828 = vector.broadcast %eq3A_1827 : i32 to vector<16xi32>
      %eq3A_1829 = arith.cmpi eq, %shift_right_logical3A_1652, %eq3A_1828 : vector<16xi32>
      %select_n3A_1830 = arith.select %eq3A_1829, %select_n3A_1817, %select_n3A_1625 : vector<16xi1>, vector<16xf32>
      %select_n3A_1831 = arith.select %eq3A_1829, %select_n3A_1821, %select_n3A_1626 : vector<16xi1>, vector<16xi32>
      %eq3A_1832 = arith.constant 2 : i32
      %eq3A_1833 = vector.broadcast %eq3A_1832 : i32 to vector<16xi32>
      %eq3A_1834 = arith.cmpi eq, %shift_right_logical3A_1652, %eq3A_1833 : vector<16xi32>
      %select_n3A_1835 = arith.select %eq3A_1834, %select_n3A_1817, %select_n3A_1630 : vector<16xi1>, vector<16xf32>
      %select_n3A_1836 = arith.select %eq3A_1834, %select_n3A_1821, %select_n3A_1631 : vector<16xi1>, vector<16xi32>
      %eq3A_1837 = arith.constant 3 : i32
      %eq3A_1838 = vector.broadcast %eq3A_1837 : i32 to vector<16xi32>
      %eq3A_1839 = arith.cmpi eq, %shift_right_logical3A_1652, %eq3A_1838 : vector<16xi32>
      %select_n3A_1840 = arith.select %eq3A_1839, %select_n3A_1817, %select_n3A_1635 : vector<16xi1>, vector<16xf32>
      %select_n3A_1841 = arith.select %eq3A_1839, %select_n3A_1821, %select_n3A_1636 : vector<16xi1>, vector<16xi32>
      %gt3A_1842 = arith.cmpf ogt, %select_n3A_1830, %select_n3A_1825 : vector<16xf32>
      %select_n3A_1843 = arith.select %gt3A_1842, %select_n3A_1830, %select_n3A_1825 : vector<16xi1>, vector<16xf32>
      %select_n3A_1844 = arith.select %gt3A_1842, %select_n3A_1831, %select_n3A_1826 : vector<16xi1>, vector<16xi32>
      %gt3A_1845 = arith.cmpf ogt, %select_n3A_1840, %select_n3A_1835 : vector<16xf32>
      %select_n3A_1846 = arith.select %gt3A_1845, %select_n3A_1840, %select_n3A_1835 : vector<16xi1>, vector<16xf32>
      %select_n3A_1847 = arith.select %gt3A_1845, %select_n3A_1841, %select_n3A_1836 : vector<16xi1>, vector<16xi32>
      %gt3A_1848 = arith.cmpf ogt, %select_n3A_1846, %select_n3A_1843 : vector<16xf32>
      %select_n3A_1849 = arith.select %gt3A_1848, %select_n3A_1846, %select_n3A_1843 : vector<16xi1>, vector<16xf32>
      %select_n3A_1850 = arith.select %gt3A_1848, %select_n3A_1847, %select_n3A_1844 : vector<16xi1>, vector<16xi32>
      %mul3A_1851 = arith.constant 512 : i32
      %mul3A_1852 = vector.broadcast %mul3A_1851 : i32 to vector<16xi32>
      %mul3A_1853 = arith.muli %select_n3A_1850, %mul3A_1852 : vector<16xi32>
      %add3A_1854 = arith.addi %mul3A_1853, %add3A_34 : vector<16xi32>
      tpu.vector_store_idx %arg5[%add3A_1854], %broadcast_in_dim3A_1 : memref<32768xf32, #tpu.memory_space<vmem>>[vector<16xi32>], vector<16xf32>,
      %shift_right_logical3A_1855 = arith.constant 4 : i32
      %shift_right_logical3A_1856 = vector.broadcast %shift_right_logical3A_1855 : i32 to vector<16xi32>
      %shift_right_logical3A_1857 = arith.shrui %select_n3A_1850, %shift_right_logical3A_1856 : vector<16xi32>
      %mul3A_1858 = arith.constant 16 : i32
      %mul3A_1859 = vector.broadcast %mul3A_1858 : i32 to vector<16xi32>
      %mul3A_1860 = arith.muli %shift_right_logical3A_1857, %mul3A_1859 : vector<16xi32>
      %mul3A_1861 = arith.constant 512 : i32
      %mul3A_1862 = vector.broadcast %mul3A_1861 : i32 to vector<16xi32>
      %mul3A_1863 = arith.muli %mul3A_1860, %mul3A_1862 : vector<16xi32>
      %add3A_1864 = arith.addi %mul3A_1863, %add3A_34 : vector<16xi32>
      %broadcast_in_dim3A_1865 = arith.constant 0 : i32
      %broadcast_in_dim3A_1866 = vector.broadcast %broadcast_in_dim3A_1865 : i32 to vector<16xi32>
      %add3A_1867 = arith.constant 0 : i32
      %add3A_1868 = vector.broadcast %add3A_1867 : i32 to vector<16xi32>
      %add3A_1869 = arith.addi %add3A_1864, %add3A_1868 : vector<16xi32>
      %gather3A_1870 = tpu.vector_load_idx %arg5[%add3A_1869] : memref<32768xf32, #tpu.memory_space<vmem>>[vector<16xi32>], vector<16xf32>,
      %gt3A_1871 = arith.cmpf ogt, %gather3A_1870, %broadcast_in_dim3A_1 : vector<16xf32>
      %select_n3A_1872 = arith.select %gt3A_1871, %gather3A_1870, %broadcast_in_dim3A_1 : vector<16xi1>, vector<16xf32>
      %add3A_1873 = arith.constant 0 : i32
      %add3A_1874 = vector.broadcast %add3A_1873 : i32 to vector<16xi32>
      %add3A_1875 = arith.addi %mul3A_1860, %add3A_1874 : vector<16xi32>
      %select_n3A_1876 = arith.select %gt3A_1871, %add3A_1875, %broadcast_in_dim3A_1866 : vector<16xi1>, vector<16xi32>
      %add3A_1877 = arith.constant 512 : i32
      %add3A_1878 = vector.broadcast %add3A_1877 : i32 to vector<16xi32>
      %add3A_1879 = arith.addi %add3A_1864, %add3A_1878 : vector<16xi32>
      %gather3A_1880 = tpu.vector_load_idx %arg5[%add3A_1879] : memref<32768xf32, #tpu.memory_space<vmem>>[vector<16xi32>], vector<16xf32>,
      %gt3A_1881 = arith.cmpf ogt, %gather3A_1880, %select_n3A_1872 : vector<16xf32>
      %select_n3A_1882 = arith.select %gt3A_1881, %gather3A_1880, %select_n3A_1872 : vector<16xi1>, vector<16xf32>
      %add3A_1883 = arith.constant 1 : i32
      %add3A_1884 = vector.broadcast %add3A_1883 : i32 to vector<16xi32>
      %add3A_1885 = arith.addi %mul3A_1860, %add3A_1884 : vector<16xi32>
      %select_n3A_1886 = arith.select %gt3A_1881, %add3A_1885, %select_n3A_1876 : vector<16xi1>, vector<16xi32>
      %add3A_1887 = arith.constant 1024 : i32
      %add3A_1888 = vector.broadcast %add3A_1887 : i32 to vector<16xi32>
      %add3A_1889 = arith.addi %add3A_1864, %add3A_1888 : vector<16xi32>
      %gather3A_1890 = tpu.vector_load_idx %arg5[%add3A_1889] : memref<32768xf32, #tpu.memory_space<vmem>>[vector<16xi32>], vector<16xf32>,
      %gt3A_1891 = arith.cmpf ogt, %gather3A_1890, %select_n3A_1882 : vector<16xf32>
      %select_n3A_1892 = arith.select %gt3A_1891, %gather3A_1890, %select_n3A_1882 : vector<16xi1>, vector<16xf32>
      %add3A_1893 = arith.constant 2 : i32
      %add3A_1894 = vector.broadcast %add3A_1893 : i32 to vector<16xi32>
      %add3A_1895 = arith.addi %mul3A_1860, %add3A_1894 : vector<16xi32>
      %select_n3A_1896 = arith.select %gt3A_1891, %add3A_1895, %select_n3A_1886 : vector<16xi1>, vector<16xi32>
      %add3A_1897 = arith.constant 1536 : i32
      %add3A_1898 = vector.broadcast %add3A_1897 : i32 to vector<16xi32>
      %add3A_1899 = arith.addi %add3A_1864, %add3A_1898 : vector<16xi32>
      %gather3A_1900 = tpu.vector_load_idx %arg5[%add3A_1899] : memref<32768xf32, #tpu.memory_space<vmem>>[vector<16xi32>], vector<16xf32>,
      %gt3A_1901 = arith.cmpf ogt, %gather3A_1900, %select_n3A_1892 : vector<16xf32>
      %select_n3A_1902 = arith.select %gt3A_1901, %gather3A_1900, %select_n3A_1892 : vector<16xi1>, vector<16xf32>
      %add3A_1903 = arith.constant 3 : i32
      %add3A_1904 = vector.broadcast %add3A_1903 : i32 to vector<16xi32>
      %add3A_1905 = arith.addi %mul3A_1860, %add3A_1904 : vector<16xi32>
      %select_n3A_1906 = arith.select %gt3A_1901, %add3A_1905, %select_n3A_1896 : vector<16xi1>, vector<16xi32>
      %add3A_1907 = arith.constant 2048 : i32
      %add3A_1908 = vector.broadcast %add3A_1907 : i32 to vector<16xi32>
      %add3A_1909 = arith.addi %add3A_1864, %add3A_1908 : vector<16xi32>
      %gather3A_1910 = tpu.vector_load_idx %arg5[%add3A_1909] : memref<32768xf32, #tpu.memory_space<vmem>>[vector<16xi32>], vector<16xf32>,
      %gt3A_1911 = arith.cmpf ogt, %gather3A_1910, %select_n3A_1902 : vector<16xf32>
      %select_n3A_1912 = arith.select %gt3A_1911, %gather3A_1910, %select_n3A_1902 : vector<16xi1>, vector<16xf32>
      %add3A_1913 = arith.constant 4 : i32
      %add3A_1914 = vector.broadcast %add3A_1913 : i32 to vector<16xi32>
      %add3A_1915 = arith.addi %mul3A_1860, %add3A_1914 : vector<16xi32>
      %select_n3A_1916 = arith.select %gt3A_1911, %add3A_1915, %select_n3A_1906 : vector<16xi1>, vector<16xi32>
      %add3A_1917 = arith.constant 2560 : i32
      %add3A_1918 = vector.broadcast %add3A_1917 : i32 to vector<16xi32>
      %add3A_1919 = arith.addi %add3A_1864, %add3A_1918 : vector<16xi32>
      %gather3A_1920 = tpu.vector_load_idx %arg5[%add3A_1919] : memref<32768xf32, #tpu.memory_space<vmem>>[vector<16xi32>], vector<16xf32>,
      %gt3A_1921 = arith.cmpf ogt, %gather3A_1920, %select_n3A_1912 : vector<16xf32>
      %select_n3A_1922 = arith.select %gt3A_1921, %gather3A_1920, %select_n3A_1912 : vector<16xi1>, vector<16xf32>
      %add3A_1923 = arith.constant 5 : i32
      %add3A_1924 = vector.broadcast %add3A_1923 : i32 to vector<16xi32>
      %add3A_1925 = arith.addi %mul3A_1860, %add3A_1924 : vector<16xi32>
      %select_n3A_1926 = arith.select %gt3A_1921, %add3A_1925, %select_n3A_1916 : vector<16xi1>, vector<16xi32>
      %add3A_1927 = arith.constant 3072 : i32
      %add3A_1928 = vector.broadcast %add3A_1927 : i32 to vector<16xi32>
      %add3A_1929 = arith.addi %add3A_1864, %add3A_1928 : vector<16xi32>
      %gather3A_1930 = tpu.vector_load_idx %arg5[%add3A_1929] : memref<32768xf32, #tpu.memory_space<vmem>>[vector<16xi32>], vector<16xf32>,
      %gt3A_1931 = arith.cmpf ogt, %gather3A_1930, %select_n3A_1922 : vector<16xf32>
      %select_n3A_1932 = arith.select %gt3A_1931, %gather3A_1930, %select_n3A_1922 : vector<16xi1>, vector<16xf32>
      %add3A_1933 = arith.constant 6 : i32
      %add3A_1934 = vector.broadcast %add3A_1933 : i32 to vector<16xi32>
      %add3A_1935 = arith.addi %mul3A_1860, %add3A_1934 : vector<16xi32>
      %select_n3A_1936 = arith.select %gt3A_1931, %add3A_1935, %select_n3A_1926 : vector<16xi1>, vector<16xi32>
      %add3A_1937 = arith.constant 3584 : i32
      %add3A_1938 = vector.broadcast %add3A_1937 : i32 to vector<16xi32>
      %add3A_1939 = arith.addi %add3A_1864, %add3A_1938 : vector<16xi32>
      %gather3A_1940 = tpu.vector_load_idx %arg5[%add3A_1939] : memref<32768xf32, #tpu.memory_space<vmem>>[vector<16xi32>], vector<16xf32>,
      %gt3A_1941 = arith.cmpf ogt, %gather3A_1940, %select_n3A_1932 : vector<16xf32>
      %select_n3A_1942 = arith.select %gt3A_1941, %gather3A_1940, %select_n3A_1932 : vector<16xi1>, vector<16xf32>
      %add3A_1943 = arith.constant 7 : i32
      %add3A_1944 = vector.broadcast %add3A_1943 : i32 to vector<16xi32>
      %add3A_1945 = arith.addi %mul3A_1860, %add3A_1944 : vector<16xi32>
      %select_n3A_1946 = arith.select %gt3A_1941, %add3A_1945, %select_n3A_1936 : vector<16xi1>, vector<16xi32>
      %add3A_1947 = arith.constant 4096 : i32
      %add3A_1948 = vector.broadcast %add3A_1947 : i32 to vector<16xi32>
      %add3A_1949 = arith.addi %add3A_1864, %add3A_1948 : vector<16xi32>
      %gather3A_1950 = tpu.vector_load_idx %arg5[%add3A_1949] : memref<32768xf32, #tpu.memory_space<vmem>>[vector<16xi32>], vector<16xf32>,
      %gt3A_1951 = arith.cmpf ogt, %gather3A_1950, %select_n3A_1942 : vector<16xf32>
      %select_n3A_1952 = arith.select %gt3A_1951, %gather3A_1950, %select_n3A_1942 : vector<16xi1>, vector<16xf32>
      %add3A_1953 = arith.constant 8 : i32
      %add3A_1954 = vector.broadcast %add3A_1953 : i32 to vector<16xi32>
      %add3A_1955 = arith.addi %mul3A_1860, %add3A_1954 : vector<16xi32>
      %select_n3A_1956 = arith.select %gt3A_1951, %add3A_1955, %select_n3A_1946 : vector<16xi1>, vector<16xi32>
      %add3A_1957 = arith.constant 4608 : i32
      %add3A_1958 = vector.broadcast %add3A_1957 : i32 to vector<16xi32>
      %add3A_1959 = arith.addi %add3A_1864, %add3A_1958 : vector<16xi32>
      %gather3A_1960 = tpu.vector_load_idx %arg5[%add3A_1959] : memref<32768xf32, #tpu.memory_space<vmem>>[vector<16xi32>], vector<16xf32>,
      %gt3A_1961 = arith.cmpf ogt, %gather3A_1960, %select_n3A_1952 : vector<16xf32>
      %select_n3A_1962 = arith.select %gt3A_1961, %gather3A_1960, %select_n3A_1952 : vector<16xi1>, vector<16xf32>
      %add3A_1963 = arith.constant 9 : i32
      %add3A_1964 = vector.broadcast %add3A_1963 : i32 to vector<16xi32>
      %add3A_1965 = arith.addi %mul3A_1860, %add3A_1964 : vector<16xi32>
      %select_n3A_1966 = arith.select %gt3A_1961, %add3A_1965, %select_n3A_1956 : vector<16xi1>, vector<16xi32>
      %add3A_1967 = arith.constant 5120 : i32
      %add3A_1968 = vector.broadcast %add3A_1967 : i32 to vector<16xi32>
      %add3A_1969 = arith.addi %add3A_1864, %add3A_1968 : vector<16xi32>
      %gather3A_1970 = tpu.vector_load_idx %arg5[%add3A_1969] : memref<32768xf32, #tpu.memory_space<vmem>>[vector<16xi32>], vector<16xf32>,
      %gt3A_1971 = arith.cmpf ogt, %gather3A_1970, %select_n3A_1962 : vector<16xf32>
      %select_n3A_1972 = arith.select %gt3A_1971, %gather3A_1970, %select_n3A_1962 : vector<16xi1>, vector<16xf32>
      %add3A_1973 = arith.constant 10 : i32
      %add3A_1974 = vector.broadcast %add3A_1973 : i32 to vector<16xi32>
      %add3A_1975 = arith.addi %mul3A_1860, %add3A_1974 : vector<16xi32>
      %select_n3A_1976 = arith.select %gt3A_1971, %add3A_1975, %select_n3A_1966 : vector<16xi1>, vector<16xi32>
      %add3A_1977 = arith.constant 5632 : i32
      %add3A_1978 = vector.broadcast %add3A_1977 : i32 to vector<16xi32>
      %add3A_1979 = arith.addi %add3A_1864, %add3A_1978 : vector<16xi32>
      %gather3A_1980 = tpu.vector_load_idx %arg5[%add3A_1979] : memref<32768xf32, #tpu.memory_space<vmem>>[vector<16xi32>], vector<16xf32>,
      %gt3A_1981 = arith.cmpf ogt, %gather3A_1980, %select_n3A_1972 : vector<16xf32>
      %select_n3A_1982 = arith.select %gt3A_1981, %gather3A_1980, %select_n3A_1972 : vector<16xi1>, vector<16xf32>
      %add3A_1983 = arith.constant 11 : i32
      %add3A_1984 = vector.broadcast %add3A_1983 : i32 to vector<16xi32>
      %add3A_1985 = arith.addi %mul3A_1860, %add3A_1984 : vector<16xi32>
      %select_n3A_1986 = arith.select %gt3A_1981, %add3A_1985, %select_n3A_1976 : vector<16xi1>, vector<16xi32>
      %add3A_1987 = arith.constant 6144 : i32
      %add3A_1988 = vector.broadcast %add3A_1987 : i32 to vector<16xi32>
      %add3A_1989 = arith.addi %add3A_1864, %add3A_1988 : vector<16xi32>
      %gather3A_1990 = tpu.vector_load_idx %arg5[%add3A_1989] : memref<32768xf32, #tpu.memory_space<vmem>>[vector<16xi32>], vector<16xf32>,
      %gt3A_1991 = arith.cmpf ogt, %gather3A_1990, %select_n3A_1982 : vector<16xf32>
      %select_n3A_1992 = arith.select %gt3A_1991, %gather3A_1990, %select_n3A_1982 : vector<16xi1>, vector<16xf32>
      %add3A_1993 = arith.constant 12 : i32
      %add3A_1994 = vector.broadcast %add3A_1993 : i32 to vector<16xi32>
      %add3A_1995 = arith.addi %mul3A_1860, %add3A_1994 : vector<16xi32>
      %select_n3A_1996 = arith.select %gt3A_1991, %add3A_1995, %select_n3A_1986 : vector<16xi1>, vector<16xi32>
      %add3A_1997 = arith.constant 6656 : i32
      %add3A_1998 = vector.broadcast %add3A_1997 : i32 to vector<16xi32>
      %add3A_1999 = arith.addi %add3A_1864, %add3A_1998 : vector<16xi32>
      %gather3A_2000 = tpu.vector_load_idx %arg5[%add3A_1999] : memref<32768xf32, #tpu.memory_space<vmem>>[vector<16xi32>], vector<16xf32>,
      %gt3A_2001 = arith.cmpf ogt, %gather3A_2000, %select_n3A_1992 : vector<16xf32>
      %select_n3A_2002 = arith.select %gt3A_2001, %gather3A_2000, %select_n3A_1992 : vector<16xi1>, vector<16xf32>
      %add3A_2003 = arith.constant 13 : i32
      %add3A_2004 = vector.broadcast %add3A_2003 : i32 to vector<16xi32>
      %add3A_2005 = arith.addi %mul3A_1860, %add3A_2004 : vector<16xi32>
      %select_n3A_2006 = arith.select %gt3A_2001, %add3A_2005, %select_n3A_1996 : vector<16xi1>, vector<16xi32>
      %add3A_2007 = arith.constant 7168 : i32
      %add3A_2008 = vector.broadcast %add3A_2007 : i32 to vector<16xi32>
      %add3A_2009 = arith.addi %add3A_1864, %add3A_2008 : vector<16xi32>
      %gather3A_2010 = tpu.vector_load_idx %arg5[%add3A_2009] : memref<32768xf32, #tpu.memory_space<vmem>>[vector<16xi32>], vector<16xf32>,
      %gt3A_2011 = arith.cmpf ogt, %gather3A_2010, %select_n3A_2002 : vector<16xf32>
      %select_n3A_2012 = arith.select %gt3A_2011, %gather3A_2010, %select_n3A_2002 : vector<16xi1>, vector<16xf32>
      %add3A_2013 = arith.constant 14 : i32
      %add3A_2014 = vector.broadcast %add3A_2013 : i32 to vector<16xi32>
      %add3A_2015 = arith.addi %mul3A_1860, %add3A_2014 : vector<16xi32>
      %select_n3A_2016 = arith.select %gt3A_2011, %add3A_2015, %select_n3A_2006 : vector<16xi1>, vector<16xi32>
      %add3A_2017 = arith.constant 7680 : i32
      %add3A_2018 = vector.broadcast %add3A_2017 : i32 to vector<16xi32>
      %add3A_2019 = arith.addi %add3A_1864, %add3A_2018 : vector<16xi32>
      %gather3A_2020 = tpu.vector_load_idx %arg5[%add3A_2019] : memref<32768xf32, #tpu.memory_space<vmem>>[vector<16xi32>], vector<16xf32>,
      %gt3A_2021 = arith.cmpf ogt, %gather3A_2020, %select_n3A_2012 : vector<16xf32>
      %select_n3A_2022 = arith.select %gt3A_2021, %gather3A_2020, %select_n3A_2012 : vector<16xi1>, vector<16xf32>
      %add3A_2023 = arith.constant 15 : i32
      %add3A_2024 = vector.broadcast %add3A_2023 : i32 to vector<16xi32>
      %add3A_2025 = arith.addi %mul3A_1860, %add3A_2024 : vector<16xi32>
      %select_n3A_2026 = arith.select %gt3A_2021, %add3A_2025, %select_n3A_2016 : vector<16xi1>, vector<16xi32>
      %eq3A_2027 = arith.constant 0 : i32
      %eq3A_2028 = vector.broadcast %eq3A_2027 : i32 to vector<16xi32>
      %eq3A_2029 = arith.cmpi eq, %shift_right_logical3A_1857, %eq3A_2028 : vector<16xi32>
      %select_n3A_2030 = arith.select %eq3A_2029, %select_n3A_2022, %select_n3A_1825 : vector<16xi1>, vector<16xf32>
      %select_n3A_2031 = arith.select %eq3A_2029, %select_n3A_2026, %select_n3A_1826 : vector<16xi1>, vector<16xi32>
      %eq3A_2032 = arith.constant 1 : i32
      %eq3A_2033 = vector.broadcast %eq3A_2032 : i32 to vector<16xi32>
      %eq3A_2034 = arith.cmpi eq, %shift_right_logical3A_1857, %eq3A_2033 : vector<16xi32>
      %select_n3A_2035 = arith.select %eq3A_2034, %select_n3A_2022, %select_n3A_1830 : vector<16xi1>, vector<16xf32>
      %select_n3A_2036 = arith.select %eq3A_2034, %select_n3A_2026, %select_n3A_1831 : vector<16xi1>, vector<16xi32>
      %eq3A_2037 = arith.constant 2 : i32
      %eq3A_2038 = vector.broadcast %eq3A_2037 : i32 to vector<16xi32>
      %eq3A_2039 = arith.cmpi eq, %shift_right_logical3A_1857, %eq3A_2038 : vector<16xi32>
      %select_n3A_2040 = arith.select %eq3A_2039, %select_n3A_2022, %select_n3A_1835 : vector<16xi1>, vector<16xf32>
      %select_n3A_2041 = arith.select %eq3A_2039, %select_n3A_2026, %select_n3A_1836 : vector<16xi1>, vector<16xi32>
      %eq3A_2042 = arith.constant 3 : i32
      %eq3A_2043 = vector.broadcast %eq3A_2042 : i32 to vector<16xi32>
      %eq3A_2044 = arith.cmpi eq, %shift_right_logical3A_1857, %eq3A_2043 : vector<16xi32>
      %select_n3A_2045 = arith.select %eq3A_2044, %select_n3A_2022, %select_n3A_1840 : vector<16xi1>, vector<16xf32>
      %select_n3A_2046 = arith.select %eq3A_2044, %select_n3A_2026, %select_n3A_1841 : vector<16xi1>, vector<16xi32>
      %gt3A_2047 = arith.cmpf ogt, %select_n3A_2035, %select_n3A_2030 : vector<16xf32>
      %select_n3A_2048 = arith.select %gt3A_2047, %select_n3A_2035, %select_n3A_2030 : vector<16xi1>, vector<16xf32>
      %select_n3A_2049 = arith.select %gt3A_2047, %select_n3A_2036, %select_n3A_2031 : vector<16xi1>, vector<16xi32>
      %gt3A_2050 = arith.cmpf ogt, %select_n3A_2045, %select_n3A_2040 : vector<16xf32>
      %select_n3A_2051 = arith.select %gt3A_2050, %select_n3A_2045, %select_n3A_2040 : vector<16xi1>, vector<16xf32>
      %select_n3A_2052 = arith.select %gt3A_2050, %select_n3A_2046, %select_n3A_2041 : vector<16xi1>, vector<16xi32>
      %gt3A_2053 = arith.cmpf ogt, %select_n3A_2051, %select_n3A_2048 : vector<16xf32>
      %select_n3A_2054 = arith.select %gt3A_2053, %select_n3A_2051, %select_n3A_2048 : vector<16xi1>, vector<16xf32>
      %select_n3A_2055 = arith.select %gt3A_2053, %select_n3A_2052, %select_n3A_2049 : vector<16xi1>, vector<16xi32>
      %sub3A = arith.subf %select_n3A_622, %select_n3A_622 : vector<16xf32>
      %exp3A = math.exp %sub3A : vector<16xf32>
      %sub3A_2056 = arith.subf %select_n3A_824, %select_n3A_622 : vector<16xf32>
      %exp3A_2057 = math.exp %sub3A_2056 : vector<16xf32>
      %sub3A_2058 = arith.subf %select_n3A_1029, %select_n3A_622 : vector<16xf32>
      %exp3A_2059 = math.exp %sub3A_2058 : vector<16xf32>
      %sub3A_2060 = arith.subf %select_n3A_1234, %select_n3A_622 : vector<16xf32>
      %exp3A_2061 = math.exp %sub3A_2060 : vector<16xf32>
      %sub3A_2062 = arith.subf %select_n3A_1439, %select_n3A_622 : vector<16xf32>
      %exp3A_2063 = math.exp %sub3A_2062 : vector<16xf32>
      %sub3A_2064 = arith.subf %select_n3A_1644, %select_n3A_622 : vector<16xf32>
      %exp3A_2065 = math.exp %sub3A_2064 : vector<16xf32>
      %sub3A_2066 = arith.subf %select_n3A_1849, %select_n3A_622 : vector<16xf32>
      %exp3A_2067 = math.exp %sub3A_2066 : vector<16xf32>
      %sub3A_2068 = arith.subf %select_n3A_2054, %select_n3A_622 : vector<16xf32>
      %exp3A_2069 = math.exp %sub3A_2068 : vector<16xf32>
      %add3A_2070 = arith.addf %exp3A, %exp3A_2057 : vector<16xf32>
      %add3A_2071 = arith.addf %add3A_2070, %exp3A_2059 : vector<16xf32>
      %add3A_2072 = arith.addf %add3A_2071, %exp3A_2061 : vector<16xf32>
      %add3A_2073 = arith.addf %add3A_2072, %exp3A_2063 : vector<16xf32>
      %add3A_2074 = arith.addf %add3A_2073, %exp3A_2065 : vector<16xf32>
      %add3A_2075 = arith.addf %add3A_2074, %exp3A_2067 : vector<16xf32>
      %add3A_2076 = arith.addf %add3A_2075, %exp3A_2069 : vector<16xf32>
      %mul3A_2077 = arith.constant 64 : i32
      %mul3A_2078 = vector.broadcast %mul3A_2077 : i32 to vector<16xi32>
      %mul3A_2079 = arith.muli %add3A_34, %mul3A_2078 : vector<16xi32>
      %add3A_2080 = arith.addi %mul3A_2079, %select_n3A_623 : vector<16xi32>
      %div3A = arith.divf %exp3A, %add3A_2076 : vector<16xf32>
      tpu.vector_store_idx %arg6[%add3A_2080], %div3A : memref<32768xf32, #tpu.memory_space<vmem>>[vector<16xi32>], vector<16xf32>,
      %mul3A_2081 = arith.constant 8 : i32
      %mul3A_2082 = vector.broadcast %mul3A_2081 : i32 to vector<16xi32>
      %mul3A_2083 = arith.muli %add3A_34, %mul3A_2082 : vector<16xi32>
      %add3A_2084 = arith.constant 0 : i32
      %add3A_2085 = vector.broadcast %add3A_2084 : i32 to vector<16xi32>
      %add3A_2086 = arith.addi %mul3A_2083, %add3A_2085 : vector<16xi32>
      tpu.vector_store_idx %arg7[%add3A_2086], %select_n3A_623 : memref<4096xi32, #tpu.memory_space<vmem>>[vector<16xi32>], vector<16xi32>,
      %mul3A_2087 = arith.constant 64 : i32
      %mul3A_2088 = vector.broadcast %mul3A_2087 : i32 to vector<16xi32>
      %mul3A_2089 = arith.muli %add3A_34, %mul3A_2088 : vector<16xi32>
      %add3A_2090 = arith.addi %mul3A_2089, %select_n3A_825 : vector<16xi32>
      %div3A_2091 = arith.divf %exp3A_2057, %add3A_2076 : vector<16xf32>
      tpu.vector_store_idx %arg6[%add3A_2090], %div3A_2091 : memref<32768xf32, #tpu.memory_space<vmem>>[vector<16xi32>], vector<16xf32>,
      %mul3A_2092 = arith.constant 8 : i32
      %mul3A_2093 = vector.broadcast %mul3A_2092 : i32 to vector<16xi32>
      %mul3A_2094 = arith.muli %add3A_34, %mul3A_2093 : vector<16xi32>
      %add3A_2095 = arith.constant 1 : i32
      %add3A_2096 = vector.broadcast %add3A_2095 : i32 to vector<16xi32>
      %add3A_2097 = arith.addi %mul3A_2094, %add3A_2096 : vector<16xi32>
      tpu.vector_store_idx %arg7[%add3A_2097], %select_n3A_825 : memref<4096xi32, #tpu.memory_space<vmem>>[vector<16xi32>], vector<16xi32>,
      %mul3A_2098 = arith.constant 64 : i32
      %mul3A_2099 = vector.broadcast %mul3A_2098 : i32 to vector<16xi32>
      %mul3A_2100 = arith.muli %add3A_34, %mul3A_2099 : vector<16xi32>
      %add3A_2101 = arith.addi %mul3A_2100, %select_n3A_1030 : vector<16xi32>
      %div3A_2102 = arith.divf %exp3A_2059, %add3A_2076 : vector<16xf32>
      tpu.vector_store_idx %arg6[%add3A_2101], %div3A_2102 : memref<32768xf32, #tpu.memory_space<vmem>>[vector<16xi32>], vector<16xf32>,
      %mul3A_2103 = arith.constant 8 : i32
      %mul3A_2104 = vector.broadcast %mul3A_2103 : i32 to vector<16xi32>
      %mul3A_2105 = arith.muli %add3A_34, %mul3A_2104 : vector<16xi32>
      %add3A_2106 = arith.constant 2 : i32
      %add3A_2107 = vector.broadcast %add3A_2106 : i32 to vector<16xi32>
      %add3A_2108 = arith.addi %mul3A_2105, %add3A_2107 : vector<16xi32>
      tpu.vector_store_idx %arg7[%add3A_2108], %select_n3A_1030 : memref<4096xi32, #tpu.memory_space<vmem>>[vector<16xi32>], vector<16xi32>,
      %mul3A_2109 = arith.constant 64 : i32
      %mul3A_2110 = vector.broadcast %mul3A_2109 : i32 to vector<16xi32>
      %mul3A_2111 = arith.muli %add3A_34, %mul3A_2110 : vector<16xi32>
      %add3A_2112 = arith.addi %mul3A_2111, %select_n3A_1235 : vector<16xi32>
      %div3A_2113 = arith.divf %exp3A_2061, %add3A_2076 : vector<16xf32>
      tpu.vector_store_idx %arg6[%add3A_2112], %div3A_2113 : memref<32768xf32, #tpu.memory_space<vmem>>[vector<16xi32>], vector<16xf32>,
      %mul3A_2114 = arith.constant 8 : i32
      %mul3A_2115 = vector.broadcast %mul3A_2114 : i32 to vector<16xi32>
      %mul3A_2116 = arith.muli %add3A_34, %mul3A_2115 : vector<16xi32>
      %add3A_2117 = arith.constant 3 : i32
      %add3A_2118 = vector.broadcast %add3A_2117 : i32 to vector<16xi32>
      %add3A_2119 = arith.addi %mul3A_2116, %add3A_2118 : vector<16xi32>
      tpu.vector_store_idx %arg7[%add3A_2119], %select_n3A_1235 : memref<4096xi32, #tpu.memory_space<vmem>>[vector<16xi32>], vector<16xi32>,
      %mul3A_2120 = arith.constant 64 : i32
      %mul3A_2121 = vector.broadcast %mul3A_2120 : i32 to vector<16xi32>
      %mul3A_2122 = arith.muli %add3A_34, %mul3A_2121 : vector<16xi32>
      %add3A_2123 = arith.addi %mul3A_2122, %select_n3A_1440 : vector<16xi32>
      %div3A_2124 = arith.divf %exp3A_2063, %add3A_2076 : vector<16xf32>
      tpu.vector_store_idx %arg6[%add3A_2123], %div3A_2124 : memref<32768xf32, #tpu.memory_space<vmem>>[vector<16xi32>], vector<16xf32>,
      %mul3A_2125 = arith.constant 8 : i32
      %mul3A_2126 = vector.broadcast %mul3A_2125 : i32 to vector<16xi32>
      %mul3A_2127 = arith.muli %add3A_34, %mul3A_2126 : vector<16xi32>
      %add3A_2128 = arith.constant 4 : i32
      %add3A_2129 = vector.broadcast %add3A_2128 : i32 to vector<16xi32>
      %add3A_2130 = arith.addi %mul3A_2127, %add3A_2129 : vector<16xi32>
      tpu.vector_store_idx %arg7[%add3A_2130], %select_n3A_1440 : memref<4096xi32, #tpu.memory_space<vmem>>[vector<16xi32>], vector<16xi32>,
      %mul3A_2131 = arith.constant 64 : i32
      %mul3A_2132 = vector.broadcast %mul3A_2131 : i32 to vector<16xi32>
      %mul3A_2133 = arith.muli %add3A_34, %mul3A_2132 : vector<16xi32>
      %add3A_2134 = arith.addi %mul3A_2133, %select_n3A_1645 : vector<16xi32>
      %div3A_2135 = arith.divf %exp3A_2065, %add3A_2076 : vector<16xf32>
      tpu.vector_store_idx %arg6[%add3A_2134], %div3A_2135 : memref<32768xf32, #tpu.memory_space<vmem>>[vector<16xi32>], vector<16xf32>,
      %mul3A_2136 = arith.constant 8 : i32
      %mul3A_2137 = vector.broadcast %mul3A_2136 : i32 to vector<16xi32>
      %mul3A_2138 = arith.muli %add3A_34, %mul3A_2137 : vector<16xi32>
      %add3A_2139 = arith.constant 5 : i32
      %add3A_2140 = vector.broadcast %add3A_2139 : i32 to vector<16xi32>
      %add3A_2141 = arith.addi %mul3A_2138, %add3A_2140 : vector<16xi32>
      tpu.vector_store_idx %arg7[%add3A_2141], %select_n3A_1645 : memref<4096xi32, #tpu.memory_space<vmem>>[vector<16xi32>], vector<16xi32>,
      %mul3A_2142 = arith.constant 64 : i32
      %mul3A_2143 = vector.broadcast %mul3A_2142 : i32 to vector<16xi32>
      %mul3A_2144 = arith.muli %add3A_34, %mul3A_2143 : vector<16xi32>
      %add3A_2145 = arith.addi %mul3A_2144, %select_n3A_1850 : vector<16xi32>
      %div3A_2146 = arith.divf %exp3A_2067, %add3A_2076 : vector<16xf32>
      tpu.vector_store_idx %arg6[%add3A_2145], %div3A_2146 : memref<32768xf32, #tpu.memory_space<vmem>>[vector<16xi32>], vector<16xf32>,
      %mul3A_2147 = arith.constant 8 : i32
      %mul3A_2148 = vector.broadcast %mul3A_2147 : i32 to vector<16xi32>
      %mul3A_2149 = arith.muli %add3A_34, %mul3A_2148 : vector<16xi32>
      %add3A_2150 = arith.constant 6 : i32
      %add3A_2151 = vector.broadcast %add3A_2150 : i32 to vector<16xi32>
      %add3A_2152 = arith.addi %mul3A_2149, %add3A_2151 : vector<16xi32>
      tpu.vector_store_idx %arg7[%add3A_2152], %select_n3A_1850 : memref<4096xi32, #tpu.memory_space<vmem>>[vector<16xi32>], vector<16xi32>,
      %mul3A_2153 = arith.constant 64 : i32
      %mul3A_2154 = vector.broadcast %mul3A_2153 : i32 to vector<16xi32>
      %mul3A_2155 = arith.muli %add3A_34, %mul3A_2154 : vector<16xi32>
      %add3A_2156 = arith.addi %mul3A_2155, %select_n3A_2055 : vector<16xi32>
      %div3A_2157 = arith.divf %exp3A_2069, %add3A_2076 : vector<16xf32>
      tpu.vector_store_idx %arg6[%add3A_2156], %div3A_2157 : memref<32768xf32, #tpu.memory_space<vmem>>[vector<16xi32>], vector<16xf32>,
      %mul3A_2158 = arith.constant 8 : i32
      %mul3A_2159 = vector.broadcast %mul3A_2158 : i32 to vector<16xi32>
      %mul3A_2160 = arith.muli %add3A_34, %mul3A_2159 : vector<16xi32>
      %add3A_2161 = arith.constant 7 : i32
      %add3A_2162 = vector.broadcast %add3A_2161 : i32 to vector<16xi32>
      %add3A_2163 = arith.addi %mul3A_2160, %add3A_2162 : vector<16xi32>
      tpu.vector_store_idx %arg7[%add3A_2163], %select_n3A_2055 : memref<4096xi32, #tpu.memory_space<vmem>>[vector<16xi32>], vector<16xi32>,
    }
    %scan3A_19 = arith.constant 32 : i32
    %mul3A_20 = arith.constant 512 : i32
    %mul3A_21 = arith.muli %add3A_7, %mul3A_20 : i32
    %mul3A_22 = arith.constant 64 : i32
    %mul3A_23 = arith.muli %mul3A_21, %mul3A_22 : i32
    "tpu.region"() ({
      %run_scoped3A_30 = tpu.sem_alloc : memref<!tpu.dma_semaphore, #tpu.memory_space<semaphore_mem>>
      %dma_start3A = tpu.memref_slice %arg3[%mul3A_23] : memref<1048576xf32, #tpu.memory_space<hbm>> -> memref<32768xf32, #tpu.memory_space<hbm>>
      %dma_start3A_31 = tpu.memref_slice %arg3[%mul3A_23] : memref<1048576xf32, #tpu.memory_space<hbm>> -> memref<32768xf32, #tpu.memory_space<hbm>>
      tpu.enqueue_dma source(%arg6 : memref<32768xf32, #tpu.memory_space<vmem>>) target(%dma_start3A_31 : memref<32768xf32, #tpu.memory_space<hbm>>) target_semaphore(%run_scoped3A_30 : memref<!tpu.dma_semaphore, #tpu.memory_space<semaphore_mem>>)
      %dma_wait3A = tpu.memref_slice %arg3[%mul3A_23] : memref<1048576xf32, #tpu.memory_space<hbm>> -> memref<32768xf32, #tpu.memory_space<hbm>>
      %dma_wait3A_32 = tpu.memref_slice %arg3[%mul3A_23] : memref<1048576xf32, #tpu.memory_space<hbm>> -> memref<32768xf32, #tpu.memory_space<hbm>>
      tpu.wait_dma2 semaphore(%run_scoped3A_30 : memref<!tpu.dma_semaphore, #tpu.memory_space<semaphore_mem>>) src(%arg6 : memref<32768xf32, #tpu.memory_space<vmem>>) dst(%dma_wait3A_32 : memref<32768xf32, #tpu.memory_space<hbm>>)
      tpu.yield
    }) : () -> ()
    %mul3A_24 = arith.constant 512 : i32
    %mul3A_25 = arith.muli %add3A_7, %mul3A_24 : i32
    %mul3A_26 = arith.constant 8 : i32
    %mul3A_27 = arith.muli %mul3A_25, %mul3A_26 : i32
    "tpu.region"() ({
      %run_scoped3A_30 = tpu.sem_alloc : memref<!tpu.dma_semaphore, #tpu.memory_space<semaphore_mem>>
      %dma_start3A = tpu.memref_slice %arg4[%mul3A_27] : memref<131072xi32, #tpu.memory_space<hbm>> -> memref<4096xi32, #tpu.memory_space<hbm>>
      %dma_start3A_31 = tpu.memref_slice %arg4[%mul3A_27] : memref<131072xi32, #tpu.memory_space<hbm>> -> memref<4096xi32, #tpu.memory_space<hbm>>
      tpu.enqueue_dma source(%arg7 : memref<4096xi32, #tpu.memory_space<vmem>>) target(%dma_start3A_31 : memref<4096xi32, #tpu.memory_space<hbm>>) target_semaphore(%run_scoped3A_30 : memref<!tpu.dma_semaphore, #tpu.memory_space<semaphore_mem>>)
      %dma_wait3A = tpu.memref_slice %arg4[%mul3A_27] : memref<131072xi32, #tpu.memory_space<hbm>> -> memref<4096xi32, #tpu.memory_space<hbm>>
      %dma_wait3A_32 = tpu.memref_slice %arg4[%mul3A_27] : memref<131072xi32, #tpu.memory_space<hbm>> -> memref<4096xi32, #tpu.memory_space<hbm>>
      tpu.wait_dma2 semaphore(%run_scoped3A_30 : memref<!tpu.dma_semaphore, #tpu.memory_space<semaphore_mem>>) src(%arg7 : memref<4096xi32, #tpu.memory_space<vmem>>) dst(%dma_wait3A_32 : memref<4096xi32, #tpu.memory_space<hbm>>)
      tpu.yield
    }) : () -> ()
    %scan3A_28 = arith.constant 0 : i32
    %scan3A_29 = arith.constant 1 : i32
    return
  }
}

#map = affine_map<(d0, d1) -> (0, 0, 0)>
#map1 = affine_map<(d0, d1) -> (0)>
module attributes {stable_mosaic.version = 14 : i64} {
  func.func @_sc_body(%arg0: i32, %arg1: i32, %arg2: memref<32x1x32768xf32, #tpu.memory_space<hbm>>, %arg3: memref<1048576xf32, #tpu.memory_space<hbm>>, %arg4: memref<131072xi32, #tpu.memory_space<hbm>>, %arg5: memref<32768xf32, #tpu.memory_space<vmem>>, %arg6: memref<32768xf32, #tpu.memory_space<vmem>>, %arg7: memref<4096xi32, #tpu.memory_space<vmem>>) attributes {dimension_semantics = [#tpu.dimension_semantics<core_parallel>, #tpu.dimension_semantics<subcore_parallel>], iteration_bounds = array<i64: 2, 16>, scalar_prefetch = 0 : i64, scratch_operands = 3 : i64, tpu.core_type = #tpu.core_type<sc_vector_subcore>, window_params = [{transform_indices = #map}, {transform_indices = #map1}, {transform_indices = #map1}]} {
    %mul3A = arith.constant 2 : i32
    %mul3A_0 = arith.muli %arg1, %mul3A : i32
    %add3A = arith.addi %mul3A_0, %arg0 : i32
    %iota3A = tpu.iota {dimensions = array<i32: 0>} : vector<16xi32>
    %broadcast_in_dim3A = arith.constant 0xFF800000 : f32
    %broadcast_in_dim3A_1 = vector.broadcast %broadcast_in_dim3A : f32 to vector<16xf32>
    %broadcast_in_dim3A_2 = arith.constant 0.000000e+00 : f32
    %broadcast_in_dim3A_3 = vector.broadcast %broadcast_in_dim3A_2 : f32 to vector<16xf32>
    %scan3A = arith.constant 0 : i32
    %scan3A_4 = arith.constant 0 : i32
    %mul3A_5 = arith.constant 1 : i32
    %mul3A_6 = arith.muli %add3A, %mul3A_5 : i32
    %add3A_7 = arith.addi %mul3A_6, %scan3A_4 : i32
    %run_scoped3A = arith.constant 0 : i32
    "tpu.region"() ({
      %run_scoped3A_30 = tpu.sem_alloc : memref<!tpu.dma_semaphore, #tpu.memory_space<semaphore_mem>>
      %dma_start3A = arith.constant 0 : i32
      %dma_start3A_31 = tpu.memref_slice %arg2[%add3A_7, %run_scoped3A, %dma_start3A] : memref<32x1x32768xf32, #tpu.memory_space<hbm>> -> memref<1x1x32768xf32, #tpu.memory_space<hbm>>
      %dma_start3A_32 = tpu.memref_squeeze %dma_start3A_31 : memref<1x1x32768xf32, #tpu.memory_space<hbm>> -> memref<32768xf32, #tpu.memory_space<hbm>>
      %dma_start3A_33 = arith.constant 0 : i32
      %dma_start3A_34 = tpu.memref_slice %arg2[%add3A_7, %run_scoped3A, %dma_start3A_33] : memref<32x1x32768xf32, #tpu.memory_space<hbm>> -> memref<1x1x32768xf32, #tpu.memory_space<hbm>>
      %dma_start3A_35 = tpu.memref_squeeze %dma_start3A_34 : memref<1x1x32768xf32, #tpu.memory_space<hbm>> -> memref<32768xf32, #tpu.memory_space<hbm>>
      tpu.enqueue_dma source(%dma_start3A_35 : memref<32768xf32, #tpu.memory_space<hbm>>) target(%arg5 : memref<32768xf32, #tpu.memory_space<vmem>>) target_semaphore(%run_scoped3A_30 : memref<!tpu.dma_semaphore, #tpu.memory_space<semaphore_mem>>)
      %dma_wait3A = arith.constant 0 : i32
      %dma_wait3A_36 = tpu.memref_slice %arg2[%add3A_7, %run_scoped3A, %dma_wait3A] : memref<32x1x32768xf32, #tpu.memory_space<hbm>> -> memref<1x1x32768xf32, #tpu.memory_space<hbm>>
      %dma_wait3A_37 = tpu.memref_squeeze %dma_wait3A_36 : memref<1x1x32768xf32, #tpu.memory_space<hbm>> -> memref<32768xf32, #tpu.memory_space<hbm>>
      %dma_wait3A_38 = arith.constant 0 : i32
      %dma_wait3A_39 = tpu.memref_slice %arg2[%add3A_7, %run_scoped3A, %dma_wait3A_38] : memref<32x1x32768xf32, #tpu.memory_space<hbm>> -> memref<1x1x32768xf32, #tpu.memory_space<hbm>>
      %dma_wait3A_40 = tpu.memref_squeeze %dma_wait3A_39 : memref<1x1x32768xf32, #tpu.memory_space<hbm>> -> memref<32768xf32, #tpu.memory_space<hbm>>
      tpu.wait_dma2 semaphore(%run_scoped3A_30 : memref<!tpu.dma_semaphore, #tpu.memory_space<semaphore_mem>>) src(%dma_wait3A_40 : memref<32768xf32, #tpu.memory_space<hbm>>) dst(%arg5 : memref<32768xf32, #tpu.memory_space<vmem>>)
      tpu.yield
    }) : () -> ()
    %scan3A_8 = arith.constant 0 : i32
    %scan3A_9 = arith.constant 0 : i32
    %scan3A_10 = arith.constant 256 : i32
    %scan3A_11 = arith.addi %scan3A_9, %scan3A_10 : i32
    %scan3A_12 = arith.constant 1 : i32
    scf.for %scan3A_30 = %scan3A_9 to %scan3A_11 step %scan3A_12  : i32 {
      %mul3A_31 = arith.constant 8 : i32
      %mul3A_32 = arith.muli %scan3A_30, %mul3A_31 : i32
      %add3A_33 = arith.constant 0 : i32
      %add3A_34 = arith.addi %mul3A_32, %add3A_33 : i32
      %mul3A_35 = arith.constant 16 : i32
      %mul3A_36 = arith.muli %add3A_34, %mul3A_35 : i32
      %swap3A = arith.index_cast %mul3A_36 : i32 to index
      %swap3A_37 = tpu.vector_load %arg6[%swap3A] {strides = array<i32>} : memref<32768xf32, #tpu.memory_space<vmem>>, vector<16xf32>,
      tpu.vector_store %arg6[%swap3A], %broadcast_in_dim3A_3 {strides = array<i32>} : memref<32768xf32, #tpu.memory_space<vmem>>, vector<16xf32>,
      %mul3A_38 = arith.constant 8 : i32
      %mul3A_39 = arith.muli %scan3A_30, %mul3A_38 : i32
      %add3A_40 = arith.constant 1 : i32
      %add3A_41 = arith.addi %mul3A_39, %add3A_40 : i32
      %mul3A_42 = arith.constant 16 : i32
      %mul3A_43 = arith.muli %add3A_41, %mul3A_42 : i32
      %swap3A_44 = arith.index_cast %mul3A_43 : i32 to index
      %swap3A_45 = tpu.vector_load %arg6[%swap3A_44] {strides = array<i32>} : memref<32768xf32, #tpu.memory_space<vmem>>, vector<16xf32>,
      tpu.vector_store %arg6[%swap3A_44], %broadcast_in_dim3A_3 {strides = array<i32>} : memref<32768xf32, #tpu.memory_space<vmem>>, vector<16xf32>,
      %mul3A_46 = arith.constant 8 : i32
      %mul3A_47 = arith.muli %scan3A_30, %mul3A_46 : i32
      %add3A_48 = arith.constant 2 : i32
      %add3A_49 = arith.addi %mul3A_47, %add3A_48 : i32
      %mul3A_50 = arith.constant 16 : i32
      %mul3A_51 = arith.muli %add3A_49, %mul3A_50 : i32
      %swap3A_52 = arith.index_cast %mul3A_51 : i32 to index
      %swap3A_53 = tpu.vector_load %arg6[%swap3A_52] {strides = array<i32>} : memref<32768xf32, #tpu.memory_space<vmem>>, vector<16xf32>,
      tpu.vector_store %arg6[%swap3A_52], %broadcast_in_dim3A_3 {strides = array<i32>} : memref<32768xf32, #tpu.memory_space<vmem>>, vector<16xf32>,
      %mul3A_54 = arith.constant 8 : i32
      %mul3A_55 = arith.muli %scan3A_30, %mul3A_54 : i32
      %add3A_56 = arith.constant 3 : i32
      %add3A_57 = arith.addi %mul3A_55, %add3A_56 : i32
      %mul3A_58 = arith.constant 16 : i32
      %mul3A_59 = arith.muli %add3A_57, %mul3A_58 : i32
      %swap3A_60 = arith.index_cast %mul3A_59 : i32 to index
      %swap3A_61 = tpu.vector_load %arg6[%swap3A_60] {strides = array<i32>} : memref<32768xf32, #tpu.memory_space<vmem>>, vector<16xf32>,
      tpu.vector_store %arg6[%swap3A_60], %broadcast_in_dim3A_3 {strides = array<i32>} : memref<32768xf32, #tpu.memory_space<vmem>>, vector<16xf32>,
      %mul3A_62 = arith.constant 8 : i32
      %mul3A_63 = arith.muli %scan3A_30, %mul3A_62 : i32
      %add3A_64 = arith.constant 4 : i32
      %add3A_65 = arith.addi %mul3A_63, %add3A_64 : i32
      %mul3A_66 = arith.constant 16 : i32
      %mul3A_67 = arith.muli %add3A_65, %mul3A_66 : i32
      %swap3A_68 = arith.index_cast %mul3A_67 : i32 to index
      %swap3A_69 = tpu.vector_load %arg6[%swap3A_68] {strides = array<i32>} : memref<32768xf32, #tpu.memory_space<vmem>>, vector<16xf32>,
      tpu.vector_store %arg6[%swap3A_68], %broadcast_in_dim3A_3 {strides = array<i32>} : memref<32768xf32, #tpu.memory_space<vmem>>, vector<16xf32>,
      %mul3A_70 = arith.constant 8 : i32
      %mul3A_71 = arith.muli %scan3A_30, %mul3A_70 : i32
      %add3A_72 = arith.constant 5 : i32
      %add3A_73 = arith.addi %mul3A_71, %add3A_72 : i32
      %mul3A_74 = arith.constant 16 : i32
      %mul3A_75 = arith.muli %add3A_73, %mul3A_74 : i32
      %swap3A_76 = arith.index_cast %mul3A_75 : i32 to index
      %swap3A_77 = tpu.vector_load %arg6[%swap3A_76] {strides = array<i32>} : memref<32768xf32, #tpu.memory_space<vmem>>, vector<16xf32>,
      tpu.vector_store %arg6[%swap3A_76], %broadcast_in_dim3A_3 {strides = array<i32>} : memref<32768xf32, #tpu.memory_space<vmem>>, vector<16xf32>,
      %mul3A_78 = arith.constant 8 : i32
      %mul3A_79 = arith.muli %scan3A_30, %mul3A_78 : i32
      %add3A_80 = arith.constant 6 : i32
      %add3A_81 = arith.addi %mul3A_79, %add3A_80 : i32
      %mul3A_82 = arith.constant 16 : i32
      %mul3A_83 = arith.muli %add3A_81, %mul3A_82 : i32
      %swap3A_84 = arith.index_cast %mul3A_83 : i32 to index
      %swap3A_85 = tpu.vector_load %arg6[%swap3A_84] {strides = array<i32>} : memref<32768xf32, #tpu.memory_space<vmem>>, vector<16xf32>,
      tpu.vector_store %arg6[%swap3A_84], %broadcast_in_dim3A_3 {strides = array<i32>} : memref<32768xf32, #tpu.memory_space<vmem>>, vector<16xf32>,
      %mul3A_86 = arith.constant 8 : i32
      %mul3A_87 = arith.muli %scan3A_30, %mul3A_86 : i32
      %add3A_88 = arith.constant 7 : i32
      %add3A_89 = arith.addi %mul3A_87, %add3A_88 : i32
      %mul3A_90 = arith.constant 16 : i32
      %mul3A_91 = arith.muli %add3A_89, %mul3A_90 : i32
      %swap3A_92 = arith.index_cast %mul3A_91 : i32 to index
      %swap3A_93 = tpu.vector_load %arg6[%swap3A_92] {strides = array<i32>} : memref<32768xf32, #tpu.memory_space<vmem>>, vector<16xf32>,
      tpu.vector_store %arg6[%swap3A_92], %broadcast_in_dim3A_3 {strides = array<i32>} : memref<32768xf32, #tpu.memory_space<vmem>>, vector<16xf32>,
    }
    %scan3A_13 = arith.constant 256 : i32
    %scan3A_14 = arith.constant 0 : i32
    %scan3A_15 = arith.constant 0 : i32
    %scan3A_16 = arith.constant 32 : i32
    %scan3A_17 = arith.addi %scan3A_15, %scan3A_16 : i32
    %scan3A_18 = arith.constant 1 : i32
    scf.for %scan3A_30 = %scan3A_15 to %scan3A_17 step %scan3A_18  : i32 {
      %mul3A_31 = arith.constant 16 : i32
      %mul3A_32 = arith.muli %scan3A_30, %mul3A_31 : i32
      %add3A_33 = vector.broadcast %mul3A_32 : i32 to vector<16xi32>
      %add3A_34 = arith.addi %add3A_33, %iota3A : vector<16xi32>
      %broadcast_in_dim3A_35 = arith.constant 0 : i32
      %broadcast_in_dim3A_36 = vector.broadcast %broadcast_in_dim3A_35 : i32 to vector<16xi32>
      %add3A_37 = arith.constant 0 : i32
      %add3A_38 = arith.addi %add3A_37, %mul3A_32 : i32
      %get3A = arith.index_cast %add3A_38 : i32 to index
      %get3A_39 = tpu.vector_load %arg5[%get3A] {strides = array<i32>} : memref<32768xf32, #tpu.memory_space<vmem>>, vector<16xf32>,
      %gt3A = arith.cmpf ogt, %get3A_39, %broadcast_in_dim3A_1 : vector<16xf32>
      %select_n3A = arith.select %gt3A, %get3A_39, %broadcast_in_dim3A_1 : vector<16xi1>, vector<16xf32>
      %jit3A = arith.constant 0 : i32
      %broadcast_in_dim3A_40 = vector.broadcast %jit3A : i32 to vector<16xi32>
      %select_n3A_41 = arith.select %gt3A, %broadcast_in_dim3A_40, %broadcast_in_dim3A_36 : vector<16xi1>, vector<16xi32>
      %add3A_42 = arith.constant 512 : i32
      %add3A_43 = arith.addi %add3A_42, %mul3A_32 : i32
      %get3A_44 = arith.index_cast %add3A_43 : i32 to index
      %get3A_45 = tpu.vector_load %arg5[%get3A_44] {strides = array<i32>} : memref<32768xf32, #tpu.memory_space<vmem>>, vector<16xf32>,
      %gt3A_46 = arith.cmpf ogt, %get3A_45, %select_n3A : vector<16xf32>
      %select_n3A_47 = arith.select %gt3A_46, %get3A_45, %select_n3A : vector<16xi1>, vector<16xf32>
      %jit3A_48 = arith.constant 1 : i32
      %broadcast_in_dim3A_49 = vector.broadcast %jit3A_48 : i32 to vector<16xi32>
      %select_n3A_50 = arith.select %gt3A_46, %broadcast_in_dim3A_49, %select_n3A_41 : vector<16xi1>, vector<16xi32>
      %add3A_51 = arith.constant 1024 : i32
      %add3A_52 = arith.addi %add3A_51, %mul3A_32 : i32
      %get3A_53 = arith.index_cast %add3A_52 : i32 to index
      %get3A_54 = tpu.vector_load %arg5[%get3A_53] {strides = array<i32>} : memref<32768xf32, #tpu.memory_space<vmem>>, vector<16xf32>,
      %gt3A_55 = arith.cmpf ogt, %get3A_54, %select_n3A_47 : vector<16xf32>
      %select_n3A_56 = arith.select %gt3A_55, %get3A_54, %select_n3A_47 : vector<16xi1>, vector<16xf32>
      %jit3A_57 = arith.constant 2 : i32
      %broadcast_in_dim3A_58 = vector.broadcast %jit3A_57 : i32 to vector<16xi32>
      %select_n3A_59 = arith.select %gt3A_55, %broadcast_in_dim3A_58, %select_n3A_50 : vector<16xi1>, vector<16xi32>
      %add3A_60 = arith.constant 1536 : i32
      %add3A_61 = arith.addi %add3A_60, %mul3A_32 : i32
      %get3A_62 = arith.index_cast %add3A_61 : i32 to index
      %get3A_63 = tpu.vector_load %arg5[%get3A_62] {strides = array<i32>} : memref<32768xf32, #tpu.memory_space<vmem>>, vector<16xf32>,
      %gt3A_64 = arith.cmpf ogt, %get3A_63, %select_n3A_56 : vector<16xf32>
      %select_n3A_65 = arith.select %gt3A_64, %get3A_63, %select_n3A_56 : vector<16xi1>, vector<16xf32>
      %jit3A_66 = arith.constant 3 : i32
      %broadcast_in_dim3A_67 = vector.broadcast %jit3A_66 : i32 to vector<16xi32>
      %select_n3A_68 = arith.select %gt3A_64, %broadcast_in_dim3A_67, %select_n3A_59 : vector<16xi1>, vector<16xi32>
      %add3A_69 = arith.constant 2048 : i32
      %add3A_70 = arith.addi %add3A_69, %mul3A_32 : i32
      %get3A_71 = arith.index_cast %add3A_70 : i32 to index
      %get3A_72 = tpu.vector_load %arg5[%get3A_71] {strides = array<i32>} : memref<32768xf32, #tpu.memory_space<vmem>>, vector<16xf32>,
      %gt3A_73 = arith.cmpf ogt, %get3A_72, %select_n3A_65 : vector<16xf32>
      %select_n3A_74 = arith.select %gt3A_73, %get3A_72, %select_n3A_65 : vector<16xi1>, vector<16xf32>
      %jit3A_75 = arith.constant 4 : i32
      %broadcast_in_dim3A_76 = vector.broadcast %jit3A_75 : i32 to vector<16xi32>
      %select_n3A_77 = arith.select %gt3A_73, %broadcast_in_dim3A_76, %select_n3A_68 : vector<16xi1>, vector<16xi32>
      %add3A_78 = arith.constant 2560 : i32
      %add3A_79 = arith.addi %add3A_78, %mul3A_32 : i32
      %get3A_80 = arith.index_cast %add3A_79 : i32 to index
      %get3A_81 = tpu.vector_load %arg5[%get3A_80] {strides = array<i32>} : memref<32768xf32, #tpu.memory_space<vmem>>, vector<16xf32>,
      %gt3A_82 = arith.cmpf ogt, %get3A_81, %select_n3A_74 : vector<16xf32>
      %select_n3A_83 = arith.select %gt3A_82, %get3A_81, %select_n3A_74 : vector<16xi1>, vector<16xf32>
      %jit3A_84 = arith.constant 5 : i32
      %broadcast_in_dim3A_85 = vector.broadcast %jit3A_84 : i32 to vector<16xi32>
      %select_n3A_86 = arith.select %gt3A_82, %broadcast_in_dim3A_85, %select_n3A_77 : vector<16xi1>, vector<16xi32>
      %add3A_87 = arith.constant 3072 : i32
      %add3A_88 = arith.addi %add3A_87, %mul3A_32 : i32
      %get3A_89 = arith.index_cast %add3A_88 : i32 to index
      %get3A_90 = tpu.vector_load %arg5[%get3A_89] {strides = array<i32>} : memref<32768xf32, #tpu.memory_space<vmem>>, vector<16xf32>,
      %gt3A_91 = arith.cmpf ogt, %get3A_90, %select_n3A_83 : vector<16xf32>
      %select_n3A_92 = arith.select %gt3A_91, %get3A_90, %select_n3A_83 : vector<16xi1>, vector<16xf32>
      %jit3A_93 = arith.constant 6 : i32
      %broadcast_in_dim3A_94 = vector.broadcast %jit3A_93 : i32 to vector<16xi32>
      %select_n3A_95 = arith.select %gt3A_91, %broadcast_in_dim3A_94, %select_n3A_86 : vector<16xi1>, vector<16xi32>
      %add3A_96 = arith.constant 3584 : i32
      %add3A_97 = arith.addi %add3A_96, %mul3A_32 : i32
      %get3A_98 = arith.index_cast %add3A_97 : i32 to index
      %get3A_99 = tpu.vector_load %arg5[%get3A_98] {strides = array<i32>} : memref<32768xf32, #tpu.memory_space<vmem>>, vector<16xf32>,
      %gt3A_100 = arith.cmpf ogt, %get3A_99, %select_n3A_92 : vector<16xf32>
      %select_n3A_101 = arith.select %gt3A_100, %get3A_99, %select_n3A_92 : vector<16xi1>, vector<16xf32>
      %jit3A_102 = arith.constant 7 : i32
      %broadcast_in_dim3A_103 = vector.broadcast %jit3A_102 : i32 to vector<16xi32>
      %select_n3A_104 = arith.select %gt3A_100, %broadcast_in_dim3A_103, %select_n3A_95 : vector<16xi1>, vector<16xi32>
      %add3A_105 = arith.constant 4096 : i32
      %add3A_106 = arith.addi %add3A_105, %mul3A_32 : i32
      %get3A_107 = arith.index_cast %add3A_106 : i32 to index
      %get3A_108 = tpu.vector_load %arg5[%get3A_107] {strides = array<i32>} : memref<32768xf32, #tpu.memory_space<vmem>>, vector<16xf32>,
      %gt3A_109 = arith.cmpf ogt, %get3A_108, %select_n3A_101 : vector<16xf32>
      %select_n3A_110 = arith.select %gt3A_109, %get3A_108, %select_n3A_101 : vector<16xi1>, vector<16xf32>
      %jit3A_111 = arith.constant 8 : i32
      %broadcast_in_dim3A_112 = vector.broadcast %jit3A_111 : i32 to vector<16xi32>
      %select_n3A_113 = arith.select %gt3A_109, %broadcast_in_dim3A_112, %select_n3A_104 : vector<16xi1>, vector<16xi32>
      %add3A_114 = arith.constant 4608 : i32
      %add3A_115 = arith.addi %add3A_114, %mul3A_32 : i32
      %get3A_116 = arith.index_cast %add3A_115 : i32 to index
      %get3A_117 = tpu.vector_load %arg5[%get3A_116] {strides = array<i32>} : memref<32768xf32, #tpu.memory_space<vmem>>, vector<16xf32>,
      %gt3A_118 = arith.cmpf ogt, %get3A_117, %select_n3A_110 : vector<16xf32>
      %select_n3A_119 = arith.select %gt3A_118, %get3A_117, %select_n3A_110 : vector<16xi1>, vector<16xf32>
      %jit3A_120 = arith.constant 9 : i32
      %broadcast_in_dim3A_121 = vector.broadcast %jit3A_120 : i32 to vector<16xi32>
      %select_n3A_122 = arith.select %gt3A_118, %broadcast_in_dim3A_121, %select_n3A_113 : vector<16xi1>, vector<16xi32>
      %add3A_123 = arith.constant 5120 : i32
      %add3A_124 = arith.addi %add3A_123, %mul3A_32 : i32
      %get3A_125 = arith.index_cast %add3A_124 : i32 to index
      %get3A_126 = tpu.vector_load %arg5[%get3A_125] {strides = array<i32>} : memref<32768xf32, #tpu.memory_space<vmem>>, vector<16xf32>,
      %gt3A_127 = arith.cmpf ogt, %get3A_126, %select_n3A_119 : vector<16xf32>
      %select_n3A_128 = arith.select %gt3A_127, %get3A_126, %select_n3A_119 : vector<16xi1>, vector<16xf32>
      %jit3A_129 = arith.constant 10 : i32
      %broadcast_in_dim3A_130 = vector.broadcast %jit3A_129 : i32 to vector<16xi32>
      %select_n3A_131 = arith.select %gt3A_127, %broadcast_in_dim3A_130, %select_n3A_122 : vector<16xi1>, vector<16xi32>
      %add3A_132 = arith.constant 5632 : i32
      %add3A_133 = arith.addi %add3A_132, %mul3A_32 : i32
      %get3A_134 = arith.index_cast %add3A_133 : i32 to index
      %get3A_135 = tpu.vector_load %arg5[%get3A_134] {strides = array<i32>} : memref<32768xf32, #tpu.memory_space<vmem>>, vector<16xf32>,
      %gt3A_136 = arith.cmpf ogt, %get3A_135, %select_n3A_128 : vector<16xf32>
      %select_n3A_137 = arith.select %gt3A_136, %get3A_135, %select_n3A_128 : vector<16xi1>, vector<16xf32>
      %jit3A_138 = arith.constant 11 : i32
      %broadcast_in_dim3A_139 = vector.broadcast %jit3A_138 : i32 to vector<16xi32>
      %select_n3A_140 = arith.select %gt3A_136, %broadcast_in_dim3A_139, %select_n3A_131 : vector<16xi1>, vector<16xi32>
      %add3A_141 = arith.constant 6144 : i32
      %add3A_142 = arith.addi %add3A_141, %mul3A_32 : i32
      %get3A_143 = arith.index_cast %add3A_142 : i32 to index
      %get3A_144 = tpu.vector_load %arg5[%get3A_143] {strides = array<i32>} : memref<32768xf32, #tpu.memory_space<vmem>>, vector<16xf32>,
      %gt3A_145 = arith.cmpf ogt, %get3A_144, %select_n3A_137 : vector<16xf32>
      %select_n3A_146 = arith.select %gt3A_145, %get3A_144, %select_n3A_137 : vector<16xi1>, vector<16xf32>
      %jit3A_147 = arith.constant 12 : i32
      %broadcast_in_dim3A_148 = vector.broadcast %jit3A_147 : i32 to vector<16xi32>
      %select_n3A_149 = arith.select %gt3A_145, %broadcast_in_dim3A_148, %select_n3A_140 : vector<16xi1>, vector<16xi32>
      %add3A_150 = arith.constant 6656 : i32
      %add3A_151 = arith.addi %add3A_150, %mul3A_32 : i32
      %get3A_152 = arith.index_cast %add3A_151 : i32 to index
      %get3A_153 = tpu.vector_load %arg5[%get3A_152] {strides = array<i32>} : memref<32768xf32, #tpu.memory_space<vmem>>, vector<16xf32>,
      %gt3A_154 = arith.cmpf ogt, %get3A_153, %select_n3A_146 : vector<16xf32>
      %select_n3A_155 = arith.select %gt3A_154, %get3A_153, %select_n3A_146 : vector<16xi1>, vector<16xf32>
      %jit3A_156 = arith.constant 13 : i32
      %broadcast_in_dim3A_157 = vector.broadcast %jit3A_156 : i32 to vector<16xi32>
      %select_n3A_158 = arith.select %gt3A_154, %broadcast_in_dim3A_157, %select_n3A_149 : vector<16xi1>, vector<16xi32>
      %add3A_159 = arith.constant 7168 : i32
      %add3A_160 = arith.addi %add3A_159, %mul3A_32 : i32
      %get3A_161 = arith.index_cast %add3A_160 : i32 to index
      %get3A_162 = tpu.vector_load %arg5[%get3A_161] {strides = array<i32>} : memref<32768xf32, #tpu.memory_space<vmem>>, vector<16xf32>,
      %gt3A_163 = arith.cmpf ogt, %get3A_162, %select_n3A_155 : vector<16xf32>
      %select_n3A_164 = arith.select %gt3A_163, %get3A_162, %select_n3A_155 : vector<16xi1>, vector<16xf32>
      %jit3A_165 = arith.constant 14 : i32
      %broadcast_in_dim3A_166 = vector.broadcast %jit3A_165 : i32 to vector<16xi32>
      %select_n3A_167 = arith.select %gt3A_163, %broadcast_in_dim3A_166, %select_n3A_158 : vector<16xi1>, vector<16xi32>
      %add3A_168 = arith.constant 7680 : i32
      %add3A_169 = arith.addi %add3A_168, %mul3A_32 : i32
      %get3A_170 = arith.index_cast %add3A_169 : i32 to index
      %get3A_171 = tpu.vector_load %arg5[%get3A_170] {strides = array<i32>} : memref<32768xf32, #tpu.memory_space<vmem>>, vector<16xf32>,
      %gt3A_172 = arith.cmpf ogt, %get3A_171, %select_n3A_164 : vector<16xf32>
      %select_n3A_173 = arith.select %gt3A_172, %get3A_171, %select_n3A_164 : vector<16xi1>, vector<16xf32>
      %jit3A_174 = arith.constant 15 : i32
      %broadcast_in_dim3A_175 = vector.broadcast %jit3A_174 : i32 to vector<16xi32>
      %select_n3A_176 = arith.select %gt3A_172, %broadcast_in_dim3A_175, %select_n3A_167 : vector<16xi1>, vector<16xi32>
      %broadcast_in_dim3A_177 = arith.constant 0 : i32
      %broadcast_in_dim3A_178 = vector.broadcast %broadcast_in_dim3A_177 : i32 to vector<16xi32>
      %add3A_179 = arith.constant 8192 : i32
      %add3A_180 = arith.addi %add3A_179, %mul3A_32 : i32
      %get3A_181 = arith.index_cast %add3A_180 : i32 to index
      %get3A_182 = tpu.vector_load %arg5[%get3A_181] {strides = array<i32>} : memref<32768xf32, #tpu.memory_space<vmem>>, vector<16xf32>,
      %gt3A_183 = arith.cmpf ogt, %get3A_182, %broadcast_in_dim3A_1 : vector<16xf32>
      %select_n3A_184 = arith.select %gt3A_183, %get3A_182, %broadcast_in_dim3A_1 : vector<16xi1>, vector<16xf32>
      %jit3A_185 = arith.constant 16 : i32
      %broadcast_in_dim3A_186 = vector.broadcast %jit3A_185 : i32 to vector<16xi32>
      %select_n3A_187 = arith.select %gt3A_183, %broadcast_in_dim3A_186, %broadcast_in_dim3A_178 : vector<16xi1>, vector<16xi32>
      %add3A_188 = arith.constant 8704 : i32
      %add3A_189 = arith.addi %add3A_188, %mul3A_32 : i32
      %get3A_190 = arith.index_cast %add3A_189 : i32 to index
      %get3A_191 = tpu.vector_load %arg5[%get3A_190] {strides = array<i32>} : memref<32768xf32, #tpu.memory_space<vmem>>, vector<16xf32>,
      %gt3A_192 = arith.cmpf ogt, %get3A_191, %select_n3A_184 : vector<16xf32>
      %select_n3A_193 = arith.select %gt3A_192, %get3A_191, %select_n3A_184 : vector<16xi1>, vector<16xf32>
      %jit3A_194 = arith.constant 17 : i32
      %broadcast_in_dim3A_195 = vector.broadcast %jit3A_194 : i32 to vector<16xi32>
      %select_n3A_196 = arith.select %gt3A_192, %broadcast_in_dim3A_195, %select_n3A_187 : vector<16xi1>, vector<16xi32>
      %add3A_197 = arith.constant 9216 : i32
      %add3A_198 = arith.addi %add3A_197, %mul3A_32 : i32
      %get3A_199 = arith.index_cast %add3A_198 : i32 to index
      %get3A_200 = tpu.vector_load %arg5[%get3A_199] {strides = array<i32>} : memref<32768xf32, #tpu.memory_space<vmem>>, vector<16xf32>,
      %gt3A_201 = arith.cmpf ogt, %get3A_200, %select_n3A_193 : vector<16xf32>
      %select_n3A_202 = arith.select %gt3A_201, %get3A_200, %select_n3A_193 : vector<16xi1>, vector<16xf32>
      %jit3A_203 = arith.constant 18 : i32
      %broadcast_in_dim3A_204 = vector.broadcast %jit3A_203 : i32 to vector<16xi32>
      %select_n3A_205 = arith.select %gt3A_201, %broadcast_in_dim3A_204, %select_n3A_196 : vector<16xi1>, vector<16xi32>
      %add3A_206 = arith.constant 9728 : i32
      %add3A_207 = arith.addi %add3A_206, %mul3A_32 : i32
      %get3A_208 = arith.index_cast %add3A_207 : i32 to index
      %get3A_209 = tpu.vector_load %arg5[%get3A_208] {strides = array<i32>} : memref<32768xf32, #tpu.memory_space<vmem>>, vector<16xf32>,
      %gt3A_210 = arith.cmpf ogt, %get3A_209, %select_n3A_202 : vector<16xf32>
      %select_n3A_211 = arith.select %gt3A_210, %get3A_209, %select_n3A_202 : vector<16xi1>, vector<16xf32>
      %jit3A_212 = arith.constant 19 : i32
      %broadcast_in_dim3A_213 = vector.broadcast %jit3A_212 : i32 to vector<16xi32>
      %select_n3A_214 = arith.select %gt3A_210, %broadcast_in_dim3A_213, %select_n3A_205 : vector<16xi1>, vector<16xi32>
      %add3A_215 = arith.constant 10240 : i32
      %add3A_216 = arith.addi %add3A_215, %mul3A_32 : i32
      %get3A_217 = arith.index_cast %add3A_216 : i32 to index
      %get3A_218 = tpu.vector_load %arg5[%get3A_217] {strides = array<i32>} : memref<32768xf32, #tpu.memory_space<vmem>>, vector<16xf32>,
      %gt3A_219 = arith.cmpf ogt, %get3A_218, %select_n3A_211 : vector<16xf32>
      %select_n3A_220 = arith.select %gt3A_219, %get3A_218, %select_n3A_211 : vector<16xi1>, vector<16xf32>
      %jit3A_221 = arith.constant 20 : i32
      %broadcast_in_dim3A_222 = vector.broadcast %jit3A_221 : i32 to vector<16xi32>
      %select_n3A_223 = arith.select %gt3A_219, %broadcast_in_dim3A_222, %select_n3A_214 : vector<16xi1>, vector<16xi32>
      %add3A_224 = arith.constant 10752 : i32
      %add3A_225 = arith.addi %add3A_224, %mul3A_32 : i32
      %get3A_226 = arith.index_cast %add3A_225 : i32 to index
      %get3A_227 = tpu.vector_load %arg5[%get3A_226] {strides = array<i32>} : memref<32768xf32, #tpu.memory_space<vmem>>, vector<16xf32>,
      %gt3A_228 = arith.cmpf ogt, %get3A_227, %select_n3A_220 : vector<16xf32>
      %select_n3A_229 = arith.select %gt3A_228, %get3A_227, %select_n3A_220 : vector<16xi1>, vector<16xf32>
      %jit3A_230 = arith.constant 21 : i32
      %broadcast_in_dim3A_231 = vector.broadcast %jit3A_230 : i32 to vector<16xi32>
      %select_n3A_232 = arith.select %gt3A_228, %broadcast_in_dim3A_231, %select_n3A_223 : vector<16xi1>, vector<16xi32>
      %add3A_233 = arith.constant 11264 : i32
      %add3A_234 = arith.addi %add3A_233, %mul3A_32 : i32
      %get3A_235 = arith.index_cast %add3A_234 : i32 to index
      %get3A_236 = tpu.vector_load %arg5[%get3A_235] {strides = array<i32>} : memref<32768xf32, #tpu.memory_space<vmem>>, vector<16xf32>,
      %gt3A_237 = arith.cmpf ogt, %get3A_236, %select_n3A_229 : vector<16xf32>
      %select_n3A_238 = arith.select %gt3A_237, %get3A_236, %select_n3A_229 : vector<16xi1>, vector<16xf32>
      %jit3A_239 = arith.constant 22 : i32
      %broadcast_in_dim3A_240 = vector.broadcast %jit3A_239 : i32 to vector<16xi32>
      %select_n3A_241 = arith.select %gt3A_237, %broadcast_in_dim3A_240, %select_n3A_232 : vector<16xi1>, vector<16xi32>
      %add3A_242 = arith.constant 11776 : i32
      %add3A_243 = arith.addi %add3A_242, %mul3A_32 : i32
      %get3A_244 = arith.index_cast %add3A_243 : i32 to index
      %get3A_245 = tpu.vector_load %arg5[%get3A_244] {strides = array<i32>} : memref<32768xf32, #tpu.memory_space<vmem>>, vector<16xf32>,
      %gt3A_246 = arith.cmpf ogt, %get3A_245, %select_n3A_238 : vector<16xf32>
      %select_n3A_247 = arith.select %gt3A_246, %get3A_245, %select_n3A_238 : vector<16xi1>, vector<16xf32>
      %jit3A_248 = arith.constant 23 : i32
      %broadcast_in_dim3A_249 = vector.broadcast %jit3A_248 : i32 to vector<16xi32>
      %select_n3A_250 = arith.select %gt3A_246, %broadcast_in_dim3A_249, %select_n3A_241 : vector<16xi1>, vector<16xi32>
      %add3A_251 = arith.constant 12288 : i32
      %add3A_252 = arith.addi %add3A_251, %mul3A_32 : i32
      %get3A_253 = arith.index_cast %add3A_252 : i32 to index
      %get3A_254 = tpu.vector_load %arg5[%get3A_253] {strides = array<i32>} : memref<32768xf32, #tpu.memory_space<vmem>>, vector<16xf32>,
      %gt3A_255 = arith.cmpf ogt, %get3A_254, %select_n3A_247 : vector<16xf32>
      %select_n3A_256 = arith.select %gt3A_255, %get3A_254, %select_n3A_247 : vector<16xi1>, vector<16xf32>
      %jit3A_257 = arith.constant 24 : i32
      %broadcast_in_dim3A_258 = vector.broadcast %jit3A_257 : i32 to vector<16xi32>
      %select_n3A_259 = arith.select %gt3A_255, %broadcast_in_dim3A_258, %select_n3A_250 : vector<16xi1>, vector<16xi32>
      %add3A_260 = arith.constant 12800 : i32
      %add3A_261 = arith.addi %add3A_260, %mul3A_32 : i32
      %get3A_262 = arith.index_cast %add3A_261 : i32 to index
      %get3A_263 = tpu.vector_load %arg5[%get3A_262] {strides = array<i32>} : memref<32768xf32, #tpu.memory_space<vmem>>, vector<16xf32>,
      %gt3A_264 = arith.cmpf ogt, %get3A_263, %select_n3A_256 : vector<16xf32>
      %select_n3A_265 = arith.select %gt3A_264, %get3A_263, %select_n3A_256 : vector<16xi1>, vector<16xf32>
      %jit3A_266 = arith.constant 25 : i32
      %broadcast_in_dim3A_267 = vector.broadcast %jit3A_266 : i32 to vector<16xi32>
      %select_n3A_268 = arith.select %gt3A_264, %broadcast_in_dim3A_267, %select_n3A_259 : vector<16xi1>, vector<16xi32>
      %add3A_269 = arith.constant 13312 : i32
      %add3A_270 = arith.addi %add3A_269, %mul3A_32 : i32
      %get3A_271 = arith.index_cast %add3A_270 : i32 to index
      %get3A_272 = tpu.vector_load %arg5[%get3A_271] {strides = array<i32>} : memref<32768xf32, #tpu.memory_space<vmem>>, vector<16xf32>,
      %gt3A_273 = arith.cmpf ogt, %get3A_272, %select_n3A_265 : vector<16xf32>
      %select_n3A_274 = arith.select %gt3A_273, %get3A_272, %select_n3A_265 : vector<16xi1>, vector<16xf32>
      %jit3A_275 = arith.constant 26 : i32
      %broadcast_in_dim3A_276 = vector.broadcast %jit3A_275 : i32 to vector<16xi32>
      %select_n3A_277 = arith.select %gt3A_273, %broadcast_in_dim3A_276, %select_n3A_268 : vector<16xi1>, vector<16xi32>
      %add3A_278 = arith.constant 13824 : i32
      %add3A_279 = arith.addi %add3A_278, %mul3A_32 : i32
      %get3A_280 = arith.index_cast %add3A_279 : i32 to index
      %get3A_281 = tpu.vector_load %arg5[%get3A_280] {strides = array<i32>} : memref<32768xf32, #tpu.memory_space<vmem>>, vector<16xf32>,
      %gt3A_282 = arith.cmpf ogt, %get3A_281, %select_n3A_274 : vector<16xf32>
      %select_n3A_283 = arith.select %gt3A_282, %get3A_281, %select_n3A_274 : vector<16xi1>, vector<16xf32>
      %jit3A_284 = arith.constant 27 : i32
      %broadcast_in_dim3A_285 = vector.broadcast %jit3A_284 : i32 to vector<16xi32>
      %select_n3A_286 = arith.select %gt3A_282, %broadcast_in_dim3A_285, %select_n3A_277 : vector<16xi1>, vector<16xi32>
      %add3A_287 = arith.constant 14336 : i32
      %add3A_288 = arith.addi %add3A_287, %mul3A_32 : i32
      %get3A_289 = arith.index_cast %add3A_288 : i32 to index
      %get3A_290 = tpu.vector_load %arg5[%get3A_289] {strides = array<i32>} : memref<32768xf32, #tpu.memory_space<vmem>>, vector<16xf32>,
      %gt3A_291 = arith.cmpf ogt, %get3A_290, %select_n3A_283 : vector<16xf32>
      %select_n3A_292 = arith.select %gt3A_291, %get3A_290, %select_n3A_283 : vector<16xi1>, vector<16xf32>
      %jit3A_293 = arith.constant 28 : i32
      %broadcast_in_dim3A_294 = vector.broadcast %jit3A_293 : i32 to vector<16xi32>
      %select_n3A_295 = arith.select %gt3A_291, %broadcast_in_dim3A_294, %select_n3A_286 : vector<16xi1>, vector<16xi32>
      %add3A_296 = arith.constant 14848 : i32
      %add3A_297 = arith.addi %add3A_296, %mul3A_32 : i32
      %get3A_298 = arith.index_cast %add3A_297 : i32 to index
      %get3A_299 = tpu.vector_load %arg5[%get3A_298] {strides = array<i32>} : memref<32768xf32, #tpu.memory_space<vmem>>, vector<16xf32>,
      %gt3A_300 = arith.cmpf ogt, %get3A_299, %select_n3A_292 : vector<16xf32>
      %select_n3A_301 = arith.select %gt3A_300, %get3A_299, %select_n3A_292 : vector<16xi1>, vector<16xf32>
      %jit3A_302 = arith.constant 29 : i32
      %broadcast_in_dim3A_303 = vector.broadcast %jit3A_302 : i32 to vector<16xi32>
      %select_n3A_304 = arith.select %gt3A_300, %broadcast_in_dim3A_303, %select_n3A_295 : vector<16xi1>, vector<16xi32>
      %add3A_305 = arith.constant 15360 : i32
      %add3A_306 = arith.addi %add3A_305, %mul3A_32 : i32
      %get3A_307 = arith.index_cast %add3A_306 : i32 to index
      %get3A_308 = tpu.vector_load %arg5[%get3A_307] {strides = array<i32>} : memref<32768xf32, #tpu.memory_space<vmem>>, vector<16xf32>,
      %gt3A_309 = arith.cmpf ogt, %get3A_308, %select_n3A_301 : vector<16xf32>
      %select_n3A_310 = arith.select %gt3A_309, %get3A_308, %select_n3A_301 : vector<16xi1>, vector<16xf32>
      %jit3A_311 = arith.constant 30 : i32
      %broadcast_in_dim3A_312 = vector.broadcast %jit3A_311 : i32 to vector<16xi32>
      %select_n3A_313 = arith.select %gt3A_309, %broadcast_in_dim3A_312, %select_n3A_304 : vector<16xi1>, vector<16xi32>
      %add3A_314 = arith.constant 15872 : i32
      %add3A_315 = arith.addi %add3A_314, %mul3A_32 : i32
      %get3A_316 = arith.index_cast %add3A_315 : i32 to index
      %get3A_317 = tpu.vector_load %arg5[%get3A_316] {strides = array<i32>} : memref<32768xf32, #tpu.memory_space<vmem>>, vector<16xf32>,
      %gt3A_318 = arith.cmpf ogt, %get3A_317, %select_n3A_310 : vector<16xf32>
      %select_n3A_319 = arith.select %gt3A_318, %get3A_317, %select_n3A_310 : vector<16xi1>, vector<16xf32>
      %jit3A_320 = arith.constant 31 : i32
      %broadcast_in_dim3A_321 = vector.broadcast %jit3A_320 : i32 to vector<16xi32>
      %select_n3A_322 = arith.select %gt3A_318, %broadcast_in_dim3A_321, %select_n3A_313 : vector<16xi1>, vector<16xi32>
      %broadcast_in_dim3A_323 = arith.constant 0 : i32
      %broadcast_in_dim3A_324 = vector.broadcast %broadcast_in_dim3A_323 : i32 to vector<16xi32>
      %add3A_325 = arith.constant 16384 : i32
      %add3A_326 = arith.addi %add3A_325, %mul3A_32 : i32
      %get3A_327 = arith.index_cast %add3A_326 : i32 to index
      %get3A_328 = tpu.vector_load %arg5[%get3A_327] {strides = array<i32>} : memref<32768xf32, #tpu.memory_space<vmem>>, vector<16xf32>,
      %gt3A_329 = arith.cmpf ogt, %get3A_328, %broadcast_in_dim3A_1 : vector<16xf32>
      %select_n3A_330 = arith.select %gt3A_329, %get3A_328, %broadcast_in_dim3A_1 : vector<16xi1>, vector<16xf32>
      %jit3A_331 = arith.constant 32 : i32
      %broadcast_in_dim3A_332 = vector.broadcast %jit3A_331 : i32 to vector<16xi32>
      %select_n3A_333 = arith.select %gt3A_329, %broadcast_in_dim3A_332, %broadcast_in_dim3A_324 : vector<16xi1>, vector<16xi32>
      %add3A_334 = arith.constant 16896 : i32
      %add3A_335 = arith.addi %add3A_334, %mul3A_32 : i32
      %get3A_336 = arith.index_cast %add3A_335 : i32 to index
      %get3A_337 = tpu.vector_load %arg5[%get3A_336] {strides = array<i32>} : memref<32768xf32, #tpu.memory_space<vmem>>, vector<16xf32>,
      %gt3A_338 = arith.cmpf ogt, %get3A_337, %select_n3A_330 : vector<16xf32>
      %select_n3A_339 = arith.select %gt3A_338, %get3A_337, %select_n3A_330 : vector<16xi1>, vector<16xf32>
      %jit3A_340 = arith.constant 33 : i32
      %broadcast_in_dim3A_341 = vector.broadcast %jit3A_340 : i32 to vector<16xi32>
      %select_n3A_342 = arith.select %gt3A_338, %broadcast_in_dim3A_341, %select_n3A_333 : vector<16xi1>, vector<16xi32>
      %add3A_343 = arith.constant 17408 : i32
      %add3A_344 = arith.addi %add3A_343, %mul3A_32 : i32
      %get3A_345 = arith.index_cast %add3A_344 : i32 to index
      %get3A_346 = tpu.vector_load %arg5[%get3A_345] {strides = array<i32>} : memref<32768xf32, #tpu.memory_space<vmem>>, vector<16xf32>,
      %gt3A_347 = arith.cmpf ogt, %get3A_346, %select_n3A_339 : vector<16xf32>
      %select_n3A_348 = arith.select %gt3A_347, %get3A_346, %select_n3A_339 : vector<16xi1>, vector<16xf32>
      %jit3A_349 = arith.constant 34 : i32
      %broadcast_in_dim3A_350 = vector.broadcast %jit3A_349 : i32 to vector<16xi32>
      %select_n3A_351 = arith.select %gt3A_347, %broadcast_in_dim3A_350, %select_n3A_342 : vector<16xi1>, vector<16xi32>
      %add3A_352 = arith.constant 17920 : i32
      %add3A_353 = arith.addi %add3A_352, %mul3A_32 : i32
      %get3A_354 = arith.index_cast %add3A_353 : i32 to index
      %get3A_355 = tpu.vector_load %arg5[%get3A_354] {strides = array<i32>} : memref<32768xf32, #tpu.memory_space<vmem>>, vector<16xf32>,
      %gt3A_356 = arith.cmpf ogt, %get3A_355, %select_n3A_348 : vector<16xf32>
      %select_n3A_357 = arith.select %gt3A_356, %get3A_355, %select_n3A_348 : vector<16xi1>, vector<16xf32>
      %jit3A_358 = arith.constant 35 : i32
      %broadcast_in_dim3A_359 = vector.broadcast %jit3A_358 : i32 to vector<16xi32>
      %select_n3A_360 = arith.select %gt3A_356, %broadcast_in_dim3A_359, %select_n3A_351 : vector<16xi1>, vector<16xi32>
      %add3A_361 = arith.constant 18432 : i32
      %add3A_362 = arith.addi %add3A_361, %mul3A_32 : i32
      %get3A_363 = arith.index_cast %add3A_362 : i32 to index
      %get3A_364 = tpu.vector_load %arg5[%get3A_363] {strides = array<i32>} : memref<32768xf32, #tpu.memory_space<vmem>>, vector<16xf32>,
      %gt3A_365 = arith.cmpf ogt, %get3A_364, %select_n3A_357 : vector<16xf32>
      %select_n3A_366 = arith.select %gt3A_365, %get3A_364, %select_n3A_357 : vector<16xi1>, vector<16xf32>
      %jit3A_367 = arith.constant 36 : i32
      %broadcast_in_dim3A_368 = vector.broadcast %jit3A_367 : i32 to vector<16xi32>
      %select_n3A_369 = arith.select %gt3A_365, %broadcast_in_dim3A_368, %select_n3A_360 : vector<16xi1>, vector<16xi32>
      %add3A_370 = arith.constant 18944 : i32
      %add3A_371 = arith.addi %add3A_370, %mul3A_32 : i32
      %get3A_372 = arith.index_cast %add3A_371 : i32 to index
      %get3A_373 = tpu.vector_load %arg5[%get3A_372] {strides = array<i32>} : memref<32768xf32, #tpu.memory_space<vmem>>, vector<16xf32>,
      %gt3A_374 = arith.cmpf ogt, %get3A_373, %select_n3A_366 : vector<16xf32>
      %select_n3A_375 = arith.select %gt3A_374, %get3A_373, %select_n3A_366 : vector<16xi1>, vector<16xf32>
      %jit3A_376 = arith.constant 37 : i32
      %broadcast_in_dim3A_377 = vector.broadcast %jit3A_376 : i32 to vector<16xi32>
      %select_n3A_378 = arith.select %gt3A_374, %broadcast_in_dim3A_377, %select_n3A_369 : vector<16xi1>, vector<16xi32>
      %add3A_379 = arith.constant 19456 : i32
      %add3A_380 = arith.addi %add3A_379, %mul3A_32 : i32
      %get3A_381 = arith.index_cast %add3A_380 : i32 to index
      %get3A_382 = tpu.vector_load %arg5[%get3A_381] {strides = array<i32>} : memref<32768xf32, #tpu.memory_space<vmem>>, vector<16xf32>,
      %gt3A_383 = arith.cmpf ogt, %get3A_382, %select_n3A_375 : vector<16xf32>
      %select_n3A_384 = arith.select %gt3A_383, %get3A_382, %select_n3A_375 : vector<16xi1>, vector<16xf32>
      %jit3A_385 = arith.constant 38 : i32
      %broadcast_in_dim3A_386 = vector.broadcast %jit3A_385 : i32 to vector<16xi32>
      %select_n3A_387 = arith.select %gt3A_383, %broadcast_in_dim3A_386, %select_n3A_378 : vector<16xi1>, vector<16xi32>
      %add3A_388 = arith.constant 19968 : i32
      %add3A_389 = arith.addi %add3A_388, %mul3A_32 : i32
      %get3A_390 = arith.index_cast %add3A_389 : i32 to index
      %get3A_391 = tpu.vector_load %arg5[%get3A_390] {strides = array<i32>} : memref<32768xf32, #tpu.memory_space<vmem>>, vector<16xf32>,
      %gt3A_392 = arith.cmpf ogt, %get3A_391, %select_n3A_384 : vector<16xf32>
      %select_n3A_393 = arith.select %gt3A_392, %get3A_391, %select_n3A_384 : vector<16xi1>, vector<16xf32>
      %jit3A_394 = arith.constant 39 : i32
      %broadcast_in_dim3A_395 = vector.broadcast %jit3A_394 : i32 to vector<16xi32>
      %select_n3A_396 = arith.select %gt3A_392, %broadcast_in_dim3A_395, %select_n3A_387 : vector<16xi1>, vector<16xi32>
      %add3A_397 = arith.constant 20480 : i32
      %add3A_398 = arith.addi %add3A_397, %mul3A_32 : i32
      %get3A_399 = arith.index_cast %add3A_398 : i32 to index
      %get3A_400 = tpu.vector_load %arg5[%get3A_399] {strides = array<i32>} : memref<32768xf32, #tpu.memory_space<vmem>>, vector<16xf32>,
      %gt3A_401 = arith.cmpf ogt, %get3A_400, %select_n3A_393 : vector<16xf32>
      %select_n3A_402 = arith.select %gt3A_401, %get3A_400, %select_n3A_393 : vector<16xi1>, vector<16xf32>
      %jit3A_403 = arith.constant 40 : i32
      %broadcast_in_dim3A_404 = vector.broadcast %jit3A_403 : i32 to vector<16xi32>
      %select_n3A_405 = arith.select %gt3A_401, %broadcast_in_dim3A_404, %select_n3A_396 : vector<16xi1>, vector<16xi32>
      %add3A_406 = arith.constant 20992 : i32
      %add3A_407 = arith.addi %add3A_406, %mul3A_32 : i32
      %get3A_408 = arith.index_cast %add3A_407 : i32 to index
      %get3A_409 = tpu.vector_load %arg5[%get3A_408] {strides = array<i32>} : memref<32768xf32, #tpu.memory_space<vmem>>, vector<16xf32>,
      %gt3A_410 = arith.cmpf ogt, %get3A_409, %select_n3A_402 : vector<16xf32>
      %select_n3A_411 = arith.select %gt3A_410, %get3A_409, %select_n3A_402 : vector<16xi1>, vector<16xf32>
      %jit3A_412 = arith.constant 41 : i32
      %broadcast_in_dim3A_413 = vector.broadcast %jit3A_412 : i32 to vector<16xi32>
      %select_n3A_414 = arith.select %gt3A_410, %broadcast_in_dim3A_413, %select_n3A_405 : vector<16xi1>, vector<16xi32>
      %add3A_415 = arith.constant 21504 : i32
      %add3A_416 = arith.addi %add3A_415, %mul3A_32 : i32
      %get3A_417 = arith.index_cast %add3A_416 : i32 to index
      %get3A_418 = tpu.vector_load %arg5[%get3A_417] {strides = array<i32>} : memref<32768xf32, #tpu.memory_space<vmem>>, vector<16xf32>,
      %gt3A_419 = arith.cmpf ogt, %get3A_418, %select_n3A_411 : vector<16xf32>
      %select_n3A_420 = arith.select %gt3A_419, %get3A_418, %select_n3A_411 : vector<16xi1>, vector<16xf32>
      %jit3A_421 = arith.constant 42 : i32
      %broadcast_in_dim3A_422 = vector.broadcast %jit3A_421 : i32 to vector<16xi32>
      %select_n3A_423 = arith.select %gt3A_419, %broadcast_in_dim3A_422, %select_n3A_414 : vector<16xi1>, vector<16xi32>
      %add3A_424 = arith.constant 22016 : i32
      %add3A_425 = arith.addi %add3A_424, %mul3A_32 : i32
      %get3A_426 = arith.index_cast %add3A_425 : i32 to index
      %get3A_427 = tpu.vector_load %arg5[%get3A_426] {strides = array<i32>} : memref<32768xf32, #tpu.memory_space<vmem>>, vector<16xf32>,
      %gt3A_428 = arith.cmpf ogt, %get3A_427, %select_n3A_420 : vector<16xf32>
      %select_n3A_429 = arith.select %gt3A_428, %get3A_427, %select_n3A_420 : vector<16xi1>, vector<16xf32>
      %jit3A_430 = arith.constant 43 : i32
      %broadcast_in_dim3A_431 = vector.broadcast %jit3A_430 : i32 to vector<16xi32>
      %select_n3A_432 = arith.select %gt3A_428, %broadcast_in_dim3A_431, %select_n3A_423 : vector<16xi1>, vector<16xi32>
      %add3A_433 = arith.constant 22528 : i32
      %add3A_434 = arith.addi %add3A_433, %mul3A_32 : i32
      %get3A_435 = arith.index_cast %add3A_434 : i32 to index
      %get3A_436 = tpu.vector_load %arg5[%get3A_435] {strides = array<i32>} : memref<32768xf32, #tpu.memory_space<vmem>>, vector<16xf32>,
      %gt3A_437 = arith.cmpf ogt, %get3A_436, %select_n3A_429 : vector<16xf32>
      %select_n3A_438 = arith.select %gt3A_437, %get3A_436, %select_n3A_429 : vector<16xi1>, vector<16xf32>
      %jit3A_439 = arith.constant 44 : i32
      %broadcast_in_dim3A_440 = vector.broadcast %jit3A_439 : i32 to vector<16xi32>
      %select_n3A_441 = arith.select %gt3A_437, %broadcast_in_dim3A_440, %select_n3A_432 : vector<16xi1>, vector<16xi32>
      %add3A_442 = arith.constant 23040 : i32
      %add3A_443 = arith.addi %add3A_442, %mul3A_32 : i32
      %get3A_444 = arith.index_cast %add3A_443 : i32 to index
      %get3A_445 = tpu.vector_load %arg5[%get3A_444] {strides = array<i32>} : memref<32768xf32, #tpu.memory_space<vmem>>, vector<16xf32>,
      %gt3A_446 = arith.cmpf ogt, %get3A_445, %select_n3A_438 : vector<16xf32>
      %select_n3A_447 = arith.select %gt3A_446, %get3A_445, %select_n3A_438 : vector<16xi1>, vector<16xf32>
      %jit3A_448 = arith.constant 45 : i32
      %broadcast_in_dim3A_449 = vector.broadcast %jit3A_448 : i32 to vector<16xi32>
      %select_n3A_450 = arith.select %gt3A_446, %broadcast_in_dim3A_449, %select_n3A_441 : vector<16xi1>, vector<16xi32>
      %add3A_451 = arith.constant 23552 : i32
      %add3A_452 = arith.addi %add3A_451, %mul3A_32 : i32
      %get3A_453 = arith.index_cast %add3A_452 : i32 to index
      %get3A_454 = tpu.vector_load %arg5[%get3A_453] {strides = array<i32>} : memref<32768xf32, #tpu.memory_space<vmem>>, vector<16xf32>,
      %gt3A_455 = arith.cmpf ogt, %get3A_454, %select_n3A_447 : vector<16xf32>
      %select_n3A_456 = arith.select %gt3A_455, %get3A_454, %select_n3A_447 : vector<16xi1>, vector<16xf32>
      %jit3A_457 = arith.constant 46 : i32
      %broadcast_in_dim3A_458 = vector.broadcast %jit3A_457 : i32 to vector<16xi32>
      %select_n3A_459 = arith.select %gt3A_455, %broadcast_in_dim3A_458, %select_n3A_450 : vector<16xi1>, vector<16xi32>
      %add3A_460 = arith.constant 24064 : i32
      %add3A_461 = arith.addi %add3A_460, %mul3A_32 : i32
      %get3A_462 = arith.index_cast %add3A_461 : i32 to index
      %get3A_463 = tpu.vector_load %arg5[%get3A_462] {strides = array<i32>} : memref<32768xf32, #tpu.memory_space<vmem>>, vector<16xf32>,
      %gt3A_464 = arith.cmpf ogt, %get3A_463, %select_n3A_456 : vector<16xf32>
      %select_n3A_465 = arith.select %gt3A_464, %get3A_463, %select_n3A_456 : vector<16xi1>, vector<16xf32>
      %jit3A_466 = arith.constant 47 : i32
      %broadcast_in_dim3A_467 = vector.broadcast %jit3A_466 : i32 to vector<16xi32>
      %select_n3A_468 = arith.select %gt3A_464, %broadcast_in_dim3A_467, %select_n3A_459 : vector<16xi1>, vector<16xi32>
      %broadcast_in_dim3A_469 = arith.constant 0 : i32
      %broadcast_in_dim3A_470 = vector.broadcast %broadcast_in_dim3A_469 : i32 to vector<16xi32>
      %add3A_471 = arith.constant 24576 : i32
      %add3A_472 = arith.addi %add3A_471, %mul3A_32 : i32
      %get3A_473 = arith.index_cast %add3A_472 : i32 to index
      %get3A_474 = tpu.vector_load %arg5[%get3A_473] {strides = array<i32>} : memref<32768xf32, #tpu.memory_space<vmem>>, vector<16xf32>,
      %gt3A_475 = arith.cmpf ogt, %get3A_474, %broadcast_in_dim3A_1 : vector<16xf32>
      %select_n3A_476 = arith.select %gt3A_475, %get3A_474, %broadcast_in_dim3A_1 : vector<16xi1>, vector<16xf32>
      %jit3A_477 = arith.constant 48 : i32
      %broadcast_in_dim3A_478 = vector.broadcast %jit3A_477 : i32 to vector<16xi32>
      %select_n3A_479 = arith.select %gt3A_475, %broadcast_in_dim3A_478, %broadcast_in_dim3A_470 : vector<16xi1>, vector<16xi32>
      %add3A_480 = arith.constant 25088 : i32
      %add3A_481 = arith.addi %add3A_480, %mul3A_32 : i32
      %get3A_482 = arith.index_cast %add3A_481 : i32 to index
      %get3A_483 = tpu.vector_load %arg5[%get3A_482] {strides = array<i32>} : memref<32768xf32, #tpu.memory_space<vmem>>, vector<16xf32>,
      %gt3A_484 = arith.cmpf ogt, %get3A_483, %select_n3A_476 : vector<16xf32>
      %select_n3A_485 = arith.select %gt3A_484, %get3A_483, %select_n3A_476 : vector<16xi1>, vector<16xf32>
      %jit3A_486 = arith.constant 49 : i32
      %broadcast_in_dim3A_487 = vector.broadcast %jit3A_486 : i32 to vector<16xi32>
      %select_n3A_488 = arith.select %gt3A_484, %broadcast_in_dim3A_487, %select_n3A_479 : vector<16xi1>, vector<16xi32>
      %add3A_489 = arith.constant 25600 : i32
      %add3A_490 = arith.addi %add3A_489, %mul3A_32 : i32
      %get3A_491 = arith.index_cast %add3A_490 : i32 to index
      %get3A_492 = tpu.vector_load %arg5[%get3A_491] {strides = array<i32>} : memref<32768xf32, #tpu.memory_space<vmem>>, vector<16xf32>,
      %gt3A_493 = arith.cmpf ogt, %get3A_492, %select_n3A_485 : vector<16xf32>
      %select_n3A_494 = arith.select %gt3A_493, %get3A_492, %select_n3A_485 : vector<16xi1>, vector<16xf32>
      %jit3A_495 = arith.constant 50 : i32
      %broadcast_in_dim3A_496 = vector.broadcast %jit3A_495 : i32 to vector<16xi32>
      %select_n3A_497 = arith.select %gt3A_493, %broadcast_in_dim3A_496, %select_n3A_488 : vector<16xi1>, vector<16xi32>
      %add3A_498 = arith.constant 26112 : i32
      %add3A_499 = arith.addi %add3A_498, %mul3A_32 : i32
      %get3A_500 = arith.index_cast %add3A_499 : i32 to index
      %get3A_501 = tpu.vector_load %arg5[%get3A_500] {strides = array<i32>} : memref<32768xf32, #tpu.memory_space<vmem>>, vector<16xf32>,
      %gt3A_502 = arith.cmpf ogt, %get3A_501, %select_n3A_494 : vector<16xf32>
      %select_n3A_503 = arith.select %gt3A_502, %get3A_501, %select_n3A_494 : vector<16xi1>, vector<16xf32>
      %jit3A_504 = arith.constant 51 : i32
      %broadcast_in_dim3A_505 = vector.broadcast %jit3A_504 : i32 to vector<16xi32>
      %select_n3A_506 = arith.select %gt3A_502, %broadcast_in_dim3A_505, %select_n3A_497 : vector<16xi1>, vector<16xi32>
      %add3A_507 = arith.constant 26624 : i32
      %add3A_508 = arith.addi %add3A_507, %mul3A_32 : i32
      %get3A_509 = arith.index_cast %add3A_508 : i32 to index
      %get3A_510 = tpu.vector_load %arg5[%get3A_509] {strides = array<i32>} : memref<32768xf32, #tpu.memory_space<vmem>>, vector<16xf32>,
      %gt3A_511 = arith.cmpf ogt, %get3A_510, %select_n3A_503 : vector<16xf32>
      %select_n3A_512 = arith.select %gt3A_511, %get3A_510, %select_n3A_503 : vector<16xi1>, vector<16xf32>
      %jit3A_513 = arith.constant 52 : i32
      %broadcast_in_dim3A_514 = vector.broadcast %jit3A_513 : i32 to vector<16xi32>
      %select_n3A_515 = arith.select %gt3A_511, %broadcast_in_dim3A_514, %select_n3A_506 : vector<16xi1>, vector<16xi32>
      %add3A_516 = arith.constant 27136 : i32
      %add3A_517 = arith.addi %add3A_516, %mul3A_32 : i32
      %get3A_518 = arith.index_cast %add3A_517 : i32 to index
      %get3A_519 = tpu.vector_load %arg5[%get3A_518] {strides = array<i32>} : memref<32768xf32, #tpu.memory_space<vmem>>, vector<16xf32>,
      %gt3A_520 = arith.cmpf ogt, %get3A_519, %select_n3A_512 : vector<16xf32>
      %select_n3A_521 = arith.select %gt3A_520, %get3A_519, %select_n3A_512 : vector<16xi1>, vector<16xf32>
      %jit3A_522 = arith.constant 53 : i32
      %broadcast_in_dim3A_523 = vector.broadcast %jit3A_522 : i32 to vector<16xi32>
      %select_n3A_524 = arith.select %gt3A_520, %broadcast_in_dim3A_523, %select_n3A_515 : vector<16xi1>, vector<16xi32>
      %add3A_525 = arith.constant 27648 : i32
      %add3A_526 = arith.addi %add3A_525, %mul3A_32 : i32
      %get3A_527 = arith.index_cast %add3A_526 : i32 to index
      %get3A_528 = tpu.vector_load %arg5[%get3A_527] {strides = array<i32>} : memref<32768xf32, #tpu.memory_space<vmem>>, vector<16xf32>,
      %gt3A_529 = arith.cmpf ogt, %get3A_528, %select_n3A_521 : vector<16xf32>
      %select_n3A_530 = arith.select %gt3A_529, %get3A_528, %select_n3A_521 : vector<16xi1>, vector<16xf32>
      %jit3A_531 = arith.constant 54 : i32
      %broadcast_in_dim3A_532 = vector.broadcast %jit3A_531 : i32 to vector<16xi32>
      %select_n3A_533 = arith.select %gt3A_529, %broadcast_in_dim3A_532, %select_n3A_524 : vector<16xi1>, vector<16xi32>
      %add3A_534 = arith.constant 28160 : i32
      %add3A_535 = arith.addi %add3A_534, %mul3A_32 : i32
      %get3A_536 = arith.index_cast %add3A_535 : i32 to index
      %get3A_537 = tpu.vector_load %arg5[%get3A_536] {strides = array<i32>} : memref<32768xf32, #tpu.memory_space<vmem>>, vector<16xf32>,
      %gt3A_538 = arith.cmpf ogt, %get3A_537, %select_n3A_530 : vector<16xf32>
      %select_n3A_539 = arith.select %gt3A_538, %get3A_537, %select_n3A_530 : vector<16xi1>, vector<16xf32>
      %jit3A_540 = arith.constant 55 : i32
      %broadcast_in_dim3A_541 = vector.broadcast %jit3A_540 : i32 to vector<16xi32>
      %select_n3A_542 = arith.select %gt3A_538, %broadcast_in_dim3A_541, %select_n3A_533 : vector<16xi1>, vector<16xi32>
      %add3A_543 = arith.constant 28672 : i32
      %add3A_544 = arith.addi %add3A_543, %mul3A_32 : i32
      %get3A_545 = arith.index_cast %add3A_544 : i32 to index
      %get3A_546 = tpu.vector_load %arg5[%get3A_545] {strides = array<i32>} : memref<32768xf32, #tpu.memory_space<vmem>>, vector<16xf32>,
      %gt3A_547 = arith.cmpf ogt, %get3A_546, %select_n3A_539 : vector<16xf32>
      %select_n3A_548 = arith.select %gt3A_547, %get3A_546, %select_n3A_539 : vector<16xi1>, vector<16xf32>
      %jit3A_549 = arith.constant 56 : i32
      %broadcast_in_dim3A_550 = vector.broadcast %jit3A_549 : i32 to vector<16xi32>
      %select_n3A_551 = arith.select %gt3A_547, %broadcast_in_dim3A_550, %select_n3A_542 : vector<16xi1>, vector<16xi32>
      %add3A_552 = arith.constant 29184 : i32
      %add3A_553 = arith.addi %add3A_552, %mul3A_32 : i32
      %get3A_554 = arith.index_cast %add3A_553 : i32 to index
      %get3A_555 = tpu.vector_load %arg5[%get3A_554] {strides = array<i32>} : memref<32768xf32, #tpu.memory_space<vmem>>, vector<16xf32>,
      %gt3A_556 = arith.cmpf ogt, %get3A_555, %select_n3A_548 : vector<16xf32>
      %select_n3A_557 = arith.select %gt3A_556, %get3A_555, %select_n3A_548 : vector<16xi1>, vector<16xf32>
      %jit3A_558 = arith.constant 57 : i32
      %broadcast_in_dim3A_559 = vector.broadcast %jit3A_558 : i32 to vector<16xi32>
      %select_n3A_560 = arith.select %gt3A_556, %broadcast_in_dim3A_559, %select_n3A_551 : vector<16xi1>, vector<16xi32>
      %add3A_561 = arith.constant 29696 : i32
      %add3A_562 = arith.addi %add3A_561, %mul3A_32 : i32
      %get3A_563 = arith.index_cast %add3A_562 : i32 to index
      %get3A_564 = tpu.vector_load %arg5[%get3A_563] {strides = array<i32>} : memref<32768xf32, #tpu.memory_space<vmem>>, vector<16xf32>,
      %gt3A_565 = arith.cmpf ogt, %get3A_564, %select_n3A_557 : vector<16xf32>
      %select_n3A_566 = arith.select %gt3A_565, %get3A_564, %select_n3A_557 : vector<16xi1>, vector<16xf32>
      %jit3A_567 = arith.constant 58 : i32
      %broadcast_in_dim3A_568 = vector.broadcast %jit3A_567 : i32 to vector<16xi32>
      %select_n3A_569 = arith.select %gt3A_565, %broadcast_in_dim3A_568, %select_n3A_560 : vector<16xi1>, vector<16xi32>
      %add3A_570 = arith.constant 30208 : i32
      %add3A_571 = arith.addi %add3A_570, %mul3A_32 : i32
      %get3A_572 = arith.index_cast %add3A_571 : i32 to index
      %get3A_573 = tpu.vector_load %arg5[%get3A_572] {strides = array<i32>} : memref<32768xf32, #tpu.memory_space<vmem>>, vector<16xf32>,
      %gt3A_574 = arith.cmpf ogt, %get3A_573, %select_n3A_566 : vector<16xf32>
      %select_n3A_575 = arith.select %gt3A_574, %get3A_573, %select_n3A_566 : vector<16xi1>, vector<16xf32>
      %jit3A_576 = arith.constant 59 : i32
      %broadcast_in_dim3A_577 = vector.broadcast %jit3A_576 : i32 to vector<16xi32>
      %select_n3A_578 = arith.select %gt3A_574, %broadcast_in_dim3A_577, %select_n3A_569 : vector<16xi1>, vector<16xi32>
      %add3A_579 = arith.constant 30720 : i32
      %add3A_580 = arith.addi %add3A_579, %mul3A_32 : i32
      %get3A_581 = arith.index_cast %add3A_580 : i32 to index
      %get3A_582 = tpu.vector_load %arg5[%get3A_581] {strides = array<i32>} : memref<32768xf32, #tpu.memory_space<vmem>>, vector<16xf32>,
      %gt3A_583 = arith.cmpf ogt, %get3A_582, %select_n3A_575 : vector<16xf32>
      %select_n3A_584 = arith.select %gt3A_583, %get3A_582, %select_n3A_575 : vector<16xi1>, vector<16xf32>
      %jit3A_585 = arith.constant 60 : i32
      %broadcast_in_dim3A_586 = vector.broadcast %jit3A_585 : i32 to vector<16xi32>
      %select_n3A_587 = arith.select %gt3A_583, %broadcast_in_dim3A_586, %select_n3A_578 : vector<16xi1>, vector<16xi32>
      %add3A_588 = arith.constant 31232 : i32
      %add3A_589 = arith.addi %add3A_588, %mul3A_32 : i32
      %get3A_590 = arith.index_cast %add3A_589 : i32 to index
      %get3A_591 = tpu.vector_load %arg5[%get3A_590] {strides = array<i32>} : memref<32768xf32, #tpu.memory_space<vmem>>, vector<16xf32>,
      %gt3A_592 = arith.cmpf ogt, %get3A_591, %select_n3A_584 : vector<16xf32>
      %select_n3A_593 = arith.select %gt3A_592, %get3A_591, %select_n3A_584 : vector<16xi1>, vector<16xf32>
      %jit3A_594 = arith.constant 61 : i32
      %broadcast_in_dim3A_595 = vector.broadcast %jit3A_594 : i32 to vector<16xi32>
      %select_n3A_596 = arith.select %gt3A_592, %broadcast_in_dim3A_595, %select_n3A_587 : vector<16xi1>, vector<16xi32>
      %add3A_597 = arith.constant 31744 : i32
      %add3A_598 = arith.addi %add3A_597, %mul3A_32 : i32
      %get3A_599 = arith.index_cast %add3A_598 : i32 to index
      %get3A_600 = tpu.vector_load %arg5[%get3A_599] {strides = array<i32>} : memref<32768xf32, #tpu.memory_space<vmem>>, vector<16xf32>,
      %gt3A_601 = arith.cmpf ogt, %get3A_600, %select_n3A_593 : vector<16xf32>
      %select_n3A_602 = arith.select %gt3A_601, %get3A_600, %select_n3A_593 : vector<16xi1>, vector<16xf32>
      %jit3A_603 = arith.constant 62 : i32
      %broadcast_in_dim3A_604 = vector.broadcast %jit3A_603 : i32 to vector<16xi32>
      %select_n3A_605 = arith.select %gt3A_601, %broadcast_in_dim3A_604, %select_n3A_596 : vector<16xi1>, vector<16xi32>
      %add3A_606 = arith.constant 32256 : i32
      %add3A_607 = arith.addi %add3A_606, %mul3A_32 : i32
      %get3A_608 = arith.index_cast %add3A_607 : i32 to index
      %get3A_609 = tpu.vector_load %arg5[%get3A_608] {strides = array<i32>} : memref<32768xf32, #tpu.memory_space<vmem>>, vector<16xf32>,
      %gt3A_610 = arith.cmpf ogt, %get3A_609, %select_n3A_602 : vector<16xf32>
      %select_n3A_611 = arith.select %gt3A_610, %get3A_609, %select_n3A_602 : vector<16xi1>, vector<16xf32>
      %jit3A_612 = arith.constant 63 : i32
      %broadcast_in_dim3A_613 = vector.broadcast %jit3A_612 : i32 to vector<16xi32>
      %select_n3A_614 = arith.select %gt3A_610, %broadcast_in_dim3A_613, %select_n3A_605 : vector<16xi1>, vector<16xi32>
      %gt3A_615 = arith.cmpf ogt, %select_n3A_319, %select_n3A_173 : vector<16xf32>
      %select_n3A_616 = arith.select %gt3A_615, %select_n3A_319, %select_n3A_173 : vector<16xi1>, vector<16xf32>
      %select_n3A_617 = arith.select %gt3A_615, %select_n3A_322, %select_n3A_176 : vector<16xi1>, vector<16xi32>
      %gt3A_618 = arith.cmpf ogt, %select_n3A_611, %select_n3A_465 : vector<16xf32>
      %select_n3A_619 = arith.select %gt3A_618, %select_n3A_611, %select_n3A_465 : vector<16xi1>, vector<16xf32>
      %select_n3A_620 = arith.select %gt3A_618, %select_n3A_614, %select_n3A_468 : vector<16xi1>, vector<16xi32>
      %gt3A_621 = arith.cmpf ogt, %select_n3A_619, %select_n3A_616 : vector<16xf32>
      %select_n3A_622 = arith.select %gt3A_621, %select_n3A_619, %select_n3A_616 : vector<16xi1>, vector<16xf32>
      %select_n3A_623 = arith.select %gt3A_621, %select_n3A_620, %select_n3A_617 : vector<16xi1>, vector<16xi32>
      %mul3A_624 = arith.constant 512 : i32
      %mul3A_625 = vector.broadcast %mul3A_624 : i32 to vector<16xi32>
      %mul3A_626 = arith.muli %select_n3A_623, %mul3A_625 : vector<16xi32>
      %add3A_627 = arith.addi %mul3A_626, %add3A_34 : vector<16xi32>
      tpu.vector_store_idx %arg5[%add3A_627], %broadcast_in_dim3A_1 : memref<32768xf32, #tpu.memory_space<vmem>>[vector<16xi32>], vector<16xf32>,
      %shift_right_logical3A = arith.constant 4 : i32
      %shift_right_logical3A_628 = vector.broadcast %shift_right_logical3A : i32 to vector<16xi32>
      %shift_right_logical3A_629 = arith.shrui %select_n3A_623, %shift_right_logical3A_628 : vector<16xi32>
      %mul3A_630 = arith.constant 16 : i32
      %mul3A_631 = vector.broadcast %mul3A_630 : i32 to vector<16xi32>
      %mul3A_632 = arith.muli %shift_right_logical3A_629, %mul3A_631 : vector<16xi32>
      %mul3A_633 = arith.constant 512 : i32
      %mul3A_634 = vector.broadcast %mul3A_633 : i32 to vector<16xi32>
      %mul3A_635 = arith.muli %mul3A_632, %mul3A_634 : vector<16xi32>
      %add3A_636 = arith.addi %mul3A_635, %add3A_34 : vector<16xi32>
      %broadcast_in_dim3A_637 = arith.constant 0 : i32
      %broadcast_in_dim3A_638 = vector.broadcast %broadcast_in_dim3A_637 : i32 to vector<16xi32>
      %add3A_639 = arith.constant 0 : i32
      %add3A_640 = vector.broadcast %add3A_639 : i32 to vector<16xi32>
      %add3A_641 = arith.addi %add3A_636, %add3A_640 : vector<16xi32>
      %gather3A = tpu.vector_load_idx %arg5[%add3A_641] : memref<32768xf32, #tpu.memory_space<vmem>>[vector<16xi32>], vector<16xf32>,
      %gt3A_642 = arith.cmpf ogt, %gather3A, %broadcast_in_dim3A_1 : vector<16xf32>
      %select_n3A_643 = arith.select %gt3A_642, %gather3A, %broadcast_in_dim3A_1 : vector<16xi1>, vector<16xf32>
      %add3A_644 = arith.constant 0 : i32
      %add3A_645 = vector.broadcast %add3A_644 : i32 to vector<16xi32>
      %add3A_646 = arith.addi %mul3A_632, %add3A_645 : vector<16xi32>
      %select_n3A_647 = arith.select %gt3A_642, %add3A_646, %broadcast_in_dim3A_638 : vector<16xi1>, vector<16xi32>
      %add3A_648 = arith.constant 512 : i32
      %add3A_649 = vector.broadcast %add3A_648 : i32 to vector<16xi32>
      %add3A_650 = arith.addi %add3A_636, %add3A_649 : vector<16xi32>
      %gather3A_651 = tpu.vector_load_idx %arg5[%add3A_650] : memref<32768xf32, #tpu.memory_space<vmem>>[vector<16xi32>], vector<16xf32>,
      %gt3A_652 = arith.cmpf ogt, %gather3A_651, %select_n3A_643 : vector<16xf32>
      %select_n3A_653 = arith.select %gt3A_652, %gather3A_651, %select_n3A_643 : vector<16xi1>, vector<16xf32>
      %add3A_654 = arith.constant 1 : i32
      %add3A_655 = vector.broadcast %add3A_654 : i32 to vector<16xi32>
      %add3A_656 = arith.addi %mul3A_632, %add3A_655 : vector<16xi32>
      %select_n3A_657 = arith.select %gt3A_652, %add3A_656, %select_n3A_647 : vector<16xi1>, vector<16xi32>
      %add3A_658 = arith.constant 1024 : i32
      %add3A_659 = vector.broadcast %add3A_658 : i32 to vector<16xi32>
      %add3A_660 = arith.addi %add3A_636, %add3A_659 : vector<16xi32>
      %gather3A_661 = tpu.vector_load_idx %arg5[%add3A_660] : memref<32768xf32, #tpu.memory_space<vmem>>[vector<16xi32>], vector<16xf32>,
      %gt3A_662 = arith.cmpf ogt, %gather3A_661, %select_n3A_653 : vector<16xf32>
      %select_n3A_663 = arith.select %gt3A_662, %gather3A_661, %select_n3A_653 : vector<16xi1>, vector<16xf32>
      %add3A_664 = arith.constant 2 : i32
      %add3A_665 = vector.broadcast %add3A_664 : i32 to vector<16xi32>
      %add3A_666 = arith.addi %mul3A_632, %add3A_665 : vector<16xi32>
      %select_n3A_667 = arith.select %gt3A_662, %add3A_666, %select_n3A_657 : vector<16xi1>, vector<16xi32>
      %add3A_668 = arith.constant 1536 : i32
      %add3A_669 = vector.broadcast %add3A_668 : i32 to vector<16xi32>
      %add3A_670 = arith.addi %add3A_636, %add3A_669 : vector<16xi32>
      %gather3A_671 = tpu.vector_load_idx %arg5[%add3A_670] : memref<32768xf32, #tpu.memory_space<vmem>>[vector<16xi32>], vector<16xf32>,
      %gt3A_672 = arith.cmpf ogt, %gather3A_671, %select_n3A_663 : vector<16xf32>
      %select_n3A_673 = arith.select %gt3A_672, %gather3A_671, %select_n3A_663 : vector<16xi1>, vector<16xf32>
      %add3A_674 = arith.constant 3 : i32
      %add3A_675 = vector.broadcast %add3A_674 : i32 to vector<16xi32>
      %add3A_676 = arith.addi %mul3A_632, %add3A_675 : vector<16xi32>
      %select_n3A_677 = arith.select %gt3A_672, %add3A_676, %select_n3A_667 : vector<16xi1>, vector<16xi32>
      %add3A_678 = arith.constant 2048 : i32
      %add3A_679 = vector.broadcast %add3A_678 : i32 to vector<16xi32>
      %add3A_680 = arith.addi %add3A_636, %add3A_679 : vector<16xi32>
      %gather3A_681 = tpu.vector_load_idx %arg5[%add3A_680] : memref<32768xf32, #tpu.memory_space<vmem>>[vector<16xi32>], vector<16xf32>,
      %gt3A_682 = arith.cmpf ogt, %gather3A_681, %select_n3A_673 : vector<16xf32>
      %select_n3A_683 = arith.select %gt3A_682, %gather3A_681, %select_n3A_673 : vector<16xi1>, vector<16xf32>
      %add3A_684 = arith.constant 4 : i32
      %add3A_685 = vector.broadcast %add3A_684 : i32 to vector<16xi32>
      %add3A_686 = arith.addi %mul3A_632, %add3A_685 : vector<16xi32>
      %select_n3A_687 = arith.select %gt3A_682, %add3A_686, %select_n3A_677 : vector<16xi1>, vector<16xi32>
      %add3A_688 = arith.constant 2560 : i32
      %add3A_689 = vector.broadcast %add3A_688 : i32 to vector<16xi32>
      %add3A_690 = arith.addi %add3A_636, %add3A_689 : vector<16xi32>
      %gather3A_691 = tpu.vector_load_idx %arg5[%add3A_690] : memref<32768xf32, #tpu.memory_space<vmem>>[vector<16xi32>], vector<16xf32>,
      %gt3A_692 = arith.cmpf ogt, %gather3A_691, %select_n3A_683 : vector<16xf32>
      %select_n3A_693 = arith.select %gt3A_692, %gather3A_691, %select_n3A_683 : vector<16xi1>, vector<16xf32>
      %add3A_694 = arith.constant 5 : i32
      %add3A_695 = vector.broadcast %add3A_694 : i32 to vector<16xi32>
      %add3A_696 = arith.addi %mul3A_632, %add3A_695 : vector<16xi32>
      %select_n3A_697 = arith.select %gt3A_692, %add3A_696, %select_n3A_687 : vector<16xi1>, vector<16xi32>
      %add3A_698 = arith.constant 3072 : i32
      %add3A_699 = vector.broadcast %add3A_698 : i32 to vector<16xi32>
      %add3A_700 = arith.addi %add3A_636, %add3A_699 : vector<16xi32>
      %gather3A_701 = tpu.vector_load_idx %arg5[%add3A_700] : memref<32768xf32, #tpu.memory_space<vmem>>[vector<16xi32>], vector<16xf32>,
      %gt3A_702 = arith.cmpf ogt, %gather3A_701, %select_n3A_693 : vector<16xf32>
      %select_n3A_703 = arith.select %gt3A_702, %gather3A_701, %select_n3A_693 : vector<16xi1>, vector<16xf32>
      %add3A_704 = arith.constant 6 : i32
      %add3A_705 = vector.broadcast %add3A_704 : i32 to vector<16xi32>
      %add3A_706 = arith.addi %mul3A_632, %add3A_705 : vector<16xi32>
      %select_n3A_707 = arith.select %gt3A_702, %add3A_706, %select_n3A_697 : vector<16xi1>, vector<16xi32>
      %add3A_708 = arith.constant 3584 : i32
      %add3A_709 = vector.broadcast %add3A_708 : i32 to vector<16xi32>
      %add3A_710 = arith.addi %add3A_636, %add3A_709 : vector<16xi32>
      %gather3A_711 = tpu.vector_load_idx %arg5[%add3A_710] : memref<32768xf32, #tpu.memory_space<vmem>>[vector<16xi32>], vector<16xf32>,
      %gt3A_712 = arith.cmpf ogt, %gather3A_711, %select_n3A_703 : vector<16xf32>
      %select_n3A_713 = arith.select %gt3A_712, %gather3A_711, %select_n3A_703 : vector<16xi1>, vector<16xf32>
      %add3A_714 = arith.constant 7 : i32
      %add3A_715 = vector.broadcast %add3A_714 : i32 to vector<16xi32>
      %add3A_716 = arith.addi %mul3A_632, %add3A_715 : vector<16xi32>
      %select_n3A_717 = arith.select %gt3A_712, %add3A_716, %select_n3A_707 : vector<16xi1>, vector<16xi32>
      %add3A_718 = arith.constant 4096 : i32
      %add3A_719 = vector.broadcast %add3A_718 : i32 to vector<16xi32>
      %add3A_720 = arith.addi %add3A_636, %add3A_719 : vector<16xi32>
      %gather3A_721 = tpu.vector_load_idx %arg5[%add3A_720] : memref<32768xf32, #tpu.memory_space<vmem>>[vector<16xi32>], vector<16xf32>,
      %gt3A_722 = arith.cmpf ogt, %gather3A_721, %select_n3A_713 : vector<16xf32>
      %select_n3A_723 = arith.select %gt3A_722, %gather3A_721, %select_n3A_713 : vector<16xi1>, vector<16xf32>
      %add3A_724 = arith.constant 8 : i32
      %add3A_725 = vector.broadcast %add3A_724 : i32 to vector<16xi32>
      %add3A_726 = arith.addi %mul3A_632, %add3A_725 : vector<16xi32>
      %select_n3A_727 = arith.select %gt3A_722, %add3A_726, %select_n3A_717 : vector<16xi1>, vector<16xi32>
      %add3A_728 = arith.constant 4608 : i32
      %add3A_729 = vector.broadcast %add3A_728 : i32 to vector<16xi32>
      %add3A_730 = arith.addi %add3A_636, %add3A_729 : vector<16xi32>
      %gather3A_731 = tpu.vector_load_idx %arg5[%add3A_730] : memref<32768xf32, #tpu.memory_space<vmem>>[vector<16xi32>], vector<16xf32>,
      %gt3A_732 = arith.cmpf ogt, %gather3A_731, %select_n3A_723 : vector<16xf32>
      %select_n3A_733 = arith.select %gt3A_732, %gather3A_731, %select_n3A_723 : vector<16xi1>, vector<16xf32>
      %add3A_734 = arith.constant 9 : i32
      %add3A_735 = vector.broadcast %add3A_734 : i32 to vector<16xi32>
      %add3A_736 = arith.addi %mul3A_632, %add3A_735 : vector<16xi32>
      %select_n3A_737 = arith.select %gt3A_732, %add3A_736, %select_n3A_727 : vector<16xi1>, vector<16xi32>
      %add3A_738 = arith.constant 5120 : i32
      %add3A_739 = vector.broadcast %add3A_738 : i32 to vector<16xi32>
      %add3A_740 = arith.addi %add3A_636, %add3A_739 : vector<16xi32>
      %gather3A_741 = tpu.vector_load_idx %arg5[%add3A_740] : memref<32768xf32, #tpu.memory_space<vmem>>[vector<16xi32>], vector<16xf32>,
      %gt3A_742 = arith.cmpf ogt, %gather3A_741, %select_n3A_733 : vector<16xf32>
      %select_n3A_743 = arith.select %gt3A_742, %gather3A_741, %select_n3A_733 : vector<16xi1>, vector<16xf32>
      %add3A_744 = arith.constant 10 : i32
      %add3A_745 = vector.broadcast %add3A_744 : i32 to vector<16xi32>
      %add3A_746 = arith.addi %mul3A_632, %add3A_745 : vector<16xi32>
      %select_n3A_747 = arith.select %gt3A_742, %add3A_746, %select_n3A_737 : vector<16xi1>, vector<16xi32>
      %add3A_748 = arith.constant 5632 : i32
      %add3A_749 = vector.broadcast %add3A_748 : i32 to vector<16xi32>
      %add3A_750 = arith.addi %add3A_636, %add3A_749 : vector<16xi32>
      %gather3A_751 = tpu.vector_load_idx %arg5[%add3A_750] : memref<32768xf32, #tpu.memory_space<vmem>>[vector<16xi32>], vector<16xf32>,
      %gt3A_752 = arith.cmpf ogt, %gather3A_751, %select_n3A_743 : vector<16xf32>
      %select_n3A_753 = arith.select %gt3A_752, %gather3A_751, %select_n3A_743 : vector<16xi1>, vector<16xf32>
      %add3A_754 = arith.constant 11 : i32
      %add3A_755 = vector.broadcast %add3A_754 : i32 to vector<16xi32>
      %add3A_756 = arith.addi %mul3A_632, %add3A_755 : vector<16xi32>
      %select_n3A_757 = arith.select %gt3A_752, %add3A_756, %select_n3A_747 : vector<16xi1>, vector<16xi32>
      %add3A_758 = arith.constant 6144 : i32
      %add3A_759 = vector.broadcast %add3A_758 : i32 to vector<16xi32>
      %add3A_760 = arith.addi %add3A_636, %add3A_759 : vector<16xi32>
      %gather3A_761 = tpu.vector_load_idx %arg5[%add3A_760] : memref<32768xf32, #tpu.memory_space<vmem>>[vector<16xi32>], vector<16xf32>,
      %gt3A_762 = arith.cmpf ogt, %gather3A_761, %select_n3A_753 : vector<16xf32>
      %select_n3A_763 = arith.select %gt3A_762, %gather3A_761, %select_n3A_753 : vector<16xi1>, vector<16xf32>
      %add3A_764 = arith.constant 12 : i32
      %add3A_765 = vector.broadcast %add3A_764 : i32 to vector<16xi32>
      %add3A_766 = arith.addi %mul3A_632, %add3A_765 : vector<16xi32>
      %select_n3A_767 = arith.select %gt3A_762, %add3A_766, %select_n3A_757 : vector<16xi1>, vector<16xi32>
      %add3A_768 = arith.constant 6656 : i32
      %add3A_769 = vector.broadcast %add3A_768 : i32 to vector<16xi32>
      %add3A_770 = arith.addi %add3A_636, %add3A_769 : vector<16xi32>
      %gather3A_771 = tpu.vector_load_idx %arg5[%add3A_770] : memref<32768xf32, #tpu.memory_space<vmem>>[vector<16xi32>], vector<16xf32>,
      %gt3A_772 = arith.cmpf ogt, %gather3A_771, %select_n3A_763 : vector<16xf32>
      %select_n3A_773 = arith.select %gt3A_772, %gather3A_771, %select_n3A_763 : vector<16xi1>, vector<16xf32>
      %add3A_774 = arith.constant 13 : i32
      %add3A_775 = vector.broadcast %add3A_774 : i32 to vector<16xi32>
      %add3A_776 = arith.addi %mul3A_632, %add3A_775 : vector<16xi32>
      %select_n3A_777 = arith.select %gt3A_772, %add3A_776, %select_n3A_767 : vector<16xi1>, vector<16xi32>
      %add3A_778 = arith.constant 7168 : i32
      %add3A_779 = vector.broadcast %add3A_778 : i32 to vector<16xi32>
      %add3A_780 = arith.addi %add3A_636, %add3A_779 : vector<16xi32>
      %gather3A_781 = tpu.vector_load_idx %arg5[%add3A_780] : memref<32768xf32, #tpu.memory_space<vmem>>[vector<16xi32>], vector<16xf32>,
      %gt3A_782 = arith.cmpf ogt, %gather3A_781, %select_n3A_773 : vector<16xf32>
      %select_n3A_783 = arith.select %gt3A_782, %gather3A_781, %select_n3A_773 : vector<16xi1>, vector<16xf32>
      %add3A_784 = arith.constant 14 : i32
      %add3A_785 = vector.broadcast %add3A_784 : i32 to vector<16xi32>
      %add3A_786 = arith.addi %mul3A_632, %add3A_785 : vector<16xi32>
      %select_n3A_787 = arith.select %gt3A_782, %add3A_786, %select_n3A_777 : vector<16xi1>, vector<16xi32>
      %add3A_788 = arith.constant 7680 : i32
      %add3A_789 = vector.broadcast %add3A_788 : i32 to vector<16xi32>
      %add3A_790 = arith.addi %add3A_636, %add3A_789 : vector<16xi32>
      %gather3A_791 = tpu.vector_load_idx %arg5[%add3A_790] : memref<32768xf32, #tpu.memory_space<vmem>>[vector<16xi32>], vector<16xf32>,
      %gt3A_792 = arith.cmpf ogt, %gather3A_791, %select_n3A_783 : vector<16xf32>
      %select_n3A_793 = arith.select %gt3A_792, %gather3A_791, %select_n3A_783 : vector<16xi1>, vector<16xf32>
      %add3A_794 = arith.constant 15 : i32
      %add3A_795 = vector.broadcast %add3A_794 : i32 to vector<16xi32>
      %add3A_796 = arith.addi %mul3A_632, %add3A_795 : vector<16xi32>
      %select_n3A_797 = arith.select %gt3A_792, %add3A_796, %select_n3A_787 : vector<16xi1>, vector<16xi32>
      %eq3A = arith.constant 0 : i32
      %eq3A_798 = vector.broadcast %eq3A : i32 to vector<16xi32>
      %eq3A_799 = arith.cmpi eq, %shift_right_logical3A_629, %eq3A_798 : vector<16xi32>
      %select_n3A_800 = arith.select %eq3A_799, %select_n3A_793, %select_n3A_173 : vector<16xi1>, vector<16xf32>
      %select_n3A_801 = arith.select %eq3A_799, %select_n3A_797, %select_n3A_176 : vector<16xi1>, vector<16xi32>
      %eq3A_802 = arith.constant 1 : i32
      %eq3A_803 = vector.broadcast %eq3A_802 : i32 to vector<16xi32>
      %eq3A_804 = arith.cmpi eq, %shift_right_logical3A_629, %eq3A_803 : vector<16xi32>
      %select_n3A_805 = arith.select %eq3A_804, %select_n3A_793, %select_n3A_319 : vector<16xi1>, vector<16xf32>
      %select_n3A_806 = arith.select %eq3A_804, %select_n3A_797, %select_n3A_322 : vector<16xi1>, vector<16xi32>
      %eq3A_807 = arith.constant 2 : i32
      %eq3A_808 = vector.broadcast %eq3A_807 : i32 to vector<16xi32>
      %eq3A_809 = arith.cmpi eq, %shift_right_logical3A_629, %eq3A_808 : vector<16xi32>
      %select_n3A_810 = arith.select %eq3A_809, %select_n3A_793, %select_n3A_465 : vector<16xi1>, vector<16xf32>
      %select_n3A_811 = arith.select %eq3A_809, %select_n3A_797, %select_n3A_468 : vector<16xi1>, vector<16xi32>
      %eq3A_812 = arith.constant 3 : i32
      %eq3A_813 = vector.broadcast %eq3A_812 : i32 to vector<16xi32>
      %eq3A_814 = arith.cmpi eq, %shift_right_logical3A_629, %eq3A_813 : vector<16xi32>
      %select_n3A_815 = arith.select %eq3A_814, %select_n3A_793, %select_n3A_611 : vector<16xi1>, vector<16xf32>
      %select_n3A_816 = arith.select %eq3A_814, %select_n3A_797, %select_n3A_614 : vector<16xi1>, vector<16xi32>
      %gt3A_817 = arith.cmpf ogt, %select_n3A_805, %select_n3A_800 : vector<16xf32>
      %select_n3A_818 = arith.select %gt3A_817, %select_n3A_805, %select_n3A_800 : vector<16xi1>, vector<16xf32>
      %select_n3A_819 = arith.select %gt3A_817, %select_n3A_806, %select_n3A_801 : vector<16xi1>, vector<16xi32>
      %gt3A_820 = arith.cmpf ogt, %select_n3A_815, %select_n3A_810 : vector<16xf32>
      %select_n3A_821 = arith.select %gt3A_820, %select_n3A_815, %select_n3A_810 : vector<16xi1>, vector<16xf32>
      %select_n3A_822 = arith.select %gt3A_820, %select_n3A_816, %select_n3A_811 : vector<16xi1>, vector<16xi32>
      %gt3A_823 = arith.cmpf ogt, %select_n3A_821, %select_n3A_818 : vector<16xf32>
      %select_n3A_824 = arith.select %gt3A_823, %select_n3A_821, %select_n3A_818 : vector<16xi1>, vector<16xf32>
      %select_n3A_825 = arith.select %gt3A_823, %select_n3A_822, %select_n3A_819 : vector<16xi1>, vector<16xi32>
      %mul3A_826 = arith.constant 512 : i32
      %mul3A_827 = vector.broadcast %mul3A_826 : i32 to vector<16xi32>
      %mul3A_828 = arith.muli %select_n3A_825, %mul3A_827 : vector<16xi32>
      %add3A_829 = arith.addi %mul3A_828, %add3A_34 : vector<16xi32>
      tpu.vector_store_idx %arg5[%add3A_829], %broadcast_in_dim3A_1 : memref<32768xf32, #tpu.memory_space<vmem>>[vector<16xi32>], vector<16xf32>,
      %shift_right_logical3A_830 = arith.constant 4 : i32
      %shift_right_logical3A_831 = vector.broadcast %shift_right_logical3A_830 : i32 to vector<16xi32>
      %shift_right_logical3A_832 = arith.shrui %select_n3A_825, %shift_right_logical3A_831 : vector<16xi32>
      %mul3A_833 = arith.constant 16 : i32
      %mul3A_834 = vector.broadcast %mul3A_833 : i32 to vector<16xi32>
      %mul3A_835 = arith.muli %shift_right_logical3A_832, %mul3A_834 : vector<16xi32>
      %mul3A_836 = arith.constant 512 : i32
      %mul3A_837 = vector.broadcast %mul3A_836 : i32 to vector<16xi32>
      %mul3A_838 = arith.muli %mul3A_835, %mul3A_837 : vector<16xi32>
      %add3A_839 = arith.addi %mul3A_838, %add3A_34 : vector<16xi32>
      %broadcast_in_dim3A_840 = arith.constant 0 : i32
      %broadcast_in_dim3A_841 = vector.broadcast %broadcast_in_dim3A_840 : i32 to vector<16xi32>
      %add3A_842 = arith.constant 0 : i32
      %add3A_843 = vector.broadcast %add3A_842 : i32 to vector<16xi32>
      %add3A_844 = arith.addi %add3A_839, %add3A_843 : vector<16xi32>
      %gather3A_845 = tpu.vector_load_idx %arg5[%add3A_844] : memref<32768xf32, #tpu.memory_space<vmem>>[vector<16xi32>], vector<16xf32>,
      %gt3A_846 = arith.cmpf ogt, %gather3A_845, %broadcast_in_dim3A_1 : vector<16xf32>
      %select_n3A_847 = arith.select %gt3A_846, %gather3A_845, %broadcast_in_dim3A_1 : vector<16xi1>, vector<16xf32>
      %add3A_848 = arith.constant 0 : i32
      %add3A_849 = vector.broadcast %add3A_848 : i32 to vector<16xi32>
      %add3A_850 = arith.addi %mul3A_835, %add3A_849 : vector<16xi32>
      %select_n3A_851 = arith.select %gt3A_846, %add3A_850, %broadcast_in_dim3A_841 : vector<16xi1>, vector<16xi32>
      %add3A_852 = arith.constant 512 : i32
      %add3A_853 = vector.broadcast %add3A_852 : i32 to vector<16xi32>
      %add3A_854 = arith.addi %add3A_839, %add3A_853 : vector<16xi32>
      %gather3A_855 = tpu.vector_load_idx %arg5[%add3A_854] : memref<32768xf32, #tpu.memory_space<vmem>>[vector<16xi32>], vector<16xf32>,
      %gt3A_856 = arith.cmpf ogt, %gather3A_855, %select_n3A_847 : vector<16xf32>
      %select_n3A_857 = arith.select %gt3A_856, %gather3A_855, %select_n3A_847 : vector<16xi1>, vector<16xf32>
      %add3A_858 = arith.constant 1 : i32
      %add3A_859 = vector.broadcast %add3A_858 : i32 to vector<16xi32>
      %add3A_860 = arith.addi %mul3A_835, %add3A_859 : vector<16xi32>
      %select_n3A_861 = arith.select %gt3A_856, %add3A_860, %select_n3A_851 : vector<16xi1>, vector<16xi32>
      %add3A_862 = arith.constant 1024 : i32
      %add3A_863 = vector.broadcast %add3A_862 : i32 to vector<16xi32>
      %add3A_864 = arith.addi %add3A_839, %add3A_863 : vector<16xi32>
      %gather3A_865 = tpu.vector_load_idx %arg5[%add3A_864] : memref<32768xf32, #tpu.memory_space<vmem>>[vector<16xi32>], vector<16xf32>,
      %gt3A_866 = arith.cmpf ogt, %gather3A_865, %select_n3A_857 : vector<16xf32>
      %select_n3A_867 = arith.select %gt3A_866, %gather3A_865, %select_n3A_857 : vector<16xi1>, vector<16xf32>
      %add3A_868 = arith.constant 2 : i32
      %add3A_869 = vector.broadcast %add3A_868 : i32 to vector<16xi32>
      %add3A_870 = arith.addi %mul3A_835, %add3A_869 : vector<16xi32>
      %select_n3A_871 = arith.select %gt3A_866, %add3A_870, %select_n3A_861 : vector<16xi1>, vector<16xi32>
      %add3A_872 = arith.constant 1536 : i32
      %add3A_873 = vector.broadcast %add3A_872 : i32 to vector<16xi32>
      %add3A_874 = arith.addi %add3A_839, %add3A_873 : vector<16xi32>
      %gather3A_875 = tpu.vector_load_idx %arg5[%add3A_874] : memref<32768xf32, #tpu.memory_space<vmem>>[vector<16xi32>], vector<16xf32>,
      %gt3A_876 = arith.cmpf ogt, %gather3A_875, %select_n3A_867 : vector<16xf32>
      %select_n3A_877 = arith.select %gt3A_876, %gather3A_875, %select_n3A_867 : vector<16xi1>, vector<16xf32>
      %add3A_878 = arith.constant 3 : i32
      %add3A_879 = vector.broadcast %add3A_878 : i32 to vector<16xi32>
      %add3A_880 = arith.addi %mul3A_835, %add3A_879 : vector<16xi32>
      %select_n3A_881 = arith.select %gt3A_876, %add3A_880, %select_n3A_871 : vector<16xi1>, vector<16xi32>
      %add3A_882 = arith.constant 2048 : i32
      %add3A_883 = vector.broadcast %add3A_882 : i32 to vector<16xi32>
      %add3A_884 = arith.addi %add3A_839, %add3A_883 : vector<16xi32>
      %gather3A_885 = tpu.vector_load_idx %arg5[%add3A_884] : memref<32768xf32, #tpu.memory_space<vmem>>[vector<16xi32>], vector<16xf32>,
      %gt3A_886 = arith.cmpf ogt, %gather3A_885, %select_n3A_877 : vector<16xf32>
      %select_n3A_887 = arith.select %gt3A_886, %gather3A_885, %select_n3A_877 : vector<16xi1>, vector<16xf32>
      %add3A_888 = arith.constant 4 : i32
      %add3A_889 = vector.broadcast %add3A_888 : i32 to vector<16xi32>
      %add3A_890 = arith.addi %mul3A_835, %add3A_889 : vector<16xi32>
      %select_n3A_891 = arith.select %gt3A_886, %add3A_890, %select_n3A_881 : vector<16xi1>, vector<16xi32>
      %add3A_892 = arith.constant 2560 : i32
      %add3A_893 = vector.broadcast %add3A_892 : i32 to vector<16xi32>
      %add3A_894 = arith.addi %add3A_839, %add3A_893 : vector<16xi32>
      %gather3A_895 = tpu.vector_load_idx %arg5[%add3A_894] : memref<32768xf32, #tpu.memory_space<vmem>>[vector<16xi32>], vector<16xf32>,
      %gt3A_896 = arith.cmpf ogt, %gather3A_895, %select_n3A_887 : vector<16xf32>
      %select_n3A_897 = arith.select %gt3A_896, %gather3A_895, %select_n3A_887 : vector<16xi1>, vector<16xf32>
      %add3A_898 = arith.constant 5 : i32
      %add3A_899 = vector.broadcast %add3A_898 : i32 to vector<16xi32>
      %add3A_900 = arith.addi %mul3A_835, %add3A_899 : vector<16xi32>
      %select_n3A_901 = arith.select %gt3A_896, %add3A_900, %select_n3A_891 : vector<16xi1>, vector<16xi32>
      %add3A_902 = arith.constant 3072 : i32
      %add3A_903 = vector.broadcast %add3A_902 : i32 to vector<16xi32>
      %add3A_904 = arith.addi %add3A_839, %add3A_903 : vector<16xi32>
      %gather3A_905 = tpu.vector_load_idx %arg5[%add3A_904] : memref<32768xf32, #tpu.memory_space<vmem>>[vector<16xi32>], vector<16xf32>,
      %gt3A_906 = arith.cmpf ogt, %gather3A_905, %select_n3A_897 : vector<16xf32>
      %select_n3A_907 = arith.select %gt3A_906, %gather3A_905, %select_n3A_897 : vector<16xi1>, vector<16xf32>
      %add3A_908 = arith.constant 6 : i32
      %add3A_909 = vector.broadcast %add3A_908 : i32 to vector<16xi32>
      %add3A_910 = arith.addi %mul3A_835, %add3A_909 : vector<16xi32>
      %select_n3A_911 = arith.select %gt3A_906, %add3A_910, %select_n3A_901 : vector<16xi1>, vector<16xi32>
      %add3A_912 = arith.constant 3584 : i32
      %add3A_913 = vector.broadcast %add3A_912 : i32 to vector<16xi32>
      %add3A_914 = arith.addi %add3A_839, %add3A_913 : vector<16xi32>
      %gather3A_915 = tpu.vector_load_idx %arg5[%add3A_914] : memref<32768xf32, #tpu.memory_space<vmem>>[vector<16xi32>], vector<16xf32>,
      %gt3A_916 = arith.cmpf ogt, %gather3A_915, %select_n3A_907 : vector<16xf32>
      %select_n3A_917 = arith.select %gt3A_916, %gather3A_915, %select_n3A_907 : vector<16xi1>, vector<16xf32>
      %add3A_918 = arith.constant 7 : i32
      %add3A_919 = vector.broadcast %add3A_918 : i32 to vector<16xi32>
      %add3A_920 = arith.addi %mul3A_835, %add3A_919 : vector<16xi32>
      %select_n3A_921 = arith.select %gt3A_916, %add3A_920, %select_n3A_911 : vector<16xi1>, vector<16xi32>
      %add3A_922 = arith.constant 4096 : i32
      %add3A_923 = vector.broadcast %add3A_922 : i32 to vector<16xi32>
      %add3A_924 = arith.addi %add3A_839, %add3A_923 : vector<16xi32>
      %gather3A_925 = tpu.vector_load_idx %arg5[%add3A_924] : memref<32768xf32, #tpu.memory_space<vmem>>[vector<16xi32>], vector<16xf32>,
      %gt3A_926 = arith.cmpf ogt, %gather3A_925, %select_n3A_917 : vector<16xf32>
      %select_n3A_927 = arith.select %gt3A_926, %gather3A_925, %select_n3A_917 : vector<16xi1>, vector<16xf32>
      %add3A_928 = arith.constant 8 : i32
      %add3A_929 = vector.broadcast %add3A_928 : i32 to vector<16xi32>
      %add3A_930 = arith.addi %mul3A_835, %add3A_929 : vector<16xi32>
      %select_n3A_931 = arith.select %gt3A_926, %add3A_930, %select_n3A_921 : vector<16xi1>, vector<16xi32>
      %add3A_932 = arith.constant 4608 : i32
      %add3A_933 = vector.broadcast %add3A_932 : i32 to vector<16xi32>
      %add3A_934 = arith.addi %add3A_839, %add3A_933 : vector<16xi32>
      %gather3A_935 = tpu.vector_load_idx %arg5[%add3A_934] : memref<32768xf32, #tpu.memory_space<vmem>>[vector<16xi32>], vector<16xf32>,
      %gt3A_936 = arith.cmpf ogt, %gather3A_935, %select_n3A_927 : vector<16xf32>
      %select_n3A_937 = arith.select %gt3A_936, %gather3A_935, %select_n3A_927 : vector<16xi1>, vector<16xf32>
      %add3A_938 = arith.constant 9 : i32
      %add3A_939 = vector.broadcast %add3A_938 : i32 to vector<16xi32>
      %add3A_940 = arith.addi %mul3A_835, %add3A_939 : vector<16xi32>
      %select_n3A_941 = arith.select %gt3A_936, %add3A_940, %select_n3A_931 : vector<16xi1>, vector<16xi32>
      %add3A_942 = arith.constant 5120 : i32
      %add3A_943 = vector.broadcast %add3A_942 : i32 to vector<16xi32>
      %add3A_944 = arith.addi %add3A_839, %add3A_943 : vector<16xi32>
      %gather3A_945 = tpu.vector_load_idx %arg5[%add3A_944] : memref<32768xf32, #tpu.memory_space<vmem>>[vector<16xi32>], vector<16xf32>,
      %gt3A_946 = arith.cmpf ogt, %gather3A_945, %select_n3A_937 : vector<16xf32>
      %select_n3A_947 = arith.select %gt3A_946, %gather3A_945, %select_n3A_937 : vector<16xi1>, vector<16xf32>
      %add3A_948 = arith.constant 10 : i32
      %add3A_949 = vector.broadcast %add3A_948 : i32 to vector<16xi32>
      %add3A_950 = arith.addi %mul3A_835, %add3A_949 : vector<16xi32>
      %select_n3A_951 = arith.select %gt3A_946, %add3A_950, %select_n3A_941 : vector<16xi1>, vector<16xi32>
      %add3A_952 = arith.constant 5632 : i32
      %add3A_953 = vector.broadcast %add3A_952 : i32 to vector<16xi32>
      %add3A_954 = arith.addi %add3A_839, %add3A_953 : vector<16xi32>
      %gather3A_955 = tpu.vector_load_idx %arg5[%add3A_954] : memref<32768xf32, #tpu.memory_space<vmem>>[vector<16xi32>], vector<16xf32>,
      %gt3A_956 = arith.cmpf ogt, %gather3A_955, %select_n3A_947 : vector<16xf32>
      %select_n3A_957 = arith.select %gt3A_956, %gather3A_955, %select_n3A_947 : vector<16xi1>, vector<16xf32>
      %add3A_958 = arith.constant 11 : i32
      %add3A_959 = vector.broadcast %add3A_958 : i32 to vector<16xi32>
      %add3A_960 = arith.addi %mul3A_835, %add3A_959 : vector<16xi32>
      %select_n3A_961 = arith.select %gt3A_956, %add3A_960, %select_n3A_951 : vector<16xi1>, vector<16xi32>
      %add3A_962 = arith.constant 6144 : i32
      %add3A_963 = vector.broadcast %add3A_962 : i32 to vector<16xi32>
      %add3A_964 = arith.addi %add3A_839, %add3A_963 : vector<16xi32>
      %gather3A_965 = tpu.vector_load_idx %arg5[%add3A_964] : memref<32768xf32, #tpu.memory_space<vmem>>[vector<16xi32>], vector<16xf32>,
      %gt3A_966 = arith.cmpf ogt, %gather3A_965, %select_n3A_957 : vector<16xf32>
      %select_n3A_967 = arith.select %gt3A_966, %gather3A_965, %select_n3A_957 : vector<16xi1>, vector<16xf32>
      %add3A_968 = arith.constant 12 : i32
      %add3A_969 = vector.broadcast %add3A_968 : i32 to vector<16xi32>
      %add3A_970 = arith.addi %mul3A_835, %add3A_969 : vector<16xi32>
      %select_n3A_971 = arith.select %gt3A_966, %add3A_970, %select_n3A_961 : vector<16xi1>, vector<16xi32>
      %add3A_972 = arith.constant 6656 : i32
      %add3A_973 = vector.broadcast %add3A_972 : i32 to vector<16xi32>
      %add3A_974 = arith.addi %add3A_839, %add3A_973 : vector<16xi32>
      %gather3A_975 = tpu.vector_load_idx %arg5[%add3A_974] : memref<32768xf32, #tpu.memory_space<vmem>>[vector<16xi32>], vector<16xf32>,
      %gt3A_976 = arith.cmpf ogt, %gather3A_975, %select_n3A_967 : vector<16xf32>
      %select_n3A_977 = arith.select %gt3A_976, %gather3A_975, %select_n3A_967 : vector<16xi1>, vector<16xf32>
      %add3A_978 = arith.constant 13 : i32
      %add3A_979 = vector.broadcast %add3A_978 : i32 to vector<16xi32>
      %add3A_980 = arith.addi %mul3A_835, %add3A_979 : vector<16xi32>
      %select_n3A_981 = arith.select %gt3A_976, %add3A_980, %select_n3A_971 : vector<16xi1>, vector<16xi32>
      %add3A_982 = arith.constant 7168 : i32
      %add3A_983 = vector.broadcast %add3A_982 : i32 to vector<16xi32>
      %add3A_984 = arith.addi %add3A_839, %add3A_983 : vector<16xi32>
      %gather3A_985 = tpu.vector_load_idx %arg5[%add3A_984] : memref<32768xf32, #tpu.memory_space<vmem>>[vector<16xi32>], vector<16xf32>,
      %gt3A_986 = arith.cmpf ogt, %gather3A_985, %select_n3A_977 : vector<16xf32>
      %select_n3A_987 = arith.select %gt3A_986, %gather3A_985, %select_n3A_977 : vector<16xi1>, vector<16xf32>
      %add3A_988 = arith.constant 14 : i32
      %add3A_989 = vector.broadcast %add3A_988 : i32 to vector<16xi32>
      %add3A_990 = arith.addi %mul3A_835, %add3A_989 : vector<16xi32>
      %select_n3A_991 = arith.select %gt3A_986, %add3A_990, %select_n3A_981 : vector<16xi1>, vector<16xi32>
      %add3A_992 = arith.constant 7680 : i32
      %add3A_993 = vector.broadcast %add3A_992 : i32 to vector<16xi32>
      %add3A_994 = arith.addi %add3A_839, %add3A_993 : vector<16xi32>
      %gather3A_995 = tpu.vector_load_idx %arg5[%add3A_994] : memref<32768xf32, #tpu.memory_space<vmem>>[vector<16xi32>], vector<16xf32>,
      %gt3A_996 = arith.cmpf ogt, %gather3A_995, %select_n3A_987 : vector<16xf32>
      %select_n3A_997 = arith.select %gt3A_996, %gather3A_995, %select_n3A_987 : vector<16xi1>, vector<16xf32>
      %add3A_998 = arith.constant 15 : i32
      %add3A_999 = vector.broadcast %add3A_998 : i32 to vector<16xi32>
      %add3A_1000 = arith.addi %mul3A_835, %add3A_999 : vector<16xi32>
      %select_n3A_1001 = arith.select %gt3A_996, %add3A_1000, %select_n3A_991 : vector<16xi1>, vector<16xi32>
      %eq3A_1002 = arith.constant 0 : i32
      %eq3A_1003 = vector.broadcast %eq3A_1002 : i32 to vector<16xi32>
      %eq3A_1004 = arith.cmpi eq, %shift_right_logical3A_832, %eq3A_1003 : vector<16xi32>
      %select_n3A_1005 = arith.select %eq3A_1004, %select_n3A_997, %select_n3A_800 : vector<16xi1>, vector<16xf32>
      %select_n3A_1006 = arith.select %eq3A_1004, %select_n3A_1001, %select_n3A_801 : vector<16xi1>, vector<16xi32>
      %eq3A_1007 = arith.constant 1 : i32
      %eq3A_1008 = vector.broadcast %eq3A_1007 : i32 to vector<16xi32>
      %eq3A_1009 = arith.cmpi eq, %shift_right_logical3A_832, %eq3A_1008 : vector<16xi32>
      %select_n3A_1010 = arith.select %eq3A_1009, %select_n3A_997, %select_n3A_805 : vector<16xi1>, vector<16xf32>
      %select_n3A_1011 = arith.select %eq3A_1009, %select_n3A_1001, %select_n3A_806 : vector<16xi1>, vector<16xi32>
      %eq3A_1012 = arith.constant 2 : i32
      %eq3A_1013 = vector.broadcast %eq3A_1012 : i32 to vector<16xi32>
      %eq3A_1014 = arith.cmpi eq, %shift_right_logical3A_832, %eq3A_1013 : vector<16xi32>
      %select_n3A_1015 = arith.select %eq3A_1014, %select_n3A_997, %select_n3A_810 : vector<16xi1>, vector<16xf32>
      %select_n3A_1016 = arith.select %eq3A_1014, %select_n3A_1001, %select_n3A_811 : vector<16xi1>, vector<16xi32>
      %eq3A_1017 = arith.constant 3 : i32
      %eq3A_1018 = vector.broadcast %eq3A_1017 : i32 to vector<16xi32>
      %eq3A_1019 = arith.cmpi eq, %shift_right_logical3A_832, %eq3A_1018 : vector<16xi32>
      %select_n3A_1020 = arith.select %eq3A_1019, %select_n3A_997, %select_n3A_815 : vector<16xi1>, vector<16xf32>
      %select_n3A_1021 = arith.select %eq3A_1019, %select_n3A_1001, %select_n3A_816 : vector<16xi1>, vector<16xi32>
      %gt3A_1022 = arith.cmpf ogt, %select_n3A_1010, %select_n3A_1005 : vector<16xf32>
      %select_n3A_1023 = arith.select %gt3A_1022, %select_n3A_1010, %select_n3A_1005 : vector<16xi1>, vector<16xf32>
      %select_n3A_1024 = arith.select %gt3A_1022, %select_n3A_1011, %select_n3A_1006 : vector<16xi1>, vector<16xi32>
      %gt3A_1025 = arith.cmpf ogt, %select_n3A_1020, %select_n3A_1015 : vector<16xf32>
      %select_n3A_1026 = arith.select %gt3A_1025, %select_n3A_1020, %select_n3A_1015 : vector<16xi1>, vector<16xf32>
      %select_n3A_1027 = arith.select %gt3A_1025, %select_n3A_1021, %select_n3A_1016 : vector<16xi1>, vector<16xi32>
      %gt3A_1028 = arith.cmpf ogt, %select_n3A_1026, %select_n3A_1023 : vector<16xf32>
      %select_n3A_1029 = arith.select %gt3A_1028, %select_n3A_1026, %select_n3A_1023 : vector<16xi1>, vector<16xf32>
      %select_n3A_1030 = arith.select %gt3A_1028, %select_n3A_1027, %select_n3A_1024 : vector<16xi1>, vector<16xi32>
      %mul3A_1031 = arith.constant 512 : i32
      %mul3A_1032 = vector.broadcast %mul3A_1031 : i32 to vector<16xi32>
      %mul3A_1033 = arith.muli %select_n3A_1030, %mul3A_1032 : vector<16xi32>
      %add3A_1034 = arith.addi %mul3A_1033, %add3A_34 : vector<16xi32>
      tpu.vector_store_idx %arg5[%add3A_1034], %broadcast_in_dim3A_1 : memref<32768xf32, #tpu.memory_space<vmem>>[vector<16xi32>], vector<16xf32>,
      %shift_right_logical3A_1035 = arith.constant 4 : i32
      %shift_right_logical3A_1036 = vector.broadcast %shift_right_logical3A_1035 : i32 to vector<16xi32>
      %shift_right_logical3A_1037 = arith.shrui %select_n3A_1030, %shift_right_logical3A_1036 : vector<16xi32>
      %mul3A_1038 = arith.constant 16 : i32
      %mul3A_1039 = vector.broadcast %mul3A_1038 : i32 to vector<16xi32>
      %mul3A_1040 = arith.muli %shift_right_logical3A_1037, %mul3A_1039 : vector<16xi32>
      %mul3A_1041 = arith.constant 512 : i32
      %mul3A_1042 = vector.broadcast %mul3A_1041 : i32 to vector<16xi32>
      %mul3A_1043 = arith.muli %mul3A_1040, %mul3A_1042 : vector<16xi32>
      %add3A_1044 = arith.addi %mul3A_1043, %add3A_34 : vector<16xi32>
      %broadcast_in_dim3A_1045 = arith.constant 0 : i32
      %broadcast_in_dim3A_1046 = vector.broadcast %broadcast_in_dim3A_1045 : i32 to vector<16xi32>
      %add3A_1047 = arith.constant 0 : i32
      %add3A_1048 = vector.broadcast %add3A_1047 : i32 to vector<16xi32>
      %add3A_1049 = arith.addi %add3A_1044, %add3A_1048 : vector<16xi32>
      %gather3A_1050 = tpu.vector_load_idx %arg5[%add3A_1049] : memref<32768xf32, #tpu.memory_space<vmem>>[vector<16xi32>], vector<16xf32>,
      %gt3A_1051 = arith.cmpf ogt, %gather3A_1050, %broadcast_in_dim3A_1 : vector<16xf32>
      %select_n3A_1052 = arith.select %gt3A_1051, %gather3A_1050, %broadcast_in_dim3A_1 : vector<16xi1>, vector<16xf32>
      %add3A_1053 = arith.constant 0 : i32
      %add3A_1054 = vector.broadcast %add3A_1053 : i32 to vector<16xi32>
      %add3A_1055 = arith.addi %mul3A_1040, %add3A_1054 : vector<16xi32>
      %select_n3A_1056 = arith.select %gt3A_1051, %add3A_1055, %broadcast_in_dim3A_1046 : vector<16xi1>, vector<16xi32>
      %add3A_1057 = arith.constant 512 : i32
      %add3A_1058 = vector.broadcast %add3A_1057 : i32 to vector<16xi32>
      %add3A_1059 = arith.addi %add3A_1044, %add3A_1058 : vector<16xi32>
      %gather3A_1060 = tpu.vector_load_idx %arg5[%add3A_1059] : memref<32768xf32, #tpu.memory_space<vmem>>[vector<16xi32>], vector<16xf32>,
      %gt3A_1061 = arith.cmpf ogt, %gather3A_1060, %select_n3A_1052 : vector<16xf32>
      %select_n3A_1062 = arith.select %gt3A_1061, %gather3A_1060, %select_n3A_1052 : vector<16xi1>, vector<16xf32>
      %add3A_1063 = arith.constant 1 : i32
      %add3A_1064 = vector.broadcast %add3A_1063 : i32 to vector<16xi32>
      %add3A_1065 = arith.addi %mul3A_1040, %add3A_1064 : vector<16xi32>
      %select_n3A_1066 = arith.select %gt3A_1061, %add3A_1065, %select_n3A_1056 : vector<16xi1>, vector<16xi32>
      %add3A_1067 = arith.constant 1024 : i32
      %add3A_1068 = vector.broadcast %add3A_1067 : i32 to vector<16xi32>
      %add3A_1069 = arith.addi %add3A_1044, %add3A_1068 : vector<16xi32>
      %gather3A_1070 = tpu.vector_load_idx %arg5[%add3A_1069] : memref<32768xf32, #tpu.memory_space<vmem>>[vector<16xi32>], vector<16xf32>,
      %gt3A_1071 = arith.cmpf ogt, %gather3A_1070, %select_n3A_1062 : vector<16xf32>
      %select_n3A_1072 = arith.select %gt3A_1071, %gather3A_1070, %select_n3A_1062 : vector<16xi1>, vector<16xf32>
      %add3A_1073 = arith.constant 2 : i32
      %add3A_1074 = vector.broadcast %add3A_1073 : i32 to vector<16xi32>
      %add3A_1075 = arith.addi %mul3A_1040, %add3A_1074 : vector<16xi32>
      %select_n3A_1076 = arith.select %gt3A_1071, %add3A_1075, %select_n3A_1066 : vector<16xi1>, vector<16xi32>
      %add3A_1077 = arith.constant 1536 : i32
      %add3A_1078 = vector.broadcast %add3A_1077 : i32 to vector<16xi32>
      %add3A_1079 = arith.addi %add3A_1044, %add3A_1078 : vector<16xi32>
      %gather3A_1080 = tpu.vector_load_idx %arg5[%add3A_1079] : memref<32768xf32, #tpu.memory_space<vmem>>[vector<16xi32>], vector<16xf32>,
      %gt3A_1081 = arith.cmpf ogt, %gather3A_1080, %select_n3A_1072 : vector<16xf32>
      %select_n3A_1082 = arith.select %gt3A_1081, %gather3A_1080, %select_n3A_1072 : vector<16xi1>, vector<16xf32>
      %add3A_1083 = arith.constant 3 : i32
      %add3A_1084 = vector.broadcast %add3A_1083 : i32 to vector<16xi32>
      %add3A_1085 = arith.addi %mul3A_1040, %add3A_1084 : vector<16xi32>
      %select_n3A_1086 = arith.select %gt3A_1081, %add3A_1085, %select_n3A_1076 : vector<16xi1>, vector<16xi32>
      %add3A_1087 = arith.constant 2048 : i32
      %add3A_1088 = vector.broadcast %add3A_1087 : i32 to vector<16xi32>
      %add3A_1089 = arith.addi %add3A_1044, %add3A_1088 : vector<16xi32>
      %gather3A_1090 = tpu.vector_load_idx %arg5[%add3A_1089] : memref<32768xf32, #tpu.memory_space<vmem>>[vector<16xi32>], vector<16xf32>,
      %gt3A_1091 = arith.cmpf ogt, %gather3A_1090, %select_n3A_1082 : vector<16xf32>
      %select_n3A_1092 = arith.select %gt3A_1091, %gather3A_1090, %select_n3A_1082 : vector<16xi1>, vector<16xf32>
      %add3A_1093 = arith.constant 4 : i32
      %add3A_1094 = vector.broadcast %add3A_1093 : i32 to vector<16xi32>
      %add3A_1095 = arith.addi %mul3A_1040, %add3A_1094 : vector<16xi32>
      %select_n3A_1096 = arith.select %gt3A_1091, %add3A_1095, %select_n3A_1086 : vector<16xi1>, vector<16xi32>
      %add3A_1097 = arith.constant 2560 : i32
      %add3A_1098 = vector.broadcast %add3A_1097 : i32 to vector<16xi32>
      %add3A_1099 = arith.addi %add3A_1044, %add3A_1098 : vector<16xi32>
      %gather3A_1100 = tpu.vector_load_idx %arg5[%add3A_1099] : memref<32768xf32, #tpu.memory_space<vmem>>[vector<16xi32>], vector<16xf32>,
      %gt3A_1101 = arith.cmpf ogt, %gather3A_1100, %select_n3A_1092 : vector<16xf32>
      %select_n3A_1102 = arith.select %gt3A_1101, %gather3A_1100, %select_n3A_1092 : vector<16xi1>, vector<16xf32>
      %add3A_1103 = arith.constant 5 : i32
      %add3A_1104 = vector.broadcast %add3A_1103 : i32 to vector<16xi32>
      %add3A_1105 = arith.addi %mul3A_1040, %add3A_1104 : vector<16xi32>
      %select_n3A_1106 = arith.select %gt3A_1101, %add3A_1105, %select_n3A_1096 : vector<16xi1>, vector<16xi32>
      %add3A_1107 = arith.constant 3072 : i32
      %add3A_1108 = vector.broadcast %add3A_1107 : i32 to vector<16xi32>
      %add3A_1109 = arith.addi %add3A_1044, %add3A_1108 : vector<16xi32>
      %gather3A_1110 = tpu.vector_load_idx %arg5[%add3A_1109] : memref<32768xf32, #tpu.memory_space<vmem>>[vector<16xi32>], vector<16xf32>,
      %gt3A_1111 = arith.cmpf ogt, %gather3A_1110, %select_n3A_1102 : vector<16xf32>
      %select_n3A_1112 = arith.select %gt3A_1111, %gather3A_1110, %select_n3A_1102 : vector<16xi1>, vector<16xf32>
      %add3A_1113 = arith.constant 6 : i32
      %add3A_1114 = vector.broadcast %add3A_1113 : i32 to vector<16xi32>
      %add3A_1115 = arith.addi %mul3A_1040, %add3A_1114 : vector<16xi32>
      %select_n3A_1116 = arith.select %gt3A_1111, %add3A_1115, %select_n3A_1106 : vector<16xi1>, vector<16xi32>
      %add3A_1117 = arith.constant 3584 : i32
      %add3A_1118 = vector.broadcast %add3A_1117 : i32 to vector<16xi32>
      %add3A_1119 = arith.addi %add3A_1044, %add3A_1118 : vector<16xi32>
      %gather3A_1120 = tpu.vector_load_idx %arg5[%add3A_1119] : memref<32768xf32, #tpu.memory_space<vmem>>[vector<16xi32>], vector<16xf32>,
      %gt3A_1121 = arith.cmpf ogt, %gather3A_1120, %select_n3A_1112 : vector<16xf32>
      %select_n3A_1122 = arith.select %gt3A_1121, %gather3A_1120, %select_n3A_1112 : vector<16xi1>, vector<16xf32>
      %add3A_1123 = arith.constant 7 : i32
      %add3A_1124 = vector.broadcast %add3A_1123 : i32 to vector<16xi32>
      %add3A_1125 = arith.addi %mul3A_1040, %add3A_1124 : vector<16xi32>
      %select_n3A_1126 = arith.select %gt3A_1121, %add3A_1125, %select_n3A_1116 : vector<16xi1>, vector<16xi32>
      %add3A_1127 = arith.constant 4096 : i32
      %add3A_1128 = vector.broadcast %add3A_1127 : i32 to vector<16xi32>
      %add3A_1129 = arith.addi %add3A_1044, %add3A_1128 : vector<16xi32>
      %gather3A_1130 = tpu.vector_load_idx %arg5[%add3A_1129] : memref<32768xf32, #tpu.memory_space<vmem>>[vector<16xi32>], vector<16xf32>,
      %gt3A_1131 = arith.cmpf ogt, %gather3A_1130, %select_n3A_1122 : vector<16xf32>
      %select_n3A_1132 = arith.select %gt3A_1131, %gather3A_1130, %select_n3A_1122 : vector<16xi1>, vector<16xf32>
      %add3A_1133 = arith.constant 8 : i32
      %add3A_1134 = vector.broadcast %add3A_1133 : i32 to vector<16xi32>
      %add3A_1135 = arith.addi %mul3A_1040, %add3A_1134 : vector<16xi32>
      %select_n3A_1136 = arith.select %gt3A_1131, %add3A_1135, %select_n3A_1126 : vector<16xi1>, vector<16xi32>
      %add3A_1137 = arith.constant 4608 : i32
      %add3A_1138 = vector.broadcast %add3A_1137 : i32 to vector<16xi32>
      %add3A_1139 = arith.addi %add3A_1044, %add3A_1138 : vector<16xi32>
      %gather3A_1140 = tpu.vector_load_idx %arg5[%add3A_1139] : memref<32768xf32, #tpu.memory_space<vmem>>[vector<16xi32>], vector<16xf32>,
      %gt3A_1141 = arith.cmpf ogt, %gather3A_1140, %select_n3A_1132 : vector<16xf32>
      %select_n3A_1142 = arith.select %gt3A_1141, %gather3A_1140, %select_n3A_1132 : vector<16xi1>, vector<16xf32>
      %add3A_1143 = arith.constant 9 : i32
      %add3A_1144 = vector.broadcast %add3A_1143 : i32 to vector<16xi32>
      %add3A_1145 = arith.addi %mul3A_1040, %add3A_1144 : vector<16xi32>
      %select_n3A_1146 = arith.select %gt3A_1141, %add3A_1145, %select_n3A_1136 : vector<16xi1>, vector<16xi32>
      %add3A_1147 = arith.constant 5120 : i32
      %add3A_1148 = vector.broadcast %add3A_1147 : i32 to vector<16xi32>
      %add3A_1149 = arith.addi %add3A_1044, %add3A_1148 : vector<16xi32>
      %gather3A_1150 = tpu.vector_load_idx %arg5[%add3A_1149] : memref<32768xf32, #tpu.memory_space<vmem>>[vector<16xi32>], vector<16xf32>,
      %gt3A_1151 = arith.cmpf ogt, %gather3A_1150, %select_n3A_1142 : vector<16xf32>
      %select_n3A_1152 = arith.select %gt3A_1151, %gather3A_1150, %select_n3A_1142 : vector<16xi1>, vector<16xf32>
      %add3A_1153 = arith.constant 10 : i32
      %add3A_1154 = vector.broadcast %add3A_1153 : i32 to vector<16xi32>
      %add3A_1155 = arith.addi %mul3A_1040, %add3A_1154 : vector<16xi32>
      %select_n3A_1156 = arith.select %gt3A_1151, %add3A_1155, %select_n3A_1146 : vector<16xi1>, vector<16xi32>
      %add3A_1157 = arith.constant 5632 : i32
      %add3A_1158 = vector.broadcast %add3A_1157 : i32 to vector<16xi32>
      %add3A_1159 = arith.addi %add3A_1044, %add3A_1158 : vector<16xi32>
      %gather3A_1160 = tpu.vector_load_idx %arg5[%add3A_1159] : memref<32768xf32, #tpu.memory_space<vmem>>[vector<16xi32>], vector<16xf32>,
      %gt3A_1161 = arith.cmpf ogt, %gather3A_1160, %select_n3A_1152 : vector<16xf32>
      %select_n3A_1162 = arith.select %gt3A_1161, %gather3A_1160, %select_n3A_1152 : vector<16xi1>, vector<16xf32>
      %add3A_1163 = arith.constant 11 : i32
      %add3A_1164 = vector.broadcast %add3A_1163 : i32 to vector<16xi32>
      %add3A_1165 = arith.addi %mul3A_1040, %add3A_1164 : vector<16xi32>
      %select_n3A_1166 = arith.select %gt3A_1161, %add3A_1165, %select_n3A_1156 : vector<16xi1>, vector<16xi32>
      %add3A_1167 = arith.constant 6144 : i32
      %add3A_1168 = vector.broadcast %add3A_1167 : i32 to vector<16xi32>
      %add3A_1169 = arith.addi %add3A_1044, %add3A_1168 : vector<16xi32>
      %gather3A_1170 = tpu.vector_load_idx %arg5[%add3A_1169] : memref<32768xf32, #tpu.memory_space<vmem>>[vector<16xi32>], vector<16xf32>,
      %gt3A_1171 = arith.cmpf ogt, %gather3A_1170, %select_n3A_1162 : vector<16xf32>
      %select_n3A_1172 = arith.select %gt3A_1171, %gather3A_1170, %select_n3A_1162 : vector<16xi1>, vector<16xf32>
      %add3A_1173 = arith.constant 12 : i32
      %add3A_1174 = vector.broadcast %add3A_1173 : i32 to vector<16xi32>
      %add3A_1175 = arith.addi %mul3A_1040, %add3A_1174 : vector<16xi32>
      %select_n3A_1176 = arith.select %gt3A_1171, %add3A_1175, %select_n3A_1166 : vector<16xi1>, vector<16xi32>
      %add3A_1177 = arith.constant 6656 : i32
      %add3A_1178 = vector.broadcast %add3A_1177 : i32 to vector<16xi32>
      %add3A_1179 = arith.addi %add3A_1044, %add3A_1178 : vector<16xi32>
      %gather3A_1180 = tpu.vector_load_idx %arg5[%add3A_1179] : memref<32768xf32, #tpu.memory_space<vmem>>[vector<16xi32>], vector<16xf32>,
      %gt3A_1181 = arith.cmpf ogt, %gather3A_1180, %select_n3A_1172 : vector<16xf32>
      %select_n3A_1182 = arith.select %gt3A_1181, %gather3A_1180, %select_n3A_1172 : vector<16xi1>, vector<16xf32>
      %add3A_1183 = arith.constant 13 : i32
      %add3A_1184 = vector.broadcast %add3A_1183 : i32 to vector<16xi32>
      %add3A_1185 = arith.addi %mul3A_1040, %add3A_1184 : vector<16xi32>
      %select_n3A_1186 = arith.select %gt3A_1181, %add3A_1185, %select_n3A_1176 : vector<16xi1>, vector<16xi32>
      %add3A_1187 = arith.constant 7168 : i32
      %add3A_1188 = vector.broadcast %add3A_1187 : i32 to vector<16xi32>
      %add3A_1189 = arith.addi %add3A_1044, %add3A_1188 : vector<16xi32>
      %gather3A_1190 = tpu.vector_load_idx %arg5[%add3A_1189] : memref<32768xf32, #tpu.memory_space<vmem>>[vector<16xi32>], vector<16xf32>,
      %gt3A_1191 = arith.cmpf ogt, %gather3A_1190, %select_n3A_1182 : vector<16xf32>
      %select_n3A_1192 = arith.select %gt3A_1191, %gather3A_1190, %select_n3A_1182 : vector<16xi1>, vector<16xf32>
      %add3A_1193 = arith.constant 14 : i32
      %add3A_1194 = vector.broadcast %add3A_1193 : i32 to vector<16xi32>
      %add3A_1195 = arith.addi %mul3A_1040, %add3A_1194 : vector<16xi32>
      %select_n3A_1196 = arith.select %gt3A_1191, %add3A_1195, %select_n3A_1186 : vector<16xi1>, vector<16xi32>
      %add3A_1197 = arith.constant 7680 : i32
      %add3A_1198 = vector.broadcast %add3A_1197 : i32 to vector<16xi32>
      %add3A_1199 = arith.addi %add3A_1044, %add3A_1198 : vector<16xi32>
      %gather3A_1200 = tpu.vector_load_idx %arg5[%add3A_1199] : memref<32768xf32, #tpu.memory_space<vmem>>[vector<16xi32>], vector<16xf32>,
      %gt3A_1201 = arith.cmpf ogt, %gather3A_1200, %select_n3A_1192 : vector<16xf32>
      %select_n3A_1202 = arith.select %gt3A_1201, %gather3A_1200, %select_n3A_1192 : vector<16xi1>, vector<16xf32>
      %add3A_1203 = arith.constant 15 : i32
      %add3A_1204 = vector.broadcast %add3A_1203 : i32 to vector<16xi32>
      %add3A_1205 = arith.addi %mul3A_1040, %add3A_1204 : vector<16xi32>
      %select_n3A_1206 = arith.select %gt3A_1201, %add3A_1205, %select_n3A_1196 : vector<16xi1>, vector<16xi32>
      %eq3A_1207 = arith.constant 0 : i32
      %eq3A_1208 = vector.broadcast %eq3A_1207 : i32 to vector<16xi32>
      %eq3A_1209 = arith.cmpi eq, %shift_right_logical3A_1037, %eq3A_1208 : vector<16xi32>
      %select_n3A_1210 = arith.select %eq3A_1209, %select_n3A_1202, %select_n3A_1005 : vector<16xi1>, vector<16xf32>
      %select_n3A_1211 = arith.select %eq3A_1209, %select_n3A_1206, %select_n3A_1006 : vector<16xi1>, vector<16xi32>
      %eq3A_1212 = arith.constant 1 : i32
      %eq3A_1213 = vector.broadcast %eq3A_1212 : i32 to vector<16xi32>
      %eq3A_1214 = arith.cmpi eq, %shift_right_logical3A_1037, %eq3A_1213 : vector<16xi32>
      %select_n3A_1215 = arith.select %eq3A_1214, %select_n3A_1202, %select_n3A_1010 : vector<16xi1>, vector<16xf32>
      %select_n3A_1216 = arith.select %eq3A_1214, %select_n3A_1206, %select_n3A_1011 : vector<16xi1>, vector<16xi32>
      %eq3A_1217 = arith.constant 2 : i32
      %eq3A_1218 = vector.broadcast %eq3A_1217 : i32 to vector<16xi32>
      %eq3A_1219 = arith.cmpi eq, %shift_right_logical3A_1037, %eq3A_1218 : vector<16xi32>
      %select_n3A_1220 = arith.select %eq3A_1219, %select_n3A_1202, %select_n3A_1015 : vector<16xi1>, vector<16xf32>
      %select_n3A_1221 = arith.select %eq3A_1219, %select_n3A_1206, %select_n3A_1016 : vector<16xi1>, vector<16xi32>
      %eq3A_1222 = arith.constant 3 : i32
      %eq3A_1223 = vector.broadcast %eq3A_1222 : i32 to vector<16xi32>
      %eq3A_1224 = arith.cmpi eq, %shift_right_logical3A_1037, %eq3A_1223 : vector<16xi32>
      %select_n3A_1225 = arith.select %eq3A_1224, %select_n3A_1202, %select_n3A_1020 : vector<16xi1>, vector<16xf32>
      %select_n3A_1226 = arith.select %eq3A_1224, %select_n3A_1206, %select_n3A_1021 : vector<16xi1>, vector<16xi32>
      %gt3A_1227 = arith.cmpf ogt, %select_n3A_1215, %select_n3A_1210 : vector<16xf32>
      %select_n3A_1228 = arith.select %gt3A_1227, %select_n3A_1215, %select_n3A_1210 : vector<16xi1>, vector<16xf32>
      %select_n3A_1229 = arith.select %gt3A_1227, %select_n3A_1216, %select_n3A_1211 : vector<16xi1>, vector<16xi32>
      %gt3A_1230 = arith.cmpf ogt, %select_n3A_1225, %select_n3A_1220 : vector<16xf32>
      %select_n3A_1231 = arith.select %gt3A_1230, %select_n3A_1225, %select_n3A_1220 : vector<16xi1>, vector<16xf32>
      %select_n3A_1232 = arith.select %gt3A_1230, %select_n3A_1226, %select_n3A_1221 : vector<16xi1>, vector<16xi32>
      %gt3A_1233 = arith.cmpf ogt, %select_n3A_1231, %select_n3A_1228 : vector<16xf32>
      %select_n3A_1234 = arith.select %gt3A_1233, %select_n3A_1231, %select_n3A_1228 : vector<16xi1>, vector<16xf32>
      %select_n3A_1235 = arith.select %gt3A_1233, %select_n3A_1232, %select_n3A_1229 : vector<16xi1>, vector<16xi32>
      %mul3A_1236 = arith.constant 512 : i32
      %mul3A_1237 = vector.broadcast %mul3A_1236 : i32 to vector<16xi32>
      %mul3A_1238 = arith.muli %select_n3A_1235, %mul3A_1237 : vector<16xi32>
      %add3A_1239 = arith.addi %mul3A_1238, %add3A_34 : vector<16xi32>
      tpu.vector_store_idx %arg5[%add3A_1239], %broadcast_in_dim3A_1 : memref<32768xf32, #tpu.memory_space<vmem>>[vector<16xi32>], vector<16xf32>,
      %shift_right_logical3A_1240 = arith.constant 4 : i32
      %shift_right_logical3A_1241 = vector.broadcast %shift_right_logical3A_1240 : i32 to vector<16xi32>
      %shift_right_logical3A_1242 = arith.shrui %select_n3A_1235, %shift_right_logical3A_1241 : vector<16xi32>
      %mul3A_1243 = arith.constant 16 : i32
      %mul3A_1244 = vector.broadcast %mul3A_1243 : i32 to vector<16xi32>
      %mul3A_1245 = arith.muli %shift_right_logical3A_1242, %mul3A_1244 : vector<16xi32>
      %mul3A_1246 = arith.constant 512 : i32
      %mul3A_1247 = vector.broadcast %mul3A_1246 : i32 to vector<16xi32>
      %mul3A_1248 = arith.muli %mul3A_1245, %mul3A_1247 : vector<16xi32>
      %add3A_1249 = arith.addi %mul3A_1248, %add3A_34 : vector<16xi32>
      %broadcast_in_dim3A_1250 = arith.constant 0 : i32
      %broadcast_in_dim3A_1251 = vector.broadcast %broadcast_in_dim3A_1250 : i32 to vector<16xi32>
      %add3A_1252 = arith.constant 0 : i32
      %add3A_1253 = vector.broadcast %add3A_1252 : i32 to vector<16xi32>
      %add3A_1254 = arith.addi %add3A_1249, %add3A_1253 : vector<16xi32>
      %gather3A_1255 = tpu.vector_load_idx %arg5[%add3A_1254] : memref<32768xf32, #tpu.memory_space<vmem>>[vector<16xi32>], vector<16xf32>,
      %gt3A_1256 = arith.cmpf ogt, %gather3A_1255, %broadcast_in_dim3A_1 : vector<16xf32>
      %select_n3A_1257 = arith.select %gt3A_1256, %gather3A_1255, %broadcast_in_dim3A_1 : vector<16xi1>, vector<16xf32>
      %add3A_1258 = arith.constant 0 : i32
      %add3A_1259 = vector.broadcast %add3A_1258 : i32 to vector<16xi32>
      %add3A_1260 = arith.addi %mul3A_1245, %add3A_1259 : vector<16xi32>
      %select_n3A_1261 = arith.select %gt3A_1256, %add3A_1260, %broadcast_in_dim3A_1251 : vector<16xi1>, vector<16xi32>
      %add3A_1262 = arith.constant 512 : i32
      %add3A_1263 = vector.broadcast %add3A_1262 : i32 to vector<16xi32>
      %add3A_1264 = arith.addi %add3A_1249, %add3A_1263 : vector<16xi32>
      %gather3A_1265 = tpu.vector_load_idx %arg5[%add3A_1264] : memref<32768xf32, #tpu.memory_space<vmem>>[vector<16xi32>], vector<16xf32>,
      %gt3A_1266 = arith.cmpf ogt, %gather3A_1265, %select_n3A_1257 : vector<16xf32>
      %select_n3A_1267 = arith.select %gt3A_1266, %gather3A_1265, %select_n3A_1257 : vector<16xi1>, vector<16xf32>
      %add3A_1268 = arith.constant 1 : i32
      %add3A_1269 = vector.broadcast %add3A_1268 : i32 to vector<16xi32>
      %add3A_1270 = arith.addi %mul3A_1245, %add3A_1269 : vector<16xi32>
      %select_n3A_1271 = arith.select %gt3A_1266, %add3A_1270, %select_n3A_1261 : vector<16xi1>, vector<16xi32>
      %add3A_1272 = arith.constant 1024 : i32
      %add3A_1273 = vector.broadcast %add3A_1272 : i32 to vector<16xi32>
      %add3A_1274 = arith.addi %add3A_1249, %add3A_1273 : vector<16xi32>
      %gather3A_1275 = tpu.vector_load_idx %arg5[%add3A_1274] : memref<32768xf32, #tpu.memory_space<vmem>>[vector<16xi32>], vector<16xf32>,
      %gt3A_1276 = arith.cmpf ogt, %gather3A_1275, %select_n3A_1267 : vector<16xf32>
      %select_n3A_1277 = arith.select %gt3A_1276, %gather3A_1275, %select_n3A_1267 : vector<16xi1>, vector<16xf32>
      %add3A_1278 = arith.constant 2 : i32
      %add3A_1279 = vector.broadcast %add3A_1278 : i32 to vector<16xi32>
      %add3A_1280 = arith.addi %mul3A_1245, %add3A_1279 : vector<16xi32>
      %select_n3A_1281 = arith.select %gt3A_1276, %add3A_1280, %select_n3A_1271 : vector<16xi1>, vector<16xi32>
      %add3A_1282 = arith.constant 1536 : i32
      %add3A_1283 = vector.broadcast %add3A_1282 : i32 to vector<16xi32>
      %add3A_1284 = arith.addi %add3A_1249, %add3A_1283 : vector<16xi32>
      %gather3A_1285 = tpu.vector_load_idx %arg5[%add3A_1284] : memref<32768xf32, #tpu.memory_space<vmem>>[vector<16xi32>], vector<16xf32>,
      %gt3A_1286 = arith.cmpf ogt, %gather3A_1285, %select_n3A_1277 : vector<16xf32>
      %select_n3A_1287 = arith.select %gt3A_1286, %gather3A_1285, %select_n3A_1277 : vector<16xi1>, vector<16xf32>
      %add3A_1288 = arith.constant 3 : i32
      %add3A_1289 = vector.broadcast %add3A_1288 : i32 to vector<16xi32>
      %add3A_1290 = arith.addi %mul3A_1245, %add3A_1289 : vector<16xi32>
      %select_n3A_1291 = arith.select %gt3A_1286, %add3A_1290, %select_n3A_1281 : vector<16xi1>, vector<16xi32>
      %add3A_1292 = arith.constant 2048 : i32
      %add3A_1293 = vector.broadcast %add3A_1292 : i32 to vector<16xi32>
      %add3A_1294 = arith.addi %add3A_1249, %add3A_1293 : vector<16xi32>
      %gather3A_1295 = tpu.vector_load_idx %arg5[%add3A_1294] : memref<32768xf32, #tpu.memory_space<vmem>>[vector<16xi32>], vector<16xf32>,
      %gt3A_1296 = arith.cmpf ogt, %gather3A_1295, %select_n3A_1287 : vector<16xf32>
      %select_n3A_1297 = arith.select %gt3A_1296, %gather3A_1295, %select_n3A_1287 : vector<16xi1>, vector<16xf32>
      %add3A_1298 = arith.constant 4 : i32
      %add3A_1299 = vector.broadcast %add3A_1298 : i32 to vector<16xi32>
      %add3A_1300 = arith.addi %mul3A_1245, %add3A_1299 : vector<16xi32>
      %select_n3A_1301 = arith.select %gt3A_1296, %add3A_1300, %select_n3A_1291 : vector<16xi1>, vector<16xi32>
      %add3A_1302 = arith.constant 2560 : i32
      %add3A_1303 = vector.broadcast %add3A_1302 : i32 to vector<16xi32>
      %add3A_1304 = arith.addi %add3A_1249, %add3A_1303 : vector<16xi32>
      %gather3A_1305 = tpu.vector_load_idx %arg5[%add3A_1304] : memref<32768xf32, #tpu.memory_space<vmem>>[vector<16xi32>], vector<16xf32>,
      %gt3A_1306 = arith.cmpf ogt, %gather3A_1305, %select_n3A_1297 : vector<16xf32>
      %select_n3A_1307 = arith.select %gt3A_1306, %gather3A_1305, %select_n3A_1297 : vector<16xi1>, vector<16xf32>
      %add3A_1308 = arith.constant 5 : i32
      %add3A_1309 = vector.broadcast %add3A_1308 : i32 to vector<16xi32>
      %add3A_1310 = arith.addi %mul3A_1245, %add3A_1309 : vector<16xi32>
      %select_n3A_1311 = arith.select %gt3A_1306, %add3A_1310, %select_n3A_1301 : vector<16xi1>, vector<16xi32>
      %add3A_1312 = arith.constant 3072 : i32
      %add3A_1313 = vector.broadcast %add3A_1312 : i32 to vector<16xi32>
      %add3A_1314 = arith.addi %add3A_1249, %add3A_1313 : vector<16xi32>
      %gather3A_1315 = tpu.vector_load_idx %arg5[%add3A_1314] : memref<32768xf32, #tpu.memory_space<vmem>>[vector<16xi32>], vector<16xf32>,
      %gt3A_1316 = arith.cmpf ogt, %gather3A_1315, %select_n3A_1307 : vector<16xf32>
      %select_n3A_1317 = arith.select %gt3A_1316, %gather3A_1315, %select_n3A_1307 : vector<16xi1>, vector<16xf32>
      %add3A_1318 = arith.constant 6 : i32
      %add3A_1319 = vector.broadcast %add3A_1318 : i32 to vector<16xi32>
      %add3A_1320 = arith.addi %mul3A_1245, %add3A_1319 : vector<16xi32>
      %select_n3A_1321 = arith.select %gt3A_1316, %add3A_1320, %select_n3A_1311 : vector<16xi1>, vector<16xi32>
      %add3A_1322 = arith.constant 3584 : i32
      %add3A_1323 = vector.broadcast %add3A_1322 : i32 to vector<16xi32>
      %add3A_1324 = arith.addi %add3A_1249, %add3A_1323 : vector<16xi32>
      %gather3A_1325 = tpu.vector_load_idx %arg5[%add3A_1324] : memref<32768xf32, #tpu.memory_space<vmem>>[vector<16xi32>], vector<16xf32>,
      %gt3A_1326 = arith.cmpf ogt, %gather3A_1325, %select_n3A_1317 : vector<16xf32>
      %select_n3A_1327 = arith.select %gt3A_1326, %gather3A_1325, %select_n3A_1317 : vector<16xi1>, vector<16xf32>
      %add3A_1328 = arith.constant 7 : i32
      %add3A_1329 = vector.broadcast %add3A_1328 : i32 to vector<16xi32>
      %add3A_1330 = arith.addi %mul3A_1245, %add3A_1329 : vector<16xi32>
      %select_n3A_1331 = arith.select %gt3A_1326, %add3A_1330, %select_n3A_1321 : vector<16xi1>, vector<16xi32>
      %add3A_1332 = arith.constant 4096 : i32
      %add3A_1333 = vector.broadcast %add3A_1332 : i32 to vector<16xi32>
      %add3A_1334 = arith.addi %add3A_1249, %add3A_1333 : vector<16xi32>
      %gather3A_1335 = tpu.vector_load_idx %arg5[%add3A_1334] : memref<32768xf32, #tpu.memory_space<vmem>>[vector<16xi32>], vector<16xf32>,
      %gt3A_1336 = arith.cmpf ogt, %gather3A_1335, %select_n3A_1327 : vector<16xf32>
      %select_n3A_1337 = arith.select %gt3A_1336, %gather3A_1335, %select_n3A_1327 : vector<16xi1>, vector<16xf32>
      %add3A_1338 = arith.constant 8 : i32
      %add3A_1339 = vector.broadcast %add3A_1338 : i32 to vector<16xi32>
      %add3A_1340 = arith.addi %mul3A_1245, %add3A_1339 : vector<16xi32>
      %select_n3A_1341 = arith.select %gt3A_1336, %add3A_1340, %select_n3A_1331 : vector<16xi1>, vector<16xi32>
      %add3A_1342 = arith.constant 4608 : i32
      %add3A_1343 = vector.broadcast %add3A_1342 : i32 to vector<16xi32>
      %add3A_1344 = arith.addi %add3A_1249, %add3A_1343 : vector<16xi32>
      %gather3A_1345 = tpu.vector_load_idx %arg5[%add3A_1344] : memref<32768xf32, #tpu.memory_space<vmem>>[vector<16xi32>], vector<16xf32>,
      %gt3A_1346 = arith.cmpf ogt, %gather3A_1345, %select_n3A_1337 : vector<16xf32>
      %select_n3A_1347 = arith.select %gt3A_1346, %gather3A_1345, %select_n3A_1337 : vector<16xi1>, vector<16xf32>
      %add3A_1348 = arith.constant 9 : i32
      %add3A_1349 = vector.broadcast %add3A_1348 : i32 to vector<16xi32>
      %add3A_1350 = arith.addi %mul3A_1245, %add3A_1349 : vector<16xi32>
      %select_n3A_1351 = arith.select %gt3A_1346, %add3A_1350, %select_n3A_1341 : vector<16xi1>, vector<16xi32>
      %add3A_1352 = arith.constant 5120 : i32
      %add3A_1353 = vector.broadcast %add3A_1352 : i32 to vector<16xi32>
      %add3A_1354 = arith.addi %add3A_1249, %add3A_1353 : vector<16xi32>
      %gather3A_1355 = tpu.vector_load_idx %arg5[%add3A_1354] : memref<32768xf32, #tpu.memory_space<vmem>>[vector<16xi32>], vector<16xf32>,
      %gt3A_1356 = arith.cmpf ogt, %gather3A_1355, %select_n3A_1347 : vector<16xf32>
      %select_n3A_1357 = arith.select %gt3A_1356, %gather3A_1355, %select_n3A_1347 : vector<16xi1>, vector<16xf32>
      %add3A_1358 = arith.constant 10 : i32
      %add3A_1359 = vector.broadcast %add3A_1358 : i32 to vector<16xi32>
      %add3A_1360 = arith.addi %mul3A_1245, %add3A_1359 : vector<16xi32>
      %select_n3A_1361 = arith.select %gt3A_1356, %add3A_1360, %select_n3A_1351 : vector<16xi1>, vector<16xi32>
      %add3A_1362 = arith.constant 5632 : i32
      %add3A_1363 = vector.broadcast %add3A_1362 : i32 to vector<16xi32>
      %add3A_1364 = arith.addi %add3A_1249, %add3A_1363 : vector<16xi32>
      %gather3A_1365 = tpu.vector_load_idx %arg5[%add3A_1364] : memref<32768xf32, #tpu.memory_space<vmem>>[vector<16xi32>], vector<16xf32>,
      %gt3A_1366 = arith.cmpf ogt, %gather3A_1365, %select_n3A_1357 : vector<16xf32>
      %select_n3A_1367 = arith.select %gt3A_1366, %gather3A_1365, %select_n3A_1357 : vector<16xi1>, vector<16xf32>
      %add3A_1368 = arith.constant 11 : i32
      %add3A_1369 = vector.broadcast %add3A_1368 : i32 to vector<16xi32>
      %add3A_1370 = arith.addi %mul3A_1245, %add3A_1369 : vector<16xi32>
      %select_n3A_1371 = arith.select %gt3A_1366, %add3A_1370, %select_n3A_1361 : vector<16xi1>, vector<16xi32>
      %add3A_1372 = arith.constant 6144 : i32
      %add3A_1373 = vector.broadcast %add3A_1372 : i32 to vector<16xi32>
      %add3A_1374 = arith.addi %add3A_1249, %add3A_1373 : vector<16xi32>
      %gather3A_1375 = tpu.vector_load_idx %arg5[%add3A_1374] : memref<32768xf32, #tpu.memory_space<vmem>>[vector<16xi32>], vector<16xf32>,
      %gt3A_1376 = arith.cmpf ogt, %gather3A_1375, %select_n3A_1367 : vector<16xf32>
      %select_n3A_1377 = arith.select %gt3A_1376, %gather3A_1375, %select_n3A_1367 : vector<16xi1>, vector<16xf32>
      %add3A_1378 = arith.constant 12 : i32
      %add3A_1379 = vector.broadcast %add3A_1378 : i32 to vector<16xi32>
      %add3A_1380 = arith.addi %mul3A_1245, %add3A_1379 : vector<16xi32>
      %select_n3A_1381 = arith.select %gt3A_1376, %add3A_1380, %select_n3A_1371 : vector<16xi1>, vector<16xi32>
      %add3A_1382 = arith.constant 6656 : i32
      %add3A_1383 = vector.broadcast %add3A_1382 : i32 to vector<16xi32>
      %add3A_1384 = arith.addi %add3A_1249, %add3A_1383 : vector<16xi32>
      %gather3A_1385 = tpu.vector_load_idx %arg5[%add3A_1384] : memref<32768xf32, #tpu.memory_space<vmem>>[vector<16xi32>], vector<16xf32>,
      %gt3A_1386 = arith.cmpf ogt, %gather3A_1385, %select_n3A_1377 : vector<16xf32>
      %select_n3A_1387 = arith.select %gt3A_1386, %gather3A_1385, %select_n3A_1377 : vector<16xi1>, vector<16xf32>
      %add3A_1388 = arith.constant 13 : i32
      %add3A_1389 = vector.broadcast %add3A_1388 : i32 to vector<16xi32>
      %add3A_1390 = arith.addi %mul3A_1245, %add3A_1389 : vector<16xi32>
      %select_n3A_1391 = arith.select %gt3A_1386, %add3A_1390, %select_n3A_1381 : vector<16xi1>, vector<16xi32>
      %add3A_1392 = arith.constant 7168 : i32
      %add3A_1393 = vector.broadcast %add3A_1392 : i32 to vector<16xi32>
      %add3A_1394 = arith.addi %add3A_1249, %add3A_1393 : vector<16xi32>
      %gather3A_1395 = tpu.vector_load_idx %arg5[%add3A_1394] : memref<32768xf32, #tpu.memory_space<vmem>>[vector<16xi32>], vector<16xf32>,
      %gt3A_1396 = arith.cmpf ogt, %gather3A_1395, %select_n3A_1387 : vector<16xf32>
      %select_n3A_1397 = arith.select %gt3A_1396, %gather3A_1395, %select_n3A_1387 : vector<16xi1>, vector<16xf32>
      %add3A_1398 = arith.constant 14 : i32
      %add3A_1399 = vector.broadcast %add3A_1398 : i32 to vector<16xi32>
      %add3A_1400 = arith.addi %mul3A_1245, %add3A_1399 : vector<16xi32>
      %select_n3A_1401 = arith.select %gt3A_1396, %add3A_1400, %select_n3A_1391 : vector<16xi1>, vector<16xi32>
      %add3A_1402 = arith.constant 7680 : i32
      %add3A_1403 = vector.broadcast %add3A_1402 : i32 to vector<16xi32>
      %add3A_1404 = arith.addi %add3A_1249, %add3A_1403 : vector<16xi32>
      %gather3A_1405 = tpu.vector_load_idx %arg5[%add3A_1404] : memref<32768xf32, #tpu.memory_space<vmem>>[vector<16xi32>], vector<16xf32>,
      %gt3A_1406 = arith.cmpf ogt, %gather3A_1405, %select_n3A_1397 : vector<16xf32>
      %select_n3A_1407 = arith.select %gt3A_1406, %gather3A_1405, %select_n3A_1397 : vector<16xi1>, vector<16xf32>
      %add3A_1408 = arith.constant 15 : i32
      %add3A_1409 = vector.broadcast %add3A_1408 : i32 to vector<16xi32>
      %add3A_1410 = arith.addi %mul3A_1245, %add3A_1409 : vector<16xi32>
      %select_n3A_1411 = arith.select %gt3A_1406, %add3A_1410, %select_n3A_1401 : vector<16xi1>, vector<16xi32>
      %eq3A_1412 = arith.constant 0 : i32
      %eq3A_1413 = vector.broadcast %eq3A_1412 : i32 to vector<16xi32>
      %eq3A_1414 = arith.cmpi eq, %shift_right_logical3A_1242, %eq3A_1413 : vector<16xi32>
      %select_n3A_1415 = arith.select %eq3A_1414, %select_n3A_1407, %select_n3A_1210 : vector<16xi1>, vector<16xf32>
      %select_n3A_1416 = arith.select %eq3A_1414, %select_n3A_1411, %select_n3A_1211 : vector<16xi1>, vector<16xi32>
      %eq3A_1417 = arith.constant 1 : i32
      %eq3A_1418 = vector.broadcast %eq3A_1417 : i32 to vector<16xi32>
      %eq3A_1419 = arith.cmpi eq, %shift_right_logical3A_1242, %eq3A_1418 : vector<16xi32>
      %select_n3A_1420 = arith.select %eq3A_1419, %select_n3A_1407, %select_n3A_1215 : vector<16xi1>, vector<16xf32>
      %select_n3A_1421 = arith.select %eq3A_1419, %select_n3A_1411, %select_n3A_1216 : vector<16xi1>, vector<16xi32>
      %eq3A_1422 = arith.constant 2 : i32
      %eq3A_1423 = vector.broadcast %eq3A_1422 : i32 to vector<16xi32>
      %eq3A_1424 = arith.cmpi eq, %shift_right_logical3A_1242, %eq3A_1423 : vector<16xi32>
      %select_n3A_1425 = arith.select %eq3A_1424, %select_n3A_1407, %select_n3A_1220 : vector<16xi1>, vector<16xf32>
      %select_n3A_1426 = arith.select %eq3A_1424, %select_n3A_1411, %select_n3A_1221 : vector<16xi1>, vector<16xi32>
      %eq3A_1427 = arith.constant 3 : i32
      %eq3A_1428 = vector.broadcast %eq3A_1427 : i32 to vector<16xi32>
      %eq3A_1429 = arith.cmpi eq, %shift_right_logical3A_1242, %eq3A_1428 : vector<16xi32>
      %select_n3A_1430 = arith.select %eq3A_1429, %select_n3A_1407, %select_n3A_1225 : vector<16xi1>, vector<16xf32>
      %select_n3A_1431 = arith.select %eq3A_1429, %select_n3A_1411, %select_n3A_1226 : vector<16xi1>, vector<16xi32>
      %gt3A_1432 = arith.cmpf ogt, %select_n3A_1420, %select_n3A_1415 : vector<16xf32>
      %select_n3A_1433 = arith.select %gt3A_1432, %select_n3A_1420, %select_n3A_1415 : vector<16xi1>, vector<16xf32>
      %select_n3A_1434 = arith.select %gt3A_1432, %select_n3A_1421, %select_n3A_1416 : vector<16xi1>, vector<16xi32>
      %gt3A_1435 = arith.cmpf ogt, %select_n3A_1430, %select_n3A_1425 : vector<16xf32>
      %select_n3A_1436 = arith.select %gt3A_1435, %select_n3A_1430, %select_n3A_1425 : vector<16xi1>, vector<16xf32>
      %select_n3A_1437 = arith.select %gt3A_1435, %select_n3A_1431, %select_n3A_1426 : vector<16xi1>, vector<16xi32>
      %gt3A_1438 = arith.cmpf ogt, %select_n3A_1436, %select_n3A_1433 : vector<16xf32>
      %select_n3A_1439 = arith.select %gt3A_1438, %select_n3A_1436, %select_n3A_1433 : vector<16xi1>, vector<16xf32>
      %select_n3A_1440 = arith.select %gt3A_1438, %select_n3A_1437, %select_n3A_1434 : vector<16xi1>, vector<16xi32>
      %mul3A_1441 = arith.constant 512 : i32
      %mul3A_1442 = vector.broadcast %mul3A_1441 : i32 to vector<16xi32>
      %mul3A_1443 = arith.muli %select_n3A_1440, %mul3A_1442 : vector<16xi32>
      %add3A_1444 = arith.addi %mul3A_1443, %add3A_34 : vector<16xi32>
      tpu.vector_store_idx %arg5[%add3A_1444], %broadcast_in_dim3A_1 : memref<32768xf32, #tpu.memory_space<vmem>>[vector<16xi32>], vector<16xf32>,
      %shift_right_logical3A_1445 = arith.constant 4 : i32
      %shift_right_logical3A_1446 = vector.broadcast %shift_right_logical3A_1445 : i32 to vector<16xi32>
      %shift_right_logical3A_1447 = arith.shrui %select_n3A_1440, %shift_right_logical3A_1446 : vector<16xi32>
      %mul3A_1448 = arith.constant 16 : i32
      %mul3A_1449 = vector.broadcast %mul3A_1448 : i32 to vector<16xi32>
      %mul3A_1450 = arith.muli %shift_right_logical3A_1447, %mul3A_1449 : vector<16xi32>
      %mul3A_1451 = arith.constant 512 : i32
      %mul3A_1452 = vector.broadcast %mul3A_1451 : i32 to vector<16xi32>
      %mul3A_1453 = arith.muli %mul3A_1450, %mul3A_1452 : vector<16xi32>
      %add3A_1454 = arith.addi %mul3A_1453, %add3A_34 : vector<16xi32>
      %broadcast_in_dim3A_1455 = arith.constant 0 : i32
      %broadcast_in_dim3A_1456 = vector.broadcast %broadcast_in_dim3A_1455 : i32 to vector<16xi32>
      %add3A_1457 = arith.constant 0 : i32
      %add3A_1458 = vector.broadcast %add3A_1457 : i32 to vector<16xi32>
      %add3A_1459 = arith.addi %add3A_1454, %add3A_1458 : vector<16xi32>
      %gather3A_1460 = tpu.vector_load_idx %arg5[%add3A_1459] : memref<32768xf32, #tpu.memory_space<vmem>>[vector<16xi32>], vector<16xf32>,
      %gt3A_1461 = arith.cmpf ogt, %gather3A_1460, %broadcast_in_dim3A_1 : vector<16xf32>
      %select_n3A_1462 = arith.select %gt3A_1461, %gather3A_1460, %broadcast_in_dim3A_1 : vector<16xi1>, vector<16xf32>
      %add3A_1463 = arith.constant 0 : i32
      %add3A_1464 = vector.broadcast %add3A_1463 : i32 to vector<16xi32>
      %add3A_1465 = arith.addi %mul3A_1450, %add3A_1464 : vector<16xi32>
      %select_n3A_1466 = arith.select %gt3A_1461, %add3A_1465, %broadcast_in_dim3A_1456 : vector<16xi1>, vector<16xi32>
      %add3A_1467 = arith.constant 512 : i32
      %add3A_1468 = vector.broadcast %add3A_1467 : i32 to vector<16xi32>
      %add3A_1469 = arith.addi %add3A_1454, %add3A_1468 : vector<16xi32>
      %gather3A_1470 = tpu.vector_load_idx %arg5[%add3A_1469] : memref<32768xf32, #tpu.memory_space<vmem>>[vector<16xi32>], vector<16xf32>,
      %gt3A_1471 = arith.cmpf ogt, %gather3A_1470, %select_n3A_1462 : vector<16xf32>
      %select_n3A_1472 = arith.select %gt3A_1471, %gather3A_1470, %select_n3A_1462 : vector<16xi1>, vector<16xf32>
      %add3A_1473 = arith.constant 1 : i32
      %add3A_1474 = vector.broadcast %add3A_1473 : i32 to vector<16xi32>
      %add3A_1475 = arith.addi %mul3A_1450, %add3A_1474 : vector<16xi32>
      %select_n3A_1476 = arith.select %gt3A_1471, %add3A_1475, %select_n3A_1466 : vector<16xi1>, vector<16xi32>
      %add3A_1477 = arith.constant 1024 : i32
      %add3A_1478 = vector.broadcast %add3A_1477 : i32 to vector<16xi32>
      %add3A_1479 = arith.addi %add3A_1454, %add3A_1478 : vector<16xi32>
      %gather3A_1480 = tpu.vector_load_idx %arg5[%add3A_1479] : memref<32768xf32, #tpu.memory_space<vmem>>[vector<16xi32>], vector<16xf32>,
      %gt3A_1481 = arith.cmpf ogt, %gather3A_1480, %select_n3A_1472 : vector<16xf32>
      %select_n3A_1482 = arith.select %gt3A_1481, %gather3A_1480, %select_n3A_1472 : vector<16xi1>, vector<16xf32>
      %add3A_1483 = arith.constant 2 : i32
      %add3A_1484 = vector.broadcast %add3A_1483 : i32 to vector<16xi32>
      %add3A_1485 = arith.addi %mul3A_1450, %add3A_1484 : vector<16xi32>
      %select_n3A_1486 = arith.select %gt3A_1481, %add3A_1485, %select_n3A_1476 : vector<16xi1>, vector<16xi32>
      %add3A_1487 = arith.constant 1536 : i32
      %add3A_1488 = vector.broadcast %add3A_1487 : i32 to vector<16xi32>
      %add3A_1489 = arith.addi %add3A_1454, %add3A_1488 : vector<16xi32>
      %gather3A_1490 = tpu.vector_load_idx %arg5[%add3A_1489] : memref<32768xf32, #tpu.memory_space<vmem>>[vector<16xi32>], vector<16xf32>,
      %gt3A_1491 = arith.cmpf ogt, %gather3A_1490, %select_n3A_1482 : vector<16xf32>
      %select_n3A_1492 = arith.select %gt3A_1491, %gather3A_1490, %select_n3A_1482 : vector<16xi1>, vector<16xf32>
      %add3A_1493 = arith.constant 3 : i32
      %add3A_1494 = vector.broadcast %add3A_1493 : i32 to vector<16xi32>
      %add3A_1495 = arith.addi %mul3A_1450, %add3A_1494 : vector<16xi32>
      %select_n3A_1496 = arith.select %gt3A_1491, %add3A_1495, %select_n3A_1486 : vector<16xi1>, vector<16xi32>
      %add3A_1497 = arith.constant 2048 : i32
      %add3A_1498 = vector.broadcast %add3A_1497 : i32 to vector<16xi32>
      %add3A_1499 = arith.addi %add3A_1454, %add3A_1498 : vector<16xi32>
      %gather3A_1500 = tpu.vector_load_idx %arg5[%add3A_1499] : memref<32768xf32, #tpu.memory_space<vmem>>[vector<16xi32>], vector<16xf32>,
      %gt3A_1501 = arith.cmpf ogt, %gather3A_1500, %select_n3A_1492 : vector<16xf32>
      %select_n3A_1502 = arith.select %gt3A_1501, %gather3A_1500, %select_n3A_1492 : vector<16xi1>, vector<16xf32>
      %add3A_1503 = arith.constant 4 : i32
      %add3A_1504 = vector.broadcast %add3A_1503 : i32 to vector<16xi32>
      %add3A_1505 = arith.addi %mul3A_1450, %add3A_1504 : vector<16xi32>
      %select_n3A_1506 = arith.select %gt3A_1501, %add3A_1505, %select_n3A_1496 : vector<16xi1>, vector<16xi32>
      %add3A_1507 = arith.constant 2560 : i32
      %add3A_1508 = vector.broadcast %add3A_1507 : i32 to vector<16xi32>
      %add3A_1509 = arith.addi %add3A_1454, %add3A_1508 : vector<16xi32>
      %gather3A_1510 = tpu.vector_load_idx %arg5[%add3A_1509] : memref<32768xf32, #tpu.memory_space<vmem>>[vector<16xi32>], vector<16xf32>,
      %gt3A_1511 = arith.cmpf ogt, %gather3A_1510, %select_n3A_1502 : vector<16xf32>
      %select_n3A_1512 = arith.select %gt3A_1511, %gather3A_1510, %select_n3A_1502 : vector<16xi1>, vector<16xf32>
      %add3A_1513 = arith.constant 5 : i32
      %add3A_1514 = vector.broadcast %add3A_1513 : i32 to vector<16xi32>
      %add3A_1515 = arith.addi %mul3A_1450, %add3A_1514 : vector<16xi32>
      %select_n3A_1516 = arith.select %gt3A_1511, %add3A_1515, %select_n3A_1506 : vector<16xi1>, vector<16xi32>
      %add3A_1517 = arith.constant 3072 : i32
      %add3A_1518 = vector.broadcast %add3A_1517 : i32 to vector<16xi32>
      %add3A_1519 = arith.addi %add3A_1454, %add3A_1518 : vector<16xi32>
      %gather3A_1520 = tpu.vector_load_idx %arg5[%add3A_1519] : memref<32768xf32, #tpu.memory_space<vmem>>[vector<16xi32>], vector<16xf32>,
      %gt3A_1521 = arith.cmpf ogt, %gather3A_1520, %select_n3A_1512 : vector<16xf32>
      %select_n3A_1522 = arith.select %gt3A_1521, %gather3A_1520, %select_n3A_1512 : vector<16xi1>, vector<16xf32>
      %add3A_1523 = arith.constant 6 : i32
      %add3A_1524 = vector.broadcast %add3A_1523 : i32 to vector<16xi32>
      %add3A_1525 = arith.addi %mul3A_1450, %add3A_1524 : vector<16xi32>
      %select_n3A_1526 = arith.select %gt3A_1521, %add3A_1525, %select_n3A_1516 : vector<16xi1>, vector<16xi32>
      %add3A_1527 = arith.constant 3584 : i32
      %add3A_1528 = vector.broadcast %add3A_1527 : i32 to vector<16xi32>
      %add3A_1529 = arith.addi %add3A_1454, %add3A_1528 : vector<16xi32>
      %gather3A_1530 = tpu.vector_load_idx %arg5[%add3A_1529] : memref<32768xf32, #tpu.memory_space<vmem>>[vector<16xi32>], vector<16xf32>,
      %gt3A_1531 = arith.cmpf ogt, %gather3A_1530, %select_n3A_1522 : vector<16xf32>
      %select_n3A_1532 = arith.select %gt3A_1531, %gather3A_1530, %select_n3A_1522 : vector<16xi1>, vector<16xf32>
      %add3A_1533 = arith.constant 7 : i32
      %add3A_1534 = vector.broadcast %add3A_1533 : i32 to vector<16xi32>
      %add3A_1535 = arith.addi %mul3A_1450, %add3A_1534 : vector<16xi32>
      %select_n3A_1536 = arith.select %gt3A_1531, %add3A_1535, %select_n3A_1526 : vector<16xi1>, vector<16xi32>
      %add3A_1537 = arith.constant 4096 : i32
      %add3A_1538 = vector.broadcast %add3A_1537 : i32 to vector<16xi32>
      %add3A_1539 = arith.addi %add3A_1454, %add3A_1538 : vector<16xi32>
      %gather3A_1540 = tpu.vector_load_idx %arg5[%add3A_1539] : memref<32768xf32, #tpu.memory_space<vmem>>[vector<16xi32>], vector<16xf32>,
      %gt3A_1541 = arith.cmpf ogt, %gather3A_1540, %select_n3A_1532 : vector<16xf32>
      %select_n3A_1542 = arith.select %gt3A_1541, %gather3A_1540, %select_n3A_1532 : vector<16xi1>, vector<16xf32>
      %add3A_1543 = arith.constant 8 : i32
      %add3A_1544 = vector.broadcast %add3A_1543 : i32 to vector<16xi32>
      %add3A_1545 = arith.addi %mul3A_1450, %add3A_1544 : vector<16xi32>
      %select_n3A_1546 = arith.select %gt3A_1541, %add3A_1545, %select_n3A_1536 : vector<16xi1>, vector<16xi32>
      %add3A_1547 = arith.constant 4608 : i32
      %add3A_1548 = vector.broadcast %add3A_1547 : i32 to vector<16xi32>
      %add3A_1549 = arith.addi %add3A_1454, %add3A_1548 : vector<16xi32>
      %gather3A_1550 = tpu.vector_load_idx %arg5[%add3A_1549] : memref<32768xf32, #tpu.memory_space<vmem>>[vector<16xi32>], vector<16xf32>,
      %gt3A_1551 = arith.cmpf ogt, %gather3A_1550, %select_n3A_1542 : vector<16xf32>
      %select_n3A_1552 = arith.select %gt3A_1551, %gather3A_1550, %select_n3A_1542 : vector<16xi1>, vector<16xf32>
      %add3A_1553 = arith.constant 9 : i32
      %add3A_1554 = vector.broadcast %add3A_1553 : i32 to vector<16xi32>
      %add3A_1555 = arith.addi %mul3A_1450, %add3A_1554 : vector<16xi32>
      %select_n3A_1556 = arith.select %gt3A_1551, %add3A_1555, %select_n3A_1546 : vector<16xi1>, vector<16xi32>
      %add3A_1557 = arith.constant 5120 : i32
      %add3A_1558 = vector.broadcast %add3A_1557 : i32 to vector<16xi32>
      %add3A_1559 = arith.addi %add3A_1454, %add3A_1558 : vector<16xi32>
      %gather3A_1560 = tpu.vector_load_idx %arg5[%add3A_1559] : memref<32768xf32, #tpu.memory_space<vmem>>[vector<16xi32>], vector<16xf32>,
      %gt3A_1561 = arith.cmpf ogt, %gather3A_1560, %select_n3A_1552 : vector<16xf32>
      %select_n3A_1562 = arith.select %gt3A_1561, %gather3A_1560, %select_n3A_1552 : vector<16xi1>, vector<16xf32>
      %add3A_1563 = arith.constant 10 : i32
      %add3A_1564 = vector.broadcast %add3A_1563 : i32 to vector<16xi32>
      %add3A_1565 = arith.addi %mul3A_1450, %add3A_1564 : vector<16xi32>
      %select_n3A_1566 = arith.select %gt3A_1561, %add3A_1565, %select_n3A_1556 : vector<16xi1>, vector<16xi32>
      %add3A_1567 = arith.constant 5632 : i32
      %add3A_1568 = vector.broadcast %add3A_1567 : i32 to vector<16xi32>
      %add3A_1569 = arith.addi %add3A_1454, %add3A_1568 : vector<16xi32>
      %gather3A_1570 = tpu.vector_load_idx %arg5[%add3A_1569] : memref<32768xf32, #tpu.memory_space<vmem>>[vector<16xi32>], vector<16xf32>,
      %gt3A_1571 = arith.cmpf ogt, %gather3A_1570, %select_n3A_1562 : vector<16xf32>
      %select_n3A_1572 = arith.select %gt3A_1571, %gather3A_1570, %select_n3A_1562 : vector<16xi1>, vector<16xf32>
      %add3A_1573 = arith.constant 11 : i32
      %add3A_1574 = vector.broadcast %add3A_1573 : i32 to vector<16xi32>
      %add3A_1575 = arith.addi %mul3A_1450, %add3A_1574 : vector<16xi32>
      %select_n3A_1576 = arith.select %gt3A_1571, %add3A_1575, %select_n3A_1566 : vector<16xi1>, vector<16xi32>
      %add3A_1577 = arith.constant 6144 : i32
      %add3A_1578 = vector.broadcast %add3A_1577 : i32 to vector<16xi32>
      %add3A_1579 = arith.addi %add3A_1454, %add3A_1578 : vector<16xi32>
      %gather3A_1580 = tpu.vector_load_idx %arg5[%add3A_1579] : memref<32768xf32, #tpu.memory_space<vmem>>[vector<16xi32>], vector<16xf32>,
      %gt3A_1581 = arith.cmpf ogt, %gather3A_1580, %select_n3A_1572 : vector<16xf32>
      %select_n3A_1582 = arith.select %gt3A_1581, %gather3A_1580, %select_n3A_1572 : vector<16xi1>, vector<16xf32>
      %add3A_1583 = arith.constant 12 : i32
      %add3A_1584 = vector.broadcast %add3A_1583 : i32 to vector<16xi32>
      %add3A_1585 = arith.addi %mul3A_1450, %add3A_1584 : vector<16xi32>
      %select_n3A_1586 = arith.select %gt3A_1581, %add3A_1585, %select_n3A_1576 : vector<16xi1>, vector<16xi32>
      %add3A_1587 = arith.constant 6656 : i32
      %add3A_1588 = vector.broadcast %add3A_1587 : i32 to vector<16xi32>
      %add3A_1589 = arith.addi %add3A_1454, %add3A_1588 : vector<16xi32>
      %gather3A_1590 = tpu.vector_load_idx %arg5[%add3A_1589] : memref<32768xf32, #tpu.memory_space<vmem>>[vector<16xi32>], vector<16xf32>,
      %gt3A_1591 = arith.cmpf ogt, %gather3A_1590, %select_n3A_1582 : vector<16xf32>
      %select_n3A_1592 = arith.select %gt3A_1591, %gather3A_1590, %select_n3A_1582 : vector<16xi1>, vector<16xf32>
      %add3A_1593 = arith.constant 13 : i32
      %add3A_1594 = vector.broadcast %add3A_1593 : i32 to vector<16xi32>
      %add3A_1595 = arith.addi %mul3A_1450, %add3A_1594 : vector<16xi32>
      %select_n3A_1596 = arith.select %gt3A_1591, %add3A_1595, %select_n3A_1586 : vector<16xi1>, vector<16xi32>
      %add3A_1597 = arith.constant 7168 : i32
      %add3A_1598 = vector.broadcast %add3A_1597 : i32 to vector<16xi32>
      %add3A_1599 = arith.addi %add3A_1454, %add3A_1598 : vector<16xi32>
      %gather3A_1600 = tpu.vector_load_idx %arg5[%add3A_1599] : memref<32768xf32, #tpu.memory_space<vmem>>[vector<16xi32>], vector<16xf32>,
      %gt3A_1601 = arith.cmpf ogt, %gather3A_1600, %select_n3A_1592 : vector<16xf32>
      %select_n3A_1602 = arith.select %gt3A_1601, %gather3A_1600, %select_n3A_1592 : vector<16xi1>, vector<16xf32>
      %add3A_1603 = arith.constant 14 : i32
      %add3A_1604 = vector.broadcast %add3A_1603 : i32 to vector<16xi32>
      %add3A_1605 = arith.addi %mul3A_1450, %add3A_1604 : vector<16xi32>
      %select_n3A_1606 = arith.select %gt3A_1601, %add3A_1605, %select_n3A_1596 : vector<16xi1>, vector<16xi32>
      %add3A_1607 = arith.constant 7680 : i32
      %add3A_1608 = vector.broadcast %add3A_1607 : i32 to vector<16xi32>
      %add3A_1609 = arith.addi %add3A_1454, %add3A_1608 : vector<16xi32>
      %gather3A_1610 = tpu.vector_load_idx %arg5[%add3A_1609] : memref<32768xf32, #tpu.memory_space<vmem>>[vector<16xi32>], vector<16xf32>,
      %gt3A_1611 = arith.cmpf ogt, %gather3A_1610, %select_n3A_1602 : vector<16xf32>
      %select_n3A_1612 = arith.select %gt3A_1611, %gather3A_1610, %select_n3A_1602 : vector<16xi1>, vector<16xf32>
      %add3A_1613 = arith.constant 15 : i32
      %add3A_1614 = vector.broadcast %add3A_1613 : i32 to vector<16xi32>
      %add3A_1615 = arith.addi %mul3A_1450, %add3A_1614 : vector<16xi32>
      %select_n3A_1616 = arith.select %gt3A_1611, %add3A_1615, %select_n3A_1606 : vector<16xi1>, vector<16xi32>
      %eq3A_1617 = arith.constant 0 : i32
      %eq3A_1618 = vector.broadcast %eq3A_1617 : i32 to vector<16xi32>
      %eq3A_1619 = arith.cmpi eq, %shift_right_logical3A_1447, %eq3A_1618 : vector<16xi32>
      %select_n3A_1620 = arith.select %eq3A_1619, %select_n3A_1612, %select_n3A_1415 : vector<16xi1>, vector<16xf32>
      %select_n3A_1621 = arith.select %eq3A_1619, %select_n3A_1616, %select_n3A_1416 : vector<16xi1>, vector<16xi32>
      %eq3A_1622 = arith.constant 1 : i32
      %eq3A_1623 = vector.broadcast %eq3A_1622 : i32 to vector<16xi32>
      %eq3A_1624 = arith.cmpi eq, %shift_right_logical3A_1447, %eq3A_1623 : vector<16xi32>
      %select_n3A_1625 = arith.select %eq3A_1624, %select_n3A_1612, %select_n3A_1420 : vector<16xi1>, vector<16xf32>
      %select_n3A_1626 = arith.select %eq3A_1624, %select_n3A_1616, %select_n3A_1421 : vector<16xi1>, vector<16xi32>
      %eq3A_1627 = arith.constant 2 : i32
      %eq3A_1628 = vector.broadcast %eq3A_1627 : i32 to vector<16xi32>
      %eq3A_1629 = arith.cmpi eq, %shift_right_logical3A_1447, %eq3A_1628 : vector<16xi32>
      %select_n3A_1630 = arith.select %eq3A_1629, %select_n3A_1612, %select_n3A_1425 : vector<16xi1>, vector<16xf32>
      %select_n3A_1631 = arith.select %eq3A_1629, %select_n3A_1616, %select_n3A_1426 : vector<16xi1>, vector<16xi32>
      %eq3A_1632 = arith.constant 3 : i32
      %eq3A_1633 = vector.broadcast %eq3A_1632 : i32 to vector<16xi32>
      %eq3A_1634 = arith.cmpi eq, %shift_right_logical3A_1447, %eq3A_1633 : vector<16xi32>
      %select_n3A_1635 = arith.select %eq3A_1634, %select_n3A_1612, %select_n3A_1430 : vector<16xi1>, vector<16xf32>
      %select_n3A_1636 = arith.select %eq3A_1634, %select_n3A_1616, %select_n3A_1431 : vector<16xi1>, vector<16xi32>
      %gt3A_1637 = arith.cmpf ogt, %select_n3A_1625, %select_n3A_1620 : vector<16xf32>
      %select_n3A_1638 = arith.select %gt3A_1637, %select_n3A_1625, %select_n3A_1620 : vector<16xi1>, vector<16xf32>
      %select_n3A_1639 = arith.select %gt3A_1637, %select_n3A_1626, %select_n3A_1621 : vector<16xi1>, vector<16xi32>
      %gt3A_1640 = arith.cmpf ogt, %select_n3A_1635, %select_n3A_1630 : vector<16xf32>
      %select_n3A_1641 = arith.select %gt3A_1640, %select_n3A_1635, %select_n3A_1630 : vector<16xi1>, vector<16xf32>
      %select_n3A_1642 = arith.select %gt3A_1640, %select_n3A_1636, %select_n3A_1631 : vector<16xi1>, vector<16xi32>
      %gt3A_1643 = arith.cmpf ogt, %select_n3A_1641, %select_n3A_1638 : vector<16xf32>
      %select_n3A_1644 = arith.select %gt3A_1643, %select_n3A_1641, %select_n3A_1638 : vector<16xi1>, vector<16xf32>
      %select_n3A_1645 = arith.select %gt3A_1643, %select_n3A_1642, %select_n3A_1639 : vector<16xi1>, vector<16xi32>
      %mul3A_1646 = arith.constant 512 : i32
      %mul3A_1647 = vector.broadcast %mul3A_1646 : i32 to vector<16xi32>
      %mul3A_1648 = arith.muli %select_n3A_1645, %mul3A_1647 : vector<16xi32>
      %add3A_1649 = arith.addi %mul3A_1648, %add3A_34 : vector<16xi32>
      tpu.vector_store_idx %arg5[%add3A_1649], %broadcast_in_dim3A_1 : memref<32768xf32, #tpu.memory_space<vmem>>[vector<16xi32>], vector<16xf32>,
      %shift_right_logical3A_1650 = arith.constant 4 : i32
      %shift_right_logical3A_1651 = vector.broadcast %shift_right_logical3A_1650 : i32 to vector<16xi32>
      %shift_right_logical3A_1652 = arith.shrui %select_n3A_1645, %shift_right_logical3A_1651 : vector<16xi32>
      %mul3A_1653 = arith.constant 16 : i32
      %mul3A_1654 = vector.broadcast %mul3A_1653 : i32 to vector<16xi32>
      %mul3A_1655 = arith.muli %shift_right_logical3A_1652, %mul3A_1654 : vector<16xi32>
      %mul3A_1656 = arith.constant 512 : i32
      %mul3A_1657 = vector.broadcast %mul3A_1656 : i32 to vector<16xi32>
      %mul3A_1658 = arith.muli %mul3A_1655, %mul3A_1657 : vector<16xi32>
      %add3A_1659 = arith.addi %mul3A_1658, %add3A_34 : vector<16xi32>
      %broadcast_in_dim3A_1660 = arith.constant 0 : i32
      %broadcast_in_dim3A_1661 = vector.broadcast %broadcast_in_dim3A_1660 : i32 to vector<16xi32>
      %add3A_1662 = arith.constant 0 : i32
      %add3A_1663 = vector.broadcast %add3A_1662 : i32 to vector<16xi32>
      %add3A_1664 = arith.addi %add3A_1659, %add3A_1663 : vector<16xi32>
      %gather3A_1665 = tpu.vector_load_idx %arg5[%add3A_1664] : memref<32768xf32, #tpu.memory_space<vmem>>[vector<16xi32>], vector<16xf32>,
      %gt3A_1666 = arith.cmpf ogt, %gather3A_1665, %broadcast_in_dim3A_1 : vector<16xf32>
      %select_n3A_1667 = arith.select %gt3A_1666, %gather3A_1665, %broadcast_in_dim3A_1 : vector<16xi1>, vector<16xf32>
      %add3A_1668 = arith.constant 0 : i32
      %add3A_1669 = vector.broadcast %add3A_1668 : i32 to vector<16xi32>
      %add3A_1670 = arith.addi %mul3A_1655, %add3A_1669 : vector<16xi32>
      %select_n3A_1671 = arith.select %gt3A_1666, %add3A_1670, %broadcast_in_dim3A_1661 : vector<16xi1>, vector<16xi32>
      %add3A_1672 = arith.constant 512 : i32
      %add3A_1673 = vector.broadcast %add3A_1672 : i32 to vector<16xi32>
      %add3A_1674 = arith.addi %add3A_1659, %add3A_1673 : vector<16xi32>
      %gather3A_1675 = tpu.vector_load_idx %arg5[%add3A_1674] : memref<32768xf32, #tpu.memory_space<vmem>>[vector<16xi32>], vector<16xf32>,
      %gt3A_1676 = arith.cmpf ogt, %gather3A_1675, %select_n3A_1667 : vector<16xf32>
      %select_n3A_1677 = arith.select %gt3A_1676, %gather3A_1675, %select_n3A_1667 : vector<16xi1>, vector<16xf32>
      %add3A_1678 = arith.constant 1 : i32
      %add3A_1679 = vector.broadcast %add3A_1678 : i32 to vector<16xi32>
      %add3A_1680 = arith.addi %mul3A_1655, %add3A_1679 : vector<16xi32>
      %select_n3A_1681 = arith.select %gt3A_1676, %add3A_1680, %select_n3A_1671 : vector<16xi1>, vector<16xi32>
      %add3A_1682 = arith.constant 1024 : i32
      %add3A_1683 = vector.broadcast %add3A_1682 : i32 to vector<16xi32>
      %add3A_1684 = arith.addi %add3A_1659, %add3A_1683 : vector<16xi32>
      %gather3A_1685 = tpu.vector_load_idx %arg5[%add3A_1684] : memref<32768xf32, #tpu.memory_space<vmem>>[vector<16xi32>], vector<16xf32>,
      %gt3A_1686 = arith.cmpf ogt, %gather3A_1685, %select_n3A_1677 : vector<16xf32>
      %select_n3A_1687 = arith.select %gt3A_1686, %gather3A_1685, %select_n3A_1677 : vector<16xi1>, vector<16xf32>
      %add3A_1688 = arith.constant 2 : i32
      %add3A_1689 = vector.broadcast %add3A_1688 : i32 to vector<16xi32>
      %add3A_1690 = arith.addi %mul3A_1655, %add3A_1689 : vector<16xi32>
      %select_n3A_1691 = arith.select %gt3A_1686, %add3A_1690, %select_n3A_1681 : vector<16xi1>, vector<16xi32>
      %add3A_1692 = arith.constant 1536 : i32
      %add3A_1693 = vector.broadcast %add3A_1692 : i32 to vector<16xi32>
      %add3A_1694 = arith.addi %add3A_1659, %add3A_1693 : vector<16xi32>
      %gather3A_1695 = tpu.vector_load_idx %arg5[%add3A_1694] : memref<32768xf32, #tpu.memory_space<vmem>>[vector<16xi32>], vector<16xf32>,
      %gt3A_1696 = arith.cmpf ogt, %gather3A_1695, %select_n3A_1687 : vector<16xf32>
      %select_n3A_1697 = arith.select %gt3A_1696, %gather3A_1695, %select_n3A_1687 : vector<16xi1>, vector<16xf32>
      %add3A_1698 = arith.constant 3 : i32
      %add3A_1699 = vector.broadcast %add3A_1698 : i32 to vector<16xi32>
      %add3A_1700 = arith.addi %mul3A_1655, %add3A_1699 : vector<16xi32>
      %select_n3A_1701 = arith.select %gt3A_1696, %add3A_1700, %select_n3A_1691 : vector<16xi1>, vector<16xi32>
      %add3A_1702 = arith.constant 2048 : i32
      %add3A_1703 = vector.broadcast %add3A_1702 : i32 to vector<16xi32>
      %add3A_1704 = arith.addi %add3A_1659, %add3A_1703 : vector<16xi32>
      %gather3A_1705 = tpu.vector_load_idx %arg5[%add3A_1704] : memref<32768xf32, #tpu.memory_space<vmem>>[vector<16xi32>], vector<16xf32>,
      %gt3A_1706 = arith.cmpf ogt, %gather3A_1705, %select_n3A_1697 : vector<16xf32>
      %select_n3A_1707 = arith.select %gt3A_1706, %gather3A_1705, %select_n3A_1697 : vector<16xi1>, vector<16xf32>
      %add3A_1708 = arith.constant 4 : i32
      %add3A_1709 = vector.broadcast %add3A_1708 : i32 to vector<16xi32>
      %add3A_1710 = arith.addi %mul3A_1655, %add3A_1709 : vector<16xi32>
      %select_n3A_1711 = arith.select %gt3A_1706, %add3A_1710, %select_n3A_1701 : vector<16xi1>, vector<16xi32>
      %add3A_1712 = arith.constant 2560 : i32
      %add3A_1713 = vector.broadcast %add3A_1712 : i32 to vector<16xi32>
      %add3A_1714 = arith.addi %add3A_1659, %add3A_1713 : vector<16xi32>
      %gather3A_1715 = tpu.vector_load_idx %arg5[%add3A_1714] : memref<32768xf32, #tpu.memory_space<vmem>>[vector<16xi32>], vector<16xf32>,
      %gt3A_1716 = arith.cmpf ogt, %gather3A_1715, %select_n3A_1707 : vector<16xf32>
      %select_n3A_1717 = arith.select %gt3A_1716, %gather3A_1715, %select_n3A_1707 : vector<16xi1>, vector<16xf32>
      %add3A_1718 = arith.constant 5 : i32
      %add3A_1719 = vector.broadcast %add3A_1718 : i32 to vector<16xi32>
      %add3A_1720 = arith.addi %mul3A_1655, %add3A_1719 : vector<16xi32>
      %select_n3A_1721 = arith.select %gt3A_1716, %add3A_1720, %select_n3A_1711 : vector<16xi1>, vector<16xi32>
      %add3A_1722 = arith.constant 3072 : i32
      %add3A_1723 = vector.broadcast %add3A_1722 : i32 to vector<16xi32>
      %add3A_1724 = arith.addi %add3A_1659, %add3A_1723 : vector<16xi32>
      %gather3A_1725 = tpu.vector_load_idx %arg5[%add3A_1724] : memref<32768xf32, #tpu.memory_space<vmem>>[vector<16xi32>], vector<16xf32>,
      %gt3A_1726 = arith.cmpf ogt, %gather3A_1725, %select_n3A_1717 : vector<16xf32>
      %select_n3A_1727 = arith.select %gt3A_1726, %gather3A_1725, %select_n3A_1717 : vector<16xi1>, vector<16xf32>
      %add3A_1728 = arith.constant 6 : i32
      %add3A_1729 = vector.broadcast %add3A_1728 : i32 to vector<16xi32>
      %add3A_1730 = arith.addi %mul3A_1655, %add3A_1729 : vector<16xi32>
      %select_n3A_1731 = arith.select %gt3A_1726, %add3A_1730, %select_n3A_1721 : vector<16xi1>, vector<16xi32>
      %add3A_1732 = arith.constant 3584 : i32
      %add3A_1733 = vector.broadcast %add3A_1732 : i32 to vector<16xi32>
      %add3A_1734 = arith.addi %add3A_1659, %add3A_1733 : vector<16xi32>
      %gather3A_1735 = tpu.vector_load_idx %arg5[%add3A_1734] : memref<32768xf32, #tpu.memory_space<vmem>>[vector<16xi32>], vector<16xf32>,
      %gt3A_1736 = arith.cmpf ogt, %gather3A_1735, %select_n3A_1727 : vector<16xf32>
      %select_n3A_1737 = arith.select %gt3A_1736, %gather3A_1735, %select_n3A_1727 : vector<16xi1>, vector<16xf32>
      %add3A_1738 = arith.constant 7 : i32
      %add3A_1739 = vector.broadcast %add3A_1738 : i32 to vector<16xi32>
      %add3A_1740 = arith.addi %mul3A_1655, %add3A_1739 : vector<16xi32>
      %select_n3A_1741 = arith.select %gt3A_1736, %add3A_1740, %select_n3A_1731 : vector<16xi1>, vector<16xi32>
      %add3A_1742 = arith.constant 4096 : i32
      %add3A_1743 = vector.broadcast %add3A_1742 : i32 to vector<16xi32>
      %add3A_1744 = arith.addi %add3A_1659, %add3A_1743 : vector<16xi32>
      %gather3A_1745 = tpu.vector_load_idx %arg5[%add3A_1744] : memref<32768xf32, #tpu.memory_space<vmem>>[vector<16xi32>], vector<16xf32>,
      %gt3A_1746 = arith.cmpf ogt, %gather3A_1745, %select_n3A_1737 : vector<16xf32>
      %select_n3A_1747 = arith.select %gt3A_1746, %gather3A_1745, %select_n3A_1737 : vector<16xi1>, vector<16xf32>
      %add3A_1748 = arith.constant 8 : i32
      %add3A_1749 = vector.broadcast %add3A_1748 : i32 to vector<16xi32>
      %add3A_1750 = arith.addi %mul3A_1655, %add3A_1749 : vector<16xi32>
      %select_n3A_1751 = arith.select %gt3A_1746, %add3A_1750, %select_n3A_1741 : vector<16xi1>, vector<16xi32>
      %add3A_1752 = arith.constant 4608 : i32
      %add3A_1753 = vector.broadcast %add3A_1752 : i32 to vector<16xi32>
      %add3A_1754 = arith.addi %add3A_1659, %add3A_1753 : vector<16xi32>
      %gather3A_1755 = tpu.vector_load_idx %arg5[%add3A_1754] : memref<32768xf32, #tpu.memory_space<vmem>>[vector<16xi32>], vector<16xf32>,
      %gt3A_1756 = arith.cmpf ogt, %gather3A_1755, %select_n3A_1747 : vector<16xf32>
      %select_n3A_1757 = arith.select %gt3A_1756, %gather3A_1755, %select_n3A_1747 : vector<16xi1>, vector<16xf32>
      %add3A_1758 = arith.constant 9 : i32
      %add3A_1759 = vector.broadcast %add3A_1758 : i32 to vector<16xi32>
      %add3A_1760 = arith.addi %mul3A_1655, %add3A_1759 : vector<16xi32>
      %select_n3A_1761 = arith.select %gt3A_1756, %add3A_1760, %select_n3A_1751 : vector<16xi1>, vector<16xi32>
      %add3A_1762 = arith.constant 5120 : i32
      %add3A_1763 = vector.broadcast %add3A_1762 : i32 to vector<16xi32>
      %add3A_1764 = arith.addi %add3A_1659, %add3A_1763 : vector<16xi32>
      %gather3A_1765 = tpu.vector_load_idx %arg5[%add3A_1764] : memref<32768xf32, #tpu.memory_space<vmem>>[vector<16xi32>], vector<16xf32>,
      %gt3A_1766 = arith.cmpf ogt, %gather3A_1765, %select_n3A_1757 : vector<16xf32>
      %select_n3A_1767 = arith.select %gt3A_1766, %gather3A_1765, %select_n3A_1757 : vector<16xi1>, vector<16xf32>
      %add3A_1768 = arith.constant 10 : i32
      %add3A_1769 = vector.broadcast %add3A_1768 : i32 to vector<16xi32>
      %add3A_1770 = arith.addi %mul3A_1655, %add3A_1769 : vector<16xi32>
      %select_n3A_1771 = arith.select %gt3A_1766, %add3A_1770, %select_n3A_1761 : vector<16xi1>, vector<16xi32>
      %add3A_1772 = arith.constant 5632 : i32
      %add3A_1773 = vector.broadcast %add3A_1772 : i32 to vector<16xi32>
      %add3A_1774 = arith.addi %add3A_1659, %add3A_1773 : vector<16xi32>
      %gather3A_1775 = tpu.vector_load_idx %arg5[%add3A_1774] : memref<32768xf32, #tpu.memory_space<vmem>>[vector<16xi32>], vector<16xf32>,
      %gt3A_1776 = arith.cmpf ogt, %gather3A_1775, %select_n3A_1767 : vector<16xf32>
      %select_n3A_1777 = arith.select %gt3A_1776, %gather3A_1775, %select_n3A_1767 : vector<16xi1>, vector<16xf32>
      %add3A_1778 = arith.constant 11 : i32
      %add3A_1779 = vector.broadcast %add3A_1778 : i32 to vector<16xi32>
      %add3A_1780 = arith.addi %mul3A_1655, %add3A_1779 : vector<16xi32>
      %select_n3A_1781 = arith.select %gt3A_1776, %add3A_1780, %select_n3A_1771 : vector<16xi1>, vector<16xi32>
      %add3A_1782 = arith.constant 6144 : i32
      %add3A_1783 = vector.broadcast %add3A_1782 : i32 to vector<16xi32>
      %add3A_1784 = arith.addi %add3A_1659, %add3A_1783 : vector<16xi32>
      %gather3A_1785 = tpu.vector_load_idx %arg5[%add3A_1784] : memref<32768xf32, #tpu.memory_space<vmem>>[vector<16xi32>], vector<16xf32>,
      %gt3A_1786 = arith.cmpf ogt, %gather3A_1785, %select_n3A_1777 : vector<16xf32>
      %select_n3A_1787 = arith.select %gt3A_1786, %gather3A_1785, %select_n3A_1777 : vector<16xi1>, vector<16xf32>
      %add3A_1788 = arith.constant 12 : i32
      %add3A_1789 = vector.broadcast %add3A_1788 : i32 to vector<16xi32>
      %add3A_1790 = arith.addi %mul3A_1655, %add3A_1789 : vector<16xi32>
      %select_n3A_1791 = arith.select %gt3A_1786, %add3A_1790, %select_n3A_1781 : vector<16xi1>, vector<16xi32>
      %add3A_1792 = arith.constant 6656 : i32
      %add3A_1793 = vector.broadcast %add3A_1792 : i32 to vector<16xi32>
      %add3A_1794 = arith.addi %add3A_1659, %add3A_1793 : vector<16xi32>
      %gather3A_1795 = tpu.vector_load_idx %arg5[%add3A_1794] : memref<32768xf32, #tpu.memory_space<vmem>>[vector<16xi32>], vector<16xf32>,
      %gt3A_1796 = arith.cmpf ogt, %gather3A_1795, %select_n3A_1787 : vector<16xf32>
      %select_n3A_1797 = arith.select %gt3A_1796, %gather3A_1795, %select_n3A_1787 : vector<16xi1>, vector<16xf32>
      %add3A_1798 = arith.constant 13 : i32
      %add3A_1799 = vector.broadcast %add3A_1798 : i32 to vector<16xi32>
      %add3A_1800 = arith.addi %mul3A_1655, %add3A_1799 : vector<16xi32>
      %select_n3A_1801 = arith.select %gt3A_1796, %add3A_1800, %select_n3A_1791 : vector<16xi1>, vector<16xi32>
      %add3A_1802 = arith.constant 7168 : i32
      %add3A_1803 = vector.broadcast %add3A_1802 : i32 to vector<16xi32>
      %add3A_1804 = arith.addi %add3A_1659, %add3A_1803 : vector<16xi32>
      %gather3A_1805 = tpu.vector_load_idx %arg5[%add3A_1804] : memref<32768xf32, #tpu.memory_space<vmem>>[vector<16xi32>], vector<16xf32>,
      %gt3A_1806 = arith.cmpf ogt, %gather3A_1805, %select_n3A_1797 : vector<16xf32>
      %select_n3A_1807 = arith.select %gt3A_1806, %gather3A_1805, %select_n3A_1797 : vector<16xi1>, vector<16xf32>
      %add3A_1808 = arith.constant 14 : i32
      %add3A_1809 = vector.broadcast %add3A_1808 : i32 to vector<16xi32>
      %add3A_1810 = arith.addi %mul3A_1655, %add3A_1809 : vector<16xi32>
      %select_n3A_1811 = arith.select %gt3A_1806, %add3A_1810, %select_n3A_1801 : vector<16xi1>, vector<16xi32>
      %add3A_1812 = arith.constant 7680 : i32
      %add3A_1813 = vector.broadcast %add3A_1812 : i32 to vector<16xi32>
      %add3A_1814 = arith.addi %add3A_1659, %add3A_1813 : vector<16xi32>
      %gather3A_1815 = tpu.vector_load_idx %arg5[%add3A_1814] : memref<32768xf32, #tpu.memory_space<vmem>>[vector<16xi32>], vector<16xf32>,
      %gt3A_1816 = arith.cmpf ogt, %gather3A_1815, %select_n3A_1807 : vector<16xf32>
      %select_n3A_1817 = arith.select %gt3A_1816, %gather3A_1815, %select_n3A_1807 : vector<16xi1>, vector<16xf32>
      %add3A_1818 = arith.constant 15 : i32
      %add3A_1819 = vector.broadcast %add3A_1818 : i32 to vector<16xi32>
      %add3A_1820 = arith.addi %mul3A_1655, %add3A_1819 : vector<16xi32>
      %select_n3A_1821 = arith.select %gt3A_1816, %add3A_1820, %select_n3A_1811 : vector<16xi1>, vector<16xi32>
      %eq3A_1822 = arith.constant 0 : i32
      %eq3A_1823 = vector.broadcast %eq3A_1822 : i32 to vector<16xi32>
      %eq3A_1824 = arith.cmpi eq, %shift_right_logical3A_1652, %eq3A_1823 : vector<16xi32>
      %select_n3A_1825 = arith.select %eq3A_1824, %select_n3A_1817, %select_n3A_1620 : vector<16xi1>, vector<16xf32>
      %select_n3A_1826 = arith.select %eq3A_1824, %select_n3A_1821, %select_n3A_1621 : vector<16xi1>, vector<16xi32>
      %eq3A_1827 = arith.constant 1 : i32
      %eq3A_1828 = vector.broadcast %eq3A_1827 : i32 to vector<16xi32>
      %eq3A_1829 = arith.cmpi eq, %shift_right_logical3A_1652, %eq3A_1828 : vector<16xi32>
      %select_n3A_1830 = arith.select %eq3A_1829, %select_n3A_1817, %select_n3A_1625 : vector<16xi1>, vector<16xf32>
      %select_n3A_1831 = arith.select %eq3A_1829, %select_n3A_1821, %select_n3A_1626 : vector<16xi1>, vector<16xi32>
      %eq3A_1832 = arith.constant 2 : i32
      %eq3A_1833 = vector.broadcast %eq3A_1832 : i32 to vector<16xi32>
      %eq3A_1834 = arith.cmpi eq, %shift_right_logical3A_1652, %eq3A_1833 : vector<16xi32>
      %select_n3A_1835 = arith.select %eq3A_1834, %select_n3A_1817, %select_n3A_1630 : vector<16xi1>, vector<16xf32>
      %select_n3A_1836 = arith.select %eq3A_1834, %select_n3A_1821, %select_n3A_1631 : vector<16xi1>, vector<16xi32>
      %eq3A_1837 = arith.constant 3 : i32
      %eq3A_1838 = vector.broadcast %eq3A_1837 : i32 to vector<16xi32>
      %eq3A_1839 = arith.cmpi eq, %shift_right_logical3A_1652, %eq3A_1838 : vector<16xi32>
      %select_n3A_1840 = arith.select %eq3A_1839, %select_n3A_1817, %select_n3A_1635 : vector<16xi1>, vector<16xf32>
      %select_n3A_1841 = arith.select %eq3A_1839, %select_n3A_1821, %select_n3A_1636 : vector<16xi1>, vector<16xi32>
      %gt3A_1842 = arith.cmpf ogt, %select_n3A_1830, %select_n3A_1825 : vector<16xf32>
      %select_n3A_1843 = arith.select %gt3A_1842, %select_n3A_1830, %select_n3A_1825 : vector<16xi1>, vector<16xf32>
      %select_n3A_1844 = arith.select %gt3A_1842, %select_n3A_1831, %select_n3A_1826 : vector<16xi1>, vector<16xi32>
      %gt3A_1845 = arith.cmpf ogt, %select_n3A_1840, %select_n3A_1835 : vector<16xf32>
      %select_n3A_1846 = arith.select %gt3A_1845, %select_n3A_1840, %select_n3A_1835 : vector<16xi1>, vector<16xf32>
      %select_n3A_1847 = arith.select %gt3A_1845, %select_n3A_1841, %select_n3A_1836 : vector<16xi1>, vector<16xi32>
      %gt3A_1848 = arith.cmpf ogt, %select_n3A_1846, %select_n3A_1843 : vector<16xf32>
      %select_n3A_1849 = arith.select %gt3A_1848, %select_n3A_1846, %select_n3A_1843 : vector<16xi1>, vector<16xf32>
      %select_n3A_1850 = arith.select %gt3A_1848, %select_n3A_1847, %select_n3A_1844 : vector<16xi1>, vector<16xi32>
      %mul3A_1851 = arith.constant 512 : i32
      %mul3A_1852 = vector.broadcast %mul3A_1851 : i32 to vector<16xi32>
      %mul3A_1853 = arith.muli %select_n3A_1850, %mul3A_1852 : vector<16xi32>
      %add3A_1854 = arith.addi %mul3A_1853, %add3A_34 : vector<16xi32>
      tpu.vector_store_idx %arg5[%add3A_1854], %broadcast_in_dim3A_1 : memref<32768xf32, #tpu.memory_space<vmem>>[vector<16xi32>], vector<16xf32>,
      %shift_right_logical3A_1855 = arith.constant 4 : i32
      %shift_right_logical3A_1856 = vector.broadcast %shift_right_logical3A_1855 : i32 to vector<16xi32>
      %shift_right_logical3A_1857 = arith.shrui %select_n3A_1850, %shift_right_logical3A_1856 : vector<16xi32>
      %mul3A_1858 = arith.constant 16 : i32
      %mul3A_1859 = vector.broadcast %mul3A_1858 : i32 to vector<16xi32>
      %mul3A_1860 = arith.muli %shift_right_logical3A_1857, %mul3A_1859 : vector<16xi32>
      %mul3A_1861 = arith.constant 512 : i32
      %mul3A_1862 = vector.broadcast %mul3A_1861 : i32 to vector<16xi32>
      %mul3A_1863 = arith.muli %mul3A_1860, %mul3A_1862 : vector<16xi32>
      %add3A_1864 = arith.addi %mul3A_1863, %add3A_34 : vector<16xi32>
      %broadcast_in_dim3A_1865 = arith.constant 0 : i32
      %broadcast_in_dim3A_1866 = vector.broadcast %broadcast_in_dim3A_1865 : i32 to vector<16xi32>
      %add3A_1867 = arith.constant 0 : i32
      %add3A_1868 = vector.broadcast %add3A_1867 : i32 to vector<16xi32>
      %add3A_1869 = arith.addi %add3A_1864, %add3A_1868 : vector<16xi32>
      %gather3A_1870 = tpu.vector_load_idx %arg5[%add3A_1869] : memref<32768xf32, #tpu.memory_space<vmem>>[vector<16xi32>], vector<16xf32>,
      %gt3A_1871 = arith.cmpf ogt, %gather3A_1870, %broadcast_in_dim3A_1 : vector<16xf32>
      %select_n3A_1872 = arith.select %gt3A_1871, %gather3A_1870, %broadcast_in_dim3A_1 : vector<16xi1>, vector<16xf32>
      %add3A_1873 = arith.constant 0 : i32
      %add3A_1874 = vector.broadcast %add3A_1873 : i32 to vector<16xi32>
      %add3A_1875 = arith.addi %mul3A_1860, %add3A_1874 : vector<16xi32>
      %select_n3A_1876 = arith.select %gt3A_1871, %add3A_1875, %broadcast_in_dim3A_1866 : vector<16xi1>, vector<16xi32>
      %add3A_1877 = arith.constant 512 : i32
      %add3A_1878 = vector.broadcast %add3A_1877 : i32 to vector<16xi32>
      %add3A_1879 = arith.addi %add3A_1864, %add3A_1878 : vector<16xi32>
      %gather3A_1880 = tpu.vector_load_idx %arg5[%add3A_1879] : memref<32768xf32, #tpu.memory_space<vmem>>[vector<16xi32>], vector<16xf32>,
      %gt3A_1881 = arith.cmpf ogt, %gather3A_1880, %select_n3A_1872 : vector<16xf32>
      %select_n3A_1882 = arith.select %gt3A_1881, %gather3A_1880, %select_n3A_1872 : vector<16xi1>, vector<16xf32>
      %add3A_1883 = arith.constant 1 : i32
      %add3A_1884 = vector.broadcast %add3A_1883 : i32 to vector<16xi32>
      %add3A_1885 = arith.addi %mul3A_1860, %add3A_1884 : vector<16xi32>
      %select_n3A_1886 = arith.select %gt3A_1881, %add3A_1885, %select_n3A_1876 : vector<16xi1>, vector<16xi32>
      %add3A_1887 = arith.constant 1024 : i32
      %add3A_1888 = vector.broadcast %add3A_1887 : i32 to vector<16xi32>
      %add3A_1889 = arith.addi %add3A_1864, %add3A_1888 : vector<16xi32>
      %gather3A_1890 = tpu.vector_load_idx %arg5[%add3A_1889] : memref<32768xf32, #tpu.memory_space<vmem>>[vector<16xi32>], vector<16xf32>,
      %gt3A_1891 = arith.cmpf ogt, %gather3A_1890, %select_n3A_1882 : vector<16xf32>
      %select_n3A_1892 = arith.select %gt3A_1891, %gather3A_1890, %select_n3A_1882 : vector<16xi1>, vector<16xf32>
      %add3A_1893 = arith.constant 2 : i32
      %add3A_1894 = vector.broadcast %add3A_1893 : i32 to vector<16xi32>
      %add3A_1895 = arith.addi %mul3A_1860, %add3A_1894 : vector<16xi32>
      %select_n3A_1896 = arith.select %gt3A_1891, %add3A_1895, %select_n3A_1886 : vector<16xi1>, vector<16xi32>
      %add3A_1897 = arith.constant 1536 : i32
      %add3A_1898 = vector.broadcast %add3A_1897 : i32 to vector<16xi32>
      %add3A_1899 = arith.addi %add3A_1864, %add3A_1898 : vector<16xi32>
      %gather3A_1900 = tpu.vector_load_idx %arg5[%add3A_1899] : memref<32768xf32, #tpu.memory_space<vmem>>[vector<16xi32>], vector<16xf32>,
      %gt3A_1901 = arith.cmpf ogt, %gather3A_1900, %select_n3A_1892 : vector<16xf32>
      %select_n3A_1902 = arith.select %gt3A_1901, %gather3A_1900, %select_n3A_1892 : vector<16xi1>, vector<16xf32>
      %add3A_1903 = arith.constant 3 : i32
      %add3A_1904 = vector.broadcast %add3A_1903 : i32 to vector<16xi32>
      %add3A_1905 = arith.addi %mul3A_1860, %add3A_1904 : vector<16xi32>
      %select_n3A_1906 = arith.select %gt3A_1901, %add3A_1905, %select_n3A_1896 : vector<16xi1>, vector<16xi32>
      %add3A_1907 = arith.constant 2048 : i32
      %add3A_1908 = vector.broadcast %add3A_1907 : i32 to vector<16xi32>
      %add3A_1909 = arith.addi %add3A_1864, %add3A_1908 : vector<16xi32>
      %gather3A_1910 = tpu.vector_load_idx %arg5[%add3A_1909] : memref<32768xf32, #tpu.memory_space<vmem>>[vector<16xi32>], vector<16xf32>,
      %gt3A_1911 = arith.cmpf ogt, %gather3A_1910, %select_n3A_1902 : vector<16xf32>
      %select_n3A_1912 = arith.select %gt3A_1911, %gather3A_1910, %select_n3A_1902 : vector<16xi1>, vector<16xf32>
      %add3A_1913 = arith.constant 4 : i32
      %add3A_1914 = vector.broadcast %add3A_1913 : i32 to vector<16xi32>
      %add3A_1915 = arith.addi %mul3A_1860, %add3A_1914 : vector<16xi32>
      %select_n3A_1916 = arith.select %gt3A_1911, %add3A_1915, %select_n3A_1906 : vector<16xi1>, vector<16xi32>
      %add3A_1917 = arith.constant 2560 : i32
      %add3A_1918 = vector.broadcast %add3A_1917 : i32 to vector<16xi32>
      %add3A_1919 = arith.addi %add3A_1864, %add3A_1918 : vector<16xi32>
      %gather3A_1920 = tpu.vector_load_idx %arg5[%add3A_1919] : memref<32768xf32, #tpu.memory_space<vmem>>[vector<16xi32>], vector<16xf32>,
      %gt3A_1921 = arith.cmpf ogt, %gather3A_1920, %select_n3A_1912 : vector<16xf32>
      %select_n3A_1922 = arith.select %gt3A_1921, %gather3A_1920, %select_n3A_1912 : vector<16xi1>, vector<16xf32>
      %add3A_1923 = arith.constant 5 : i32
      %add3A_1924 = vector.broadcast %add3A_1923 : i32 to vector<16xi32>
      %add3A_1925 = arith.addi %mul3A_1860, %add3A_1924 : vector<16xi32>
      %select_n3A_1926 = arith.select %gt3A_1921, %add3A_1925, %select_n3A_1916 : vector<16xi1>, vector<16xi32>
      %add3A_1927 = arith.constant 3072 : i32
      %add3A_1928 = vector.broadcast %add3A_1927 : i32 to vector<16xi32>
      %add3A_1929 = arith.addi %add3A_1864, %add3A_1928 : vector<16xi32>
      %gather3A_1930 = tpu.vector_load_idx %arg5[%add3A_1929] : memref<32768xf32, #tpu.memory_space<vmem>>[vector<16xi32>], vector<16xf32>,
      %gt3A_1931 = arith.cmpf ogt, %gather3A_1930, %select_n3A_1922 : vector<16xf32>
      %select_n3A_1932 = arith.select %gt3A_1931, %gather3A_1930, %select_n3A_1922 : vector<16xi1>, vector<16xf32>
      %add3A_1933 = arith.constant 6 : i32
      %add3A_1934 = vector.broadcast %add3A_1933 : i32 to vector<16xi32>
      %add3A_1935 = arith.addi %mul3A_1860, %add3A_1934 : vector<16xi32>
      %select_n3A_1936 = arith.select %gt3A_1931, %add3A_1935, %select_n3A_1926 : vector<16xi1>, vector<16xi32>
      %add3A_1937 = arith.constant 3584 : i32
      %add3A_1938 = vector.broadcast %add3A_1937 : i32 to vector<16xi32>
      %add3A_1939 = arith.addi %add3A_1864, %add3A_1938 : vector<16xi32>
      %gather3A_1940 = tpu.vector_load_idx %arg5[%add3A_1939] : memref<32768xf32, #tpu.memory_space<vmem>>[vector<16xi32>], vector<16xf32>,
      %gt3A_1941 = arith.cmpf ogt, %gather3A_1940, %select_n3A_1932 : vector<16xf32>
      %select_n3A_1942 = arith.select %gt3A_1941, %gather3A_1940, %select_n3A_1932 : vector<16xi1>, vector<16xf32>
      %add3A_1943 = arith.constant 7 : i32
      %add3A_1944 = vector.broadcast %add3A_1943 : i32 to vector<16xi32>
      %add3A_1945 = arith.addi %mul3A_1860, %add3A_1944 : vector<16xi32>
      %select_n3A_1946 = arith.select %gt3A_1941, %add3A_1945, %select_n3A_1936 : vector<16xi1>, vector<16xi32>
      %add3A_1947 = arith.constant 4096 : i32
      %add3A_1948 = vector.broadcast %add3A_1947 : i32 to vector<16xi32>
      %add3A_1949 = arith.addi %add3A_1864, %add3A_1948 : vector<16xi32>
      %gather3A_1950 = tpu.vector_load_idx %arg5[%add3A_1949] : memref<32768xf32, #tpu.memory_space<vmem>>[vector<16xi32>], vector<16xf32>,
      %gt3A_1951 = arith.cmpf ogt, %gather3A_1950, %select_n3A_1942 : vector<16xf32>
      %select_n3A_1952 = arith.select %gt3A_1951, %gather3A_1950, %select_n3A_1942 : vector<16xi1>, vector<16xf32>
      %add3A_1953 = arith.constant 8 : i32
      %add3A_1954 = vector.broadcast %add3A_1953 : i32 to vector<16xi32>
      %add3A_1955 = arith.addi %mul3A_1860, %add3A_1954 : vector<16xi32>
      %select_n3A_1956 = arith.select %gt3A_1951, %add3A_1955, %select_n3A_1946 : vector<16xi1>, vector<16xi32>
      %add3A_1957 = arith.constant 4608 : i32
      %add3A_1958 = vector.broadcast %add3A_1957 : i32 to vector<16xi32>
      %add3A_1959 = arith.addi %add3A_1864, %add3A_1958 : vector<16xi32>
      %gather3A_1960 = tpu.vector_load_idx %arg5[%add3A_1959] : memref<32768xf32, #tpu.memory_space<vmem>>[vector<16xi32>], vector<16xf32>,
      %gt3A_1961 = arith.cmpf ogt, %gather3A_1960, %select_n3A_1952 : vector<16xf32>
      %select_n3A_1962 = arith.select %gt3A_1961, %gather3A_1960, %select_n3A_1952 : vector<16xi1>, vector<16xf32>
      %add3A_1963 = arith.constant 9 : i32
      %add3A_1964 = vector.broadcast %add3A_1963 : i32 to vector<16xi32>
      %add3A_1965 = arith.addi %mul3A_1860, %add3A_1964 : vector<16xi32>
      %select_n3A_1966 = arith.select %gt3A_1961, %add3A_1965, %select_n3A_1956 : vector<16xi1>, vector<16xi32>
      %add3A_1967 = arith.constant 5120 : i32
      %add3A_1968 = vector.broadcast %add3A_1967 : i32 to vector<16xi32>
      %add3A_1969 = arith.addi %add3A_1864, %add3A_1968 : vector<16xi32>
      %gather3A_1970 = tpu.vector_load_idx %arg5[%add3A_1969] : memref<32768xf32, #tpu.memory_space<vmem>>[vector<16xi32>], vector<16xf32>,
      %gt3A_1971 = arith.cmpf ogt, %gather3A_1970, %select_n3A_1962 : vector<16xf32>
      %select_n3A_1972 = arith.select %gt3A_1971, %gather3A_1970, %select_n3A_1962 : vector<16xi1>, vector<16xf32>
      %add3A_1973 = arith.constant 10 : i32
      %add3A_1974 = vector.broadcast %add3A_1973 : i32 to vector<16xi32>
      %add3A_1975 = arith.addi %mul3A_1860, %add3A_1974 : vector<16xi32>
      %select_n3A_1976 = arith.select %gt3A_1971, %add3A_1975, %select_n3A_1966 : vector<16xi1>, vector<16xi32>
      %add3A_1977 = arith.constant 5632 : i32
      %add3A_1978 = vector.broadcast %add3A_1977 : i32 to vector<16xi32>
      %add3A_1979 = arith.addi %add3A_1864, %add3A_1978 : vector<16xi32>
      %gather3A_1980 = tpu.vector_load_idx %arg5[%add3A_1979] : memref<32768xf32, #tpu.memory_space<vmem>>[vector<16xi32>], vector<16xf32>,
      %gt3A_1981 = arith.cmpf ogt, %gather3A_1980, %select_n3A_1972 : vector<16xf32>
      %select_n3A_1982 = arith.select %gt3A_1981, %gather3A_1980, %select_n3A_1972 : vector<16xi1>, vector<16xf32>
      %add3A_1983 = arith.constant 11 : i32
      %add3A_1984 = vector.broadcast %add3A_1983 : i32 to vector<16xi32>
      %add3A_1985 = arith.addi %mul3A_1860, %add3A_1984 : vector<16xi32>
      %select_n3A_1986 = arith.select %gt3A_1981, %add3A_1985, %select_n3A_1976 : vector<16xi1>, vector<16xi32>
      %add3A_1987 = arith.constant 6144 : i32
      %add3A_1988 = vector.broadcast %add3A_1987 : i32 to vector<16xi32>
      %add3A_1989 = arith.addi %add3A_1864, %add3A_1988 : vector<16xi32>
      %gather3A_1990 = tpu.vector_load_idx %arg5[%add3A_1989] : memref<32768xf32, #tpu.memory_space<vmem>>[vector<16xi32>], vector<16xf32>,
      %gt3A_1991 = arith.cmpf ogt, %gather3A_1990, %select_n3A_1982 : vector<16xf32>
      %select_n3A_1992 = arith.select %gt3A_1991, %gather3A_1990, %select_n3A_1982 : vector<16xi1>, vector<16xf32>
      %add3A_1993 = arith.constant 12 : i32
      %add3A_1994 = vector.broadcast %add3A_1993 : i32 to vector<16xi32>
      %add3A_1995 = arith.addi %mul3A_1860, %add3A_1994 : vector<16xi32>
      %select_n3A_1996 = arith.select %gt3A_1991, %add3A_1995, %select_n3A_1986 : vector<16xi1>, vector<16xi32>
      %add3A_1997 = arith.constant 6656 : i32
      %add3A_1998 = vector.broadcast %add3A_1997 : i32 to vector<16xi32>
      %add3A_1999 = arith.addi %add3A_1864, %add3A_1998 : vector<16xi32>
      %gather3A_2000 = tpu.vector_load_idx %arg5[%add3A_1999] : memref<32768xf32, #tpu.memory_space<vmem>>[vector<16xi32>], vector<16xf32>,
      %gt3A_2001 = arith.cmpf ogt, %gather3A_2000, %select_n3A_1992 : vector<16xf32>
      %select_n3A_2002 = arith.select %gt3A_2001, %gather3A_2000, %select_n3A_1992 : vector<16xi1>, vector<16xf32>
      %add3A_2003 = arith.constant 13 : i32
      %add3A_2004 = vector.broadcast %add3A_2003 : i32 to vector<16xi32>
      %add3A_2005 = arith.addi %mul3A_1860, %add3A_2004 : vector<16xi32>
      %select_n3A_2006 = arith.select %gt3A_2001, %add3A_2005, %select_n3A_1996 : vector<16xi1>, vector<16xi32>
      %add3A_2007 = arith.constant 7168 : i32
      %add3A_2008 = vector.broadcast %add3A_2007 : i32 to vector<16xi32>
      %add3A_2009 = arith.addi %add3A_1864, %add3A_2008 : vector<16xi32>
      %gather3A_2010 = tpu.vector_load_idx %arg5[%add3A_2009] : memref<32768xf32, #tpu.memory_space<vmem>>[vector<16xi32>], vector<16xf32>,
      %gt3A_2011 = arith.cmpf ogt, %gather3A_2010, %select_n3A_2002 : vector<16xf32>
      %select_n3A_2012 = arith.select %gt3A_2011, %gather3A_2010, %select_n3A_2002 : vector<16xi1>, vector<16xf32>
      %add3A_2013 = arith.constant 14 : i32
      %add3A_2014 = vector.broadcast %add3A_2013 : i32 to vector<16xi32>
      %add3A_2015 = arith.addi %mul3A_1860, %add3A_2014 : vector<16xi32>
      %select_n3A_2016 = arith.select %gt3A_2011, %add3A_2015, %select_n3A_2006 : vector<16xi1>, vector<16xi32>
      %add3A_2017 = arith.constant 7680 : i32
      %add3A_2018 = vector.broadcast %add3A_2017 : i32 to vector<16xi32>
      %add3A_2019 = arith.addi %add3A_1864, %add3A_2018 : vector<16xi32>
      %gather3A_2020 = tpu.vector_load_idx %arg5[%add3A_2019] : memref<32768xf32, #tpu.memory_space<vmem>>[vector<16xi32>], vector<16xf32>,
      %gt3A_2021 = arith.cmpf ogt, %gather3A_2020, %select_n3A_2012 : vector<16xf32>
      %select_n3A_2022 = arith.select %gt3A_2021, %gather3A_2020, %select_n3A_2012 : vector<16xi1>, vector<16xf32>
      %add3A_2023 = arith.constant 15 : i32
      %add3A_2024 = vector.broadcast %add3A_2023 : i32 to vector<16xi32>
      %add3A_2025 = arith.addi %mul3A_1860, %add3A_2024 : vector<16xi32>
      %select_n3A_2026 = arith.select %gt3A_2021, %add3A_2025, %select_n3A_2016 : vector<16xi1>, vector<16xi32>
      %eq3A_2027 = arith.constant 0 : i32
      %eq3A_2028 = vector.broadcast %eq3A_2027 : i32 to vector<16xi32>
      %eq3A_2029 = arith.cmpi eq, %shift_right_logical3A_1857, %eq3A_2028 : vector<16xi32>
      %select_n3A_2030 = arith.select %eq3A_2029, %select_n3A_2022, %select_n3A_1825 : vector<16xi1>, vector<16xf32>
      %select_n3A_2031 = arith.select %eq3A_2029, %select_n3A_2026, %select_n3A_1826 : vector<16xi1>, vector<16xi32>
      %eq3A_2032 = arith.constant 1 : i32
      %eq3A_2033 = vector.broadcast %eq3A_2032 : i32 to vector<16xi32>
      %eq3A_2034 = arith.cmpi eq, %shift_right_logical3A_1857, %eq3A_2033 : vector<16xi32>
      %select_n3A_2035 = arith.select %eq3A_2034, %select_n3A_2022, %select_n3A_1830 : vector<16xi1>, vector<16xf32>
      %select_n3A_2036 = arith.select %eq3A_2034, %select_n3A_2026, %select_n3A_1831 : vector<16xi1>, vector<16xi32>
      %eq3A_2037 = arith.constant 2 : i32
      %eq3A_2038 = vector.broadcast %eq3A_2037 : i32 to vector<16xi32>
      %eq3A_2039 = arith.cmpi eq, %shift_right_logical3A_1857, %eq3A_2038 : vector<16xi32>
      %select_n3A_2040 = arith.select %eq3A_2039, %select_n3A_2022, %select_n3A_1835 : vector<16xi1>, vector<16xf32>
      %select_n3A_2041 = arith.select %eq3A_2039, %select_n3A_2026, %select_n3A_1836 : vector<16xi1>, vector<16xi32>
      %eq3A_2042 = arith.constant 3 : i32
      %eq3A_2043 = vector.broadcast %eq3A_2042 : i32 to vector<16xi32>
      %eq3A_2044 = arith.cmpi eq, %shift_right_logical3A_1857, %eq3A_2043 : vector<16xi32>
      %select_n3A_2045 = arith.select %eq3A_2044, %select_n3A_2022, %select_n3A_1840 : vector<16xi1>, vector<16xf32>
      %select_n3A_2046 = arith.select %eq3A_2044, %select_n3A_2026, %select_n3A_1841 : vector<16xi1>, vector<16xi32>
      %gt3A_2047 = arith.cmpf ogt, %select_n3A_2035, %select_n3A_2030 : vector<16xf32>
      %select_n3A_2048 = arith.select %gt3A_2047, %select_n3A_2035, %select_n3A_2030 : vector<16xi1>, vector<16xf32>
      %select_n3A_2049 = arith.select %gt3A_2047, %select_n3A_2036, %select_n3A_2031 : vector<16xi1>, vector<16xi32>
      %gt3A_2050 = arith.cmpf ogt, %select_n3A_2045, %select_n3A_2040 : vector<16xf32>
      %select_n3A_2051 = arith.select %gt3A_2050, %select_n3A_2045, %select_n3A_2040 : vector<16xi1>, vector<16xf32>
      %select_n3A_2052 = arith.select %gt3A_2050, %select_n3A_2046, %select_n3A_2041 : vector<16xi1>, vector<16xi32>
      %gt3A_2053 = arith.cmpf ogt, %select_n3A_2051, %select_n3A_2048 : vector<16xf32>
      %select_n3A_2054 = arith.select %gt3A_2053, %select_n3A_2051, %select_n3A_2048 : vector<16xi1>, vector<16xf32>
      %select_n3A_2055 = arith.select %gt3A_2053, %select_n3A_2052, %select_n3A_2049 : vector<16xi1>, vector<16xi32>
      %sub3A = arith.subf %select_n3A_622, %select_n3A_622 : vector<16xf32>
      %exp3A = math.exp %sub3A : vector<16xf32>
      %sub3A_2056 = arith.subf %select_n3A_824, %select_n3A_622 : vector<16xf32>
      %exp3A_2057 = math.exp %sub3A_2056 : vector<16xf32>
      %sub3A_2058 = arith.subf %select_n3A_1029, %select_n3A_622 : vector<16xf32>
      %exp3A_2059 = math.exp %sub3A_2058 : vector<16xf32>
      %sub3A_2060 = arith.subf %select_n3A_1234, %select_n3A_622 : vector<16xf32>
      %exp3A_2061 = math.exp %sub3A_2060 : vector<16xf32>
      %sub3A_2062 = arith.subf %select_n3A_1439, %select_n3A_622 : vector<16xf32>
      %exp3A_2063 = math.exp %sub3A_2062 : vector<16xf32>
      %sub3A_2064 = arith.subf %select_n3A_1644, %select_n3A_622 : vector<16xf32>
      %exp3A_2065 = math.exp %sub3A_2064 : vector<16xf32>
      %sub3A_2066 = arith.subf %select_n3A_1849, %select_n3A_622 : vector<16xf32>
      %exp3A_2067 = math.exp %sub3A_2066 : vector<16xf32>
      %sub3A_2068 = arith.subf %select_n3A_2054, %select_n3A_622 : vector<16xf32>
      %exp3A_2069 = math.exp %sub3A_2068 : vector<16xf32>
      %add3A_2070 = arith.addf %exp3A, %exp3A_2057 : vector<16xf32>
      %add3A_2071 = arith.addf %add3A_2070, %exp3A_2059 : vector<16xf32>
      %add3A_2072 = arith.addf %add3A_2071, %exp3A_2061 : vector<16xf32>
      %add3A_2073 = arith.addf %add3A_2072, %exp3A_2063 : vector<16xf32>
      %add3A_2074 = arith.addf %add3A_2073, %exp3A_2065 : vector<16xf32>
      %add3A_2075 = arith.addf %add3A_2074, %exp3A_2067 : vector<16xf32>
      %add3A_2076 = arith.addf %add3A_2075, %exp3A_2069 : vector<16xf32>
      %mul3A_2077 = arith.constant 64 : i32
      %mul3A_2078 = vector.broadcast %mul3A_2077 : i32 to vector<16xi32>
      %mul3A_2079 = arith.muli %add3A_34, %mul3A_2078 : vector<16xi32>
      %add3A_2080 = arith.addi %mul3A_2079, %select_n3A_623 : vector<16xi32>
      %div3A = arith.divf %exp3A, %add3A_2076 : vector<16xf32>
      tpu.vector_store_idx %arg6[%add3A_2080], %div3A : memref<32768xf32, #tpu.memory_space<vmem>>[vector<16xi32>], vector<16xf32>,
      %mul3A_2081 = arith.constant 8 : i32
      %mul3A_2082 = vector.broadcast %mul3A_2081 : i32 to vector<16xi32>
      %mul3A_2083 = arith.muli %add3A_34, %mul3A_2082 : vector<16xi32>
      %add3A_2084 = arith.constant 0 : i32
      %add3A_2085 = vector.broadcast %add3A_2084 : i32 to vector<16xi32>
      %add3A_2086 = arith.addi %mul3A_2083, %add3A_2085 : vector<16xi32>
      tpu.vector_store_idx %arg7[%add3A_2086], %select_n3A_623 : memref<4096xi32, #tpu.memory_space<vmem>>[vector<16xi32>], vector<16xi32>,
      %mul3A_2087 = arith.constant 64 : i32
      %mul3A_2088 = vector.broadcast %mul3A_2087 : i32 to vector<16xi32>
      %mul3A_2089 = arith.muli %add3A_34, %mul3A_2088 : vector<16xi32>
      %add3A_2090 = arith.addi %mul3A_2089, %select_n3A_825 : vector<16xi32>
      %div3A_2091 = arith.divf %exp3A_2057, %add3A_2076 : vector<16xf32>
      tpu.vector_store_idx %arg6[%add3A_2090], %div3A_2091 : memref<32768xf32, #tpu.memory_space<vmem>>[vector<16xi32>], vector<16xf32>,
      %mul3A_2092 = arith.constant 8 : i32
      %mul3A_2093 = vector.broadcast %mul3A_2092 : i32 to vector<16xi32>
      %mul3A_2094 = arith.muli %add3A_34, %mul3A_2093 : vector<16xi32>
      %add3A_2095 = arith.constant 1 : i32
      %add3A_2096 = vector.broadcast %add3A_2095 : i32 to vector<16xi32>
      %add3A_2097 = arith.addi %mul3A_2094, %add3A_2096 : vector<16xi32>
      tpu.vector_store_idx %arg7[%add3A_2097], %select_n3A_825 : memref<4096xi32, #tpu.memory_space<vmem>>[vector<16xi32>], vector<16xi32>,
      %mul3A_2098 = arith.constant 64 : i32
      %mul3A_2099 = vector.broadcast %mul3A_2098 : i32 to vector<16xi32>
      %mul3A_2100 = arith.muli %add3A_34, %mul3A_2099 : vector<16xi32>
      %add3A_2101 = arith.addi %mul3A_2100, %select_n3A_1030 : vector<16xi32>
      %div3A_2102 = arith.divf %exp3A_2059, %add3A_2076 : vector<16xf32>
      tpu.vector_store_idx %arg6[%add3A_2101], %div3A_2102 : memref<32768xf32, #tpu.memory_space<vmem>>[vector<16xi32>], vector<16xf32>,
      %mul3A_2103 = arith.constant 8 : i32
      %mul3A_2104 = vector.broadcast %mul3A_2103 : i32 to vector<16xi32>
      %mul3A_2105 = arith.muli %add3A_34, %mul3A_2104 : vector<16xi32>
      %add3A_2106 = arith.constant 2 : i32
      %add3A_2107 = vector.broadcast %add3A_2106 : i32 to vector<16xi32>
      %add3A_2108 = arith.addi %mul3A_2105, %add3A_2107 : vector<16xi32>
      tpu.vector_store_idx %arg7[%add3A_2108], %select_n3A_1030 : memref<4096xi32, #tpu.memory_space<vmem>>[vector<16xi32>], vector<16xi32>,
      %mul3A_2109 = arith.constant 64 : i32
      %mul3A_2110 = vector.broadcast %mul3A_2109 : i32 to vector<16xi32>
      %mul3A_2111 = arith.muli %add3A_34, %mul3A_2110 : vector<16xi32>
      %add3A_2112 = arith.addi %mul3A_2111, %select_n3A_1235 : vector<16xi32>
      %div3A_2113 = arith.divf %exp3A_2061, %add3A_2076 : vector<16xf32>
      tpu.vector_store_idx %arg6[%add3A_2112], %div3A_2113 : memref<32768xf32, #tpu.memory_space<vmem>>[vector<16xi32>], vector<16xf32>,
      %mul3A_2114 = arith.constant 8 : i32
      %mul3A_2115 = vector.broadcast %mul3A_2114 : i32 to vector<16xi32>
      %mul3A_2116 = arith.muli %add3A_34, %mul3A_2115 : vector<16xi32>
      %add3A_2117 = arith.constant 3 : i32
      %add3A_2118 = vector.broadcast %add3A_2117 : i32 to vector<16xi32>
      %add3A_2119 = arith.addi %mul3A_2116, %add3A_2118 : vector<16xi32>
      tpu.vector_store_idx %arg7[%add3A_2119], %select_n3A_1235 : memref<4096xi32, #tpu.memory_space<vmem>>[vector<16xi32>], vector<16xi32>,
      %mul3A_2120 = arith.constant 64 : i32
      %mul3A_2121 = vector.broadcast %mul3A_2120 : i32 to vector<16xi32>
      %mul3A_2122 = arith.muli %add3A_34, %mul3A_2121 : vector<16xi32>
      %add3A_2123 = arith.addi %mul3A_2122, %select_n3A_1440 : vector<16xi32>
      %div3A_2124 = arith.divf %exp3A_2063, %add3A_2076 : vector<16xf32>
      tpu.vector_store_idx %arg6[%add3A_2123], %div3A_2124 : memref<32768xf32, #tpu.memory_space<vmem>>[vector<16xi32>], vector<16xf32>,
      %mul3A_2125 = arith.constant 8 : i32
      %mul3A_2126 = vector.broadcast %mul3A_2125 : i32 to vector<16xi32>
      %mul3A_2127 = arith.muli %add3A_34, %mul3A_2126 : vector<16xi32>
      %add3A_2128 = arith.constant 4 : i32
      %add3A_2129 = vector.broadcast %add3A_2128 : i32 to vector<16xi32>
      %add3A_2130 = arith.addi %mul3A_2127, %add3A_2129 : vector<16xi32>
      tpu.vector_store_idx %arg7[%add3A_2130], %select_n3A_1440 : memref<4096xi32, #tpu.memory_space<vmem>>[vector<16xi32>], vector<16xi32>,
      %mul3A_2131 = arith.constant 64 : i32
      %mul3A_2132 = vector.broadcast %mul3A_2131 : i32 to vector<16xi32>
      %mul3A_2133 = arith.muli %add3A_34, %mul3A_2132 : vector<16xi32>
      %add3A_2134 = arith.addi %mul3A_2133, %select_n3A_1645 : vector<16xi32>
      %div3A_2135 = arith.divf %exp3A_2065, %add3A_2076 : vector<16xf32>
      tpu.vector_store_idx %arg6[%add3A_2134], %div3A_2135 : memref<32768xf32, #tpu.memory_space<vmem>>[vector<16xi32>], vector<16xf32>,
      %mul3A_2136 = arith.constant 8 : i32
      %mul3A_2137 = vector.broadcast %mul3A_2136 : i32 to vector<16xi32>
      %mul3A_2138 = arith.muli %add3A_34, %mul3A_2137 : vector<16xi32>
      %add3A_2139 = arith.constant 5 : i32
      %add3A_2140 = vector.broadcast %add3A_2139 : i32 to vector<16xi32>
      %add3A_2141 = arith.addi %mul3A_2138, %add3A_2140 : vector<16xi32>
      tpu.vector_store_idx %arg7[%add3A_2141], %select_n3A_1645 : memref<4096xi32, #tpu.memory_space<vmem>>[vector<16xi32>], vector<16xi32>,
      %mul3A_2142 = arith.constant 64 : i32
      %mul3A_2143 = vector.broadcast %mul3A_2142 : i32 to vector<16xi32>
      %mul3A_2144 = arith.muli %add3A_34, %mul3A_2143 : vector<16xi32>
      %add3A_2145 = arith.addi %mul3A_2144, %select_n3A_1850 : vector<16xi32>
      %div3A_2146 = arith.divf %exp3A_2067, %add3A_2076 : vector<16xf32>
      tpu.vector_store_idx %arg6[%add3A_2145], %div3A_2146 : memref<32768xf32, #tpu.memory_space<vmem>>[vector<16xi32>], vector<16xf32>,
      %mul3A_2147 = arith.constant 8 : i32
      %mul3A_2148 = vector.broadcast %mul3A_2147 : i32 to vector<16xi32>
      %mul3A_2149 = arith.muli %add3A_34, %mul3A_2148 : vector<16xi32>
      %add3A_2150 = arith.constant 6 : i32
      %add3A_2151 = vector.broadcast %add3A_2150 : i32 to vector<16xi32>
      %add3A_2152 = arith.addi %mul3A_2149, %add3A_2151 : vector<16xi32>
      tpu.vector_store_idx %arg7[%add3A_2152], %select_n3A_1850 : memref<4096xi32, #tpu.memory_space<vmem>>[vector<16xi32>], vector<16xi32>,
      %mul3A_2153 = arith.constant 64 : i32
      %mul3A_2154 = vector.broadcast %mul3A_2153 : i32 to vector<16xi32>
      %mul3A_2155 = arith.muli %add3A_34, %mul3A_2154 : vector<16xi32>
      %add3A_2156 = arith.addi %mul3A_2155, %select_n3A_2055 : vector<16xi32>
      %div3A_2157 = arith.divf %exp3A_2069, %add3A_2076 : vector<16xf32>
      tpu.vector_store_idx %arg6[%add3A_2156], %div3A_2157 : memref<32768xf32, #tpu.memory_space<vmem>>[vector<16xi32>], vector<16xf32>,
      %mul3A_2158 = arith.constant 8 : i32
      %mul3A_2159 = vector.broadcast %mul3A_2158 : i32 to vector<16xi32>
      %mul3A_2160 = arith.muli %add3A_34, %mul3A_2159 : vector<16xi32>
      %add3A_2161 = arith.constant 7 : i32
      %add3A_2162 = vector.broadcast %add3A_2161 : i32 to vector<16xi32>
      %add3A_2163 = arith.addi %mul3A_2160, %add3A_2162 : vector<16xi32>
      tpu.vector_store_idx %arg7[%add3A_2163], %select_n3A_2055 : memref<4096xi32, #tpu.memory_space<vmem>>[vector<16xi32>], vector<16xi32>,
    }
    %scan3A_19 = arith.constant 32 : i32
    %mul3A_20 = arith.constant 512 : i32
    %mul3A_21 = arith.muli %add3A_7, %mul3A_20 : i32
    %mul3A_22 = arith.constant 64 : i32
    %mul3A_23 = arith.muli %mul3A_21, %mul3A_22 : i32
    "tpu.region"() ({
      %run_scoped3A_30 = tpu.sem_alloc : memref<!tpu.dma_semaphore, #tpu.memory_space<semaphore_mem>>
      %dma_start3A = tpu.memref_slice %arg3[%mul3A_23] : memref<1048576xf32, #tpu.memory_space<hbm>> -> memref<32768xf32, #tpu.memory_space<hbm>>
      %dma_start3A_31 = tpu.memref_slice %arg3[%mul3A_23] : memref<1048576xf32, #tpu.memory_space<hbm>> -> memref<32768xf32, #tpu.memory_space<hbm>>
      tpu.enqueue_dma source(%arg6 : memref<32768xf32, #tpu.memory_space<vmem>>) target(%dma_start3A_31 : memref<32768xf32, #tpu.memory_space<hbm>>) target_semaphore(%run_scoped3A_30 : memref<!tpu.dma_semaphore, #tpu.memory_space<semaphore_mem>>)
      %dma_wait3A = tpu.memref_slice %arg3[%mul3A_23] : memref<1048576xf32, #tpu.memory_space<hbm>> -> memref<32768xf32, #tpu.memory_space<hbm>>
      %dma_wait3A_32 = tpu.memref_slice %arg3[%mul3A_23] : memref<1048576xf32, #tpu.memory_space<hbm>> -> memref<32768xf32, #tpu.memory_space<hbm>>
      tpu.wait_dma2 semaphore(%run_scoped3A_30 : memref<!tpu.dma_semaphore, #tpu.memory_space<semaphore_mem>>) src(%arg6 : memref<32768xf32, #tpu.memory_space<vmem>>) dst(%dma_wait3A_32 : memref<32768xf32, #tpu.memory_space<hbm>>)
      tpu.yield
    }) : () -> ()
    %mul3A_24 = arith.constant 512 : i32
    %mul3A_25 = arith.muli %add3A_7, %mul3A_24 : i32
    %mul3A_26 = arith.constant 8 : i32
    %mul3A_27 = arith.muli %mul3A_25, %mul3A_26 : i32
    "tpu.region"() ({
      %run_scoped3A_30 = tpu.sem_alloc : memref<!tpu.dma_semaphore, #tpu.memory_space<semaphore_mem>>
      %dma_start3A = tpu.memref_slice %arg4[%mul3A_27] : memref<131072xi32, #tpu.memory_space<hbm>> -> memref<4096xi32, #tpu.memory_space<hbm>>
      %dma_start3A_31 = tpu.memref_slice %arg4[%mul3A_27] : memref<131072xi32, #tpu.memory_space<hbm>> -> memref<4096xi32, #tpu.memory_space<hbm>>
      tpu.enqueue_dma source(%arg7 : memref<4096xi32, #tpu.memory_space<vmem>>) target(%dma_start3A_31 : memref<4096xi32, #tpu.memory_space<hbm>>) target_semaphore(%run_scoped3A_30 : memref<!tpu.dma_semaphore, #tpu.memory_space<semaphore_mem>>)
      %dma_wait3A = tpu.memref_slice %arg4[%mul3A_27] : memref<131072xi32, #tpu.memory_space<hbm>> -> memref<4096xi32, #tpu.memory_space<hbm>>
      %dma_wait3A_32 = tpu.memref_slice %arg4[%mul3A_27] : memref<131072xi32, #tpu.memory_space<hbm>> -> memref<4096xi32, #tpu.memory_space<hbm>>
      tpu.wait_dma2 semaphore(%run_scoped3A_30 : memref<!tpu.dma_semaphore, #tpu.memory_space<semaphore_mem>>) src(%arg7 : memref<4096xi32, #tpu.memory_space<vmem>>) dst(%dma_wait3A_32 : memref<4096xi32, #tpu.memory_space<hbm>>)
      tpu.yield
    }) : () -> ()
    %scan3A_28 = arith.constant 0 : i32
    %scan3A_29 = arith.constant 1 : i32
    return
  }
}

module attributes {stable_mosaic.version = 14 : i64} {
  func.func @_logits_block(%arg0: i32, %arg1: memref<1024x4096xf32, #tpu.memory_space<vmem>>, %arg2: memref<64x4096xf32, #tpu.memory_space<vmem>>, %arg3: memref<2x1x32768xf32, #tpu.memory_space<vmem>>) attributes {dimension_semantics = [#tpu.dimension_semantics<arbitrary>], iteration_bounds = array<i64: 16>, scalar_prefetch = 0 : i64, scratch_operands = 0 : i64, tpu.core_type = #tpu.core_type<tc>, window_params = [{transform_indices = @transform_0, window_bounds = array<i64: 1024, 4096>}, {pipeline_mode = #tpu.pipeline_mode<synchronous>, transform_indices = @transform_1, window_bounds = array<i64: 64, 4096>}, {transform_indices = @transform_2, window_bounds = array<i64: 2, 1, 32768>}]} {
    %get3A = arith.constant 0 : index
    %get3A_0 = arith.constant 0 : index
    %get3A_1 = vector.load %arg1[%get3A, %get3A_0] : memref<1024x4096xf32, #tpu.memory_space<vmem>>, vector<1024x4096xf32>
    %get3A_2 = arith.constant 0 : index
    %get3A_3 = arith.constant 0 : index
    %get3A_4 = vector.load %arg2[%get3A_2, %get3A_3] : memref<64x4096xf32, #tpu.memory_space<vmem>>, vector<64x4096xf32>
    %dot_general3A = arith.constant dense<0.000000e+00> : vector<64x1024xf32>
    %dot_general3A_5 = tpu.matmul %get3A_4, %get3A_1, %dot_general3A {dimension_numbers = #tpu.dot_dimension_numbers<[1], [1], [0], [0], [0, 0, 1, 0], [], []>, transpose_lhs_hint = false} : vector<64x4096xf32>, vector<1024x4096xf32>, vector<64x1024xf32> -> vector<64x1024xf32>
    %slice3A = vector.extract_strided_slice %dot_general3A_5 {offsets = [0, 0], sizes = [64, 512], strides = [1, 1]} : vector<64x1024xf32> to vector<64x512xf32>
    %reshape3A = vector.shape_cast %slice3A : vector<64x512xf32> to vector<1x32768xf32>
    %swap3A = arith.constant 0 : index
    %swap3A_6 = arith.constant 0 : index
    %swap3A_7 = arith.constant 0 : index
    %swap3A_8 = vector.load %arg3[%swap3A, %swap3A_6, %swap3A_7] : memref<2x1x32768xf32, #tpu.memory_space<vmem>>, vector<1x1x32768xf32>
    %swap3A_9 = vector.shape_cast %swap3A_8 : vector<1x1x32768xf32> to vector<1x32768xf32>
    %swap3A_10 = vector.shape_cast %reshape3A : vector<1x32768xf32> to vector<1x1x32768xf32>
    tpu.vector_store %arg3[%swap3A, %swap3A_6, %swap3A_7], %swap3A_10 {strides = array<i32>} : memref<2x1x32768xf32, #tpu.memory_space<vmem>>, vector<1x1x32768xf32>,
    %slice3A_11 = vector.extract_strided_slice %dot_general3A_5 {offsets = [0, 512], sizes = [64, 512], strides = [1, 1]} : vector<64x1024xf32> to vector<64x512xf32>
    %reshape3A_12 = vector.shape_cast %slice3A_11 : vector<64x512xf32> to vector<1x32768xf32>
    %swap3A_13 = arith.constant 1 : index
    %swap3A_14 = arith.constant 0 : index
    %swap3A_15 = arith.constant 0 : index
    %swap3A_16 = vector.load %arg3[%swap3A_13, %swap3A_14, %swap3A_15] : memref<2x1x32768xf32, #tpu.memory_space<vmem>>, vector<1x1x32768xf32>
    %swap3A_17 = vector.shape_cast %swap3A_16 : vector<1x1x32768xf32> to vector<1x32768xf32>
    %swap3A_18 = vector.shape_cast %reshape3A_12 : vector<1x32768xf32> to vector<1x1x32768xf32>
    tpu.vector_store %arg3[%swap3A_13, %swap3A_14, %swap3A_15], %swap3A_18 {strides = array<i32>} : memref<2x1x32768xf32, #tpu.memory_space<vmem>>, vector<1x1x32768xf32>,
    return
  }
  func.func @transform_0(%arg0: i32) -> (i32, i32) {
    %c0_i32 = arith.constant 0 : i32
    %c0_i32_0 = arith.constant 0 : i32
    return %arg0, %c0_i32 : i32, i32
  }
  func.func @transform_1(%arg0: i32) -> (i32, i32) {
    %c0_i32 = arith.constant 0 : i32
    %c0_i32_0 = arith.constant 0 : i32
    %c0_i32_1 = arith.constant 0 : i32
    return %c0_i32, %c0_i32_0 : i32, i32
  }
  func.func @transform_2(%arg0: i32) -> (i32, i32, i32) {
    %c0_i32 = arith.constant 0 : i32
    %c0_i32_0 = arith.constant 0 : i32
    %c0_i32_1 = arith.constant 0 : i32
    return %arg0, %c0_i32, %c0_i32_0 : i32, i32, i32
  }
}

</mosaic_0001>

<sc_bundles>
// kernel: kernel.6.cloned.1.call-start
scs
__scs_entry_jumppad:
0x0: {  	(pc) =	sbr.rel $0x88, $3  }
0x1: {  	(tag) =	ssettag $0x0;
	lr =	simm.s32 $0x1  }
0x2: {  	[smem:$0x3F9F] =	sst lr;
	_ =	strace $0xD0000000  }
0x3: {  	_ = 	snop  }
0x4: {  	_ = 	snop  }
0x5: {  	_ = 	snop  }
0x6: {  	_ = 	snop  }
0x7: {  	_ = 	snop  }
__scs_overlays_trampoline_lowered:
0x8: {  	[smem:$0x3FAE] =	sst s0  }
0x9: {  	[smem:$0x3FAF] =	sst s1  }
0xa: {  	[smem:$0x3FB0] =	sst s2  }
0xb: {  	[smem:$0x3FB1] =	sst s3  }
0xc: {  	[smem:$0x3FB2] =	sst s4  }
0xd: {  	[smem:$0x3FB3] =	sst s5  }
0xe: {  	[smem:$0x3FB4] =	sst s6  }
0xf: {  	[smem:$0x3FB5] =	sst s7  }
0x10: {  	[smem:$0x3FB6] =	sst s8  }
0x11: {  	[smem:$0x3FB7] =	sst s9;
	s0 =	simm.s32 @!p0 $0x0  }
0x12: {  	s1 =	sld [smem:$0x3F9D];
	s0 =	simm.s32 @p0 $0x1  }
0x13: {  	[smem:$0x3FB8] =	sst s0;
	s0 =	simm.s32 @!p1 $0x0  }
0x14: {  	s2 =	sld [smem:$0x3F9C];
	s0 =	simm.s32 @p1 $0x1  }
0x15: {  	[smem:$0x3FB9] =	sst s0;
	s0 =	simm.s32 @!p2 $0x0  }
0x16: {  	s3 =	sld [smem:$0x3FDB];
	s0 =	simm.s32 @p2 $0x1  }
0x17: {  	s4 =	simm.s32 $0x1BF5;
	[smem:$0x3FBB] =	sst s0  }
0x18: {  	s0 =	sld [smem:$0x3F9E];
	_ =	swait.ge [sflag:s4], $0x0  }
0x19: {  	s7 =	sld [smem:$0x3F9F]  }
0x1a: {  	s8 =	sadd.s32 $0xFFFFE003, lr  }
0x1b: {  	s9 =	sadd.s32 $0xFFFFFEF7, lr;
	s5 =	simm.s32 $0xFFFFFFFF;
	p2 =	slt.u32 s8, $0xFFFFF086  }
0x1c: {  	p1 =	slt.u32 s9, $0xF7A;
	s5 =	simm.s32 @!p2 $0x0  }
0x1d: {  	s5 =	simm.s32 @p1 $0x1;
	p0 =	seq.s32 s7, s2  }
0x1e: {  	s7 =	smul.u32 @!p0 $0xF7A, s2;
	p2 =	seq.s32 @!p0 s5, $0x0  }
0x1f: {  	s9 =	smul.u32 $0xF7A, s1;
	s8 =	simm.s32 @!p0 $0x1BF5;
	p2 =	por !p2, p0  }
0x20: {  	[sflag:s8] =	ssyncset.s32 @!p0 $0xFFFFF086;
	s6 =	sadd.s32 @!p0 s3, s7;
	s7 =	simm.s32 @!p0 $0x108  }
0x21: {  	s3 =	sadd.s32 s3, s9;
	s6 =	sadd.s32 @!p0 $0x88, s6;
	s7 =	simm.s32 @p2 $0x1082  }
0x22: {  	[simem:s7], [sflag:s8] =	dma.local @!p0 [hbm:s6], $0xF7A  }
0x23: {  	s9 =	sor.u32 $0xD0000000, s2;
	s6 =	simm.s32 $0x108;
	_ =	swait.ge @!p0 [sflag:s8], $0x0  }
0x24: {  	s3 =	sadd.s32 $0x88, s3;
	s6 =	simm.s32 @!p1 $0x1082;
	[sflag:s4] =	ssyncset.s32 $0xFFFFF086  }
0x25: {  	[simem:s6], [sflag:s4] =	dma.local [hbm:s3], $0xF7A  }
0x26: {  	[smem:$0x3F9F] =	sst s1;
	(tag) =	ssettag s2;
	_ =	strace s9  }
0x27: {  	s1 =	sld [smem:$0x3FAF]  }
0x28: {  	s2 =	sld [smem:$0x3FB0]  }
0x29: {  	s4 =	sld [smem:$0x3FB2]  }
0x2a: {  	p0 =	seq.s32 s5, $0x0;
	s5 =	sld [smem:$0x3FB3]  }
0x2b: {  	s6 =	sld [smem:$0x3FB4]  }
0x2c: {  	s7 =	sld [smem:$0x3FB5]  }
0x2d: {  	s3 =	simm.s32 $0x108;
	s8 =	sld [smem:$0x3FB6]  }
0x2e: {  	s3 =	simm.s32 @!p0 $0x1082;
	s9 =	sld [smem:$0x3FB7]  }
0x2f: {  	lr =	sadd.s32 s0, s3;
	s0 =	sld [smem:$0x3FAE]  }
0x30: {  	s3 =	sld [smem:$0x3FB1]  }
0x31: {  	[smem:$0x3FBA] =	sst s10  }
0x32: {  	s10 =	sld [smem:$0x3FB8];
	_ =	sdelay $0x3  }
0x33: {  	p0 =	seq.s32 s10, $0x1;
	s10 =	sld [smem:$0x3FBA];
	_ =	sdelay $0x3  }
0x34: {  	[smem:$0x3FBA] =	sst s10  }
0x35: {  	s10 =	sld [smem:$0x3FB9];
	_ =	sdelay $0x3  }
0x36: {  	p1 =	seq.s32 s10, $0x1;
	s10 =	sld [smem:$0x3FBA];
	_ =	sdelay $0x3  }
0x37: {  	[smem:$0x3FBA] =	sst s10  }
0x38: {  	s10 =	sld [smem:$0x3FBB]  }
0x39: {  	_ = 	snop;
	(pc) =	sbr.ind lr, $3  }
0x3a: {  	_ = 	snop  }
0x3b: {  	_ = 	snop  }
0x3c: {  	p2 =	seq.s32 s10, $0x1;
	s10 =	sld [smem:$0x3FBA]  }
0x3d: {  	_ =	shalt  }
0x3e: {  	_ =	shalt  }
0x3f: {  	_ =	shalt  }
0x40: {  	_ =	shalt  }
0x41: {  	_ =	shalt  }
0x42: {  	_ =	shalt  }
0x43: {  	_ =	shalt  }
0x44: {  	_ =	shalt  }
0x45: {  	_ =	shalt  }
0x46: {  	_ =	shalt  }
0x47: {  	_ =	shalt  }
0x48: {  	_ =	shalt  }
0x49: {  	_ =	shalt  }
0x4a: {  	_ =	shalt  }
0x4b: {  	_ =	shalt  }
0x4c: {  	_ =	shalt  }
0x4d: {  	_ =	shalt  }
0x4e: {  	_ =	shalt  }
0x4f: {  	_ =	shalt  }
0x50: {  	_ =	shalt  }
0x51: {  	_ =	shalt  }
0x52: {  	_ =	shalt  }
0x53: {  	_ =	shalt  }
0x54: {  	_ =	shalt  }
0x55: {  	_ =	shalt  }
0x56: {  	_ =	shalt  }
0x57: {  	_ =	shalt  }
0x58: {  	_ =	shalt  }
0x59: {  	_ =	shalt  }
0x5a: {  	_ =	shalt  }
0x5b: {  	_ =	shalt  }
0x5c: {  	_ =	shalt  }
0x5d: {  	_ =	shalt  }
0x5e: {  	_ =	shalt  }
0x5f: {  	_ =	shalt  }
0x60: {  	_ =	shalt  }
0x61: {  	_ =	shalt  }
0x62: {  	_ =	shalt  }
0x63: {  	_ =	shalt  }
0x64: {  	_ =	shalt  }
0x65: {  	_ =	shalt  }
0x66: {  	_ =	shalt  }
0x67: {  	_ =	shalt  }
0x68: {  	_ =	shalt  }
0x69: {  	_ =	shalt  }
0x6a: {  	_ =	shalt  }
0x6b: {  	_ =	shalt  }
0x6c: {  	_ =	shalt  }
0x6d: {  	_ =	shalt  }
0x6e: {  	_ =	shalt  }
0x6f: {  	_ =	shalt  }
0x70: {  	_ =	shalt  }
0x71: {  	_ =	shalt  }
0x72: {  	_ =	shalt  }
0x73: {  	_ =	shalt  }
0x74: {  	_ =	shalt  }
0x75: {  	_ =	shalt  }
0x76: {  	_ =	shalt  }
0x77: {  	_ =	shalt  }
0x78: {  	_ =	shalt  }
0x79: {  	_ =	shalt  }
0x7a: {  	_ =	shalt  }
0x7b: {  	_ =	shalt  }
0x7c: {  	_ =	shalt  }
0x7d: {  	_ =	shalt  }
0x7e: {  	_ =	shalt  }
0x7f: {  	_ =	shalt  }
0x80: {  	_ =	shalt  }
0x81: {  	_ =	shalt  }
0x82: {  	_ =	shalt  }
0x83: {  	_ =	shalt  }
0x84: {  	_ =	shalt  }
0x85: {  	_ =	shalt  }
0x86: {  	_ =	shalt  }
0x87: {  	_ =	shalt  }
.Lfunc_end0:
.L_simem_size_0:
called_computation_lowered:
.L_overlay_start_0:
0x88: {  	s2 =	sld [smem:$0x3FD9]  }
0x89: {  	s3 =	sld [smem:$0x3FFE];
	_ =	sdelay $0x1  }
0x8a: {  	s1 =	srdreg.scid  }
0x8b: {  	s0 =	sand.u32 $0x1, s1  }
0x8c: {  	s15 =	sshll.u32 s0, $0xA;
	s2 =	sadd.s32 s3, s2  }
0x8d: {  	s2 =	sadd.s32 s2, s15  }
0x8e: {  	[smem:$0x3FC6] =	sst s2  }
0x8f: {  	_ = 	snop  }
0x90: {  	s2 =	sld [smem:$0x3FD0];
	_ =	sdelay $0x2  }
0x91: {  	s16 =	simm.s32 $0xB;
	s4 =	simm.s32 $0x10  }
0x92: {  	[smem:s4], [sflag:s16] =	dma.local [hbm:s2], $0x1  }
0x93: {  	_ =	swait.eq [sflag:s16], $0x1  }
0x94: {  	[sflag:s16] =	ssyncset.done $0x0  }
0x95: {  	[sflag:s16] =	ssyncadd.s32 $0xFFFFFFFF  }
0x96: {  	s17 =	sld [smem:$0x11];
	(tm) =	ssettm $0x1  }
0x97: {  	s18 =	sld [smem:$0x3FFB];
	_ =	sdelay $0x3  }
0x98: {  	_ =	strace s18  }
0x99: {  	s2 =	sld [smem:$0x3FFC];
	_ =	sdelay $0x3  }
0x9a: {  	_ =	strace s2  }
0x9b: {  	s2 =	sld [smem:$0x3FFD];
	_ =	sdelay $0x3  }
0x9c: {  	_ =	strace s2  }
0x9d: {  	_ =	strace $0x8FFFFFFF  }
0x9e: {  	s19 =	sld [smem:$0x3FDB];
	_ =	sdelay $0x1  }
0x9f: {  	s20 =	simm.s32 $_scs_section_size  }
0xa0: {  	s5 =	simm.s32 $_size__tile_overlayer_lowered;
	s6 =	simm.s32 $_tile_overlayer_lowered  }
0xa1: {  	s7 =	simm.s32 $0x1BFF;
	s21 =	sshll.u32 s6, $0x1;
	s4 =	sadd.s32 s20, s19  }
0xa2: {  	s22 =	simm.s32 $0x0;
	s5 =	sshll.u32 s5, $0x1;
	s6 =	sadd.s32 s21, s4  }
0xa3: {  	[timem:s22], [sflag:s7] =	dma.local [hbm:s6], s5  }
0xa4: {  	_ =	swait.ge [sflag:s7], s5  }
0xa5: {  	s5 =	ssub.s32 $0x0, s5;
	[sflag:s7] =	ssyncset.done $0x0  }
0xa6: {  	[sflag:s7] =	ssyncadd.s32 s5;
	_ =	sdelay $0x1  }
0xa7: {  	s23 =	simm.s32 $0x1B8B  }
0xa8: {  	_ =	swait.ge [sflag:s23], $0x1  }
0xa9: {  	[sflag:s23] =	ssyncset.done $0x0  }
0xaa: {  	[sflag:s23] =	ssyncadd.s32 $0xFFFFFFFF  }
0xab: {  	s5 =	sld [smem:$0x0]  }
0xac: {  	s6 =	sand.u32 $0xFFFFFFFE, s1  }
0xad: {  	p0 =	sne.s32 s1, s6  }
0xae: {  	s6 =	sshll.u32 @p0 s6, $0xE  }
0xaf: {  	s6 =	sadd.s32 @p0 $0x11B8D, s6;
	s7 =	sshll.u32 @p0 s5, $0x11  }
0xb0: {  	s6 =	sor.u32 @p0 s7, s6  }
0xb1: {  	[sflag:s6] =	ssyncadd.remote.s32 @p0 $0x1;
	_ =	sdelay $0x1  }
0xb2: {  	s6 =	simm.s32 @p0 $0x1B8D  }
0xb3: {  	_ =	swait.eq @p0 [sflag:s6], $0x1  }
0xb4: {  	[sflag:s6] =	ssyncadd.s32 @p0 $0xFFFFFFFF  }
0xb5: {  	s7 =	sshll.u32 @!p0 s1, $0xE  }
0xb6: {  	s7 =	sor.u32 @!p0 $0x4000, s7;
	s6 =	simm.s32 @!p0 $0x1B8D  }
0xb7: {  	s5 =	sshll.u32 @!p0 s5, $0x11;
	s7 =	sadd.s32 @!p0 $0x11B8D, s7;
	_ =	swait.eq @!p0 [sflag:s6], $0x1  }
0xb8: {  	s5 =	sor.u32 @!p0 s5, s7;
	[sflag:s6] =	ssyncadd.s32 @!p0 $0xFFFFFFFF  }
0xb9: {  	s25 =	simm.s32 $0x1B8E;
	s24 =	sld [smem:$0x3FFE];
	[sflag:s5] =	ssyncadd.remote.s32 @!p0 $0x1  }
0xba: {  	s26 =	simm.s32 $execute0_lowered;
	[smem:$0x3FD2] =	sst s25  }
0xbb: {  	s6 =	sshll.u32 s26, $0x1;
	_ =	strace $0x80000049;
	[dreg:$0x1] =	wrdreg $0xFFFFFFFF  }
0xbc: {  	s28 =	simm.s32 $_size_execute0_lowered;
	s4 =	sadd.s32 s4, s6;
	[dreg:$0x0] =	wrdreg $0x0  }
0xbd: {  	s6 =	sshll.u32 s28, $0x1;
	[dreg:$0x2] =	wrdreg s4  }
0xbe: {  	[dreg:$0x3] =	wrdreg s6  }
0xbf: {  	[dreg:$0x4] =	wrdreg $0xC0  }
0xc0: {  	_ =	task [dreg:s22], $0x5FFFF  }
0xc1: {  	[dreg:$0x1] =	wrdreg $0xFFFFFFFF  }
0xc2: {  	[dreg:$0x0] =	wrdreg $0x60  }
0xc3: {  	[dreg:$0x2] =	wrdreg s24  }
0xc4: {  	[dreg:$0x3] =	wrdreg s17  }
0xc5: {  	[dreg:$0x4] =	wrdreg $0x9  }
0xc6: {  	_ =	task.clear_ibuf [dreg:s22], $0x5FFFF;
	_ =	strace $0x90000049  }
0xc7: {  	s29 =	simm.s32 $0x9;
	_ =	strace $0x8000004B  }
0xc8: {  	_ =	swait.ge [sflag:s29], $0x1  }
0xc9: {  	[sflag:s29] =	ssyncadd.s32 $0xFFFFFFFF  }
0xca: {  	_ =	strace $0x9000004B  }
0xcb: {  	_ =	sfence  }
0xcc: {  	s30 =	sld [smem:$0x0];
	_ =	sdelay $0x2  }
0xcd: {  	s31 =	sshll.u32 s1, $0xD;
	s1 =	sshrl.u32 s1, $0x2  }
0xce: {  	s4 =	sand.u32 $0x4000, s31;
	s1 =	sadd.s32 s1, s30  }
0xcf: {  	s0 =	sor.u32 s4, s0;
	s1 =	sshll.u32 s1, $0x11  }
0xd0: {  	s0 =	sor.u32 s1, s0  }
0xd1: {  	s0 =	sadd.s32 $0x8F2B, s0  }
0xd2: {  	[sflag:s0] =	ssyncadd.remote.s32 $0x1  }
0xd3: {  	_ =	sfence.sel $0xFFFF  }
0xd4: {  	[dreg:$0x0] =	wrdreg $0xFFFFFFFF;
	(pc) =	sbr.abs _section_cstart, $3  }
0xd5: {  	[dreg:$0x1] =	wrdreg $0xFFFFFFFF  }
0xd6: {  	_ =	task.clear_ibuf [dreg:s22], $0x2FFFF;
	_ =	strace $0x9FFFFFFF  }
0xd7: {  	(tm) =	ssettm $0x7FFFFFFF  }
tec
execute0_lowered:
.L_overlay_start_1:
0x0: {  	(tag) =	ssettag $0x1  }
0x1: {  	s3 =	rddreg [dreg:$0x0]  }
0x2: {  	s5 =	rddreg [dreg:$0x1]  }
0x3: {  	s2 =	srdreg.scid;
	s1 =	stileid.u32  }
0x4: {  	s0 =	rddreg [dreg:$0x2];
	s9 =	simm.s32 $0x10000;
	s10 =	simm.s32 $0x0  }
0x5: {  	s4 =	sand.u32 $0x1, s2;
	s6 =	sshll.u32 s1, $0x1;
	s2 =	simm.s32 $0x0  }
0x6: {  	s6 =	sor.u32 s4, s6;
	s4 =	ssub.s32 $0x2, s4;
	[smem:$0x7FF] =	sst s2  }
0x7: {  	s7 =	sshll.u32 s6, $0xC;
	s8 =	sshrl.u32 s4, $0x1;
	_ =	strace $0x8000004A  }
0x8: {  	s6 =	sshll.u32 s6, $0x9;
	s7 =	sadd.s32 s7, s3;
	s8 =	ssub.s32 s4, s8  }
0x9: {  	v0 =	vimm.f32 $0.0e+00;
	s5 =	sadd.s32 s5, s6;
	s3 =	sadd.s32 $0x25C00, s7;
	s4 =	sadd.s32 $0x45C00, s7  }
0xa: {  	v1 =	vlaneseq.u32;
	v2 =	vimm.f32 $-Inf;
	v3 =	vimm.s32 $0x0;
	s6 =	smax.u32 s8, $0x1;
	s7 =	simm.s32 $0x1;
	s8 =	simm.s32 $0x8000  }
.LBB2_1:
0xb: {  	[tilespmem:s2], [sflag:$0x1] =	stream.linear.gather [hbm4b:s3+s2], $0x8000, $0x38;
	[tilespmem:$0x11000] =	vst v63  }
0xc: {  	_ =	swait.ge [sflag:s7], $0x8000  }
0xd: {  	[sflag:s7] =	ssyncset.done $0x0  }
0xe: {  	s11 =	simm.s32 $0x0;
	s12 =	simm.s32 $0x200;
	[sflag:s7] =	ssyncadd.s32 $0xFFFF8000  }
.LBB2_2:
0xf: {  	p0 =	sne.s32 s12, $0x1FE00;
	[tilespmem:s11+$0x8070] =	vst v0  }
0x10: {  	[tilespmem:s11+$0x8000] =	vst v0  }
0x11: {  	[tilespmem:s11+$0x8010] =	vst v0  }
.Ltmp0:
0x12: {  	[tilespmem:s11+$0x8020] =	vst v0;
	(pc) =	sbr.rel @p0 .LBB2_2-.Ltmp0, $4  }
0x13: {  	[tilespmem:s11+$0x8030] =	vst v0  }
0x14: {  	[tilespmem:s11+$0x8040] =	vst v0  }
0x15: {  	[tilespmem:s11+$0x8050] =	vst v0  }
0x16: {  	[tilespmem:s11+$0x8060] =	vst v0;
	s11 =	sshra.s32 s12, $0x2;
	s12 =	sadd.s32 $0x200, s12  }
0x17: {  	[tilespmem:s11+$0x8070] =	vst v0  }
0x18: {  	[tilespmem:s11+$0x8000] =	vst v0  }
0x19: {  	[tilespmem:s11+$0x8010] =	vst v0  }
0x1a: {  	[tilespmem:s11+$0x8020] =	vst v0  }
0x1b: {  	[tilespmem:s11+$0x8030] =	vst v0  }
0x1c: {  	[tilespmem:s11+$0x8040] =	vst v0  }
0x1d: {  	[tilespmem:s11+$0x8050] =	vst v0  }
0x1e: {  	[tilespmem:s11+$0x8060] =	vst v0;
	s11 =	simm.s32 $0x0;
	s12 =	simm.s32 $0x0  }
.LBB2_4:
0x1f: {  	v4 =	vld [tilespmem:s11+$0x0]  }
0x20: {  	s13 =	sand.u32 $0x1F0, s12  }
0x21: {  	v5 =	vld [tilespmem:s13+$0x200];
	_ =	sdelay $0x1  }
0x22: {  	v6 =	vld [tilespmem:s13+$0x400]  }
0x23: {  	vm0 =	vgt.f32 v4, $-Inf  }
0x24: {  	v7 =	vld [tilespmem:s13+$0x600];
	v4 =	vnsel vm0, $0xFF800000, v4  }
0x25: {  	vm1 =	vgt.f32 v5, v4  }
0x26: {  	v4 =	vsel vm1, v5, v4;
	v5 =	vld [tilespmem:s13+$0x800]  }
0x27: {  	v16 =	vld [tilespmem:s13+$0xA00];
	vm2 =	vgt.f32 v6, v4  }
0x28: {  	v8 =	vld [tilespmem:s13+$0x2000];
	v4 =	vsel vm2, v6, v4  }
0x29: {  	vm3 =	vgt.f32 v7, v4  }
0x2a: {  	v17 =	vld [tilespmem:s13+$0xC00];
	v4 =	vsel vm3, v7, v4  }
0x2b: {  	v9 =	vld [tilespmem:s13+$0xE00];
	vm4 =	vgt.f32 v5, v4  }
0x2c: {  	v4 =	vsel vm4, v5, v4;
	v5 =	vld [tilespmem:s13+$0x2200]  }
0x2d: {  	v10 =	vld [tilespmem:s13+$0x1000];
	vm14 =	vlt.f32 v8, $-Inf;
	vm6 =	vgt.f32 v8, $-Inf;
	vm5 =	vgt.f32 v16, v4  }
0x2e: {  	v18 =	vld [tilespmem:s13+$0x2400];
	vm0 =	vmor vm6, vm14;
	v4 =	vsel vm5, v16, v4  }
0x2f: {  	v11 =	vld [tilespmem:s13+$0x1200];
	v19 =	vnsel vm0, $0xFF800000, v8;
	v12 =	vsel vm1, $0x1, v3;
	vm7 =	vgt.f32 v17, v4  }
0x30: {  	v20 =	vld [tilespmem:s13+$0x2600];
	v33 =	vsel vm0, $0x10, v3;
	v12 =	vsel vm2, $0x2, v12;
	v4 =	vsel vm7, v17, v4  }
0x31: {  	v13 =	vld [tilespmem:s13+$0x1400];
	v22 =	vsel vm3, $0x3, v12;
	vm15 =	vgt.f32 v9, v4;
	vm1 =	vgt.f32 v5, v19  }
0x32: {  	v21 =	vld [tilespmem:s13+$0x2800];
	v4 =	vsel vm15, v9, v4;
	v5 =	vsel vm1, v5, v19;
	v9 =	vsel vm4, $0x4, v22  }
0x33: {  	v38 =	vld [tilespmem:s13+$0x4000];
	v34 =	vsel vm1, $0x11, v33;
	vm8 =	vgt.f32 v10, v4;
	vm2 =	vgt.f32 v18, v5  }
0x34: {  	v24 =	vld [tilespmem:s13+$0x2A00];
	v9 =	vsel vm5, $0x5, v9;
	v4 =	vsel vm8, v10, v4;
	v5 =	vsel vm2, v18, v5  }
0x35: {  	v23 =	vld [tilespmem:s13+$0x1600];
	v9 =	vsel vm7, $0x6, v9;
	vm10 =	vgt.f32 v11, v4;
	vm3 =	vgt.f32 v20, v5  }
0x36: {  	v26 =	vld [tilespmem:s13+$0x2C00];
	v9 =	vsel vm15, $0x7, v9;
	v4 =	vsel vm10, v11, v4;
	v5 =	vsel vm3, v20, v5  }
0x37: {  	v25 =	vld [tilespmem:s13+$0x1800];
	v9 =	vsel vm8, $0x8, v9;
	v11 =	vsel vm2, $0x12, v34;
	vm4 =	vgt.f32 v21, v5  }
0x38: {  	v28 =	vld [tilespmem:s13+$0x2E00];
	vm8 =	vlt.f32 v38, $-Inf;
	vm11 =	vgt.f32 v13, v4;
	v5 =	vsel vm4, v21, v5  }
0x39: {  	v27 =	vld [tilespmem:s13+$0x1A00];
	v9 =	vsel vm10, $0x9, v9;
	v4 =	vsel vm11, v13, v4;
	vm5 =	vgt.f32 v24, v5  }
0x3a: {  	v29 =	vld [tilespmem:s13+$0x3000];
	v11 =	vsel vm3, $0x13, v11;
	vm12 =	vgt.f32 v23, v4;
	v5 =	vsel vm5, v24, v5  }
0x3b: {  	v30 =	vld [tilespmem:s13+$0x1C00];
	v9 =	vsel vm11, $0xA, v9;
	v4 =	vsel vm12, v23, v4;
	vm14 =	vgt.f32 v26, v5  }
0x3c: {  	v31 =	vld [tilespmem:s13+$0x3200];
	v11 =	vsel vm4, $0x14, v11;
	vm13 =	vgt.f32 v25, v4;
	v5 =	vsel vm14, v26, v5  }
0x3d: {  	v32 =	vld [tilespmem:s13+$0x1E00];
	v9 =	vsel vm12, $0xB, v9;
	v4 =	vsel vm13, v25, v4;
	vm9 =	vgt.f32 v28, v5  }
0x3e: {  	v35 =	vld [tilespmem:s13+$0x3400];
	v11 =	vsel vm5, $0x15, v11;
	vm15 =	vgt.f32 v27, v4;
	v5 =	vsel vm9, v28, v5  }
0x3f: {  	v41 =	vld [tilespmem:s13+$0x6000];
	v9 =	vsel vm13, $0xC, v9;
	v4 =	vsel vm15, v27, v4;
	vm10 =	vgt.f32 v29, v5  }
0x40: {  	v11 =	vsel vm14, $0x16, v11;
	vm11 =	vgt.f32 v30, v4;
	v5 =	vsel vm10, v29, v5  }
0x41: {  	v36 =	vld [tilespmem:s13+$0x3600];
	v9 =	vsel vm15, $0xD, v9;
	v4 =	vsel vm11, v30, v4;
	vm12 =	vgt.f32 v31, v5  }
0x42: {  	v37 =	vld [tilespmem:s13+$0x3800];
	v9 =	vsel vm11, $0xE, v9;
	vm13 =	vgt.f32 v32, v4;
	v5 =	vsel vm12, v31, v5  }
0x43: {  	v39 =	vld [tilespmem:s13+$0x4200];
	v8 =	vsel vm13, v32, v4;
	v4 =	vsel vm9, $0x17, v11;
	v10 =	vsel vm13, $0xF, v9  }
0x44: {  	v14 =	vld [tilespmem:s13+$0x3A00];
	vm9 =	vgt.f32 v38, $-Inf;
	vm13 =	vgt.f32 v41, $-Inf;
	vm14 =	vgt.f32 v35, v5  }
0x45: {  	v15 =	vld [tilespmem:s13+$0x3C00];
	v4 =	vsel vm10, $0x18, v4;
	vm4 =	vmor vm9, vm8;
	v5 =	vsel vm14, v35, v5  }
0x46: {  	v40 =	vld [tilespmem:s13+$0x4400];
	v4 =	vsel vm12, $0x19, v4;
	v43 =	vnsel vm4, $0xFF800000, v38;
	vm12 =	vlt.f32 v41, $-Inf  }
0x47: {  	v16 =	vld [tilespmem:s13+$0x6200];
	v54 =	vsel vm4, $0x20, v3;
	vm15 =	vgt.f32 v36, v5;
	v4 =	vsel vm14, $0x1A, v4  }
0x48: {  	v42 =	vld [tilespmem:s13+$0x3E00];
	vm5 =	vgt.f32 v39, v43;
	vm0 =	vmor vm13, vm12;
	v5 =	vsel vm15, v36, v5  }
0x49: {  	v44 =	vld [tilespmem:s13+$0x4600];
	v4 =	vsel vm15, $0x1B, v4;
	v6 =	vsel vm5, v39, v43;
	vm10 =	vgt.f32 v37, v5  }
0x4a: {  	v46 =	vld [tilespmem:s13+$0x6400];
	v11 =	vnsel vm0, $0xFF800000, v41;
	v9 =	vsel vm5, $0x21, v54;
	v5 =	vsel vm10, v37, v5  }
0x4b: {  	v23 =	vsel vm0, $0x30, v3;
	vm6 =	vgt.f32 v40, v6;
	vm11 =	vgt.f32 v14, v5  }
0x4c: {  	v17 =	vld [tilespmem:s13+$0x6600];
	vm1 =	vgt.f32 v16, v11;
	v4 =	vsel vm10, $0x1C, v4;
	v5 =	vsel vm11, v14, v5  }
0x4d: {  	v45 =	vld [tilespmem:s13+$0x4800];
	v6 =	vsel vm6, v40, v6;
	v49 =	vsel vm1, v16, v11;
	vm14 =	vgt.f32 v15, v5  }
0x4e: {  	v50 =	vld [tilespmem:s13+$0x6800];
	v9 =	vsel vm6, $0x22, v9;
	v13 =	vsel vm1, $0x31, v23;
	v5 =	vsel vm14, v15, v5  }
0x4f: {  	v47 =	vld [tilespmem:s13+$0x4A00];
	vm15 =	vgt.f32 v44, v6;
	vm2 =	vgt.f32 v46, v49;
	vm13 =	vgt.f32 v42, v5  }
0x50: {  	v52 =	vld [tilespmem:s13+$0x6A00];
	v4 =	vsel vm11, $0x1D, v4;
	v11 =	vsel vm13, v42, v5;
	v5 =	vsel vm2, v46, v49  }
0x51: {  	v48 =	vld [tilespmem:s13+$0x4C00];
	v6 =	vsel vm15, v44, v6;
	v9 =	vsel vm15, $0x23, v9;
	vm3 =	vgt.f32 v17, v5  }
0x52: {  	v55 =	vld [tilespmem:s13+$0x6C00];
	v13 =	vsel vm2, $0x32, v13;
	vm12 =	vgt.f32 v45, v6;
	v5 =	vsel vm3, v17, v5  }
0x53: {  	v51 =	vld [tilespmem:s13+$0x4E00];
	v4 =	vsel vm14, $0x1E, v4;
	v6 =	vsel vm12, v45, v6;
	vm4 =	vgt.f32 v50, v5  }
0x54: {  	v57 =	vld [tilespmem:s13+$0x6E00];
	v9 =	vsel vm12, $0x24, v9;
	vm9 =	vgt.f32 v47, v6;
	v5 =	vsel vm4, v50, v5  }
0x55: {  	v53 =	vld [tilespmem:s13+$0x5000];
	v12 =	vsel vm13, $0x1F, v4;
	v4 =	vsel vm9, v47, v6;
	vm5 =	vgt.f32 v52, v5  }
0x56: {  	v59 =	vld [tilespmem:s13+$0x7000];
	v9 =	vsel vm9, $0x25, v9;
	vm10 =	vgt.f32 v48, v4;
	v5 =	vsel vm5, v52, v5  }
0x57: {  	v56 =	vld [tilespmem:s13+$0x5200];
	v4 =	vsel vm10, v48, v4;
	v9 =	vsel vm10, $0x26, v9;
	vm6 =	vgt.f32 v55, v5  }
0x58: {  	v61 =	vld [tilespmem:s13+$0x7200];
	v13 =	vsel vm3, $0x33, v13;
	vm11 =	vgt.f32 v51, v4;
	v5 =	vsel vm6, v55, v5  }
0x59: {  	v58 =	vld [tilespmem:s13+$0x5400];
	v4 =	vsel vm11, v51, v4;
	v9 =	vsel vm11, $0x27, v9;
	vm7 =	vgt.f32 v57, v5  }
0x5a: {  	v63 =	vld [tilespmem:s13+$0x7400];
	v13 =	vsel vm4, $0x34, v13;
	vm14 =	vgt.f32 v53, v4;
	v5 =	vsel vm7, v57, v5  }
0x5b: {  	v60 =	vld [tilespmem:s13+$0x5600];
	v4 =	vsel vm14, v53, v4;
	v9 =	vsel vm14, $0x28, v9;
	vm8 =	vgt.f32 v59, v5  }
0x5c: {  	v21 =	vld [tilespmem:s13+$0x7600];
	v13 =	vsel vm5, $0x35, v13;
	vm15 =	vgt.f32 v56, v4;
	v5 =	vsel vm8, v59, v5  }
0x5d: {  	v62 =	vld [tilespmem:s13+$0x5800];
	v4 =	vsel vm15, v56, v4;
	v9 =	vsel vm15, $0x29, v9;
	vm0 =	vgt.f32 v61, v5  }
0x5e: {  	v24 =	vld [tilespmem:s13+$0x7800];
	v13 =	vsel vm6, $0x36, v13;
	vm12 =	vgt.f32 v58, v4;
	v5 =	vsel vm0, v61, v5  }
0x5f: {  	v22 =	vld [tilespmem:s13+$0x5A00];
	v4 =	vsel vm12, v58, v4;
	v20 =	vsel vm12, $0x2A, v9;
	vm15 =	vgt.f32 v63, v5  }
0x60: {  	v26 =	vld [tilespmem:s13+$0x7A00];
	v13 =	vsel vm7, $0x37, v13;
	vm13 =	vgt.f32 v60, v4;
	v5 =	vsel vm15, v63, v5  }
0x61: {  	v25 =	vld [tilespmem:s13+$0x5C00];
	vm7 =	vgt.f32 v11, v8;
	v4 =	vsel vm13, v60, v4;
	vm9 =	vgt.f32 v21, v5  }
0x62: {  	v27 =	vld [tilespmem:s13+$0x7C00];
	v6 =	vsel vm7, v11, v8;
	vm14 =	vgt.f32 v62, v4;
	v5 =	vsel vm9, v21, v5  }
0x63: {  	v28 =	vld [tilespmem:s13+$0x5E00];
	v7 =	vsel vm13, $0x2B, v20;
	v4 =	vsel vm14, v62, v4;
	vm11 =	vgt.f32 v24, v5  }
0x64: {  	v29 =	vld [tilespmem:s13+$0x7E00];
	v13 =	vsel vm8, $0x38, v13;
	vm10 =	vgt.f32 v22, v4;
	v5 =	vsel vm11, v24, v5  }
0x65: {  	v7 =	vsel vm14, $0x2C, v7;
	v4 =	vsel vm10, v22, v4;
	vm13 =	vgt.f32 v26, v5  }
0x66: {  	v13 =	vsel vm0, $0x39, v13;
	vm12 =	vgt.f32 v25, v4;
	v5 =	vsel vm13, v26, v5  }
0x67: {  	v13 =	vsel vm15, $0x3A, v13;
	v4 =	vsel vm12, v25, v4;
	vm14 =	vgt.f32 v27, v5  }
0x68: {  	v30 =	vsel vm9, $0x3B, v13;
	vm15 =	vgt.f32 v28, v4;
	v5 =	vsel vm14, v27, v5  }
0x69: {  	v13 =	vsel vm15, v28, v4;
	v4 =	vsel vm11, $0x3C, v30;
	vm6 =	vgt.f32 v29, v5  }
0x6a: {  	v7 =	vsel vm10, $0x2D, v7;
	v4 =	vsel vm13, $0x3D, v4;
	v15 =	vsel vm6, v29, v5  }
0x6b: {  	v7 =	vsel vm12, $0x2E, v7;
	v4 =	vsel vm14, $0x3E, v4;
	vm8 =	vgt.f32 v15, v13  }
0x6c: {  	v14 =	vsel vm15, $0x2F, v7;
	v16 =	vsel vm6, $0x3F, v4;
	v7 =	vsel vm8, v15, v13  }
0x6d: {  	v4 =	vsel vm7, v12, v10;
	v5 =	vsel vm8, v16, v14;
	vm9 =	vgt.f32 v7, v6  }
0x6e: {  	v4 =	vsel vm9, v5, v4  }
0x6f: {  	v5 =	vor.u32 s12, v1;
	v32 =	vshll.u32 v4, $0x9;
	v33 =	vand.u32 $0xFFFFFFF0, v4  }
0x70: {  	v31 =	vimm.s32 $0x0;
	v18 =	vadd.s32 v5, v32;
	v34 =	vshll.u32 v33, $0x9  }
0x71: {  	v9 =	vsel vm9, $0xFFFFFFFF, v31;
	v19 =	vadd.s32 v5, v34  }
0x72: {  	[tilespmem:$0x1FF60] =	vst v9;
	v9 =	vand.u32 $0x7F, v5;
	v20 =	vand.u32 $0x7FFFE180, v19  }
0x73: {  	v20 =	vor.u32 v9, v20  }
0x74: {  	v21 =	vor.u32 $0x200, v20  }
0x75: {  	[tilespmem:v18+s2+$0x0] =	vst.idx.msk $0xffff, v2  }
0x76: {  	v35 =	vor.u32 $0x400, v20;
	v18 =	vld.idx.msk [tilespmem:v19+s2+$0x0], $0xffff;
	_ =	sdelay $0x1  }
0x77: {  	v22 =	vor.u32 $0x600, v20  }
0x78: {  	v21 =	vld.idx.msk [tilespmem:v21+s2+$0x0], $0xffff  }
0x79: {  	v23 =	vor.u32 $0x800, v20  }
0x7a: {  	v19 =	vld.idx.msk [tilespmem:v35+s2+$0x0], $0xffff;
	vm10 =	vlt.f32 v18, $-Inf;
	vm11 =	vgt.f32 v18, $-Inf  }
0x7b: {  	v24 =	vor.u32 $0xA00, v20;
	vm1 =	vmor vm11, vm10  }
0x7c: {  	v22 =	vld.idx.msk [tilespmem:v22+s2+$0x0], $0xffff;
	v18 =	vnsel vm1, $0xFF800000, v18  }
0x7d: {  	v25 =	vor.u32 $0xC00, v20;
	vm12 =	vgt.f32 v21, v18  }
0x7e: {  	v36 =	vld.idx.msk [tilespmem:v23+s2+$0x0], $0xffff;
	v18 =	vsel vm12, v21, v18  }
0x7f: {  	v37 =	vor.u32 $0xE00, v20;
	vm13 =	vgt.f32 v19, v18  }
0x80: {  	v38 =	vld.idx.msk [tilespmem:v24+s2+$0x0], $0xffff;
	v18 =	vsel vm13, v19, v18  }
0x81: {  	v39 =	vor.u32 $0x1000, v20;
	vm14 =	vgt.f32 v22, v18  }
0x82: {  	v40 =	vld.idx.msk [tilespmem:v25+s2+$0x0], $0xffff;
	v18 =	vsel vm14, v22, v18  }
0x83: {  	v41 =	vor.u32 $0x1200, v20;
	vm15 =	vgt.f32 v36, v18  }
0x84: {  	v42 =	vld.idx.msk [tilespmem:v37+s2+$0x0], $0xffff;
	v18 =	vsel vm15, v36, v18  }
0x85: {  	v43 =	vor.u32 $0x1400, v20;
	vm8 =	vgt.f32 v38, v18  }
0x86: {  	v28 =	vshrl.u32 v4, $0x4;
	v44 =	vld.idx.msk [tilespmem:v39+s2+$0x0], $0xffff;
	v18 =	vsel vm8, v38, v18  }
0x87: {  	v31 =	vor.u32 $0xF, v4;
	v27 =	vor.u32 $0x1600, v20;
	vm9 =	vgt.f32 v40, v18  }
0x88: {  	v45 =	vor.u32 $0x1, v33;
	v47 =	vor.u32 $0x2, v33;
	v46 =	vld.idx.msk [tilespmem:v41+s2+$0x0], $0xffff;
	v18 =	vsel vm9, v40, v18  }
0x89: {  	v50 =	vor.u32 $0x3, v33;
	v48 =	vor.u32 $0x1800, v20;
	vm10 =	vgt.f32 v42, v18  }
0x8a: {  	v53 =	vor.u32 $0x4, v33;
	v56 =	vor.u32 $0x5, v33;
	v49 =	vld.idx.msk [tilespmem:v43+s2+$0x0], $0xffff;
	v18 =	vsel vm10, v42, v18  }
0x8b: {  	v51 =	vor.u32 $0x1A00, v20;
	v26 =	vnsel vm1, $0x0, v33;
	vm11 =	vgt.f32 v44, v18  }
0x8c: {  	v57 =	vor.u32 $0x6, v33;
	v52 =	vld.idx.msk [tilespmem:v27+s2+$0x0], $0xffff;
	v24 =	vsel vm12, v45, v26;
	v18 =	vsel vm11, v44, v18  }
0x8d: {  	v54 =	vor.u32 $0x1C00, v20;
	v24 =	vsel vm13, v47, v24;
	vm12 =	vgt.f32 v46, v18  }
0x8e: {  	v59 =	vor.u32 $0x7, v33;
	v55 =	vld.idx.msk [tilespmem:v48+s2+$0x0], $0xffff;
	v23 =	vsel vm14, v50, v24;
	v18 =	vsel vm12, v46, v18  }
0x8f: {  	v20 =	vor.u32 $0x1E00, v20;
	v23 =	vsel vm15, v53, v23;
	vm13 =	vgt.f32 v49, v18  }
0x90: {  	v60 =	vor.u32 $0x8, v33;
	v58 =	vld.idx.msk [tilespmem:v51+s2+$0x0], $0xffff;
	v23 =	vsel vm8, v56, v23;
	v18 =	vsel vm13, v49, v18  }
0x91: {  	v62 =	vor.u32 $0x9, v33;
	v23 =	vsel vm9, v57, v23;
	vm14 =	vgt.f32 v52, v18  }
0x92: {  	v63 =	vor.u32 $0xA, v33;
	v61 =	vld.idx.msk [tilespmem:v54+s2+$0x0], $0xffff;
	v23 =	vsel vm10, v59, v23;
	v18 =	vsel vm14, v52, v18  }
0x93: {  	v30 =	vor.u32 $0xD, v33;
	v23 =	vsel vm11, v60, v23;
	vm15 =	vgt.f32 v55, v18  }
0x94: {  	v17 =	vor.u32 $0xE, v33;
	v20 =	vld.idx.msk [tilespmem:v20+s2+$0x0], $0xffff;
	v23 =	vsel vm12, v62, v23;
	v18 =	vsel vm15, v55, v18  }
0x95: {  	v26 =	vor.u32 $0xB, v33;
	v25 =	vsel vm13, v63, v23;
	vm4 =	vgt.f32 v58, v18  }
0x96: {  	v27 =	vor.u32 $0xC, v33;
	v22 =	vsel vm14, v26, v25;
	v18 =	vsel vm4, v58, v18  }
0x97: {  	vm7 =	veq.s32 v28, $0x0;
	v29 =	vsel vm15, v27, v22;
	vm5 =	vgt.f32 v61, v18  }
0x98: {  	vm8 =	veq.s32 v28, $0x1;
	v21 =	vsel vm4, v30, v29;
	v18 =	vsel vm5, v61, v18  }
0x99: {  	vm9 =	veq.s32 v28, $0x2;
	v17 =	vsel vm5, v17, v21;
	vm6 =	vgt.f32 v20, v18  }
0x9a: {  	vm10 =	veq.s32 v28, $0x3;
	v18 =	vsel vm6, v20, v18;
	v17 =	vsel vm6, v31, v17  }
0x9b: {  	v19 =	vsel vm7, v18, v8;
	v20 =	vsel vm7, v17, v10;
	v21 =	vsel vm8, v18, v11  }
0x9c: {  	v12 =	vsel vm8, v17, v12;
	v13 =	vsel vm9, v18, v13;
	v15 =	vsel vm10, v18, v15  }
0x9d: {  	v14 =	vsel vm9, v17, v14;
	vm11 =	vgt.f32 v21, v19;
	vm12 =	vgt.f32 v15, v13  }
0x9e: {  	v16 =	vsel vm10, v17, v16;
	v10 =	vsel vm11, v21, v19;
	v11 =	vsel vm12, v15, v13  }
0x9f: {  	v32 =	vsel vm11, v12, v20;
	v17 =	vsel vm12, v16, v14;
	vm9 =	vgt.f32 v11, v10  }
0xa0: {  	v8 =	vsel vm9, v17, v32  }
0xa1: {  	v17 =	vshll.u32 v8, $0x9;
	v18 =	vand.u32 $0xFFFFFFF0, v8  }
0xa2: {  	v17 =	vadd.s32 v5, v17;
	v33 =	vshll.u32 v18, $0x9  }
0xa3: {  	v22 =	vadd.s32 v5, v33  }
0xa4: {  	v34 =	vand.u32 $0x7FFFE180, v22  }
0xa5: {  	v23 =	vor.u32 v9, v34  }
0xa6: {  	v35 =	vor.u32 $0x200, v23  }
0xa7: {  	[tilespmem:v17+s2+$0x0] =	vst.idx.msk $0xffff, v2  }
0xa8: {  	v36 =	vor.u32 $0x400, v23;
	v17 =	vld.idx.msk [tilespmem:v22+s2+$0x0], $0xffff;
	_ =	sdelay $0x1  }
0xa9: {  	v37 =	vor.u32 $0x600, v23  }
0xaa: {  	v24 =	vld.idx.msk [tilespmem:v35+s2+$0x0], $0xffff  }
0xab: {  	v38 =	vor.u32 $0x800, v23  }
0xac: {  	v22 =	vld.idx.msk [tilespmem:v36+s2+$0x0], $0xffff;
	vm13 =	vlt.f32 v17, $-Inf;
	vm14 =	vgt.f32 v17, $-Inf  }
0xad: {  	v39 =	vor.u32 $0xA00, v23;
	vm1 =	vmor vm14, vm13  }
0xae: {  	v25 =	vld.idx.msk [tilespmem:v37+s2+$0x0], $0xffff;
	v17 =	vnsel vm1, $0xFF800000, v17  }
0xaf: {  	v40 =	vor.u32 $0xC00, v23;
	vm15 =	vgt.f32 v24, v17  }
0xb0: {  	v41 =	vld.idx.msk [tilespmem:v38+s2+$0x0], $0xffff;
	v17 =	vsel vm15, v24, v17  }
0xb1: {  	v42 =	vor.u32 $0xE00, v23;
	vm8 =	vgt.f32 v22, v17  }
0xb2: {  	v43 =	vld.idx.msk [tilespmem:v39+s2+$0x0], $0xffff;
	v17 =	vsel vm8, v22, v17  }
0xb3: {  	v44 =	vor.u32 $0x1000, v23;
	vm10 =	vgt.f32 v25, v17  }
0xb4: {  	v45 =	vld.idx.msk [tilespmem:v40+s2+$0x0], $0xffff;
	v17 =	vsel vm10, v25, v17  }
0xb5: {  	v46 =	vor.u32 $0x1200, v23;
	vm11 =	vgt.f32 v41, v17  }
0xb6: {  	v47 =	vld.idx.msk [tilespmem:v42+s2+$0x0], $0xffff;
	v17 =	vsel vm11, v41, v17  }
0xb7: {  	v48 =	vor.u32 $0x1400, v23;
	vm12 =	vgt.f32 v43, v17  }
0xb8: {  	v31 =	vshrl.u32 v8, $0x4;
	v50 =	vor.u32 $0x1, v18;
	v49 =	vld.idx.msk [tilespmem:v44+s2+$0x0], $0xffff;
	v17 =	vsel vm12, v43, v17  }
0xb9: {  	v52 =	vor.u32 $0x2, v18;
	v30 =	vor.u32 $0x1600, v23;
	vm13 =	vgt.f32 v45, v17  }
0xba: {  	v55 =	vor.u32 $0x3, v18;
	v58 =	vor.u32 $0x4, v18;
	v51 =	vld.idx.msk [tilespmem:v46+s2+$0x0], $0xffff;
	v17 =	vsel vm13, v45, v17  }
0xbb: {  	v61 =	vor.u32 $0x5, v18;
	v53 =	vor.u32 $0x1800, v23;
	vm14 =	vgt.f32 v47, v17  }
0xbc: {  	v62 =	vor.u32 $0x6, v18;
	v54 =	vld.idx.msk [tilespmem:v48+s2+$0x0], $0xffff;
	v29 =	vnsel vm1, $0x0, v18;
	v17 =	vsel vm14, v47, v17  }
0xbd: {  	v56 =	vor.u32 $0x1A00, v23;
	v27 =	vsel vm15, v50, v29;
	vm15 =	vgt.f32 v49, v17  }
0xbe: {  	v32 =	vor.u32 $0x7, v18;
	vm4 =	veq.s32 v31, $0x0;
	v57 =	vld.idx.msk [tilespmem:v30+s2+$0x0], $0xffff;
	v17 =	vsel vm15, v49, v17  }
0xbf: {  	v59 =	vor.u32 $0x1C00, v23;
	v27 =	vsel vm8, v52, v27;
	vm8 =	vgt.f32 v51, v17  }
0xc0: {  	vm5 =	veq.s32 v31, $0x1;
	v60 =	vld.idx.msk [tilespmem:v53+s2+$0x0], $0xffff;
	v26 =	vsel vm10, v55, v27;
	v17 =	vsel vm8, v51, v17  }
0xc1: {  	v23 =	vor.u32 $0x1E00, v23;
	v26 =	vsel vm11, v58, v26;
	vm10 =	vgt.f32 v54, v17  }
0xc2: {  	vm6 =	veq.s32 v31, $0x2;
	v63 =	vld.idx.msk [tilespmem:v56+s2+$0x0], $0xffff;
	v26 =	vsel vm12, v61, v26;
	v17 =	vsel vm10, v54, v17  }
0xc3: {  	vm7 =	veq.s32 v31, $0x3;
	v26 =	vsel vm13, v62, v26;
	vm11 =	vgt.f32 v57, v17  }
0xc4: {  	v33 =	vor.u32 $0x8, v18;
	v34 =	vld.idx.msk [tilespmem:v59+s2+$0x0], $0xffff;
	v26 =	vsel vm14, v32, v26;
	v17 =	vsel vm11, v57, v17  }
0xc5: {  	v35 =	vor.u32 $0x9, v18;
	v26 =	vsel vm15, v33, v26;
	vm12 =	vgt.f32 v60, v17  }
0xc6: {  	v36 =	vor.u32 $0xA, v18;
	v23 =	vld.idx.msk [tilespmem:v23+s2+$0x0], $0xffff;
	v26 =	vsel vm8, v35, v26;
	v17 =	vsel vm12, v60, v17  }
0xc7: {  	v38 =	vor.u32 $0xB, v18;
	v37 =	vsel vm10, v36, v26;
	vm13 =	vgt.f32 v63, v17  }
0xc8: {  	v39 =	vor.u32 $0xC, v18;
	v25 =	vsel vm11, v38, v37;
	v17 =	vsel vm13, v63, v17  }
0xc9: {  	v41 =	vor.u32 $0xD, v18;
	v40 =	vsel vm12, v39, v25;
	vm14 =	vgt.f32 v34, v17  }
0xca: {  	v18 =	vor.u32 $0xE, v18;
	v24 =	vsel vm13, v41, v40;
	v17 =	vsel vm14, v34, v17  }
0xcb: {  	v42 =	vor.u32 $0xF, v8;
	v18 =	vsel vm14, v18, v24;
	vm15 =	vgt.f32 v23, v17  }
0xcc: {  	v43 =	vimm.s32 $0x0;
	v17 =	vsel vm15, v23, v17;
	v18 =	vsel vm15, v42, v18  }
0xcd: {  	v19 =	vsel vm4, v17, v19;
	v20 =	vsel vm4, v18, v20;
	v21 =	vsel vm5, v17, v21  }
0xce: {  	v22 =	vsel vm5, v18, v12;
	v23 =	vsel vm6, v17, v13;
	v15 =	vsel vm7, v17, v15  }
0xcf: {  	v17 =	vsel vm6, v18, v14;
	vm8 =	vgt.f32 v21, v19;
	vm10 =	vgt.f32 v15, v23  }
0xd0: {  	v16 =	vsel vm7, v18, v16;
	v13 =	vsel vm8, v21, v19;
	v14 =	vsel vm10, v15, v23  }
0xd1: {  	v12 =	vsel vm8, v22, v20;
	v18 =	vsel vm10, v16, v17;
	vm11 =	vgt.f32 v14, v13  }
0xd2: {  	v24 =	vsel vm11, $0xFFFFFFFF, v43;
	v12 =	vsel vm11, v18, v12  }
0xd3: {  	[tilespmem:$0x1FF70] =	vst v24;
	v18 =	vshll.u32 v12, $0x9;
	v24 =	vand.u32 $0xFFFFFFF0, v12  }
0xd4: {  	v18 =	vadd.s32 v5, v18;
	v44 =	vshll.u32 v24, $0x9  }
0xd5: {  	v25 =	vadd.s32 v5, v44  }
0xd6: {  	v45 =	vand.u32 $0x7FFFE180, v25  }
0xd7: {  	v26 =	vor.u32 v9, v45  }
0xd8: {  	v46 =	vor.u32 $0x200, v26  }
0xd9: {  	[tilespmem:v18+s2+$0x0] =	vst.idx.msk $0xffff, v2  }
0xda: {  	v47 =	vor.u32 $0x400, v26;
	v18 =	vld.idx.msk [tilespmem:v25+s2+$0x0], $0xffff;
	_ =	sdelay $0x1  }
0xdb: {  	v48 =	vor.u32 $0x600, v26  }
0xdc: {  	v27 =	vld.idx.msk [tilespmem:v46+s2+$0x0], $0xffff  }
0xdd: {  	v49 =	vor.u32 $0x800, v26  }
0xde: {  	v25 =	vld.idx.msk [tilespmem:v47+s2+$0x0], $0xffff;
	vm12 =	vlt.f32 v18, $-Inf;
	vm13 =	vgt.f32 v18, $-Inf  }
0xdf: {  	v50 =	vor.u32 $0xA00, v26;
	vm1 =	vmor vm13, vm12  }
0xe0: {  	v28 =	vld.idx.msk [tilespmem:v48+s2+$0x0], $0xffff;
	v18 =	vnsel vm1, $0xFF800000, v18  }
0xe1: {  	v51 =	vor.u32 $0xC00, v26;
	vm14 =	vgt.f32 v27, v18  }
0xe2: {  	v52 =	vld.idx.msk [tilespmem:v49+s2+$0x0], $0xffff;
	v18 =	vsel vm14, v27, v18  }
0xe3: {  	v53 =	vor.u32 $0xE00, v26;
	vm15 =	vgt.f32 v25, v18  }
0xe4: {  	v54 =	vld.idx.msk [tilespmem:v50+s2+$0x0], $0xffff;
	v18 =	vsel vm15, v25, v18  }
0xe5: {  	v55 =	vor.u32 $0x1000, v26;
	vm8 =	vgt.f32 v28, v18  }
0xe6: {  	v56 =	vld.idx.msk [tilespmem:v51+s2+$0x0], $0xffff;
	v18 =	vsel vm8, v28, v18  }
0xe7: {  	v57 =	vor.u32 $0x1200, v26;
	vm10 =	vgt.f32 v52, v18  }
0xe8: {  	v58 =	vld.idx.msk [tilespmem:v53+s2+$0x0], $0xffff;
	v18 =	vsel vm10, v52, v18  }
0xe9: {  	v59 =	vor.u32 $0x1400, v26;
	vm11 =	vgt.f32 v54, v18  }
0xea: {  	v34 =	vshrl.u32 v12, $0x4;
	v60 =	vld.idx.msk [tilespmem:v55+s2+$0x0], $0xffff;
	v18 =	vsel vm11, v54, v18  }
0xeb: {  	v61 =	vor.u32 $0x1, v24;
	v33 =	vor.u32 $0x1600, v26;
	vm12 =	vgt.f32 v56, v18  }
0xec: {  	v63 =	vor.u32 $0x2, v24;
	v38 =	vor.u32 $0x3, v24;
	v62 =	vld.idx.msk [tilespmem:v57+s2+$0x0], $0xffff;
	v18 =	vsel vm12, v56, v18  }
0xed: {  	v41 =	vor.u32 $0x4, v24;
	v36 =	vor.u32 $0x1800, v26;
	vm13 =	vgt.f32 v58, v18  }
0xee: {  	vm4 =	veq.s32 v34, $0x1;
	v37 =	vld.idx.msk [tilespmem:v59+s2+$0x0], $0xffff;
	v32 =	vnsel vm1, $0x0, v24;
	v18 =	vsel vm13, v58, v18  }
0xef: {  	v39 =	vor.u32 $0x1A00, v26;
	v30 =	vsel vm14, v61, v32;
	vm14 =	vgt.f32 v60, v18  }
0xf0: {  	vm5 =	veq.s32 v34, $0x2;
	vm6 =	veq.s32 v34, $0x3;
	v40 =	vld.idx.msk [tilespmem:v33+s2+$0x0], $0xffff;
	v18 =	vsel vm14, v60, v18  }
0xf1: {  	v42 =	vor.u32 $0x1C00, v26;
	v30 =	vsel vm15, v63, v30;
	vm15 =	vgt.f32 v62, v18  }
0xf2: {  	v44 =	vor.u32 $0x5, v24;
	v43 =	vld.idx.msk [tilespmem:v36+s2+$0x0], $0xffff;
	v29 =	vsel vm8, v38, v30;
	v18 =	vsel vm15, v62, v18  }
0xf3: {  	v26 =	vor.u32 $0x1E00, v26;
	v29 =	vsel vm10, v41, v29;
	vm8 =	vgt.f32 v37, v18  }
0xf4: {  	v45 =	vor.u32 $0x6, v24;
	v46 =	vld.idx.msk [tilespmem:v39+s2+$0x0], $0xffff;
	v29 =	vsel vm11, v44, v29;
	v18 =	vsel vm8, v37, v18  }
0xf5: {  	v47 =	vor.u32 $0x7, v24;
	v29 =	vsel vm12, v45, v29;
	vm10 =	vgt.f32 v40, v18  }
0xf6: {  	v48 =	vor.u32 $0x8, v24;
	v49 =	vld.idx.msk [tilespmem:v42+s2+$0x0], $0xffff;
	v29 =	vsel vm13, v47, v29;
	v18 =	vsel vm10, v40, v18  }
0xf7: {  	v50 =	vor.u32 $0x9, v24;
	v29 =	vsel vm14, v48, v29;
	vm11 =	vgt.f32 v43, v18  }
0xf8: {  	v51 =	vor.u32 $0xA, v24;
	v26 =	vld.idx.msk [tilespmem:v26+s2+$0x0], $0xffff;
	v29 =	vsel vm15, v50, v29;
	v18 =	vsel vm11, v43, v18  }
0xf9: {  	v53 =	vor.u32 $0xB, v24;
	v52 =	vsel vm8, v51, v29;
	vm12 =	vgt.f32 v46, v18  }
0xfa: {  	v54 =	vor.u32 $0xC, v24;
	v28 =	vsel vm10, v53, v52;
	v18 =	vsel vm12, v46, v18  }
0xfb: {  	v56 =	vor.u32 $0xD, v24;
	v55 =	vsel vm11, v54, v28;
	vm13 =	vgt.f32 v49, v18  }
0xfc: {  	v24 =	vor.u32 $0xE, v24;
	v27 =	vsel vm12, v56, v55;
	v18 =	vsel vm13, v49, v18  }
0xfd: {  	v57 =	vor.u32 $0xF, v12;
	v24 =	vsel vm13, v24, v27;
	vm14 =	vgt.f32 v26, v18  }
0xfe: {  	vm15 =	veq.s32 v34, $0x0;
	v18 =	vsel vm14, v26, v18;
	v24 =	vsel vm14, v57, v24  }
0xff: {  	v19 =	vsel vm15, v18, v19;
	v20 =	vsel vm15, v24, v20;
	v21 =	vsel vm4, v18, v21  }
0x100: {  	v22 =	vsel vm4, v24, v22;
	v23 =	vsel vm5, v18, v23;
	v25 =	vsel vm6, v18, v15  }
0x101: {  	v26 =	vsel vm5, v24, v17;
	vm7 =	vgt.f32 v21, v19;
	vm8 =	vgt.f32 v25, v23  }
0x102: {  	v16 =	vsel vm6, v24, v16;
	v17 =	vsel vm7, v21, v19;
	v18 =	vsel vm8, v25, v23  }
0x103: {  	v58 =	vsel vm7, v22, v20;
	v24 =	vsel vm8, v16, v26;
	vm8 =	vgt.f32 v18, v17  }
0x104: {  	v15 =	vsel vm8, v24, v58  }
0x105: {  	v24 =	vshll.u32 v15, $0x9;
	v27 =	vand.u32 $0xFFFFFFF0, v15  }
0x106: {  	v24 =	vadd.s32 v5, v24;
	v59 =	vshll.u32 v27, $0x9  }
0x107: {  	v28 =	vadd.s32 v5, v59  }
0x108: {  	v60 =	vand.u32 $0x7FFFE180, v28  }
0x109: {  	v29 =	vor.u32 v9, v60  }
0x10a: {  	v61 =	vor.u32 $0x200, v29  }
0x10b: {  	[tilespmem:v24+s2+$0x0] =	vst.idx.msk $0xffff, v2  }
0x10c: {  	v62 =	vor.u32 $0x400, v29;
	v24 =	vld.idx.msk [tilespmem:v28+s2+$0x0], $0xffff;
	_ =	sdelay $0x1  }
0x10d: {  	v63 =	vor.u32 $0x600, v29  }
0x10e: {  	v30 =	vld.idx.msk [tilespmem:v61+s2+$0x0], $0xffff  }
0x10f: {  	v36 =	vor.u32 $0x800, v29  }
0x110: {  	v28 =	vld.idx.msk [tilespmem:v62+s2+$0x0], $0xffff;
	vm10 =	vlt.f32 v24, $-Inf;
	vm11 =	vgt.f32 v24, $-Inf  }
0x111: {  	v37 =	vor.u32 $0xA00, v29;
	vm1 =	vmor vm11, vm10  }
0x112: {  	v31 =	vld.idx.msk [tilespmem:v63+s2+$0x0], $0xffff;
	v24 =	vnsel vm1, $0xFF800000, v24  }
0x113: {  	v38 =	vor.u32 $0xC00, v29;
	vm12 =	vgt.f32 v30, v24  }
0x114: {  	v39 =	vld.idx.msk [tilespmem:v36+s2+$0x0], $0xffff;
	v24 =	vsel vm12, v30, v24  }
0x115: {  	v40 =	vor.u32 $0xE00, v29;
	vm13 =	vgt.f32 v28, v24  }
0x116: {  	v41 =	vld.idx.msk [tilespmem:v37+s2+$0x0], $0xffff;
	v24 =	vsel vm13, v28, v24  }
0x117: {  	v42 =	vor.u32 $0x1000, v29;
	vm14 =	vgt.f32 v31, v24  }
0x118: {  	v43 =	vld.idx.msk [tilespmem:v38+s2+$0x0], $0xffff;
	v24 =	vsel vm14, v31, v24  }
0x119: {  	v44 =	vor.u32 $0x1200, v29;
	vm15 =	vgt.f32 v39, v24  }
0x11a: {  	v45 =	vld.idx.msk [tilespmem:v40+s2+$0x0], $0xffff;
	v24 =	vsel vm15, v39, v24  }
0x11b: {  	v46 =	vor.u32 $0x1400, v29;
	vm10 =	vgt.f32 v41, v24  }
0x11c: {  	v48 =	vor.u32 $0x1, v27;
	v47 =	vld.idx.msk [tilespmem:v42+s2+$0x0], $0xffff;
	v24 =	vsel vm10, v41, v24  }
0x11d: {  	v50 =	vor.u32 $0x2, v27;
	v36 =	vor.u32 $0x1600, v29;
	vm11 =	vgt.f32 v43, v24  }
0x11e: {  	v53 =	vor.u32 $0x3, v27;
	v49 =	vld.idx.msk [tilespmem:v44+s2+$0x0], $0xffff;
	v35 =	vnsel vm1, $0x0, v27;
	v24 =	vsel vm11, v43, v24  }
0x11f: {  	v51 =	vor.u32 $0x1800, v29;
	v33 =	vsel vm12, v48, v35;
	vm12 =	vgt.f32 v45, v24  }
0x120: {  	v56 =	vor.u32 $0x4, v27;
	v59 =	vor.u32 $0x5, v27;
	v52 =	vld.idx.msk [tilespmem:v46+s2+$0x0], $0xffff;
	v24 =	vsel vm12, v45, v24  }
0x121: {  	v54 =	vor.u32 $0x1A00, v29;
	v33 =	vsel vm13, v50, v33;
	vm13 =	vgt.f32 v47, v24  }
0x122: {  	v60 =	vor.u32 $0x6, v27;
	v57 =	vor.u32 $0x1C00, v29;
	v55 =	vld.idx.msk [tilespmem:v36+s2+$0x0], $0xffff;
	v24 =	vsel vm13, v47, v24  }
0x123: {  	v37 =	vshrl.u32 v15, $0x4;
	v32 =	vsel vm14, v53, v33;
	vm14 =	vgt.f32 v49, v24  }
0x124: {  	v58 =	vld.idx.msk [tilespmem:v51+s2+$0x0], $0xffff;
	v29 =	vor.u32 $0x1E00, v29;
	v62 =	vor.u32 $0x7, v27;
	v24 =	vsel vm14, v49, v24  }
0x125: {  	v63 =	vor.u32 $0x8, v27;
	v32 =	vsel vm15, v56, v32;
	vm15 =	vgt.f32 v52, v24  }
0x126: {  	v61 =	vld.idx.msk [tilespmem:v54+s2+$0x0], $0xffff;
	v40 =	vor.u32 $0xA, v27;
	v32 =	vsel vm10, v59, v32;
	v24 =	vsel vm15, v52, v24  }
0x127: {  	v42 =	vor.u32 $0xB, v27;
	v32 =	vsel vm11, v60, v32;
	vm6 =	vgt.f32 v55, v24  }
0x128: {  	v38 =	vld.idx.msk [tilespmem:v57+s2+$0x0], $0xffff;
	v46 =	vor.u32 $0xF, v15;
	v32 =	vsel vm12, v62, v32;
	v24 =	vsel vm6, v55, v24  }
0x129: {  	v39 =	vor.u32 $0x9, v27;
	v32 =	vsel vm13, v63, v32;
	vm7 =	vgt.f32 v58, v24  }
0x12a: {  	vm4 =	veq.s32 v37, $0x3;
	v29 =	vld.idx.msk [tilespmem:v29+s2+$0x0], $0xffff;
	v32 =	vsel vm14, v39, v32;
	v24 =	vsel vm7, v58, v24  }
0x12b: {  	v43 =	vor.u32 $0xC, v27;
	v41 =	vsel vm15, v40, v32;
	vm10 =	vgt.f32 v61, v24  }
0x12c: {  	v45 =	vor.u32 $0xD, v27;
	v31 =	vsel vm6, v42, v41;
	v24 =	vsel vm10, v61, v24  }
0x12d: {  	v27 =	vor.u32 $0xE, v27;
	v44 =	vsel vm7, v43, v31;
	vm11 =	vgt.f32 v38, v24  }
0x12e: {  	vm13 =	veq.s32 v37, $0x0;
	v30 =	vsel vm10, v45, v44;
	v24 =	vsel vm11, v38, v24  }
0x12f: {  	vm14 =	veq.s32 v37, $0x1;
	v27 =	vsel vm11, v27, v30;
	vm12 =	vgt.f32 v29, v24  }
0x130: {  	vm15 =	veq.s32 v37, $0x2;
	v24 =	vsel vm12, v29, v24;
	v27 =	vsel vm12, v46, v27  }
0x131: {  	v19 =	vsel vm13, v24, v19;
	v28 =	vsel vm13, v27, v20;
	v29 =	vsel vm14, v24, v21  }
0x132: {  	v22 =	vsel vm14, v27, v22;
	v23 =	vsel vm15, v24, v23;
	v24 =	vsel vm4, v24, v25  }
0x133: {  	v25 =	vsel vm15, v27, v26;
	vm5 =	vgt.f32 v29, v19;
	vm6 =	vgt.f32 v24, v23  }
0x134: {  	v26 =	vsel vm4, v27, v16;
	v20 =	vsel vm5, v29, v19;
	v21 =	vsel vm6, v24, v23  }
0x135: {  	v47 =	vsel vm5, v22, v28;
	v27 =	vsel vm6, v26, v25;
	vm3 =	vgt.f32 v21, v20  }
0x136: {  	v16 =	vsel vm3, v27, v47  }
0x137: {  	v27 =	vshll.u32 v16, $0x9;
	v30 =	vand.u32 $0xFFFFFFF0, v16  }
0x138: {  	v27 =	vadd.s32 v5, v27;
	v48 =	vshll.u32 v30, $0x9  }
0x139: {  	v31 =	vadd.s32 v5, v48  }
0x13a: {  	v49 =	vand.u32 $0x7FFFE180, v31  }
0x13b: {  	v32 =	vor.u32 v9, v49  }
0x13c: {  	v50 =	vor.u32 $0x200, v32  }
0x13d: {  	[tilespmem:v27+s2+$0x0] =	vst.idx.msk $0xffff, v2  }
0x13e: {  	v51 =	vor.u32 $0x400, v32;
	v27 =	vld.idx.msk [tilespmem:v31+s2+$0x0], $0xffff;
	_ =	sdelay $0x1  }
0x13f: {  	v52 =	vor.u32 $0x600, v32  }
0x140: {  	v33 =	vld.idx.msk [tilespmem:v50+s2+$0x0], $0xffff  }
0x141: {  	v53 =	vor.u32 $0x800, v32  }
0x142: {  	v31 =	vld.idx.msk [tilespmem:v51+s2+$0x0], $0xffff;
	vm7 =	vlt.f32 v27, $-Inf;
	vm10 =	vgt.f32 v27, $-Inf  }
0x143: {  	v54 =	vor.u32 $0xA00, v32;
	vm1 =	vmor vm10, vm7  }
0x144: {  	v34 =	vld.idx.msk [tilespmem:v52+s2+$0x0], $0xffff;
	v27 =	vnsel vm1, $0xFF800000, v27  }
0x145: {  	v55 =	vor.u32 $0xC00, v32;
	vm11 =	vgt.f32 v33, v27  }
0x146: {  	v56 =	vld.idx.msk [tilespmem:v53+s2+$0x0], $0xffff;
	v27 =	vsel vm11, v33, v27  }
0x147: {  	v57 =	vor.u32 $0xE00, v32;
	vm12 =	vgt.f32 v31, v27  }
0x148: {  	v58 =	vld.idx.msk [tilespmem:v54+s2+$0x0], $0xffff;
	v27 =	vsel vm12, v31, v27  }
0x149: {  	v59 =	vor.u32 $0x1000, v32;
	vm13 =	vgt.f32 v34, v27  }
0x14a: {  	v60 =	vld.idx.msk [tilespmem:v55+s2+$0x0], $0xffff;
	v27 =	vsel vm13, v34, v27  }
0x14b: {  	v61 =	vor.u32 $0x1200, v32;
	vm14 =	vgt.f32 v56, v27  }
0x14c: {  	v62 =	vld.idx.msk [tilespmem:v57+s2+$0x0], $0xffff;
	v27 =	vsel vm14, v56, v27  }
0x14d: {  	v63 =	vor.u32 $0x1400, v32;
	vm15 =	vgt.f32 v58, v27  }
0x14e: {  	v40 =	vshrl.u32 v16, $0x4;
	v42 =	vld.idx.msk [tilespmem:v59+s2+$0x0], $0xffff;
	v27 =	vsel vm15, v58, v27  }
0x14f: {  	v43 =	vor.u32 $0x1, v30;
	v39 =	vor.u32 $0x1600, v32;
	vm10 =	vgt.f32 v60, v27  }
0x150: {  	v45 =	vor.u32 $0x2, v30;
	v44 =	vld.idx.msk [tilespmem:v61+s2+$0x0], $0xffff;
	v38 =	vnsel vm1, $0x0, v30;
	v27 =	vsel vm10, v60, v27  }
0x151: {  	v46 =	vor.u32 $0x1800, v32;
	v36 =	vsel vm11, v43, v38;
	vm11 =	vgt.f32 v62, v27  }
0x152: {  	v48 =	vor.u32 $0x3, v30;
	v49 =	vor.u32 $0x1A00, v32;
	v47 =	vld.idx.msk [tilespmem:v63+s2+$0x0], $0xffff;
	v27 =	vsel vm11, v62, v27  }
0x153: {  	v51 =	vor.u32 $0x4, v30;
	v36 =	vsel vm12, v45, v36;
	vm12 =	vgt.f32 v42, v27  }
0x154: {  	v50 =	vld.idx.msk [tilespmem:v39+s2+$0x0], $0xffff;
	v52 =	vor.u32 $0x1C00, v32;
	v54 =	vor.u32 $0x5, v30;
	v27 =	vsel vm12, v42, v27  }
0x155: {  	v32 =	vor.u32 $0x1E00, v32;
	v35 =	vsel vm13, v48, v36;
	vm13 =	vgt.f32 v44, v27  }
0x156: {  	v53 =	vld.idx.msk [tilespmem:v46+s2+$0x0], $0xffff;
	v55 =	vor.u32 $0x6, v30;
	v57 =	vor.u32 $0x7, v30;
	v27 =	vsel vm13, v44, v27  }
0x157: {  	v61 =	vor.u32 $0xA, v30;
	v35 =	vsel vm14, v51, v35;
	vm14 =	vgt.f32 v47, v27  }
0x158: {  	v63 =	vor.u32 $0xB, v30;
	v56 =	vld.idx.msk [tilespmem:v49+s2+$0x0], $0xffff;
	v35 =	vsel vm15, v54, v35;
	v27 =	vsel vm14, v47, v27  }
0x159: {  	v39 =	vor.u32 $0xF, v16;
	v35 =	vsel vm10, v55, v35;
	vm15 =	vgt.f32 v50, v27  }
0x15a: {  	v59 =	vld.idx.msk [tilespmem:v52+s2+$0x0], $0xffff;
	v58 =	vor.u32 $0x8, v30;
	v35 =	vsel vm11, v57, v35;
	v27 =	vsel vm15, v50, v27  }
0x15b: {  	v60 =	vor.u32 $0x9, v30;
	v35 =	vsel vm12, v58, v35;
	vm4 =	vgt.f32 v53, v27  }
0x15c: {  	v32 =	vld.idx.msk [tilespmem:v32+s2+$0x0], $0xffff;
	v38 =	vor.u32 $0xD, v30;
	v35 =	vsel vm13, v60, v35;
	v27 =	vsel vm4, v53, v27  }
0x15d: {  	v36 =	vor.u32 $0xC, v30;
	v62 =	vsel vm14, v61, v35;
	vm7 =	vgt.f32 v56, v27  }
0x15e: {  	v30 =	vor.u32 $0xE, v30;
	v34 =	vsel vm15, v63, v62;
	v27 =	vsel vm7, v56, v27  }
0x15f: {  	vm12 =	veq.s32 v40, $0x0;
	v37 =	vsel vm4, v36, v34;
	vm10 =	vgt.f32 v59, v27  }
0x160: {  	vm13 =	veq.s32 v40, $0x1;
	v33 =	vsel vm7, v38, v37;
	v27 =	vsel vm10, v59, v27  }
0x161: {  	vm14 =	veq.s32 v40, $0x2;
	v30 =	vsel vm10, v30, v33;
	vm11 =	vgt.f32 v32, v27  }
0x162: {  	vm15 =	veq.s32 v40, $0x3;
	v27 =	vsel vm11, v32, v27;
	v30 =	vsel vm11, v39, v30  }
0x163: {  	v31 =	vsel vm12, v27, v19;
	v28 =	vsel vm12, v30, v28;
	v29 =	vsel vm13, v27, v29  }
0x164: {  	v22 =	vsel vm13, v30, v22;
	v32 =	vsel vm14, v27, v23;
	v33 =	vsel vm15, v27, v24  }
0x165: {  	v34 =	vsel vm14, v30, v25;
	vm4 =	vgt.f32 v29, v31;
	vm5 =	vgt.f32 v33, v32  }
0x166: {  	v26 =	vsel vm15, v30, v26;
	v23 =	vsel vm4, v29, v31;
	v24 =	vsel vm5, v33, v32  }
0x167: {  	v41 =	vsel vm4, v22, v28;
	v25 =	vsel vm5, v26, v34;
	vm5 =	vgt.f32 v24, v23  }
0x168: {  	v19 =	vsel vm5, v25, v41  }
0x169: {  	v25 =	vshll.u32 v19, $0x9;
	v27 =	vand.u32 $0xFFFFFFF0, v19  }
0x16a: {  	v25 =	vadd.s32 v5, v25;
	v42 =	vshll.u32 v27, $0x9  }
0x16b: {  	v30 =	vadd.s32 v5, v42  }
0x16c: {  	v43 =	vand.u32 $0x7FFFE180, v30  }
0x16d: {  	v35 =	vor.u32 v9, v43  }
0x16e: {  	v44 =	vor.u32 $0x200, v35  }
0x16f: {  	[tilespmem:v25+s2+$0x0] =	vst.idx.msk $0xffff, v2  }
0x170: {  	v45 =	vor.u32 $0x400, v35;
	v25 =	vld.idx.msk [tilespmem:v30+s2+$0x0], $0xffff;
	_ =	sdelay $0x1  }
0x171: {  	v46 =	vor.u32 $0x600, v35  }
0x172: {  	v36 =	vld.idx.msk [tilespmem:v44+s2+$0x0], $0xffff  }
0x173: {  	v47 =	vor.u32 $0x800, v35  }
0x174: {  	v30 =	vld.idx.msk [tilespmem:v45+s2+$0x0], $0xffff;
	vm6 =	vlt.f32 v25, $-Inf;
	vm7 =	vgt.f32 v25, $-Inf  }
0x175: {  	v48 =	vor.u32 $0xA00, v35;
	vm1 =	vmor vm7, vm6  }
0x176: {  	v37 =	vld.idx.msk [tilespmem:v46+s2+$0x0], $0xffff;
	v25 =	vnsel vm1, $0xFF800000, v25  }
0x177: {  	v49 =	vor.u32 $0xC00, v35;
	vm10 =	vgt.f32 v36, v25  }
0x178: {  	v50 =	vld.idx.msk [tilespmem:v47+s2+$0x0], $0xffff;
	v25 =	vsel vm10, v36, v25  }
0x179: {  	v51 =	vor.u32 $0xE00, v35;
	vm11 =	vgt.f32 v30, v25  }
0x17a: {  	v52 =	vld.idx.msk [tilespmem:v48+s2+$0x0], $0xffff;
	v25 =	vsel vm11, v30, v25  }
0x17b: {  	v53 =	vor.u32 $0x1000, v35;
	vm12 =	vgt.f32 v37, v25  }
0x17c: {  	v54 =	vld.idx.msk [tilespmem:v49+s2+$0x0], $0xffff;
	v25 =	vsel vm12, v37, v25  }
0x17d: {  	v55 =	vor.u32 $0x1200, v35;
	vm13 =	vgt.f32 v50, v25  }
0x17e: {  	v56 =	vld.idx.msk [tilespmem:v51+s2+$0x0], $0xffff;
	v25 =	vsel vm13, v50, v25  }
0x17f: {  	v57 =	vor.u32 $0x1400, v35;
	vm14 =	vgt.f32 v52, v25  }
0x180: {  	v40 =	vor.u32 $0xF, v19;
	v58 =	vld.idx.msk [tilespmem:v53+s2+$0x0], $0xffff;
	v25 =	vsel vm14, v52, v25  }
0x181: {  	v59 =	vor.u32 $0x1, v27;
	v42 =	vor.u32 $0x1600, v35;
	vm15 =	vgt.f32 v54, v25  }
0x182: {  	v61 =	vor.u32 $0x2, v27;
	v60 =	vld.idx.msk [tilespmem:v55+s2+$0x0], $0xffff;
	v41 =	vnsel vm1, $0x0, v27;
	v25 =	vsel vm15, v54, v25  }
0x183: {  	v62 =	vor.u32 $0x1800, v35;
	v39 =	vsel vm10, v59, v41;
	vm10 =	vgt.f32 v56, v25  }
0x184: {  	v63 =	vld.idx.msk [tilespmem:v57+s2+$0x0], $0xffff;
	v44 =	vor.u32 $0x3, v27;
	v45 =	vor.u32 $0x1A00, v35;
	v25 =	vsel vm10, v56, v25  }
0x185: {  	v47 =	vor.u32 $0x4, v27;
	v39 =	vsel vm11, v61, v39;
	vm11 =	vgt.f32 v58, v25  }
0x186: {  	v46 =	vld.idx.msk [tilespmem:v42+s2+$0x0], $0xffff;
	v48 =	vor.u32 $0x1C00, v35;
	v49 =	vshrl.u32 v19, $0x4;
	v25 =	vsel vm11, v58, v25  }
0x187: {  	v51 =	vor.u32 $0x5, v27;
	v38 =	vsel vm12, v44, v39;
	vm12 =	vgt.f32 v60, v25  }
0x188: {  	v35 =	vor.u32 $0x1E00, v35;
	v55 =	vor.u32 $0x8, v27;
	v50 =	vld.idx.msk [tilespmem:v62+s2+$0x0], $0xffff;
	v25 =	vsel vm12, v60, v25  }
0x189: {  	v57 =	vor.u32 $0x9, v27;
	v38 =	vsel vm13, v47, v38;
	vm13 =	vgt.f32 v63, v25  }
0x18a: {  	v53 =	vld.idx.msk [tilespmem:v45+s2+$0x0], $0xffff;
	v38 =	vsel vm14, v51, v38;
	v52 =	vor.u32 $0x6, v27;
	v25 =	vsel vm13, v63, v25  }
0x18b: {  	v38 =	vsel vm15, v52, v38;
	v54 =	vor.u32 $0x7, v27;
	vm14 =	vgt.f32 v46, v25  }
0x18c: {  	v61 =	vor.u32 $0xC, v27;
	v38 =	vsel vm10, v54, v38;
	v56 =	vld.idx.msk [tilespmem:v48+s2+$0x0], $0xffff;
	v25 =	vsel vm14, v46, v25  }
0x18d: {  	vm10 =	veq.s32 v49, $0x0;
	v38 =	vsel vm11, v55, v38;
	vm15 =	vgt.f32 v50, v25  }
0x18e: {  	v35 =	vld.idx.msk [tilespmem:v35+s2+$0x0], $0xffff;
	v58 =	vor.u32 $0xA, v27;
	v38 =	vsel vm12, v57, v38;
	v25 =	vsel vm15, v50, v25  }
0x18f: {  	v60 =	vor.u32 $0xB, v27;
	v59 =	vsel vm13, v58, v38;
	vm4 =	vgt.f32 v53, v25  }
0x190: {  	vm11 =	veq.s32 v49, $0x1;
	v37 =	vsel vm14, v60, v59;
	v25 =	vsel vm4, v53, v25  }
0x191: {  	v63 =	vor.u32 $0xD, v27;
	v62 =	vsel vm15, v61, v37;
	vm6 =	vgt.f32 v56, v25  }
0x192: {  	v27 =	vor.u32 $0xE, v27;
	v36 =	vsel vm4, v63, v62;
	v25 =	vsel vm6, v56, v25  }
0x193: {  	vm12 =	veq.s32 v49, $0x2;
	v27 =	vsel vm6, v27, v36;
	vm7 =	vgt.f32 v35, v25  }
0x194: {  	vm13 =	veq.s32 v49, $0x3;
	v35 =	vsel vm7, v35, v25;
	v30 =	vsel vm7, v40, v27  }
0x195: {  	v31 =	vsel vm10, v35, v31;
	v25 =	vsel vm10, v30, v28;
	v36 =	vsel vm11, v35, v29  }
0x196: {  	v27 =	vsel vm11, v30, v22;
	v32 =	vsel vm12, v35, v32;
	v33 =	vsel vm13, v35, v33  }
0x197: {  	v28 =	vsel vm12, v30, v34;
	vm14 =	vgt.f32 v36, v31;
	vm15 =	vgt.f32 v33, v32  }
0x198: {  	v26 =	vsel vm13, v30, v26;
	v30 =	vsel vm14, v36, v31;
	v34 =	vsel vm15, v33, v32  }
0x199: {  	v22 =	vsel vm14, v27, v25;
	v41 =	vsel vm15, v26, v28;
	vm0 =	vgt.f32 v34, v30  }
0x19a: {  	v22 =	vsel vm0, v41, v22  }
0x19b: {  	v42 =	vshll.u32 v22, $0x9;
	v29 =	vand.u32 $0xFFFFFFF0, v22  }
0x19c: {  	v35 =	vadd.s32 v5, v42;
	v43 =	vshll.u32 v29, $0x9  }
0x19d: {  	v37 =	vadd.s32 v5, v43  }
0x19e: {  	v44 =	vand.u32 $0x7FFFE180, v37  }
0x19f: {  	v9 =	vor.u32 v9, v44  }
0x1a0: {  	v38 =	vor.u32 $0x200, v9  }
0x1a1: {  	[tilespmem:v35+s2+$0x0] =	vst.idx.msk $0xffff, v2  }
0x1a2: {  	v45 =	vor.u32 $0x400, v9;
	v35 =	vld.idx.msk [tilespmem:v37+s2+$0x0], $0xffff;
	_ =	sdelay $0x1  }
0x1a3: {  	v46 =	vor.u32 $0x600, v9  }
0x1a4: {  	v38 =	vld.idx.msk [tilespmem:v38+s2+$0x0], $0xffff  }
0x1a5: {  	v47 =	vor.u32 $0x800, v9  }
0x1a6: {  	v37 =	vld.idx.msk [tilespmem:v45+s2+$0x0], $0xffff;
	vm4 =	vlt.f32 v35, $-Inf;
	vm6 =	vgt.f32 v35, $-Inf  }
0x1a7: {  	v49 =	vor.u32 $0xA00, v9;
	vm1 =	vmor vm6, vm4  }
0x1a8: {  	v48 =	vimm.s32 $0x0;
	v39 =	vld.idx.msk [tilespmem:v46+s2+$0x0], $0xffff;
	v35 =	vnsel vm1, $0xFF800000, v35  }
0x1a9: {  	v51 =	vor.u32 $0xC00, v9;
	v41 =	vsel vm1, $0xFFFFFFFF, v48;
	vm1 =	vgt.f32 v38, v35  }
0x1aa: {  	v50 =	vimm.s32 $0x0;
	v52 =	vld.idx.msk [tilespmem:v47+s2+$0x0], $0xffff;
	v35 =	vsel vm1, v38, v35  }
0x1ab: {  	v54 =	vor.u32 $0xE00, v9;
	v42 =	vsel vm1, $0xFFFFFFFF, v50;
	vm1 =	vgt.f32 v37, v35  }
0x1ac: {  	v53 =	vimm.s32 $0x0;
	v55 =	vld.idx.msk [tilespmem:v49+s2+$0x0], $0xffff;
	v35 =	vsel vm1, v37, v35  }
0x1ad: {  	v57 =	vor.u32 $0x1000, v9;
	v40 =	vsel vm1, $0xFFFFFFFF, v53;
	vm1 =	vgt.f32 v39, v35  }
0x1ae: {  	v56 =	vimm.s32 $0x0;
	v58 =	vld.idx.msk [tilespmem:v51+s2+$0x0], $0xffff;
	v35 =	vsel vm1, v39, v35  }
0x1af: {  	v60 =	vor.u32 $0x1200, v9;
	[tilespmem:$0x1FF80] =	vst v41;
	v41 =	vsel vm1, $0xFFFFFFFF, v56;
	vm1 =	vgt.f32 v52, v35  }
0x1b0: {  	v59 =	vimm.s32 $0x0;
	v61 =	vld.idx.msk [tilespmem:v54+s2+$0x0], $0xffff;
	v35 =	vsel vm1, v52, v35  }
0x1b1: {  	v63 =	vor.u32 $0x1400, v9;
	[tilespmem:$0x1FF90] =	vst v42;
	v42 =	vsel vm1, $0xFFFFFFFF, v59;
	vm1 =	vgt.f32 v55, v35  }
0x1b2: {  	v62 =	vimm.s32 $0x0;
	v45 =	vld.idx.msk [tilespmem:v57+s2+$0x0], $0xffff;
	v35 =	vsel vm1, v55, v35  }
0x1b3: {  	v47 =	vor.u32 $0x1600, v9;
	[tilespmem:$0x1FFA0] =	vst v40;
	v40 =	vsel vm1, $0xFFFFFFFF, v62;
	vm1 =	vgt.f32 v58, v35  }
0x1b4: {  	v46 =	vimm.s32 $0x0;
	v48 =	vld.idx.msk [tilespmem:v60+s2+$0x0], $0xffff;
	v35 =	vsel vm1, v58, v35  }
0x1b5: {  	v50 =	vor.u32 $0x1800, v9;
	[tilespmem:$0x1FFB0] =	vst v41;
	v41 =	vsel vm1, $0xFFFFFFFF, v46;
	vm1 =	vgt.f32 v61, v35  }
0x1b6: {  	v51 =	vld.idx.msk [tilespmem:v63+s2+$0x0], $0xffff;
	v35 =	vsel vm1, v61, v35  }
0x1b7: {  	v52 =	vor.u32 $0x1A00, v9;
	vm14 =	vgt.f32 v45, v35  }
0x1b8: {  	v53 =	vld.idx.msk [tilespmem:v47+s2+$0x0], $0xffff;
	v35 =	vsel vm14, v45, v35  }
0x1b9: {  	v60 =	vld [tilespmem:$0x1FF70];
	vm15 =	vgt.f32 v48, v35  }
0x1ba: {  	v55 =	vld.idx.msk [tilespmem:v50+s2+$0x0], $0xffff;
	v35 =	vsel vm15, v48, v35  }
0x1bb: {  	v24 =	vsel vm5, v24, v23;
	v54 =	vor.u32 $0x1C00, v9;
	v58 =	vld [tilespmem:$0x1FF60];
	vm11 =	vgt.f32 v51, v35  }
0x1bc: {  	v34 =	vsel vm0, v34, v30;
	v49 =	vimm.s32 $0x0;
	v56 =	vld.idx.msk [tilespmem:v52+s2+$0x0], $0xffff;
	v35 =	vsel vm11, v51, v35  }
0x1bd: {  	v63 =	vsel vm3, v21, v20;
	v9 =	vor.u32 $0x1E00, v9;
	vm12 =	vgt.f32 v53, v35  }
0x1be: {  	v37 =	vshrl.u32 v22, $0x4;
	vm13 =	vnez.u8 v60;
	v35 =	vsel vm12, v53, v35  }
0x1bf: {  	vm6 =	veq.s32 v37, $0x0;
	vm5 =	veq.s32 v37, $0x1;
	vm10 =	vgt.f32 v55, v35  }
0x1c0: {  	v57 =	vld.idx.msk [tilespmem:v54+s2+$0x0], $0xffff;
	vm2 =	veq.s32 v37, $0x2;
	vm7 =	vnez.u8 v58;
	v35 =	vsel vm10, v55, v35  }
0x1c1: {  	vm3 =	veq.s32 v37, $0x3;
	v6 =	vsel vm7, v7, v6;
	vm7 =	vgt.f32 v56, v35  }
0x1c2: {  	v59 =	vsel vm9, v11, v10;
	v9 =	vld.idx.msk [tilespmem:v9+s2+$0x0], $0xffff;
	v62 =	vsel vm7, v56, v35;
	v35 =	vsub.f32 v6, v6  }
0x1c3: {  	v10 =	vsel vm13, v14, v13;
	[tilespmem:$0x1FFC0] =	vst v42;
	v42 =	vsel vm1, $0xFFFFFFFF, v49;
	v7 =	vsub.f32 v59, v6  }
0x1c4: {  	v61 =	vsel vm8, v18, v17;
	v10 =	vsub.f32 v10, v6;
	v38 =	vmul.f32 $1.442695020e+00, v35  }
0x1c5: {  	v11 =	vsub.f32 v61, v6;
	v7 =	vmul.f32 $1.442695020e+00, v7;
	vm8 =	vgt.f32 v57, v62  }
0x1c6: {  	v43 =	vsub.f32 v63, v6;
	v13 =	vsel vm8, v57, v62;
	(erf) = vpow2.f32 v38  }
0x1c7: {  	[tilespmem:$0x1FFE0] =	vst v41;
	v41 =	vmul.f32 $1.442695020e+00, v10;
	vm9 =	vgt.f32 v9, v13;
	(erf) = vpow2.f32 v7  }
0x1c8: {  	[tilespmem:$0x1FFF0] =	vst v42;
	v47 =	vsub.f32 v24, v6;
	v42 =	vmul.f32 $1.442695020e+00, v11;
	v9 =	vsel vm9, v9, v13  }
0x1c9: {  	v46 =	vmul.f32 $1.442695020e+00, v43;
	v39 =	vsel vm6, v9, v31;
	(erf) = vpow2.f32 v41  }
0x1ca: {  	[tilespmem:$0x1FFD0] =	vst v40;
	v40 =	vsel vm5, v9, v36;
	v44 =	vsel vm2, v9, v32;
	v45 =	vsel vm3, v9, v33  }
0x1cb: {  	vm0 =	vgt.f32 v40, v39;
	vm4 =	vgt.f32 v45, v44;
	(erf) = vpow2.f32 v42  }
0x1cc: {  	v50 =	vsub.f32 v34, v6;
	v48 =	vsel vm0, v40, v39;
	v7 =	vsel vm4, v45, v44  }
0x1cd: {  	v49 =	vmul.f32 $1.442695020e+00, v47;
	(erf) = vpow2.f32 v46;
	vm1 =	vgt.f32 v7, v48  }
0x1ce: {  	v7 =	vsel vm1, v7, v48  }
0x1cf: {  	v52 =	vmul.f32 $1.442695020e+00, v50;
	v6 =	vsub.f32 v7, v6;
	v51 =	vpop (erf);
	(erf) = vpow2.f32 v49  }
0x1d0: {  	v53 =	vpop (erf)  }
0x1d1: {  	v6 =	vmul.f32 $1.442695020e+00, v6;
	(erf) = vpow2.f32 v52;
	v54 =	vadd.f32 v53, v51  }
0x1d2: {  	v55 =	vpop (erf)  }
0x1d3: {  	(erf) = vpow2.f32 v6;
	v56 =	vadd.f32 v55, v54  }
0x1d4: {  	v57 =	vpop (erf)  }
0x1d5: {  	v6 =	vadd.f32 v57, v56  }
0x1d6: {  	v13 =	vpop (erf)  }
0x1d7: {  	v6 =	vadd.f32 v13, v6  }
0x1d8: {  	v14 =	vpop (erf)  }
0x1d9: {  	v58 =	vld [tilespmem:$0x1FF80];
	v6 =	vadd.f32 v14, v6  }
0x1da: {  	v60 =	vld [tilespmem:$0x1FF90];
	v17 =	vpop (erf)  }
0x1db: {  	v62 =	vld [tilespmem:$0x1FFA0];
	v6 =	vadd.f32 v17, v6  }
0x1dc: {  	v30 =	vor.u32 $0x4, v29;
	v59 =	vor.u32 $0x1, v29;
	v61 =	vor.u32 $0x2, v29;
	v24 =	vld [tilespmem:$0x1FFB0];
	v21 =	vpop (erf)  }
0x1dd: {  	v63 =	vor.u32 $0x3, v29;
	v34 =	vor.u32 $0x6, v29;
	v31 =	vld [tilespmem:$0x1FFC0];
	v6 =	vadd.f32 v21, v6  }
0x1de: {  	v43 =	vor.u32 $0xC, v29;
	v50 =	vor.u32 $0xF, v22;
	vm13 =	vnez.u8 v58;
	v33 =	vld [tilespmem:$0x1FFD0]  }
0x1df: {  	v18 =	vnsel vm13, $0x0, v29;
	vm13 =	vnez.u8 v60;
	v35 =	vld [tilespmem:$0x1FFE0];
	(erf) = vrcp.f32 v6  }
0x1e0: {  	v37 =	vld [tilespmem:$0x1FFF0];
	v18 =	vsel vm13, v59, v18;
	v38 =	vor.u32 $0x8, v29;
	vm13 =	vnez.u8 v62  }
0x1e1: {  	v32 =	vor.u32 $0x5, v29;
	v18 =	vsel vm13, v61, v18;
	vm13 =	vnez.u8 v24  }
0x1e2: {  	v36 =	vor.u32 $0x7, v29;
	v18 =	vsel vm13, v63, v18;
	vm13 =	vnez.u8 v31  }
0x1e3: {  	v41 =	vor.u32 $0xB, v29;
	v18 =	vsel vm13, v30, v18;
	vm13 =	vnez.u8 v33  }
0x1e4: {  	v39 =	vor.u32 $0x9, v29;
	v6 =	vsel vm13, v32, v18;
	vm13 =	vnez.u8 v35  }
0x1e5: {  	v42 =	vshll.u32 v5, $0x6;
	v6 =	vsel vm13, v34, v6;
	vm13 =	vnez.u8 v37  }
0x1e6: {  	v40 =	vor.u32 $0xA, v29;
	v44 =	vadd.s32 v42, v4;
	v6 =	vsel vm13, v36, v6  }
0x1e7: {  	v45 =	vor.u32 $0xD, v29;
	v5 =	vshll.u32 v5, $0x3;
	v6 =	vsel vm14, v38, v6  }
0x1e8: {  	v47 =	vadd.s32 v42, v8;
	v59 =	vadd.s32 v42, v19;
	v6 =	vsel vm15, v39, v6;
	v46 =	vpop (erf)  }
0x1e9: {  	v48 =	vor.u32 $0x1, v5;
	v6 =	vsel vm11, v40, v6;
	v11 =	vmul.f32 v46, v51  }
0x1ea: {  	v61 =	vadd.s32 v42, v22;
	v49 =	vadd.s32 v42, v12;
	v6 =	vsel vm12, v41, v6  }
0x1eb: {  	v6 =	vsel vm10, v43, v6;
	v7 =	vmul.f32 v46, v53;
	v51 =	vor.u32 $0x2, v5;
	[tilespmem:v44+s8+$0x0] =	vst.idx.msk $0xffff, v11  }
0x1ec: {  	v29 =	vor.u32 $0xE, v29;
	v6 =	vsel vm7, v45, v6;
	[tilespmem:v5+s9+$0x0] =	vst.idx.msk $0xffff, v4;
	v4 =	vadd.s32 v42, v15  }
0x1ed: {  	v6 =	vsel vm8, v29, v6;
	v52 =	vmul.f32 v46, v55;
	v53 =	vor.u32 $0x3, v5;
	[tilespmem:v47+s8+$0x0] =	vst.idx.msk $0xffff, v7  }
0x1ee: {  	v6 =	vsel vm9, v50, v6;
	v55 =	vadd.s32 v42, v16;
	[tilespmem:v48+s9+$0x0] =	vst.idx.msk $0xffff, v8  }
0x1ef: {  	v58 =	vor.u32 $0x4, v5;
	v57 =	vmul.f32 v46, v57;
	v54 =	vsel vm5, v6, v27;
	[tilespmem:v49+s8+$0x0] =	vst.idx.msk $0xffff, v52  }
0x1f0: {  	v56 =	vsel vm2, v6, v28;
	v11 =	vsel vm6, v6, v25;
	[tilespmem:v51+s9+$0x0] =	vst.idx.msk $0xffff, v12  }
0x1f1: {  	v60 =	vor.u32 $0x5, v5;
	v6 =	vsel vm3, v6, v26;
	[tilespmem:v4+s8+$0x0] =	vst.idx.msk $0xffff, v57;
	v4 =	vmul.f32 v46, v13  }
0x1f2: {  	v11 =	vsel vm0, v54, v11;
	v6 =	vsel vm4, v6, v56;
	[tilespmem:v53+s9+$0x0] =	vst.idx.msk $0xffff, v15  }
0x1f3: {  	v62 =	vor.u32 $0x6, v5;
	v6 =	vsel vm1, v6, v11;
	[tilespmem:v55+s8+$0x0] =	vst.idx.msk $0xffff, v4;
	v4 =	vmul.f32 v46, v14  }
0x1f4: {  	v63 =	vadd.s32 v42, v6;
	[tilespmem:v58+s9+$0x0] =	vst.idx.msk $0xffff, v16  }
0x1f5: {  	p0 =	sne.s32 s12, $0x1F0;
	v5 =	vor.u32 $0x7, v5;
	[tilespmem:v59+s8+$0x0] =	vst.idx.msk $0xffff, v4;
	v4 =	vmul.f32 v46, v17  }
.Ltmp1:
0x1f6: {  	[tilespmem:v60+s9+$0x0] =	vst.idx.msk $0xffff, v19;
	(pc) =	sbr.rel @p0 .LBB2_4-.Ltmp1, $4  }
0x1f7: {  	[tilespmem:v61+s8+$0x0] =	vst.idx.msk $0xffff, v4;
	v4 =	vmul.f32 v46, v21  }
0x1f8: {  	[tilespmem:v62+s9+$0x0] =	vst.idx.msk $0xffff, v22  }
0x1f9: {  	[tilespmem:v63+s8+$0x0] =	vst.idx.msk $0xffff, v4  }
0x1fa: {  	s11 =	sadd.s32 $0x10, s11;
	s12 =	sadd.s32 $0x10, s12;
	[tilespmem:v5+s9+$0x0] =	vst.idx.msk $0xffff, v6  }
0x1fb: {  	[hbm4b:s4+s2] =	stream.linear.scatter [tilespmem:s8], [sflag:$0x1], $0x8000, $0x38;
	[tilespmem:$0x11000] =	vst v63  }
0x1fc: {  	s10 =	sadd.s32 $0x1, s10;
	_ =	swait.ge [sflag:s7], $0x8000  }
0x1fd: {  	p0 =	sne.s32 s10, s6;
	[sflag:s7] =	ssyncset.done $0x0  }
.Ltmp2:
0x1fe: {  	[sflag:s7] =	ssyncadd.s32 $0xFFFF8000;
	(pc) =	sbr.rel @p0 .LBB2_1-.Ltmp2, $4  }
0x1ff: {  	[hbm4b:s5+s2] =	stream.linear.scatter [tilespmem:s9], [sflag:$0x1], $0x1000, $0x38;
	[tilespmem:$0x11000] =	vst v63  }
0x200: {  	_ =	swait.ge [sflag:s7], $0x1000  }
0x201: {  	[sflag:s7] =	ssyncset.done $0x0  }
0x202: {  	[sflag:s7] =	ssyncadd.s32 $0xFFFFF000  }
0x203: {  	_ =	sfence.sel $0x180000  }
0x204: {  	[bflag:$0x0] =	sbarrier.arrive $0xFFFF  }
0x205: {  	p0 =	sne.s32 s1, $0x0;
	_ =	strace $0x9000004A  }
0x206: {  	s0 =	sadd.s32 @!p0 $0x100000, s0;
	[bflag:$0x2] =	sbarrier.arrive $0xFFFF  }
0x207: {  	[sflag:s0] =	ssyncadd.tile.s32 @!p0 $0x1;
	_ =	shalt  }
.Lfunc_end2:
_tile_overlayer_lowered:
.L_overlay_start_2:
0x208: {  	(tag) =	ssettag $0x2  }
0x209: {  	s0 =	rddreg [dreg:$0x0];
	s2 =	stileid.u32  }
0x20a: {  	s1 =	rddreg [dreg:$0x1];
	p0 =	sne.s32 s2, $0x0  }
0x20b: {  	s3 =	rddreg [dreg:$0x2];
	[bflag:$0x3] =	sbarrier.arrive $0xFFFF;
	s2 =	simm.s32 @!p0 $0x1C01  }
0x20c: {  	[timem:s3], [sflag:s2] =	dma.local @!p0 [hbm:s0], s1  }
0x20d: {  	s0 =	simm.s32 @!p0 $0x1  }
0x20e: {  	_ =	swait.ge @!p0 [sflag:s0], s1  }
0x20f: {  	s1 =	ssub.s32 @!p0 $0x0, s1;
	[sflag:s0] =	ssyncset.done @!p0 $0x0  }
0x210: {  	[sflag:s0] =	ssyncadd.s32 @!p0 s1  }
0x211: {  	[bflag:$0x3] =	sbarrier.arrive $0xFFFF  }
0x212: {  	_ =	shalt  }

// kernel: kernel.9.cloned.1.call-start
scs
__scs_entry_jumppad:
0x0: {  	(pc) =	sbr.rel $0x88, $3  }
0x1: {  	(tag) =	ssettag $0x0;
	lr =	simm.s32 $0x1  }
0x2: {  	[smem:$0x3F9F] =	sst lr;
	_ =	strace $0xD0000000  }
0x3: {  	_ = 	snop  }
0x4: {  	_ = 	snop  }
0x5: {  	_ = 	snop  }
0x6: {  	_ = 	snop  }
0x7: {  	_ = 	snop  }
__scs_overlays_trampoline_lowered:
0x8: {  	[smem:$0x3FAE] =	sst s0  }
0x9: {  	[smem:$0x3FAF] =	sst s1  }
0xa: {  	[smem:$0x3FB0] =	sst s2  }
0xb: {  	[smem:$0x3FB1] =	sst s3  }
0xc: {  	[smem:$0x3FB2] =	sst s4  }
0xd: {  	[smem:$0x3FB3] =	sst s5  }
0xe: {  	[smem:$0x3FB4] =	sst s6  }
0xf: {  	[smem:$0x3FB5] =	sst s7  }
0x10: {  	[smem:$0x3FB6] =	sst s8  }
0x11: {  	[smem:$0x3FB7] =	sst s9;
	s0 =	simm.s32 @!p0 $0x0  }
0x12: {  	s1 =	sld [smem:$0x3F9D];
	s0 =	simm.s32 @p0 $0x1  }
0x13: {  	[smem:$0x3FB8] =	sst s0;
	s0 =	simm.s32 @!p1 $0x0  }
0x14: {  	s2 =	sld [smem:$0x3F9C];
	s0 =	simm.s32 @p1 $0x1  }
0x15: {  	[smem:$0x3FB9] =	sst s0;
	s0 =	simm.s32 @!p2 $0x0  }
0x16: {  	s3 =	sld [smem:$0x3FDB];
	s0 =	simm.s32 @p2 $0x1  }
0x17: {  	s4 =	simm.s32 $0x1BF5;
	[smem:$0x3FBB] =	sst s0  }
0x18: {  	s0 =	sld [smem:$0x3F9E];
	_ =	swait.ge [sflag:s4], $0x0  }
0x19: {  	s7 =	sld [smem:$0x3F9F]  }
0x1a: {  	s8 =	sadd.s32 $0xFFFFE003, lr  }
0x1b: {  	s9 =	sadd.s32 $0xFFFFFEF7, lr;
	s5 =	simm.s32 $0xFFFFFFFF;
	p2 =	slt.u32 s8, $0xFFFFF086  }
0x1c: {  	p1 =	slt.u32 s9, $0xF7A;
	s5 =	simm.s32 @!p2 $0x0  }
0x1d: {  	s5 =	simm.s32 @p1 $0x1;
	p0 =	seq.s32 s7, s2  }
0x1e: {  	s7 =	smul.u32 @!p0 $0xF7A, s2;
	p2 =	seq.s32 @!p0 s5, $0x0  }
0x1f: {  	s9 =	smul.u32 $0xF7A, s1;
	s8 =	simm.s32 @!p0 $0x1BF5;
	p2 =	por !p2, p0  }
0x20: {  	[sflag:s8] =	ssyncset.s32 @!p0 $0xFFFFF086;
	s6 =	sadd.s32 @!p0 s3, s7;
	s7 =	simm.s32 @!p0 $0x108  }
0x21: {  	s3 =	sadd.s32 s3, s9;
	s6 =	sadd.s32 @!p0 $0x88, s6;
	s7 =	simm.s32 @p2 $0x1082  }
0x22: {  	[simem:s7], [sflag:s8] =	dma.local @!p0 [hbm:s6], $0xF7A  }
0x23: {  	s9 =	sor.u32 $0xD0000000, s2;
	s6 =	simm.s32 $0x108;
	_ =	swait.ge @!p0 [sflag:s8], $0x0  }
0x24: {  	s3 =	sadd.s32 $0x88, s3;
	s6 =	simm.s32 @!p1 $0x1082;
	[sflag:s4] =	ssyncset.s32 $0xFFFFF086  }
0x25: {  	[simem:s6], [sflag:s4] =	dma.local [hbm:s3], $0xF7A  }
0x26: {  	[smem:$0x3F9F] =	sst s1;
	(tag) =	ssettag s2;
	_ =	strace s9  }
0x27: {  	s1 =	sld [smem:$0x3FAF]  }
0x28: {  	s2 =	sld [smem:$0x3FB0]  }
0x29: {  	s4 =	sld [smem:$0x3FB2]  }
0x2a: {  	p0 =	seq.s32 s5, $0x0;
	s5 =	sld [smem:$0x3FB3]  }
0x2b: {  	s6 =	sld [smem:$0x3FB4]  }
0x2c: {  	s7 =	sld [smem:$0x3FB5]  }
0x2d: {  	s3 =	simm.s32 $0x108;
	s8 =	sld [smem:$0x3FB6]  }
0x2e: {  	s3 =	simm.s32 @!p0 $0x1082;
	s9 =	sld [smem:$0x3FB7]  }
0x2f: {  	lr =	sadd.s32 s0, s3;
	s0 =	sld [smem:$0x3FAE]  }
0x30: {  	s3 =	sld [smem:$0x3FB1]  }
0x31: {  	[smem:$0x3FBA] =	sst s10  }
0x32: {  	s10 =	sld [smem:$0x3FB8];
	_ =	sdelay $0x3  }
0x33: {  	p0 =	seq.s32 s10, $0x1;
	s10 =	sld [smem:$0x3FBA];
	_ =	sdelay $0x3  }
0x34: {  	[smem:$0x3FBA] =	sst s10  }
0x35: {  	s10 =	sld [smem:$0x3FB9];
	_ =	sdelay $0x3  }
0x36: {  	p1 =	seq.s32 s10, $0x1;
	s10 =	sld [smem:$0x3FBA];
	_ =	sdelay $0x3  }
0x37: {  	[smem:$0x3FBA] =	sst s10  }
0x38: {  	s10 =	sld [smem:$0x3FBB]  }
0x39: {  	_ = 	snop;
	(pc) =	sbr.ind lr, $3  }
0x3a: {  	_ = 	snop  }
0x3b: {  	_ = 	snop  }
0x3c: {  	p2 =	seq.s32 s10, $0x1;
	s10 =	sld [smem:$0x3FBA]  }
0x3d: {  	_ =	shalt  }
0x3e: {  	_ =	shalt  }
0x3f: {  	_ =	shalt  }
0x40: {  	_ =	shalt  }
0x41: {  	_ =	shalt  }
0x42: {  	_ =	shalt  }
0x43: {  	_ =	shalt  }
0x44: {  	_ =	shalt  }
0x45: {  	_ =	shalt  }
0x46: {  	_ =	shalt  }
0x47: {  	_ =	shalt  }
0x48: {  	_ =	shalt  }
0x49: {  	_ =	shalt  }
0x4a: {  	_ =	shalt  }
0x4b: {  	_ =	shalt  }
0x4c: {  	_ =	shalt  }
0x4d: {  	_ =	shalt  }
0x4e: {  	_ =	shalt  }
0x4f: {  	_ =	shalt  }
0x50: {  	_ =	shalt  }
0x51: {  	_ =	shalt  }
0x52: {  	_ =	shalt  }
0x53: {  	_ =	shalt  }
0x54: {  	_ =	shalt  }
0x55: {  	_ =	shalt  }
0x56: {  	_ =	shalt  }
0x57: {  	_ =	shalt  }
0x58: {  	_ =	shalt  }
0x59: {  	_ =	shalt  }
0x5a: {  	_ =	shalt  }
0x5b: {  	_ =	shalt  }
0x5c: {  	_ =	shalt  }
0x5d: {  	_ =	shalt  }
0x5e: {  	_ =	shalt  }
0x5f: {  	_ =	shalt  }
0x60: {  	_ =	shalt  }
0x61: {  	_ =	shalt  }
0x62: {  	_ =	shalt  }
0x63: {  	_ =	shalt  }
0x64: {  	_ =	shalt  }
0x65: {  	_ =	shalt  }
0x66: {  	_ =	shalt  }
0x67: {  	_ =	shalt  }
0x68: {  	_ =	shalt  }
0x69: {  	_ =	shalt  }
0x6a: {  	_ =	shalt  }
0x6b: {  	_ =	shalt  }
0x6c: {  	_ =	shalt  }
0x6d: {  	_ =	shalt  }
0x6e: {  	_ =	shalt  }
0x6f: {  	_ =	shalt  }
0x70: {  	_ =	shalt  }
0x71: {  	_ =	shalt  }
0x72: {  	_ =	shalt  }
0x73: {  	_ =	shalt  }
0x74: {  	_ =	shalt  }
0x75: {  	_ =	shalt  }
0x76: {  	_ =	shalt  }
0x77: {  	_ =	shalt  }
0x78: {  	_ =	shalt  }
0x79: {  	_ =	shalt  }
0x7a: {  	_ =	shalt  }
0x7b: {  	_ =	shalt  }
0x7c: {  	_ =	shalt  }
0x7d: {  	_ =	shalt  }
0x7e: {  	_ =	shalt  }
0x7f: {  	_ =	shalt  }
0x80: {  	_ =	shalt  }
0x81: {  	_ =	shalt  }
0x82: {  	_ =	shalt  }
0x83: {  	_ =	shalt  }
0x84: {  	_ =	shalt  }
0x85: {  	_ =	shalt  }
0x86: {  	_ =	shalt  }
0x87: {  	_ =	shalt  }
.Lfunc_end0:
.L_simem_size_0:
called_computation.1_lowered:
.L_overlay_start_0:
0x88: {  	s2 =	sld [smem:$0x3FD9]  }
0x89: {  	s3 =	sld [smem:$0x3FFE];
	_ =	sdelay $0x1  }
0x8a: {  	s1 =	srdreg.scid  }
0x8b: {  	s0 =	sand.u32 $0x1, s1  }
0x8c: {  	s14 =	sshll.u32 s0, $0xA;
	s2 =	sadd.s32 s3, s2  }
0x8d: {  	s2 =	sadd.s32 s2, s14  }
0x8e: {  	[smem:$0x3FC6] =	sst s2  }
0x8f: {  	_ = 	snop  }
0x90: {  	s2 =	sld [smem:$0x3FD0];
	_ =	sdelay $0x2  }
0x91: {  	s15 =	simm.s32 $0xB;
	s4 =	simm.s32 $0x10  }
0x92: {  	[smem:s4], [sflag:s15] =	dma.local [hbm:s2], $0x1  }
0x93: {  	_ =	swait.eq [sflag:s15], $0x1  }
0x94: {  	[sflag:s15] =	ssyncset.done $0x0  }
0x95: {  	[sflag:s15] =	ssyncadd.s32 $0xFFFFFFFF  }
0x96: {  	s16 =	sld [smem:$0x10];
	(tm) =	ssettm $0x1  }
0x97: {  	s17 =	sld [smem:$0x3FFB];
	_ =	sdelay $0x3  }
0x98: {  	_ =	strace s17  }
0x99: {  	s3 =	sld [smem:$0x3FFC];
	_ =	sdelay $0x3  }
0x9a: {  	_ =	strace s3  }
0x9b: {  	s3 =	sld [smem:$0x3FFD];
	_ =	sdelay $0x3  }
0x9c: {  	_ =	strace s3  }
0x9d: {  	_ =	strace $0x8FFFFFFF  }
0x9e: {  	s18 =	sld [smem:$0x3FDB];
	_ =	sdelay $0x1  }
0x9f: {  	s19 =	simm.s32 $_scs_section_size  }
0xa0: {  	s5 =	simm.s32 $_size__tile_overlayer_lowered;
	s6 =	simm.s32 $_tile_overlayer_lowered  }
0xa1: {  	s22 =	simm.s32 $0x1BFF;
	s21 =	sshll.u32 s6, $0x1;
	s3 =	sadd.s32 s19, s18  }
0xa2: {  	s7 =	simm.s32 $0x0;
	s20 =	sshll.u32 s5, $0x1;
	s5 =	sadd.s32 s21, s3  }
0xa3: {  	[timem:s7], [sflag:s22] =	dma.local [hbm:s5], s20  }
0xa4: {  	_ =	swait.ge [sflag:s22], s20  }
0xa5: {  	s4 =	ssub.s32 $0x0, s20;
	[sflag:s22] =	ssyncset.done $0x0  }
0xa6: {  	[sflag:s22] =	ssyncadd.s32 s4;
	_ =	sdelay $0x1  }
0xa7: {  	s23 =	simm.s32 $0x1B8B  }
0xa8: {  	_ =	swait.ge [sflag:s23], $0x1  }
0xa9: {  	[sflag:s23] =	ssyncset.done $0x0  }
0xaa: {  	s25 =	simm.s32 $0x1B8E;
	s24 =	sld [smem:$0x3FFE];
	[sflag:s23] =	ssyncadd.s32 $0xFFFFFFFF  }
0xab: {  	s26 =	simm.s32 $execute0_lowered;
	[smem:$0x3FD2] =	sst s25  }
0xac: {  	s5 =	sshll.u32 s26, $0x1;
	_ =	strace $0x80000046;
	[dreg:$0x1] =	wrdreg $0xFFFFFFFF  }
0xad: {  	s28 =	simm.s32 $_size_execute0_lowered;
	s3 =	sadd.s32 s3, s5;
	[dreg:$0x0] =	wrdreg $0x0  }
0xae: {  	s5 =	sshll.u32 s28, $0x1;
	[dreg:$0x2] =	wrdreg s3  }
0xaf: {  	[dreg:$0x3] =	wrdreg s5  }
0xb0: {  	[dreg:$0x4] =	wrdreg $0xC0  }
0xb1: {  	_ =	task [dreg:s7], $0x5FFFF  }
0xb2: {  	[dreg:$0x1] =	wrdreg $0xFFFFFFFF  }
0xb3: {  	[dreg:$0x0] =	wrdreg $0x60  }
0xb4: {  	[dreg:$0x2] =	wrdreg s16  }
0xb5: {  	[dreg:$0x3] =	wrdreg s24  }
0xb6: {  	[dreg:$0x4] =	wrdreg $0xA  }
0xb7: {  	_ =	task.clear_ibuf [dreg:s7], $0x5FFFF;
	_ =	strace $0x90000046  }
0xb8: {  	s29 =	simm.s32 $0xA;
	_ =	strace $0x80000048  }
0xb9: {  	_ =	swait.ge [sflag:s29], $0x1  }
0xba: {  	[sflag:s29] =	ssyncadd.s32 $0xFFFFFFFF  }
0xbb: {  	_ =	strace $0x90000048  }
0xbc: {  	_ =	sfence  }
0xbd: {  	s30 =	sld [smem:$0x0];
	_ =	sdelay $0x2  }
0xbe: {  	s31 =	sshll.u32 s1, $0xD;
	s1 =	sshrl.u32 s1, $0x2  }
0xbf: {  	s3 =	sand.u32 $0x4000, s31;
	s1 =	sadd.s32 s1, s30  }
0xc0: {  	s0 =	sor.u32 s3, s0;
	s1 =	sshll.u32 s1, $0x11  }
0xc1: {  	s0 =	sor.u32 s1, s0  }
0xc2: {  	s0 =	sadd.s32 $0x8F2B, s0  }
0xc3: {  	[sflag:s0] =	ssyncadd.remote.s32 $0x1  }
0xc4: {  	_ =	sfence.sel $0xFFFF  }
0xc5: {  	[dreg:$0x0] =	wrdreg $0xFFFFFFFF;
	(pc) =	sbr.abs _section_cstart, $3  }
0xc6: {  	[dreg:$0x1] =	wrdreg $0xFFFFFFFF  }
0xc7: {  	_ =	task.clear_ibuf [dreg:s7], $0x2FFFF;
	_ =	strace $0x9FFFFFFF  }
0xc8: {  	(tm) =	ssettm $0x7FFFFFFF  }
0xc9: {  	_ =	shalt  }
tec
execute0_lowered:
.L_overlay_start_1:
0x0: {  	(tag) =	ssettag $0x1  }
0x1: {  	s3 =	rddreg [dreg:$0x0]  }
0x2: {  	s4 =	rddreg [dreg:$0x1]  }
0x3: {  	s0 =	rddreg [dreg:$0x2]  }
0x4: {  	s5 =	srdreg.scid;
	s1 =	stileid.u32  }
0x5: {  	s2 =	simm.s32 $0x0;
	s5 =	sand.u32 $0x1, s5;
	s6 =	sshll.u32 s1, $0x1  }
0x6: {  	s10 =	simm.s32 $0x0;
	[smem:$0x7FF] =	sst s2;
	s6 =	sor.u32 s5, s6  }
0x7: {  	_ =	strace $0x80000047;
	s5 =	ssub.s32 $0x2, s5;
	s7 =	sshll.u32 s6, $0xC  }
0x8: {  	s6 =	sshll.u32 s6, $0x9;
	s31 =	sshrl.u32 s5, $0x1;
	s8 =	sadd.s32 s7, s4  }
0x9: {  	s6 =	sadd.s32 s6, s4;
	s9 =	ssub.s32 s5, s31;
	s3 =	sadd.s32 s3, s7  }
0xa: {  	v0 =	vimm.f32 $0.0e+00;
	s7 =	simm.s32 $0x1;
	s4 =	sadd.s32 $0x1C00, s8;
	s5 =	sadd.s32 $0x21C00, s6  }
0xb: {  	v1 =	vlaneseq.u32;
	v2 =	vimm.f32 $-Inf;
	v3 =	vimm.s32 $0x0;
	s6 =	smax.u32 s9, $0x1;
	s8 =	simm.s32 $0x8000;
	s9 =	simm.s32 $0x10000  }
.LBB2_1:
0xc: {  	[tilespmem:s2], [sflag:$0x1] =	stream.linear.gather [hbm4b:s3+s2], $0x8000, $0x38;
	[tilespmem:$0x11000] =	vst v63  }
0xd: {  	_ =	swait.ge [sflag:s7], $0x8000  }
0xe: {  	[sflag:s7] =	ssyncset.done $0x0  }
0xf: {  	s11 =	simm.s32 $0x0;
	s12 =	simm.s32 $0x200;
	[sflag:s7] =	ssyncadd.s32 $0xFFFF8000  }
.LBB2_2:
0x10: {  	p0 =	sne.s32 s12, $0x1FE00;
	[tilespmem:s11+$0x8070] =	vst v0  }
0x11: {  	[tilespmem:s11+$0x8000] =	vst v0  }
0x12: {  	[tilespmem:s11+$0x8010] =	vst v0  }
.Ltmp0:
0x13: {  	[tilespmem:s11+$0x8020] =	vst v0;
	(pc) =	sbr.rel @p0 .LBB2_2-.Ltmp0, $4  }
0x14: {  	[tilespmem:s11+$0x8030] =	vst v0  }
0x15: {  	[tilespmem:s11+$0x8040] =	vst v0  }
0x16: {  	[tilespmem:s11+$0x8050] =	vst v0  }
0x17: {  	[tilespmem:s11+$0x8060] =	vst v0;
	s11 =	sshra.s32 s12, $0x2;
	s12 =	sadd.s32 $0x200, s12  }
0x18: {  	[tilespmem:s11+$0x8070] =	vst v0  }
0x19: {  	[tilespmem:s11+$0x8000] =	vst v0  }
0x1a: {  	[tilespmem:s11+$0x8010] =	vst v0  }
0x1b: {  	[tilespmem:s11+$0x8020] =	vst v0  }
0x1c: {  	[tilespmem:s11+$0x8030] =	vst v0  }
0x1d: {  	[tilespmem:s11+$0x8040] =	vst v0  }
0x1e: {  	[tilespmem:s11+$0x8050] =	vst v0  }
0x1f: {  	[tilespmem:s11+$0x8060] =	vst v0;
	s11 =	simm.s32 $0x0;
	s12 =	simm.s32 $0x0  }
.LBB2_4:
0x20: {  	v4 =	vld [tilespmem:s11+$0x0]  }
0x21: {  	s13 =	sand.u32 $0x1F0, s12  }
0x22: {  	v5 =	vld [tilespmem:s13+$0x200];
	_ =	sdelay $0x1  }
0x23: {  	v6 =	vld [tilespmem:s13+$0x400]  }
0x24: {  	vm0 =	vgt.f32 v4, $-Inf  }
0x25: {  	v7 =	vld [tilespmem:s13+$0x600];
	v4 =	vnsel vm0, $0xFF800000, v4  }
0x26: {  	vm1 =	vgt.f32 v5, v4  }
0x27: {  	v4 =	vsel vm1, v5, v4;
	v5 =	vld [tilespmem:s13+$0x800]  }
0x28: {  	v16 =	vld [tilespmem:s13+$0xA00];
	vm2 =	vgt.f32 v6, v4  }
0x29: {  	v8 =	vld [tilespmem:s13+$0x2000];
	v4 =	vsel vm2, v6, v4  }
0x2a: {  	vm3 =	vgt.f32 v7, v4  }
0x2b: {  	v17 =	vld [tilespmem:s13+$0xC00];
	v4 =	vsel vm3, v7, v4  }
0x2c: {  	v9 =	vld [tilespmem:s13+$0xE00];
	vm4 =	vgt.f32 v5, v4  }
0x2d: {  	v4 =	vsel vm4, v5, v4;
	v5 =	vld [tilespmem:s13+$0x2200]  }
0x2e: {  	v10 =	vld [tilespmem:s13+$0x1000];
	vm14 =	vlt.f32 v8, $-Inf;
	vm6 =	vgt.f32 v8, $-Inf;
	vm5 =	vgt.f32 v16, v4  }
0x2f: {  	v18 =	vld [tilespmem:s13+$0x2400];
	vm0 =	vmor vm6, vm14;
	v4 =	vsel vm5, v16, v4  }
0x30: {  	v11 =	vld [tilespmem:s13+$0x1200];
	v19 =	vnsel vm0, $0xFF800000, v8;
	v12 =	vsel vm1, $0x1, v3;
	vm7 =	vgt.f32 v17, v4  }
0x31: {  	v20 =	vld [tilespmem:s13+$0x2600];
	v33 =	vsel vm0, $0x10, v3;
	v12 =	vsel vm2, $0x2, v12;
	v4 =	vsel vm7, v17, v4  }
0x32: {  	v13 =	vld [tilespmem:s13+$0x1400];
	v22 =	vsel vm3, $0x3, v12;
	vm15 =	vgt.f32 v9, v4;
	vm1 =	vgt.f32 v5, v19  }
0x33: {  	v21 =	vld [tilespmem:s13+$0x2800];
	v4 =	vsel vm15, v9, v4;
	v5 =	vsel vm1, v5, v19;
	v9 =	vsel vm4, $0x4, v22  }
0x34: {  	v38 =	vld [tilespmem:s13+$0x4000];
	v34 =	vsel vm1, $0x11, v33;
	vm8 =	vgt.f32 v10, v4;
	vm2 =	vgt.f32 v18, v5  }
0x35: {  	v24 =	vld [tilespmem:s13+$0x2A00];
	v9 =	vsel vm5, $0x5, v9;
	v4 =	vsel vm8, v10, v4;
	v5 =	vsel vm2, v18, v5  }
0x36: {  	v23 =	vld [tilespmem:s13+$0x1600];
	v9 =	vsel vm7, $0x6, v9;
	vm10 =	vgt.f32 v11, v4;
	vm3 =	vgt.f32 v20, v5  }
0x37: {  	v26 =	vld [tilespmem:s13+$0x2C00];
	v9 =	vsel vm15, $0x7, v9;
	v4 =	vsel vm10, v11, v4;
	v5 =	vsel vm3, v20, v5  }
0x38: {  	v25 =	vld [tilespmem:s13+$0x1800];
	v9 =	vsel vm8, $0x8, v9;
	v11 =	vsel vm2, $0x12, v34;
	vm4 =	vgt.f32 v21, v5  }
0x39: {  	v28 =	vld [tilespmem:s13+$0x2E00];
	vm8 =	vlt.f32 v38, $-Inf;
	vm11 =	vgt.f32 v13, v4;
	v5 =	vsel vm4, v21, v5  }
0x3a: {  	v27 =	vld [tilespmem:s13+$0x1A00];
	v9 =	vsel vm10, $0x9, v9;
	v4 =	vsel vm11, v13, v4;
	vm5 =	vgt.f32 v24, v5  }
0x3b: {  	v29 =	vld [tilespmem:s13+$0x3000];
	v11 =	vsel vm3, $0x13, v11;
	vm12 =	vgt.f32 v23, v4;
	v5 =	vsel vm5, v24, v5  }
0x3c: {  	v30 =	vld [tilespmem:s13+$0x1C00];
	v9 =	vsel vm11, $0xA, v9;
	v4 =	vsel vm12, v23, v4;
	vm14 =	vgt.f32 v26, v5  }
0x3d: {  	v31 =	vld [tilespmem:s13+$0x3200];
	v11 =	vsel vm4, $0x14, v11;
	vm13 =	vgt.f32 v25, v4;
	v5 =	vsel vm14, v26, v5  }
0x3e: {  	v32 =	vld [tilespmem:s13+$0x1E00];
	v9 =	vsel vm12, $0xB, v9;
	v4 =	vsel vm13, v25, v4;
	vm9 =	vgt.f32 v28, v5  }
0x3f: {  	v35 =	vld [tilespmem:s13+$0x3400];
	v11 =	vsel vm5, $0x15, v11;
	vm15 =	vgt.f32 v27, v4;
	v5 =	vsel vm9, v28, v5  }
0x40: {  	v41 =	vld [tilespmem:s13+$0x6000];
	v9 =	vsel vm13, $0xC, v9;
	v4 =	vsel vm15, v27, v4;
	vm10 =	vgt.f32 v29, v5  }
0x41: {  	v11 =	vsel vm14, $0x16, v11;
	vm11 =	vgt.f32 v30, v4;
	v5 =	vsel vm10, v29, v5  }
0x42: {  	v36 =	vld [tilespmem:s13+$0x3600];
	v9 =	vsel vm15, $0xD, v9;
	v4 =	vsel vm11, v30, v4;
	vm12 =	vgt.f32 v31, v5  }
0x43: {  	v37 =	vld [tilespmem:s13+$0x3800];
	v9 =	vsel vm11, $0xE, v9;
	vm13 =	vgt.f32 v32, v4;
	v5 =	vsel vm12, v31, v5  }
0x44: {  	v39 =	vld [tilespmem:s13+$0x4200];
	v8 =	vsel vm13, v32, v4;
	v4 =	vsel vm9, $0x17, v11;
	v10 =	vsel vm13, $0xF, v9  }
0x45: {  	v14 =	vld [tilespmem:s13+$0x3A00];
	vm9 =	vgt.f32 v38, $-Inf;
	vm13 =	vgt.f32 v41, $-Inf;
	vm14 =	vgt.f32 v35, v5  }
0x46: {  	v15 =	vld [tilespmem:s13+$0x3C00];
	v4 =	vsel vm10, $0x18, v4;
	vm4 =	vmor vm9, vm8;
	v5 =	vsel vm14, v35, v5  }
0x47: {  	v40 =	vld [tilespmem:s13+$0x4400];
	v4 =	vsel vm12, $0x19, v4;
	v43 =	vnsel vm4, $0xFF800000, v38;
	vm12 =	vlt.f32 v41, $-Inf  }
0x48: {  	v16 =	vld [tilespmem:s13+$0x6200];
	v54 =	vsel vm4, $0x20, v3;
	vm15 =	vgt.f32 v36, v5;
	v4 =	vsel vm14, $0x1A, v4  }
0x49: {  	v42 =	vld [tilespmem:s13+$0x3E00];
	vm5 =	vgt.f32 v39, v43;
	vm0 =	vmor vm13, vm12;
	v5 =	vsel vm15, v36, v5  }
0x4a: {  	v44 =	vld [tilespmem:s13+$0x4600];
	v4 =	vsel vm15, $0x1B, v4;
	v6 =	vsel vm5, v39, v43;
	vm10 =	vgt.f32 v37, v5  }
0x4b: {  	v46 =	vld [tilespmem:s13+$0x6400];
	v11 =	vnsel vm0, $0xFF800000, v41;
	v9 =	vsel vm5, $0x21, v54;
	v5 =	vsel vm10, v37, v5  }
0x4c: {  	v23 =	vsel vm0, $0x30, v3;
	vm6 =	vgt.f32 v40, v6;
	vm11 =	vgt.f32 v14, v5  }
0x4d: {  	v17 =	vld [tilespmem:s13+$0x6600];
	vm1 =	vgt.f32 v16, v11;
	v4 =	vsel vm10, $0x1C, v4;
	v5 =	vsel vm11, v14, v5  }
0x4e: {  	v45 =	vld [tilespmem:s13+$0x4800];
	v6 =	vsel vm6, v40, v6;
	v49 =	vsel vm1, v16, v11;
	vm14 =	vgt.f32 v15, v5  }
0x4f: {  	v50 =	vld [tilespmem:s13+$0x6800];
	v9 =	vsel vm6, $0x22, v9;
	v13 =	vsel vm1, $0x31, v23;
	v5 =	vsel vm14, v15, v5  }
0x50: {  	v47 =	vld [tilespmem:s13+$0x4A00];
	vm15 =	vgt.f32 v44, v6;
	vm2 =	vgt.f32 v46, v49;
	vm13 =	vgt.f32 v42, v5  }
0x51: {  	v52 =	vld [tilespmem:s13+$0x6A00];
	v4 =	vsel vm11, $0x1D, v4;
	v11 =	vsel vm13, v42, v5;
	v5 =	vsel vm2, v46, v49  }
0x52: {  	v48 =	vld [tilespmem:s13+$0x4C00];
	v6 =	vsel vm15, v44, v6;
	v9 =	vsel vm15, $0x23, v9;
	vm3 =	vgt.f32 v17, v5  }
0x53: {  	v55 =	vld [tilespmem:s13+$0x6C00];
	v13 =	vsel vm2, $0x32, v13;
	vm12 =	vgt.f32 v45, v6;
	v5 =	vsel vm3, v17, v5  }
0x54: {  	v51 =	vld [tilespmem:s13+$0x4E00];
	v4 =	vsel vm14, $0x1E, v4;
	v6 =	vsel vm12, v45, v6;
	vm4 =	vgt.f32 v50, v5  }
0x55: {  	v57 =	vld [tilespmem:s13+$0x6E00];
	v9 =	vsel vm12, $0x24, v9;
	vm9 =	vgt.f32 v47, v6;
	v5 =	vsel vm4, v50, v5  }
0x56: {  	v53 =	vld [tilespmem:s13+$0x5000];
	v12 =	vsel vm13, $0x1F, v4;
	v4 =	vsel vm9, v47, v6;
	vm5 =	vgt.f32 v52, v5  }
0x57: {  	v59 =	vld [tilespmem:s13+$0x7000];
	v9 =	vsel vm9, $0x25, v9;
	vm10 =	vgt.f32 v48, v4;
	v5 =	vsel vm5, v52, v5  }
0x58: {  	v56 =	vld [tilespmem:s13+$0x5200];
	v4 =	vsel vm10, v48, v4;
	v9 =	vsel vm10, $0x26, v9;
	vm6 =	vgt.f32 v55, v5  }
0x59: {  	v61 =	vld [tilespmem:s13+$0x7200];
	v13 =	vsel vm3, $0x33, v13;
	vm11 =	vgt.f32 v51, v4;
	v5 =	vsel vm6, v55, v5  }
0x5a: {  	v58 =	vld [tilespmem:s13+$0x5400];
	v4 =	vsel vm11, v51, v4;
	v9 =	vsel vm11, $0x27, v9;
	vm7 =	vgt.f32 v57, v5  }
0x5b: {  	v63 =	vld [tilespmem:s13+$0x7400];
	v13 =	vsel vm4, $0x34, v13;
	vm14 =	vgt.f32 v53, v4;
	v5 =	vsel vm7, v57, v5  }
0x5c: {  	v60 =	vld [tilespmem:s13+$0x5600];
	v4 =	vsel vm14, v53, v4;
	v9 =	vsel vm14, $0x28, v9;
	vm8 =	vgt.f32 v59, v5  }
0x5d: {  	v21 =	vld [tilespmem:s13+$0x7600];
	v13 =	vsel vm5, $0x35, v13;
	vm15 =	vgt.f32 v56, v4;
	v5 =	vsel vm8, v59, v5  }
0x5e: {  	v62 =	vld [tilespmem:s13+$0x5800];
	v4 =	vsel vm15, v56, v4;
	v9 =	vsel vm15, $0x29, v9;
	vm0 =	vgt.f32 v61, v5  }
0x5f: {  	v24 =	vld [tilespmem:s13+$0x7800];
	v13 =	vsel vm6, $0x36, v13;
	vm12 =	vgt.f32 v58, v4;
	v5 =	vsel vm0, v61, v5  }
0x60: {  	v22 =	vld [tilespmem:s13+$0x5A00];
	v4 =	vsel vm12, v58, v4;
	v20 =	vsel vm12, $0x2A, v9;
	vm15 =	vgt.f32 v63, v5  }
0x61: {  	v26 =	vld [tilespmem:s13+$0x7A00];
	v13 =	vsel vm7, $0x37, v13;
	vm13 =	vgt.f32 v60, v4;
	v5 =	vsel vm15, v63, v5  }
0x62: {  	v25 =	vld [tilespmem:s13+$0x5C00];
	vm7 =	vgt.f32 v11, v8;
	v4 =	vsel vm13, v60, v4;
	vm9 =	vgt.f32 v21, v5  }
0x63: {  	v27 =	vld [tilespmem:s13+$0x7C00];
	v6 =	vsel vm7, v11, v8;
	vm14 =	vgt.f32 v62, v4;
	v5 =	vsel vm9, v21, v5  }
0x64: {  	v28 =	vld [tilespmem:s13+$0x5E00];
	v7 =	vsel vm13, $0x2B, v20;
	v4 =	vsel vm14, v62, v4;
	vm11 =	vgt.f32 v24, v5  }
0x65: {  	v29 =	vld [tilespmem:s13+$0x7E00];
	v13 =	vsel vm8, $0x38, v13;
	vm10 =	vgt.f32 v22, v4;
	v5 =	vsel vm11, v24, v5  }
0x66: {  	v7 =	vsel vm14, $0x2C, v7;
	v4 =	vsel vm10, v22, v4;
	vm13 =	vgt.f32 v26, v5  }
0x67: {  	v13 =	vsel vm0, $0x39, v13;
	vm12 =	vgt.f32 v25, v4;
	v5 =	vsel vm13, v26, v5  }
0x68: {  	v13 =	vsel vm15, $0x3A, v13;
	v4 =	vsel vm12, v25, v4;
	vm14 =	vgt.f32 v27, v5  }
0x69: {  	v30 =	vsel vm9, $0x3B, v13;
	vm15 =	vgt.f32 v28, v4;
	v5 =	vsel vm14, v27, v5  }
0x6a: {  	v13 =	vsel vm15, v28, v4;
	v4 =	vsel vm11, $0x3C, v30;
	vm6 =	vgt.f32 v29, v5  }
0x6b: {  	v7 =	vsel vm10, $0x2D, v7;
	v4 =	vsel vm13, $0x3D, v4;
	v15 =	vsel vm6, v29, v5  }
0x6c: {  	v7 =	vsel vm12, $0x2E, v7;
	v4 =	vsel vm14, $0x3E, v4;
	vm8 =	vgt.f32 v15, v13  }
0x6d: {  	v14 =	vsel vm15, $0x2F, v7;
	v16 =	vsel vm6, $0x3F, v4;
	v7 =	vsel vm8, v15, v13  }
0x6e: {  	v4 =	vsel vm7, v12, v10;
	v5 =	vsel vm8, v16, v14;
	vm9 =	vgt.f32 v7, v6  }
0x6f: {  	v4 =	vsel vm9, v5, v4  }
0x70: {  	v5 =	vor.u32 s12, v1;
	v32 =	vshll.u32 v4, $0x9;
	v33 =	vand.u32 $0xFFFFFFF0, v4  }
0x71: {  	v31 =	vimm.s32 $0x0;
	v18 =	vadd.s32 v5, v32;
	v34 =	vshll.u32 v33, $0x9  }
0x72: {  	v9 =	vsel vm9, $0xFFFFFFFF, v31;
	v19 =	vadd.s32 v5, v34  }
0x73: {  	[tilespmem:$0x1FF60] =	vst v9;
	v9 =	vand.u32 $0x7F, v5;
	v20 =	vand.u32 $0x7FFFE180, v19  }
0x74: {  	v20 =	vor.u32 v9, v20  }
0x75: {  	v21 =	vor.u32 $0x200, v20  }
0x76: {  	[tilespmem:v18+s2+$0x0] =	vst.idx.msk $0xffff, v2  }
0x77: {  	v35 =	vor.u32 $0x400, v20;
	v18 =	vld.idx.msk [tilespmem:v19+s2+$0x0], $0xffff;
	_ =	sdelay $0x1  }
0x78: {  	v22 =	vor.u32 $0x600, v20  }
0x79: {  	v21 =	vld.idx.msk [tilespmem:v21+s2+$0x0], $0xffff  }
0x7a: {  	v23 =	vor.u32 $0x800, v20  }
0x7b: {  	v19 =	vld.idx.msk [tilespmem:v35+s2+$0x0], $0xffff;
	vm10 =	vlt.f32 v18, $-Inf;
	vm11 =	vgt.f32 v18, $-Inf  }
0x7c: {  	v24 =	vor.u32 $0xA00, v20;
	vm1 =	vmor vm11, vm10  }
0x7d: {  	v22 =	vld.idx.msk [tilespmem:v22+s2+$0x0], $0xffff;
	v18 =	vnsel vm1, $0xFF800000, v18  }
0x7e: {  	v25 =	vor.u32 $0xC00, v20;
	vm12 =	vgt.f32 v21, v18  }
0x7f: {  	v36 =	vld.idx.msk [tilespmem:v23+s2+$0x0], $0xffff;
	v18 =	vsel vm12, v21, v18  }
0x80: {  	v37 =	vor.u32 $0xE00, v20;
	vm13 =	vgt.f32 v19, v18  }
0x81: {  	v38 =	vld.idx.msk [tilespmem:v24+s2+$0x0], $0xffff;
	v18 =	vsel vm13, v19, v18  }
0x82: {  	v39 =	vor.u32 $0x1000, v20;
	vm14 =	vgt.f32 v22, v18  }
0x83: {  	v40 =	vld.idx.msk [tilespmem:v25+s2+$0x0], $0xffff;
	v18 =	vsel vm14, v22, v18  }
0x84: {  	v41 =	vor.u32 $0x1200, v20;
	vm15 =	vgt.f32 v36, v18  }
0x85: {  	v42 =	vld.idx.msk [tilespmem:v37+s2+$0x0], $0xffff;
	v18 =	vsel vm15, v36, v18  }
0x86: {  	v43 =	vor.u32 $0x1400, v20;
	vm8 =	vgt.f32 v38, v18  }
0x87: {  	v28 =	vshrl.u32 v4, $0x4;
	v44 =	vld.idx.msk [tilespmem:v39+s2+$0x0], $0xffff;
	v18 =	vsel vm8, v38, v18  }
0x88: {  	v31 =	vor.u32 $0xF, v4;
	v27 =	vor.u32 $0x1600, v20;
	vm9 =	vgt.f32 v40, v18  }
0x89: {  	v45 =	vor.u32 $0x1, v33;
	v47 =	vor.u32 $0x2, v33;
	v46 =	vld.idx.msk [tilespmem:v41+s2+$0x0], $0xffff;
	v18 =	vsel vm9, v40, v18  }
0x8a: {  	v50 =	vor.u32 $0x3, v33;
	v48 =	vor.u32 $0x1800, v20;
	vm10 =	vgt.f32 v42, v18  }
0x8b: {  	v53 =	vor.u32 $0x4, v33;
	v56 =	vor.u32 $0x5, v33;
	v49 =	vld.idx.msk [tilespmem:v43+s2+$0x0], $0xffff;
	v18 =	vsel vm10, v42, v18  }
0x8c: {  	v51 =	vor.u32 $0x1A00, v20;
	v26 =	vnsel vm1, $0x0, v33;
	vm11 =	vgt.f32 v44, v18  }
0x8d: {  	v57 =	vor.u32 $0x6, v33;
	v52 =	vld.idx.msk [tilespmem:v27+s2+$0x0], $0xffff;
	v24 =	vsel vm12, v45, v26;
	v18 =	vsel vm11, v44, v18  }
0x8e: {  	v54 =	vor.u32 $0x1C00, v20;
	v24 =	vsel vm13, v47, v24;
	vm12 =	vgt.f32 v46, v18  }
0x8f: {  	v59 =	vor.u32 $0x7, v33;
	v55 =	vld.idx.msk [tilespmem:v48+s2+$0x0], $0xffff;
	v23 =	vsel vm14, v50, v24;
	v18 =	vsel vm12, v46, v18  }
0x90: {  	v20 =	vor.u32 $0x1E00, v20;
	v23 =	vsel vm15, v53, v23;
	vm13 =	vgt.f32 v49, v18  }
0x91: {  	v60 =	vor.u32 $0x8, v33;
	v58 =	vld.idx.msk [tilespmem:v51+s2+$0x0], $0xffff;
	v23 =	vsel vm8, v56, v23;
	v18 =	vsel vm13, v49, v18  }
0x92: {  	v62 =	vor.u32 $0x9, v33;
	v23 =	vsel vm9, v57, v23;
	vm14 =	vgt.f32 v52, v18  }
0x93: {  	v63 =	vor.u32 $0xA, v33;
	v61 =	vld.idx.msk [tilespmem:v54+s2+$0x0], $0xffff;
	v23 =	vsel vm10, v59, v23;
	v18 =	vsel vm14, v52, v18  }
0x94: {  	v30 =	vor.u32 $0xD, v33;
	v23 =	vsel vm11, v60, v23;
	vm15 =	vgt.f32 v55, v18  }
0x95: {  	v17 =	vor.u32 $0xE, v33;
	v20 =	vld.idx.msk [tilespmem:v20+s2+$0x0], $0xffff;
	v23 =	vsel vm12, v62, v23;
	v18 =	vsel vm15, v55, v18  }
0x96: {  	v26 =	vor.u32 $0xB, v33;
	v25 =	vsel vm13, v63, v23;
	vm4 =	vgt.f32 v58, v18  }
0x97: {  	v27 =	vor.u32 $0xC, v33;
	v22 =	vsel vm14, v26, v25;
	v18 =	vsel vm4, v58, v18  }
0x98: {  	vm7 =	veq.s32 v28, $0x0;
	v29 =	vsel vm15, v27, v22;
	vm5 =	vgt.f32 v61, v18  }
0x99: {  	vm8 =	veq.s32 v28, $0x1;
	v21 =	vsel vm4, v30, v29;
	v18 =	vsel vm5, v61, v18  }
0x9a: {  	vm9 =	veq.s32 v28, $0x2;
	v17 =	vsel vm5, v17, v21;
	vm6 =	vgt.f32 v20, v18  }
0x9b: {  	vm10 =	veq.s32 v28, $0x3;
	v18 =	vsel vm6, v20, v18;
	v17 =	vsel vm6, v31, v17  }
0x9c: {  	v19 =	vsel vm7, v18, v8;
	v20 =	vsel vm7, v17, v10;
	v21 =	vsel vm8, v18, v11  }
0x9d: {  	v12 =	vsel vm8, v17, v12;
	v13 =	vsel vm9, v18, v13;
	v15 =	vsel vm10, v18, v15  }
0x9e: {  	v14 =	vsel vm9, v17, v14;
	vm11 =	vgt.f32 v21, v19;
	vm12 =	vgt.f32 v15, v13  }
0x9f: {  	v16 =	vsel vm10, v17, v16;
	v10 =	vsel vm11, v21, v19;
	v11 =	vsel vm12, v15, v13  }
0xa0: {  	v32 =	vsel vm11, v12, v20;
	v17 =	vsel vm12, v16, v14;
	vm9 =	vgt.f32 v11, v10  }
0xa1: {  	v8 =	vsel vm9, v17, v32  }
0xa2: {  	v17 =	vshll.u32 v8, $0x9;
	v18 =	vand.u32 $0xFFFFFFF0, v8  }
0xa3: {  	v17 =	vadd.s32 v5, v17;
	v33 =	vshll.u32 v18, $0x9  }
0xa4: {  	v22 =	vadd.s32 v5, v33  }
0xa5: {  	v34 =	vand.u32 $0x7FFFE180, v22  }
0xa6: {  	v23 =	vor.u32 v9, v34  }
0xa7: {  	v35 =	vor.u32 $0x200, v23  }
0xa8: {  	[tilespmem:v17+s2+$0x0] =	vst.idx.msk $0xffff, v2  }
0xa9: {  	v36 =	vor.u32 $0x400, v23;
	v17 =	vld.idx.msk [tilespmem:v22+s2+$0x0], $0xffff;
	_ =	sdelay $0x1  }
0xaa: {  	v37 =	vor.u32 $0x600, v23  }
0xab: {  	v24 =	vld.idx.msk [tilespmem:v35+s2+$0x0], $0xffff  }
0xac: {  	v38 =	vor.u32 $0x800, v23  }
0xad: {  	v22 =	vld.idx.msk [tilespmem:v36+s2+$0x0], $0xffff;
	vm13 =	vlt.f32 v17, $-Inf;
	vm14 =	vgt.f32 v17, $-Inf  }
0xae: {  	v39 =	vor.u32 $0xA00, v23;
	vm1 =	vmor vm14, vm13  }
0xaf: {  	v25 =	vld.idx.msk [tilespmem:v37+s2+$0x0], $0xffff;
	v17 =	vnsel vm1, $0xFF800000, v17  }
0xb0: {  	v40 =	vor.u32 $0xC00, v23;
	vm15 =	vgt.f32 v24, v17  }
0xb1: {  	v41 =	vld.idx.msk [tilespmem:v38+s2+$0x0], $0xffff;
	v17 =	vsel vm15, v24, v17  }
0xb2: {  	v42 =	vor.u32 $0xE00, v23;
	vm8 =	vgt.f32 v22, v17  }
0xb3: {  	v43 =	vld.idx.msk [tilespmem:v39+s2+$0x0], $0xffff;
	v17 =	vsel vm8, v22, v17  }
0xb4: {  	v44 =	vor.u32 $0x1000, v23;
	vm10 =	vgt.f32 v25, v17  }
0xb5: {  	v45 =	vld.idx.msk [tilespmem:v40+s2+$0x0], $0xffff;
	v17 =	vsel vm10, v25, v17  }
0xb6: {  	v46 =	vor.u32 $0x1200, v23;
	vm11 =	vgt.f32 v41, v17  }
0xb7: {  	v47 =	vld.idx.msk [tilespmem:v42+s2+$0x0], $0xffff;
	v17 =	vsel vm11, v41, v17  }
0xb8: {  	v48 =	vor.u32 $0x1400, v23;
	vm12 =	vgt.f32 v43, v17  }
0xb9: {  	v31 =	vshrl.u32 v8, $0x4;
	v50 =	vor.u32 $0x1, v18;
	v49 =	vld.idx.msk [tilespmem:v44+s2+$0x0], $0xffff;
	v17 =	vsel vm12, v43, v17  }
0xba: {  	v52 =	vor.u32 $0x2, v18;
	v30 =	vor.u32 $0x1600, v23;
	vm13 =	vgt.f32 v45, v17  }
0xbb: {  	v55 =	vor.u32 $0x3, v18;
	v58 =	vor.u32 $0x4, v18;
	v51 =	vld.idx.msk [tilespmem:v46+s2+$0x0], $0xffff;
	v17 =	vsel vm13, v45, v17  }
0xbc: {  	v61 =	vor.u32 $0x5, v18;
	v53 =	vor.u32 $0x1800, v23;
	vm14 =	vgt.f32 v47, v17  }
0xbd: {  	v62 =	vor.u32 $0x6, v18;
	v54 =	vld.idx.msk [tilespmem:v48+s2+$0x0], $0xffff;
	v29 =	vnsel vm1, $0x0, v18;
	v17 =	vsel vm14, v47, v17  }
0xbe: {  	v56 =	vor.u32 $0x1A00, v23;
	v27 =	vsel vm15, v50, v29;
	vm15 =	vgt.f32 v49, v17  }
0xbf: {  	v32 =	vor.u32 $0x7, v18;
	vm4 =	veq.s32 v31, $0x0;
	v57 =	vld.idx.msk [tilespmem:v30+s2+$0x0], $0xffff;
	v17 =	vsel vm15, v49, v17  }
0xc0: {  	v59 =	vor.u32 $0x1C00, v23;
	v27 =	vsel vm8, v52, v27;
	vm8 =	vgt.f32 v51, v17  }
0xc1: {  	vm5 =	veq.s32 v31, $0x1;
	v60 =	vld.idx.msk [tilespmem:v53+s2+$0x0], $0xffff;
	v26 =	vsel vm10, v55, v27;
	v17 =	vsel vm8, v51, v17  }
0xc2: {  	v23 =	vor.u32 $0x1E00, v23;
	v26 =	vsel vm11, v58, v26;
	vm10 =	vgt.f32 v54, v17  }
0xc3: {  	vm6 =	veq.s32 v31, $0x2;
	v63 =	vld.idx.msk [tilespmem:v56+s2+$0x0], $0xffff;
	v26 =	vsel vm12, v61, v26;
	v17 =	vsel vm10, v54, v17  }
0xc4: {  	vm7 =	veq.s32 v31, $0x3;
	v26 =	vsel vm13, v62, v26;
	vm11 =	vgt.f32 v57, v17  }
0xc5: {  	v33 =	vor.u32 $0x8, v18;
	v34 =	vld.idx.msk [tilespmem:v59+s2+$0x0], $0xffff;
	v26 =	vsel vm14, v32, v26;
	v17 =	vsel vm11, v57, v17  }
0xc6: {  	v35 =	vor.u32 $0x9, v18;
	v26 =	vsel vm15, v33, v26;
	vm12 =	vgt.f32 v60, v17  }
0xc7: {  	v36 =	vor.u32 $0xA, v18;
	v23 =	vld.idx.msk [tilespmem:v23+s2+$0x0], $0xffff;
	v26 =	vsel vm8, v35, v26;
	v17 =	vsel vm12, v60, v17  }
0xc8: {  	v38 =	vor.u32 $0xB, v18;
	v37 =	vsel vm10, v36, v26;
	vm13 =	vgt.f32 v63, v17  }
0xc9: {  	v39 =	vor.u32 $0xC, v18;
	v25 =	vsel vm11, v38, v37;
	v17 =	vsel vm13, v63, v17  }
0xca: {  	v41 =	vor.u32 $0xD, v18;
	v40 =	vsel vm12, v39, v25;
	vm14 =	vgt.f32 v34, v17  }
0xcb: {  	v18 =	vor.u32 $0xE, v18;
	v24 =	vsel vm13, v41, v40;
	v17 =	vsel vm14, v34, v17  }
0xcc: {  	v42 =	vor.u32 $0xF, v8;
	v18 =	vsel vm14, v18, v24;
	vm15 =	vgt.f32 v23, v17  }
0xcd: {  	v43 =	vimm.s32 $0x0;
	v17 =	vsel vm15, v23, v17;
	v18 =	vsel vm15, v42, v18  }
0xce: {  	v19 =	vsel vm4, v17, v19;
	v20 =	vsel vm4, v18, v20;
	v21 =	vsel vm5, v17, v21  }
0xcf: {  	v22 =	vsel vm5, v18, v12;
	v23 =	vsel vm6, v17, v13;
	v15 =	vsel vm7, v17, v15  }
0xd0: {  	v17 =	vsel vm6, v18, v14;
	vm8 =	vgt.f32 v21, v19;
	vm10 =	vgt.f32 v15, v23  }
0xd1: {  	v16 =	vsel vm7, v18, v16;
	v13 =	vsel vm8, v21, v19;
	v14 =	vsel vm10, v15, v23  }
0xd2: {  	v12 =	vsel vm8, v22, v20;
	v18 =	vsel vm10, v16, v17;
	vm11 =	vgt.f32 v14, v13  }
0xd3: {  	v24 =	vsel vm11, $0xFFFFFFFF, v43;
	v12 =	vsel vm11, v18, v12  }
0xd4: {  	[tilespmem:$0x1FF70] =	vst v24;
	v18 =	vshll.u32 v12, $0x9;
	v24 =	vand.u32 $0xFFFFFFF0, v12  }
0xd5: {  	v18 =	vadd.s32 v5, v18;
	v44 =	vshll.u32 v24, $0x9  }
0xd6: {  	v25 =	vadd.s32 v5, v44  }
0xd7: {  	v45 =	vand.u32 $0x7FFFE180, v25  }
0xd8: {  	v26 =	vor.u32 v9, v45  }
0xd9: {  	v46 =	vor.u32 $0x200, v26  }
0xda: {  	[tilespmem:v18+s2+$0x0] =	vst.idx.msk $0xffff, v2  }
0xdb: {  	v47 =	vor.u32 $0x400, v26;
	v18 =	vld.idx.msk [tilespmem:v25+s2+$0x0], $0xffff;
	_ =	sdelay $0x1  }
0xdc: {  	v48 =	vor.u32 $0x600, v26  }
0xdd: {  	v27 =	vld.idx.msk [tilespmem:v46+s2+$0x0], $0xffff  }
0xde: {  	v49 =	vor.u32 $0x800, v26  }
0xdf: {  	v25 =	vld.idx.msk [tilespmem:v47+s2+$0x0], $0xffff;
	vm12 =	vlt.f32 v18, $-Inf;
	vm13 =	vgt.f32 v18, $-Inf  }
0xe0: {  	v50 =	vor.u32 $0xA00, v26;
	vm1 =	vmor vm13, vm12  }
0xe1: {  	v28 =	vld.idx.msk [tilespmem:v48+s2+$0x0], $0xffff;
	v18 =	vnsel vm1, $0xFF800000, v18  }
0xe2: {  	v51 =	vor.u32 $0xC00, v26;
	vm14 =	vgt.f32 v27, v18  }
0xe3: {  	v52 =	vld.idx.msk [tilespmem:v49+s2+$0x0], $0xffff;
	v18 =	vsel vm14, v27, v18  }
0xe4: {  	v53 =	vor.u32 $0xE00, v26;
	vm15 =	vgt.f32 v25, v18  }
0xe5: {  	v54 =	vld.idx.msk [tilespmem:v50+s2+$0x0], $0xffff;
	v18 =	vsel vm15, v25, v18  }
0xe6: {  	v55 =	vor.u32 $0x1000, v26;
	vm8 =	vgt.f32 v28, v18  }
0xe7: {  	v56 =	vld.idx.msk [tilespmem:v51+s2+$0x0], $0xffff;
	v18 =	vsel vm8, v28, v18  }
0xe8: {  	v57 =	vor.u32 $0x1200, v26;
	vm10 =	vgt.f32 v52, v18  }
0xe9: {  	v58 =	vld.idx.msk [tilespmem:v53+s2+$0x0], $0xffff;
	v18 =	vsel vm10, v52, v18  }
0xea: {  	v59 =	vor.u32 $0x1400, v26;
	vm11 =	vgt.f32 v54, v18  }
0xeb: {  	v34 =	vshrl.u32 v12, $0x4;
	v60 =	vld.idx.msk [tilespmem:v55+s2+$0x0], $0xffff;
	v18 =	vsel vm11, v54, v18  }
0xec: {  	v61 =	vor.u32 $0x1, v24;
	v33 =	vor.u32 $0x1600, v26;
	vm12 =	vgt.f32 v56, v18  }
0xed: {  	v63 =	vor.u32 $0x2, v24;
	v38 =	vor.u32 $0x3, v24;
	v62 =	vld.idx.msk [tilespmem:v57+s2+$0x0], $0xffff;
	v18 =	vsel vm12, v56, v18  }
0xee: {  	v41 =	vor.u32 $0x4, v24;
	v36 =	vor.u32 $0x1800, v26;
	vm13 =	vgt.f32 v58, v18  }
0xef: {  	vm4 =	veq.s32 v34, $0x1;
	v37 =	vld.idx.msk [tilespmem:v59+s2+$0x0], $0xffff;
	v32 =	vnsel vm1, $0x0, v24;
	v18 =	vsel vm13, v58, v18  }
0xf0: {  	v39 =	vor.u32 $0x1A00, v26;
	v30 =	vsel vm14, v61, v32;
	vm14 =	vgt.f32 v60, v18  }
0xf1: {  	vm5 =	veq.s32 v34, $0x2;
	vm6 =	veq.s32 v34, $0x3;
	v40 =	vld.idx.msk [tilespmem:v33+s2+$0x0], $0xffff;
	v18 =	vsel vm14, v60, v18  }
0xf2: {  	v42 =	vor.u32 $0x1C00, v26;
	v30 =	vsel vm15, v63, v30;
	vm15 =	vgt.f32 v62, v18  }
0xf3: {  	v44 =	vor.u32 $0x5, v24;
	v43 =	vld.idx.msk [tilespmem:v36+s2+$0x0], $0xffff;
	v29 =	vsel vm8, v38, v30;
	v18 =	vsel vm15, v62, v18  }
0xf4: {  	v26 =	vor.u32 $0x1E00, v26;
	v29 =	vsel vm10, v41, v29;
	vm8 =	vgt.f32 v37, v18  }
0xf5: {  	v45 =	vor.u32 $0x6, v24;
	v46 =	vld.idx.msk [tilespmem:v39+s2+$0x0], $0xffff;
	v29 =	vsel vm11, v44, v29;
	v18 =	vsel vm8, v37, v18  }
0xf6: {  	v47 =	vor.u32 $0x7, v24;
	v29 =	vsel vm12, v45, v29;
	vm10 =	vgt.f32 v40, v18  }
0xf7: {  	v48 =	vor.u32 $0x8, v24;
	v49 =	vld.idx.msk [tilespmem:v42+s2+$0x0], $0xffff;
	v29 =	vsel vm13, v47, v29;
	v18 =	vsel vm10, v40, v18  }
0xf8: {  	v50 =	vor.u32 $0x9, v24;
	v29 =	vsel vm14, v48, v29;
	vm11 =	vgt.f32 v43, v18  }
0xf9: {  	v51 =	vor.u32 $0xA, v24;
	v26 =	vld.idx.msk [tilespmem:v26+s2+$0x0], $0xffff;
	v29 =	vsel vm15, v50, v29;
	v18 =	vsel vm11, v43, v18  }
0xfa: {  	v53 =	vor.u32 $0xB, v24;
	v52 =	vsel vm8, v51, v29;
	vm12 =	vgt.f32 v46, v18  }
0xfb: {  	v54 =	vor.u32 $0xC, v24;
	v28 =	vsel vm10, v53, v52;
	v18 =	vsel vm12, v46, v18  }
0xfc: {  	v56 =	vor.u32 $0xD, v24;
	v55 =	vsel vm11, v54, v28;
	vm13 =	vgt.f32 v49, v18  }
0xfd: {  	v24 =	vor.u32 $0xE, v24;
	v27 =	vsel vm12, v56, v55;
	v18 =	vsel vm13, v49, v18  }
0xfe: {  	v57 =	vor.u32 $0xF, v12;
	v24 =	vsel vm13, v24, v27;
	vm14 =	vgt.f32 v26, v18  }
0xff: {  	vm15 =	veq.s32 v34, $0x0;
	v18 =	vsel vm14, v26, v18;
	v24 =	vsel vm14, v57, v24  }
0x100: {  	v19 =	vsel vm15, v18, v19;
	v20 =	vsel vm15, v24, v20;
	v21 =	vsel vm4, v18, v21  }
0x101: {  	v22 =	vsel vm4, v24, v22;
	v23 =	vsel vm5, v18, v23;
	v25 =	vsel vm6, v18, v15  }
0x102: {  	v26 =	vsel vm5, v24, v17;
	vm7 =	vgt.f32 v21, v19;
	vm8 =	vgt.f32 v25, v23  }
0x103: {  	v16 =	vsel vm6, v24, v16;
	v17 =	vsel vm7, v21, v19;
	v18 =	vsel vm8, v25, v23  }
0x104: {  	v58 =	vsel vm7, v22, v20;
	v24 =	vsel vm8, v16, v26;
	vm8 =	vgt.f32 v18, v17  }
0x105: {  	v15 =	vsel vm8, v24, v58  }
0x106: {  	v24 =	vshll.u32 v15, $0x9;
	v27 =	vand.u32 $0xFFFFFFF0, v15  }
0x107: {  	v24 =	vadd.s32 v5, v24;
	v59 =	vshll.u32 v27, $0x9  }
0x108: {  	v28 =	vadd.s32 v5, v59  }
0x109: {  	v60 =	vand.u32 $0x7FFFE180, v28  }
0x10a: {  	v29 =	vor.u32 v9, v60  }
0x10b: {  	v61 =	vor.u32 $0x200, v29  }
0x10c: {  	[tilespmem:v24+s2+$0x0] =	vst.idx.msk $0xffff, v2  }
0x10d: {  	v62 =	vor.u32 $0x400, v29;
	v24 =	vld.idx.msk [tilespmem:v28+s2+$0x0], $0xffff;
	_ =	sdelay $0x1  }
0x10e: {  	v63 =	vor.u32 $0x600, v29  }
0x10f: {  	v30 =	vld.idx.msk [tilespmem:v61+s2+$0x0], $0xffff  }
0x110: {  	v36 =	vor.u32 $0x800, v29  }
0x111: {  	v28 =	vld.idx.msk [tilespmem:v62+s2+$0x0], $0xffff;
	vm10 =	vlt.f32 v24, $-Inf;
	vm11 =	vgt.f32 v24, $-Inf  }
0x112: {  	v37 =	vor.u32 $0xA00, v29;
	vm1 =	vmor vm11, vm10  }
0x113: {  	v31 =	vld.idx.msk [tilespmem:v63+s2+$0x0], $0xffff;
	v24 =	vnsel vm1, $0xFF800000, v24  }
0x114: {  	v38 =	vor.u32 $0xC00, v29;
	vm12 =	vgt.f32 v30, v24  }
0x115: {  	v39 =	vld.idx.msk [tilespmem:v36+s2+$0x0], $0xffff;
	v24 =	vsel vm12, v30, v24  }
0x116: {  	v40 =	vor.u32 $0xE00, v29;
	vm13 =	vgt.f32 v28, v24  }
0x117: {  	v41 =	vld.idx.msk [tilespmem:v37+s2+$0x0], $0xffff;
	v24 =	vsel vm13, v28, v24  }
0x118: {  	v42 =	vor.u32 $0x1000, v29;
	vm14 =	vgt.f32 v31, v24  }
0x119: {  	v43 =	vld.idx.msk [tilespmem:v38+s2+$0x0], $0xffff;
	v24 =	vsel vm14, v31, v24  }
0x11a: {  	v44 =	vor.u32 $0x1200, v29;
	vm15 =	vgt.f32 v39, v24  }
0x11b: {  	v45 =	vld.idx.msk [tilespmem:v40+s2+$0x0], $0xffff;
	v24 =	vsel vm15, v39, v24  }
0x11c: {  	v46 =	vor.u32 $0x1400, v29;
	vm10 =	vgt.f32 v41, v24  }
0x11d: {  	v48 =	vor.u32 $0x1, v27;
	v47 =	vld.idx.msk [tilespmem:v42+s2+$0x0], $0xffff;
	v24 =	vsel vm10, v41, v24  }
0x11e: {  	v50 =	vor.u32 $0x2, v27;
	v36 =	vor.u32 $0x1600, v29;
	vm11 =	vgt.f32 v43, v24  }
0x11f: {  	v53 =	vor.u32 $0x3, v27;
	v49 =	vld.idx.msk [tilespmem:v44+s2+$0x0], $0xffff;
	v35 =	vnsel vm1, $0x0, v27;
	v24 =	vsel vm11, v43, v24  }
0x120: {  	v51 =	vor.u32 $0x1800, v29;
	v33 =	vsel vm12, v48, v35;
	vm12 =	vgt.f32 v45, v24  }
0x121: {  	v56 =	vor.u32 $0x4, v27;
	v59 =	vor.u32 $0x5, v27;
	v52 =	vld.idx.msk [tilespmem:v46+s2+$0x0], $0xffff;
	v24 =	vsel vm12, v45, v24  }
0x122: {  	v54 =	vor.u32 $0x1A00, v29;
	v33 =	vsel vm13, v50, v33;
	vm13 =	vgt.f32 v47, v24  }
0x123: {  	v60 =	vor.u32 $0x6, v27;
	v57 =	vor.u32 $0x1C00, v29;
	v55 =	vld.idx.msk [tilespmem:v36+s2+$0x0], $0xffff;
	v24 =	vsel vm13, v47, v24  }
0x124: {  	v37 =	vshrl.u32 v15, $0x4;
	v32 =	vsel vm14, v53, v33;
	vm14 =	vgt.f32 v49, v24  }
0x125: {  	v58 =	vld.idx.msk [tilespmem:v51+s2+$0x0], $0xffff;
	v29 =	vor.u32 $0x1E00, v29;
	v62 =	vor.u32 $0x7, v27;
	v24 =	vsel vm14, v49, v24  }
0x126: {  	v63 =	vor.u32 $0x8, v27;
	v32 =	vsel vm15, v56, v32;
	vm15 =	vgt.f32 v52, v24  }
0x127: {  	v61 =	vld.idx.msk [tilespmem:v54+s2+$0x0], $0xffff;
	v40 =	vor.u32 $0xA, v27;
	v32 =	vsel vm10, v59, v32;
	v24 =	vsel vm15, v52, v24  }
0x128: {  	v42 =	vor.u32 $0xB, v27;
	v32 =	vsel vm11, v60, v32;
	vm6 =	vgt.f32 v55, v24  }
0x129: {  	v38 =	vld.idx.msk [tilespmem:v57+s2+$0x0], $0xffff;
	v46 =	vor.u32 $0xF, v15;
	v32 =	vsel vm12, v62, v32;
	v24 =	vsel vm6, v55, v24  }
0x12a: {  	v39 =	vor.u32 $0x9, v27;
	v32 =	vsel vm13, v63, v32;
	vm7 =	vgt.f32 v58, v24  }
0x12b: {  	vm4 =	veq.s32 v37, $0x3;
	v29 =	vld.idx.msk [tilespmem:v29+s2+$0x0], $0xffff;
	v32 =	vsel vm14, v39, v32;
	v24 =	vsel vm7, v58, v24  }
0x12c: {  	v43 =	vor.u32 $0xC, v27;
	v41 =	vsel vm15, v40, v32;
	vm10 =	vgt.f32 v61, v24  }
0x12d: {  	v45 =	vor.u32 $0xD, v27;
	v31 =	vsel vm6, v42, v41;
	v24 =	vsel vm10, v61, v24  }
0x12e: {  	v27 =	vor.u32 $0xE, v27;
	v44 =	vsel vm7, v43, v31;
	vm11 =	vgt.f32 v38, v24  }
0x12f: {  	vm13 =	veq.s32 v37, $0x0;
	v30 =	vsel vm10, v45, v44;
	v24 =	vsel vm11, v38, v24  }
0x130: {  	vm14 =	veq.s32 v37, $0x1;
	v27 =	vsel vm11, v27, v30;
	vm12 =	vgt.f32 v29, v24  }
0x131: {  	vm15 =	veq.s32 v37, $0x2;
	v24 =	vsel vm12, v29, v24;
	v27 =	vsel vm12, v46, v27  }
0x132: {  	v19 =	vsel vm13, v24, v19;
	v28 =	vsel vm13, v27, v20;
	v29 =	vsel vm14, v24, v21  }
0x133: {  	v22 =	vsel vm14, v27, v22;
	v23 =	vsel vm15, v24, v23;
	v24 =	vsel vm4, v24, v25  }
0x134: {  	v25 =	vsel vm15, v27, v26;
	vm5 =	vgt.f32 v29, v19;
	vm6 =	vgt.f32 v24, v23  }
0x135: {  	v26 =	vsel vm4, v27, v16;
	v20 =	vsel vm5, v29, v19;
	v21 =	vsel vm6, v24, v23  }
0x136: {  	v47 =	vsel vm5, v22, v28;
	v27 =	vsel vm6, v26, v25;
	vm3 =	vgt.f32 v21, v20  }
0x137: {  	v16 =	vsel vm3, v27, v47  }
0x138: {  	v27 =	vshll.u32 v16, $0x9;
	v30 =	vand.u32 $0xFFFFFFF0, v16  }
0x139: {  	v27 =	vadd.s32 v5, v27;
	v48 =	vshll.u32 v30, $0x9  }
0x13a: {  	v31 =	vadd.s32 v5, v48  }
0x13b: {  	v49 =	vand.u32 $0x7FFFE180, v31  }
0x13c: {  	v32 =	vor.u32 v9, v49  }
0x13d: {  	v50 =	vor.u32 $0x200, v32  }
0x13e: {  	[tilespmem:v27+s2+$0x0] =	vst.idx.msk $0xffff, v2  }
0x13f: {  	v51 =	vor.u32 $0x400, v32;
	v27 =	vld.idx.msk [tilespmem:v31+s2+$0x0], $0xffff;
	_ =	sdelay $0x1  }
0x140: {  	v52 =	vor.u32 $0x600, v32  }
0x141: {  	v33 =	vld.idx.msk [tilespmem:v50+s2+$0x0], $0xffff  }
0x142: {  	v53 =	vor.u32 $0x800, v32  }
0x143: {  	v31 =	vld.idx.msk [tilespmem:v51+s2+$0x0], $0xffff;
	vm7 =	vlt.f32 v27, $-Inf;
	vm10 =	vgt.f32 v27, $-Inf  }
0x144: {  	v54 =	vor.u32 $0xA00, v32;
	vm1 =	vmor vm10, vm7  }
0x145: {  	v34 =	vld.idx.msk [tilespmem:v52+s2+$0x0], $0xffff;
	v27 =	vnsel vm1, $0xFF800000, v27  }
0x146: {  	v55 =	vor.u32 $0xC00, v32;
	vm11 =	vgt.f32 v33, v27  }
0x147: {  	v56 =	vld.idx.msk [tilespmem:v53+s2+$0x0], $0xffff;
	v27 =	vsel vm11, v33, v27  }
0x148: {  	v57 =	vor.u32 $0xE00, v32;
	vm12 =	vgt.f32 v31, v27  }
0x149: {  	v58 =	vld.idx.msk [tilespmem:v54+s2+$0x0], $0xffff;
	v27 =	vsel vm12, v31, v27  }
0x14a: {  	v59 =	vor.u32 $0x1000, v32;
	vm13 =	vgt.f32 v34, v27  }
0x14b: {  	v60 =	vld.idx.msk [tilespmem:v55+s2+$0x0], $0xffff;
	v27 =	vsel vm13, v34, v27  }
0x14c: {  	v61 =	vor.u32 $0x1200, v32;
	vm14 =	vgt.f32 v56, v27  }
0x14d: {  	v62 =	vld.idx.msk [tilespmem:v57+s2+$0x0], $0xffff;
	v27 =	vsel vm14, v56, v27  }
0x14e: {  	v63 =	vor.u32 $0x1400, v32;
	vm15 =	vgt.f32 v58, v27  }
0x14f: {  	v40 =	vshrl.u32 v16, $0x4;
	v42 =	vld.idx.msk [tilespmem:v59+s2+$0x0], $0xffff;
	v27 =	vsel vm15, v58, v27  }
0x150: {  	v43 =	vor.u32 $0x1, v30;
	v39 =	vor.u32 $0x1600, v32;
	vm10 =	vgt.f32 v60, v27  }
0x151: {  	v45 =	vor.u32 $0x2, v30;
	v44 =	vld.idx.msk [tilespmem:v61+s2+$0x0], $0xffff;
	v38 =	vnsel vm1, $0x0, v30;
	v27 =	vsel vm10, v60, v27  }
0x152: {  	v46 =	vor.u32 $0x1800, v32;
	v36 =	vsel vm11, v43, v38;
	vm11 =	vgt.f32 v62, v27  }
0x153: {  	v48 =	vor.u32 $0x3, v30;
	v49 =	vor.u32 $0x1A00, v32;
	v47 =	vld.idx.msk [tilespmem:v63+s2+$0x0], $0xffff;
	v27 =	vsel vm11, v62, v27  }
0x154: {  	v51 =	vor.u32 $0x4, v30;
	v36 =	vsel vm12, v45, v36;
	vm12 =	vgt.f32 v42, v27  }
0x155: {  	v50 =	vld.idx.msk [tilespmem:v39+s2+$0x0], $0xffff;
	v52 =	vor.u32 $0x1C00, v32;
	v54 =	vor.u32 $0x5, v30;
	v27 =	vsel vm12, v42, v27  }
0x156: {  	v32 =	vor.u32 $0x1E00, v32;
	v35 =	vsel vm13, v48, v36;
	vm13 =	vgt.f32 v44, v27  }
0x157: {  	v53 =	vld.idx.msk [tilespmem:v46+s2+$0x0], $0xffff;
	v55 =	vor.u32 $0x6, v30;
	v57 =	vor.u32 $0x7, v30;
	v27 =	vsel vm13, v44, v27  }
0x158: {  	v61 =	vor.u32 $0xA, v30;
	v35 =	vsel vm14, v51, v35;
	vm14 =	vgt.f32 v47, v27  }
0x159: {  	v63 =	vor.u32 $0xB, v30;
	v56 =	vld.idx.msk [tilespmem:v49+s2+$0x0], $0xffff;
	v35 =	vsel vm15, v54, v35;
	v27 =	vsel vm14, v47, v27  }
0x15a: {  	v39 =	vor.u32 $0xF, v16;
	v35 =	vsel vm10, v55, v35;
	vm15 =	vgt.f32 v50, v27  }
0x15b: {  	v59 =	vld.idx.msk [tilespmem:v52+s2+$0x0], $0xffff;
	v58 =	vor.u32 $0x8, v30;
	v35 =	vsel vm11, v57, v35;
	v27 =	vsel vm15, v50, v27  }
0x15c: {  	v60 =	vor.u32 $0x9, v30;
	v35 =	vsel vm12, v58, v35;
	vm4 =	vgt.f32 v53, v27  }
0x15d: {  	v32 =	vld.idx.msk [tilespmem:v32+s2+$0x0], $0xffff;
	v38 =	vor.u32 $0xD, v30;
	v35 =	vsel vm13, v60, v35;
	v27 =	vsel vm4, v53, v27  }
0x15e: {  	v36 =	vor.u32 $0xC, v30;
	v62 =	vsel vm14, v61, v35;
	vm7 =	vgt.f32 v56, v27  }
0x15f: {  	v30 =	vor.u32 $0xE, v30;
	v34 =	vsel vm15, v63, v62;
	v27 =	vsel vm7, v56, v27  }
0x160: {  	vm12 =	veq.s32 v40, $0x0;
	v37 =	vsel vm4, v36, v34;
	vm10 =	vgt.f32 v59, v27  }
0x161: {  	vm13 =	veq.s32 v40, $0x1;
	v33 =	vsel vm7, v38, v37;
	v27 =	vsel vm10, v59, v27  }
0x162: {  	vm14 =	veq.s32 v40, $0x2;
	v30 =	vsel vm10, v30, v33;
	vm11 =	vgt.f32 v32, v27  }
0x163: {  	vm15 =	veq.s32 v40, $0x3;
	v27 =	vsel vm11, v32, v27;
	v30 =	vsel vm11, v39, v30  }
0x164: {  	v31 =	vsel vm12, v27, v19;
	v28 =	vsel vm12, v30, v28;
	v29 =	vsel vm13, v27, v29  }
0x165: {  	v22 =	vsel vm13, v30, v22;
	v32 =	vsel vm14, v27, v23;
	v33 =	vsel vm15, v27, v24  }
0x166: {  	v34 =	vsel vm14, v30, v25;
	vm4 =	vgt.f32 v29, v31;
	vm5 =	vgt.f32 v33, v32  }
0x167: {  	v26 =	vsel vm15, v30, v26;
	v23 =	vsel vm4, v29, v31;
	v24 =	vsel vm5, v33, v32  }
0x168: {  	v41 =	vsel vm4, v22, v28;
	v25 =	vsel vm5, v26, v34;
	vm5 =	vgt.f32 v24, v23  }
0x169: {  	v19 =	vsel vm5, v25, v41  }
0x16a: {  	v25 =	vshll.u32 v19, $0x9;
	v27 =	vand.u32 $0xFFFFFFF0, v19  }
0x16b: {  	v25 =	vadd.s32 v5, v25;
	v42 =	vshll.u32 v27, $0x9  }
0x16c: {  	v30 =	vadd.s32 v5, v42  }
0x16d: {  	v43 =	vand.u32 $0x7FFFE180, v30  }
0x16e: {  	v35 =	vor.u32 v9, v43  }
0x16f: {  	v44 =	vor.u32 $0x200, v35  }
0x170: {  	[tilespmem:v25+s2+$0x0] =	vst.idx.msk $0xffff, v2  }
0x171: {  	v45 =	vor.u32 $0x400, v35;
	v25 =	vld.idx.msk [tilespmem:v30+s2+$0x0], $0xffff;
	_ =	sdelay $0x1  }
0x172: {  	v46 =	vor.u32 $0x600, v35  }
0x173: {  	v36 =	vld.idx.msk [tilespmem:v44+s2+$0x0], $0xffff  }
0x174: {  	v47 =	vor.u32 $0x800, v35  }
0x175: {  	v30 =	vld.idx.msk [tilespmem:v45+s2+$0x0], $0xffff;
	vm6 =	vlt.f32 v25, $-Inf;
	vm7 =	vgt.f32 v25, $-Inf  }
0x176: {  	v48 =	vor.u32 $0xA00, v35;
	vm1 =	vmor vm7, vm6  }
0x177: {  	v37 =	vld.idx.msk [tilespmem:v46+s2+$0x0], $0xffff;
	v25 =	vnsel vm1, $0xFF800000, v25  }
0x178: {  	v49 =	vor.u32 $0xC00, v35;
	vm10 =	vgt.f32 v36, v25  }
0x179: {  	v50 =	vld.idx.msk [tilespmem:v47+s2+$0x0], $0xffff;
	v25 =	vsel vm10, v36, v25  }
0x17a: {  	v51 =	vor.u32 $0xE00, v35;
	vm11 =	vgt.f32 v30, v25  }
0x17b: {  	v52 =	vld.idx.msk [tilespmem:v48+s2+$0x0], $0xffff;
	v25 =	vsel vm11, v30, v25  }
0x17c: {  	v53 =	vor.u32 $0x1000, v35;
	vm12 =	vgt.f32 v37, v25  }
0x17d: {  	v54 =	vld.idx.msk [tilespmem:v49+s2+$0x0], $0xffff;
	v25 =	vsel vm12, v37, v25  }
0x17e: {  	v55 =	vor.u32 $0x1200, v35;
	vm13 =	vgt.f32 v50, v25  }
0x17f: {  	v56 =	vld.idx.msk [tilespmem:v51+s2+$0x0], $0xffff;
	v25 =	vsel vm13, v50, v25  }
0x180: {  	v57 =	vor.u32 $0x1400, v35;
	vm14 =	vgt.f32 v52, v25  }
0x181: {  	v40 =	vor.u32 $0xF, v19;
	v58 =	vld.idx.msk [tilespmem:v53+s2+$0x0], $0xffff;
	v25 =	vsel vm14, v52, v25  }
0x182: {  	v59 =	vor.u32 $0x1, v27;
	v42 =	vor.u32 $0x1600, v35;
	vm15 =	vgt.f32 v54, v25  }
0x183: {  	v61 =	vor.u32 $0x2, v27;
	v60 =	vld.idx.msk [tilespmem:v55+s2+$0x0], $0xffff;
	v41 =	vnsel vm1, $0x0, v27;
	v25 =	vsel vm15, v54, v25  }
0x184: {  	v62 =	vor.u32 $0x1800, v35;
	v39 =	vsel vm10, v59, v41;
	vm10 =	vgt.f32 v56, v25  }
0x185: {  	v63 =	vld.idx.msk [tilespmem:v57+s2+$0x0], $0xffff;
	v44 =	vor.u32 $0x3, v27;
	v45 =	vor.u32 $0x1A00, v35;
	v25 =	vsel vm10, v56, v25  }
0x186: {  	v47 =	vor.u32 $0x4, v27;
	v39 =	vsel vm11, v61, v39;
	vm11 =	vgt.f32 v58, v25  }
0x187: {  	v46 =	vld.idx.msk [tilespmem:v42+s2+$0x0], $0xffff;
	v48 =	vor.u32 $0x1C00, v35;
	v49 =	vshrl.u32 v19, $0x4;
	v25 =	vsel vm11, v58, v25  }
0x188: {  	v51 =	vor.u32 $0x5, v27;
	v38 =	vsel vm12, v44, v39;
	vm12 =	vgt.f32 v60, v25  }
0x189: {  	v35 =	vor.u32 $0x1E00, v35;
	v55 =	vor.u32 $0x8, v27;
	v50 =	vld.idx.msk [tilespmem:v62+s2+$0x0], $0xffff;
	v25 =	vsel vm12, v60, v25  }
0x18a: {  	v57 =	vor.u32 $0x9, v27;
	v38 =	vsel vm13, v47, v38;
	vm13 =	vgt.f32 v63, v25  }
0x18b: {  	v53 =	vld.idx.msk [tilespmem:v45+s2+$0x0], $0xffff;
	v38 =	vsel vm14, v51, v38;
	v52 =	vor.u32 $0x6, v27;
	v25 =	vsel vm13, v63, v25  }
0x18c: {  	v38 =	vsel vm15, v52, v38;
	v54 =	vor.u32 $0x7, v27;
	vm14 =	vgt.f32 v46, v25  }
0x18d: {  	v61 =	vor.u32 $0xC, v27;
	v38 =	vsel vm10, v54, v38;
	v56 =	vld.idx.msk [tilespmem:v48+s2+$0x0], $0xffff;
	v25 =	vsel vm14, v46, v25  }
0x18e: {  	vm10 =	veq.s32 v49, $0x0;
	v38 =	vsel vm11, v55, v38;
	vm15 =	vgt.f32 v50, v25  }
0x18f: {  	v35 =	vld.idx.msk [tilespmem:v35+s2+$0x0], $0xffff;
	v58 =	vor.u32 $0xA, v27;
	v38 =	vsel vm12, v57, v38;
	v25 =	vsel vm15, v50, v25  }
0x190: {  	v60 =	vor.u32 $0xB, v27;
	v59 =	vsel vm13, v58, v38;
	vm4 =	vgt.f32 v53, v25  }
0x191: {  	vm11 =	veq.s32 v49, $0x1;
	v37 =	vsel vm14, v60, v59;
	v25 =	vsel vm4, v53, v25  }
0x192: {  	v63 =	vor.u32 $0xD, v27;
	v62 =	vsel vm15, v61, v37;
	vm6 =	vgt.f32 v56, v25  }
0x193: {  	v27 =	vor.u32 $0xE, v27;
	v36 =	vsel vm4, v63, v62;
	v25 =	vsel vm6, v56, v25  }
0x194: {  	vm12 =	veq.s32 v49, $0x2;
	v27 =	vsel vm6, v27, v36;
	vm7 =	vgt.f32 v35, v25  }
0x195: {  	vm13 =	veq.s32 v49, $0x3;
	v35 =	vsel vm7, v35, v25;
	v30 =	vsel vm7, v40, v27  }
0x196: {  	v31 =	vsel vm10, v35, v31;
	v25 =	vsel vm10, v30, v28;
	v36 =	vsel vm11, v35, v29  }
0x197: {  	v27 =	vsel vm11, v30, v22;
	v32 =	vsel vm12, v35, v32;
	v33 =	vsel vm13, v35, v33  }
0x198: {  	v28 =	vsel vm12, v30, v34;
	vm14 =	vgt.f32 v36, v31;
	vm15 =	vgt.f32 v33, v32  }
0x199: {  	v26 =	vsel vm13, v30, v26;
	v30 =	vsel vm14, v36, v31;
	v34 =	vsel vm15, v33, v32  }
0x19a: {  	v22 =	vsel vm14, v27, v25;
	v41 =	vsel vm15, v26, v28;
	vm0 =	vgt.f32 v34, v30  }
0x19b: {  	v22 =	vsel vm0, v41, v22  }
0x19c: {  	v42 =	vshll.u32 v22, $0x9;
	v29 =	vand.u32 $0xFFFFFFF0, v22  }
0x19d: {  	v35 =	vadd.s32 v5, v42;
	v43 =	vshll.u32 v29, $0x9  }
0x19e: {  	v37 =	vadd.s32 v5, v43  }
0x19f: {  	v44 =	vand.u32 $0x7FFFE180, v37  }
0x1a0: {  	v9 =	vor.u32 v9, v44  }
0x1a1: {  	v38 =	vor.u32 $0x200, v9  }
0x1a2: {  	[tilespmem:v35+s2+$0x0] =	vst.idx.msk $0xffff, v2  }
0x1a3: {  	v45 =	vor.u32 $0x400, v9;
	v35 =	vld.idx.msk [tilespmem:v37+s2+$0x0], $0xffff;
	_ =	sdelay $0x1  }
0x1a4: {  	v46 =	vor.u32 $0x600, v9  }
0x1a5: {  	v38 =	vld.idx.msk [tilespmem:v38+s2+$0x0], $0xffff  }
0x1a6: {  	v47 =	vor.u32 $0x800, v9  }
0x1a7: {  	v37 =	vld.idx.msk [tilespmem:v45+s2+$0x0], $0xffff;
	vm4 =	vlt.f32 v35, $-Inf;
	vm6 =	vgt.f32 v35, $-Inf  }
0x1a8: {  	v49 =	vor.u32 $0xA00, v9;
	vm1 =	vmor vm6, vm4  }
0x1a9: {  	v48 =	vimm.s32 $0x0;
	v39 =	vld.idx.msk [tilespmem:v46+s2+$0x0], $0xffff;
	v35 =	vnsel vm1, $0xFF800000, v35  }
0x1aa: {  	v51 =	vor.u32 $0xC00, v9;
	v41 =	vsel vm1, $0xFFFFFFFF, v48;
	vm1 =	vgt.f32 v38, v35  }
0x1ab: {  	v50 =	vimm.s32 $0x0;
	v52 =	vld.idx.msk [tilespmem:v47+s2+$0x0], $0xffff;
	v35 =	vsel vm1, v38, v35  }
0x1ac: {  	v54 =	vor.u32 $0xE00, v9;
	v42 =	vsel vm1, $0xFFFFFFFF, v50;
	vm1 =	vgt.f32 v37, v35  }
0x1ad: {  	v53 =	vimm.s32 $0x0;
	v55 =	vld.idx.msk [tilespmem:v49+s2+$0x0], $0xffff;
	v35 =	vsel vm1, v37, v35  }
0x1ae: {  	v57 =	vor.u32 $0x1000, v9;
	v40 =	vsel vm1, $0xFFFFFFFF, v53;
	vm1 =	vgt.f32 v39, v35  }
0x1af: {  	v56 =	vimm.s32 $0x0;
	v58 =	vld.idx.msk [tilespmem:v51+s2+$0x0], $0xffff;
	v35 =	vsel vm1, v39, v35  }
0x1b0: {  	v60 =	vor.u32 $0x1200, v9;
	[tilespmem:$0x1FF80] =	vst v41;
	v41 =	vsel vm1, $0xFFFFFFFF, v56;
	vm1 =	vgt.f32 v52, v35  }
0x1b1: {  	v59 =	vimm.s32 $0x0;
	v61 =	vld.idx.msk [tilespmem:v54+s2+$0x0], $0xffff;
	v35 =	vsel vm1, v52, v35  }
0x1b2: {  	v63 =	vor.u32 $0x1400, v9;
	[tilespmem:$0x1FF90] =	vst v42;
	v42 =	vsel vm1, $0xFFFFFFFF, v59;
	vm1 =	vgt.f32 v55, v35  }
0x1b3: {  	v62 =	vimm.s32 $0x0;
	v45 =	vld.idx.msk [tilespmem:v57+s2+$0x0], $0xffff;
	v35 =	vsel vm1, v55, v35  }
0x1b4: {  	v47 =	vor.u32 $0x1600, v9;
	[tilespmem:$0x1FFA0] =	vst v40;
	v40 =	vsel vm1, $0xFFFFFFFF, v62;
	vm1 =	vgt.f32 v58, v35  }
0x1b5: {  	v46 =	vimm.s32 $0x0;
	v48 =	vld.idx.msk [tilespmem:v60+s2+$0x0], $0xffff;
	v35 =	vsel vm1, v58, v35  }
0x1b6: {  	v50 =	vor.u32 $0x1800, v9;
	[tilespmem:$0x1FFB0] =	vst v41;
	v41 =	vsel vm1, $0xFFFFFFFF, v46;
	vm1 =	vgt.f32 v61, v35  }
0x1b7: {  	v51 =	vld.idx.msk [tilespmem:v63+s2+$0x0], $0xffff;
	v35 =	vsel vm1, v61, v35  }
0x1b8: {  	v52 =	vor.u32 $0x1A00, v9;
	vm14 =	vgt.f32 v45, v35  }
0x1b9: {  	v53 =	vld.idx.msk [tilespmem:v47+s2+$0x0], $0xffff;
	v35 =	vsel vm14, v45, v35  }
0x1ba: {  	v60 =	vld [tilespmem:$0x1FF70];
	vm15 =	vgt.f32 v48, v35  }
0x1bb: {  	v55 =	vld.idx.msk [tilespmem:v50+s2+$0x0], $0xffff;
	v35 =	vsel vm15, v48, v35  }
0x1bc: {  	v24 =	vsel vm5, v24, v23;
	v54 =	vor.u32 $0x1C00, v9;
	v58 =	vld [tilespmem:$0x1FF60];
	vm11 =	vgt.f32 v51, v35  }
0x1bd: {  	v34 =	vsel vm0, v34, v30;
	v49 =	vimm.s32 $0x0;
	v56 =	vld.idx.msk [tilespmem:v52+s2+$0x0], $0xffff;
	v35 =	vsel vm11, v51, v35  }
0x1be: {  	v63 =	vsel vm3, v21, v20;
	v9 =	vor.u32 $0x1E00, v9;
	vm12 =	vgt.f32 v53, v35  }
0x1bf: {  	v37 =	vshrl.u32 v22, $0x4;
	vm13 =	vnez.u8 v60;
	v35 =	vsel vm12, v53, v35  }
0x1c0: {  	vm6 =	veq.s32 v37, $0x0;
	vm5 =	veq.s32 v37, $0x1;
	vm10 =	vgt.f32 v55, v35  }
0x1c1: {  	v57 =	vld.idx.msk [tilespmem:v54+s2+$0x0], $0xffff;
	vm2 =	veq.s32 v37, $0x2;
	vm7 =	vnez.u8 v58;
	v35 =	vsel vm10, v55, v35  }
0x1c2: {  	vm3 =	veq.s32 v37, $0x3;
	v6 =	vsel vm7, v7, v6;
	vm7 =	vgt.f32 v56, v35  }
0x1c3: {  	v59 =	vsel vm9, v11, v10;
	v9 =	vld.idx.msk [tilespmem:v9+s2+$0x0], $0xffff;
	v62 =	vsel vm7, v56, v35;
	v35 =	vsub.f32 v6, v6  }
0x1c4: {  	v10 =	vsel vm13, v14, v13;
	[tilespmem:$0x1FFC0] =	vst v42;
	v42 =	vsel vm1, $0xFFFFFFFF, v49;
	v7 =	vsub.f32 v59, v6  }
0x1c5: {  	v61 =	vsel vm8, v18, v17;
	v10 =	vsub.f32 v10, v6;
	v38 =	vmul.f32 $1.442695020e+00, v35  }
0x1c6: {  	v11 =	vsub.f32 v61, v6;
	v7 =	vmul.f32 $1.442695020e+00, v7;
	vm8 =	vgt.f32 v57, v62  }
0x1c7: {  	v43 =	vsub.f32 v63, v6;
	v13 =	vsel vm8, v57, v62;
	(erf) = vpow2.f32 v38  }
0x1c8: {  	[tilespmem:$0x1FFE0] =	vst v41;
	v41 =	vmul.f32 $1.442695020e+00, v10;
	vm9 =	vgt.f32 v9, v13;
	(erf) = vpow2.f32 v7  }
0x1c9: {  	[tilespmem:$0x1FFF0] =	vst v42;
	v47 =	vsub.f32 v24, v6;
	v42 =	vmul.f32 $1.442695020e+00, v11;
	v9 =	vsel vm9, v9, v13  }
0x1ca: {  	v46 =	vmul.f32 $1.442695020e+00, v43;
	v39 =	vsel vm6, v9, v31;
	(erf) = vpow2.f32 v41  }
0x1cb: {  	[tilespmem:$0x1FFD0] =	vst v40;
	v40 =	vsel vm5, v9, v36;
	v44 =	vsel vm2, v9, v32;
	v45 =	vsel vm3, v9, v33  }
0x1cc: {  	vm0 =	vgt.f32 v40, v39;
	vm4 =	vgt.f32 v45, v44;
	(erf) = vpow2.f32 v42  }
0x1cd: {  	v50 =	vsub.f32 v34, v6;
	v48 =	vsel vm0, v40, v39;
	v7 =	vsel vm4, v45, v44  }
0x1ce: {  	v49 =	vmul.f32 $1.442695020e+00, v47;
	(erf) = vpow2.f32 v46;
	vm1 =	vgt.f32 v7, v48  }
0x1cf: {  	v7 =	vsel vm1, v7, v48  }
0x1d0: {  	v52 =	vmul.f32 $1.442695020e+00, v50;
	v6 =	vsub.f32 v7, v6;
	v51 =	vpop (erf);
	(erf) = vpow2.f32 v49  }
0x1d1: {  	v53 =	vpop (erf)  }
0x1d2: {  	v6 =	vmul.f32 $1.442695020e+00, v6;
	(erf) = vpow2.f32 v52;
	v54 =	vadd.f32 v53, v51  }
0x1d3: {  	v55 =	vpop (erf)  }
0x1d4: {  	(erf) = vpow2.f32 v6;
	v56 =	vadd.f32 v55, v54  }
0x1d5: {  	v57 =	vpop (erf)  }
0x1d6: {  	v6 =	vadd.f32 v57, v56  }
0x1d7: {  	v13 =	vpop (erf)  }
0x1d8: {  	v6 =	vadd.f32 v13, v6  }
0x1d9: {  	v14 =	vpop (erf)  }
0x1da: {  	v58 =	vld [tilespmem:$0x1FF80];
	v6 =	vadd.f32 v14, v6  }
0x1db: {  	v60 =	vld [tilespmem:$0x1FF90];
	v17 =	vpop (erf)  }
0x1dc: {  	v62 =	vld [tilespmem:$0x1FFA0];
	v6 =	vadd.f32 v17, v6  }
0x1dd: {  	v30 =	vor.u32 $0x4, v29;
	v59 =	vor.u32 $0x1, v29;
	v61 =	vor.u32 $0x2, v29;
	v24 =	vld [tilespmem:$0x1FFB0];
	v21 =	vpop (erf)  }
0x1de: {  	v63 =	vor.u32 $0x3, v29;
	v34 =	vor.u32 $0x6, v29;
	v31 =	vld [tilespmem:$0x1FFC0];
	v6 =	vadd.f32 v21, v6  }
0x1df: {  	v43 =	vor.u32 $0xC, v29;
	v50 =	vor.u32 $0xF, v22;
	vm13 =	vnez.u8 v58;
	v33 =	vld [tilespmem:$0x1FFD0]  }
0x1e0: {  	v18 =	vnsel vm13, $0x0, v29;
	vm13 =	vnez.u8 v60;
	v35 =	vld [tilespmem:$0x1FFE0];
	(erf) = vrcp.f32 v6  }
0x1e1: {  	v37 =	vld [tilespmem:$0x1FFF0];
	v18 =	vsel vm13, v59, v18;
	v38 =	vor.u32 $0x8, v29;
	vm13 =	vnez.u8 v62  }
0x1e2: {  	v32 =	vor.u32 $0x5, v29;
	v18 =	vsel vm13, v61, v18;
	vm13 =	vnez.u8 v24  }
0x1e3: {  	v36 =	vor.u32 $0x7, v29;
	v18 =	vsel vm13, v63, v18;
	vm13 =	vnez.u8 v31  }
0x1e4: {  	v41 =	vor.u32 $0xB, v29;
	v18 =	vsel vm13, v30, v18;
	vm13 =	vnez.u8 v33  }
0x1e5: {  	v39 =	vor.u32 $0x9, v29;
	v6 =	vsel vm13, v32, v18;
	vm13 =	vnez.u8 v35  }
0x1e6: {  	v42 =	vshll.u32 v5, $0x6;
	v6 =	vsel vm13, v34, v6;
	vm13 =	vnez.u8 v37  }
0x1e7: {  	v40 =	vor.u32 $0xA, v29;
	v44 =	vadd.s32 v42, v4;
	v6 =	vsel vm13, v36, v6  }
0x1e8: {  	v45 =	vor.u32 $0xD, v29;
	v5 =	vshll.u32 v5, $0x3;
	v6 =	vsel vm14, v38, v6  }
0x1e9: {  	v47 =	vadd.s32 v42, v8;
	v59 =	vadd.s32 v42, v19;
	v6 =	vsel vm15, v39, v6;
	v46 =	vpop (erf)  }
0x1ea: {  	v48 =	vor.u32 $0x1, v5;
	v6 =	vsel vm11, v40, v6;
	v11 =	vmul.f32 v46, v51  }
0x1eb: {  	v61 =	vadd.s32 v42, v22;
	v49 =	vadd.s32 v42, v12;
	v6 =	vsel vm12, v41, v6  }
0x1ec: {  	v6 =	vsel vm10, v43, v6;
	v7 =	vmul.f32 v46, v53;
	v51 =	vor.u32 $0x2, v5;
	[tilespmem:v44+s8+$0x0] =	vst.idx.msk $0xffff, v11  }
0x1ed: {  	v29 =	vor.u32 $0xE, v29;
	v6 =	vsel vm7, v45, v6;
	[tilespmem:v5+s9+$0x0] =	vst.idx.msk $0xffff, v4;
	v4 =	vadd.s32 v42, v15  }
0x1ee: {  	v6 =	vsel vm8, v29, v6;
	v52 =	vmul.f32 v46, v55;
	v53 =	vor.u32 $0x3, v5;
	[tilespmem:v47+s8+$0x0] =	vst.idx.msk $0xffff, v7  }
0x1ef: {  	v6 =	vsel vm9, v50, v6;
	v55 =	vadd.s32 v42, v16;
	[tilespmem:v48+s9+$0x0] =	vst.idx.msk $0xffff, v8  }
0x1f0: {  	v58 =	vor.u32 $0x4, v5;
	v57 =	vmul.f32 v46, v57;
	v54 =	vsel vm5, v6, v27;
	[tilespmem:v49+s8+$0x0] =	vst.idx.msk $0xffff, v52  }
0x1f1: {  	v56 =	vsel vm2, v6, v28;
	v11 =	vsel vm6, v6, v25;
	[tilespmem:v51+s9+$0x0] =	vst.idx.msk $0xffff, v12  }
0x1f2: {  	v60 =	vor.u32 $0x5, v5;
	v6 =	vsel vm3, v6, v26;
	[tilespmem:v4+s8+$0x0] =	vst.idx.msk $0xffff, v57;
	v4 =	vmul.f32 v46, v13  }
0x1f3: {  	v11 =	vsel vm0, v54, v11;
	v6 =	vsel vm4, v6, v56;
	[tilespmem:v53+s9+$0x0] =	vst.idx.msk $0xffff, v15  }
0x1f4: {  	v62 =	vor.u32 $0x6, v5;
	v6 =	vsel vm1, v6, v11;
	[tilespmem:v55+s8+$0x0] =	vst.idx.msk $0xffff, v4;
	v4 =	vmul.f32 v46, v14  }
0x1f5: {  	v63 =	vadd.s32 v42, v6;
	[tilespmem:v58+s9+$0x0] =	vst.idx.msk $0xffff, v16  }
0x1f6: {  	p0 =	sne.s32 s12, $0x1F0;
	v5 =	vor.u32 $0x7, v5;
	[tilespmem:v59+s8+$0x0] =	vst.idx.msk $0xffff, v4;
	v4 =	vmul.f32 v46, v17  }
.Ltmp1:
0x1f7: {  	[tilespmem:v60+s9+$0x0] =	vst.idx.msk $0xffff, v19;
	(pc) =	sbr.rel @p0 .LBB2_4-.Ltmp1, $4  }
0x1f8: {  	[tilespmem:v61+s8+$0x0] =	vst.idx.msk $0xffff, v4;
	v4 =	vmul.f32 v46, v21  }
0x1f9: {  	[tilespmem:v62+s9+$0x0] =	vst.idx.msk $0xffff, v22  }
0x1fa: {  	[tilespmem:v63+s8+$0x0] =	vst.idx.msk $0xffff, v4  }
0x1fb: {  	s11 =	sadd.s32 $0x10, s11;
	s12 =	sadd.s32 $0x10, s12;
	[tilespmem:v5+s9+$0x0] =	vst.idx.msk $0xffff, v6  }
0x1fc: {  	[hbm4b:s4+s2] =	stream.linear.scatter [tilespmem:s8], [sflag:$0x1], $0x8000, $0x38;
	[tilespmem:$0x11000] =	vst v63  }
0x1fd: {  	s10 =	sadd.s32 $0x1, s10;
	_ =	swait.ge [sflag:s7], $0x8000  }
0x1fe: {  	p0 =	sne.s32 s10, s6;
	[sflag:s7] =	ssyncset.done $0x0  }
.Ltmp2:
0x1ff: {  	[sflag:s7] =	ssyncadd.s32 $0xFFFF8000;
	(pc) =	sbr.rel @p0 .LBB2_1-.Ltmp2, $4  }
0x200: {  	[hbm4b:s5+s2] =	stream.linear.scatter [tilespmem:s9], [sflag:$0x1], $0x1000, $0x38;
	[tilespmem:$0x11000] =	vst v63  }
0x201: {  	_ =	swait.ge [sflag:s7], $0x1000  }
0x202: {  	[sflag:s7] =	ssyncset.done $0x0  }
0x203: {  	[sflag:s7] =	ssyncadd.s32 $0xFFFFF000  }
0x204: {  	_ =	sfence.sel $0x180000  }
0x205: {  	[bflag:$0x0] =	sbarrier.arrive $0xFFFF  }
0x206: {  	p0 =	sne.s32 s1, $0x0;
	_ =	strace $0x90000047  }
0x207: {  	s0 =	sadd.s32 @!p0 $0x100000, s0;
	[bflag:$0x2] =	sbarrier.arrive $0xFFFF  }
0x208: {  	[sflag:s0] =	ssyncadd.tile.s32 @!p0 $0x1;
	_ =	shalt  }
.Lfunc_end2:
_tile_overlayer_lowered:
.L_overlay_start_2:
0x209: {  	(tag) =	ssettag $0x2  }
0x20a: {  	s0 =	rddreg [dreg:$0x0];
	s2 =	stileid.u32  }
0x20b: {  	s1 =	rddreg [dreg:$0x1];
	p0 =	sne.s32 s2, $0x0  }
0x20c: {  	s3 =	rddreg [dreg:$0x2];
	[bflag:$0x3] =	sbarrier.arrive $0xFFFF;
	s2 =	simm.s32 @!p0 $0x1C01  }
0x20d: {  	[timem:s3], [sflag:s2] =	dma.local @!p0 [hbm:s0], s1  }
0x20e: {  	s0 =	simm.s32 @!p0 $0x1  }
0x20f: {  	_ =	swait.ge @!p0 [sflag:s0], s1  }
0x210: {  	s1 =	ssub.s32 @!p0 $0x0, s1;
	[sflag:s0] =	ssyncset.done @!p0 $0x0  }
0x211: {  	[sflag:s0] =	ssyncadd.s32 @!p0 s1  }
0x212: {  	[bflag:$0x3] =	sbarrier.arrive $0xFFFF  }
0x213: {  	_ =	shalt  }

</sc_bundles>
